<compile_context>
chip_gen: v7x
topology: tpu7x:2x2x1
jax: 0.10.2.dev20260603
libtpu: 0.0.44.dev20260713+nightly
codegen_flags: <defaults>
</compile_context>

<pallas_src>
import functools

import jax
import jax.numpy as jnp
from jax import lax
from jax.experimental import pallas as pl
from jax.experimental.pallas import tpu as pltpu
from jax.experimental.pallas import tpu_sc as plsc

VOCAB_N = 100000
D = 128
BATCH = 4096
WIN_N = 20
NEG_N = 10
NPAIR = WIN_N + WIN_N * NEG_N
NP_PAD = 224
HALF = NP_PAD // 2
EPS = 1e-08

NCORE = 2
NSUB = 16
LANES = 16
NWORK = NCORE * NSUB
BPW = BATCH // NWORK
NUNIT = 2 * BPW
DV = D // LANES
NSLOT = 4
LGROWS = 16


def _take16(x, idx):
    return lax.gather(
        x, idx[:, None],
        dimension_numbers=lax.GatherDimensionNumbers(
            offset_dims=(), collapsed_slice_dims=(0,), start_index_map=(0,)),
        slice_sizes=(1,), mode=lax.GatherScatterMode.PROMISE_IN_BOUNDS)


def _sc_body(w_hbm, piv_hbm, doc_hbm, idx_hbm, lg_hbm,
             idx_v, ctx_v, rows_v, lg_v, pividx_v, *gsems):
    wid = lax.axis_index("s") * NCORE + lax.axis_index("c")
    base = wid * BPW

    pltpu.sync_copy(piv_hbm.at[pl.ds(base, BPW)], pividx_v)
    pltpu.async_copy(
        w_hbm.at[pividx_v.at[pl.ds(0, HALF)]],
        rows_v.at[0, pl.ds(0, HALF)], gsems[0]).wait()
    pltpu.async_copy(
        w_hbm.at[pividx_v.at[pl.ds(HALF, BPW - HALF)]],
        rows_v.at[1, pl.ds(0, BPW - HALF)], gsems[1]).wait()
    pltpu.sync_copy(doc_hbm.at[pl.ds(base, BPW)], ctx_v)

    def add_row0(r, _):
        for j in range(DV):
            sl = pl.ds(j * LANES, LANES)
            ctx_v[r, sl] = ctx_v[r, sl] + rows_v[0, r, sl]
        return ()

    def add_row1(r, _):
        for j in range(DV):
            sl = pl.ds(j * LANES, LANES)
            ctx_v[HALF + r, sl] = ctx_v[HALF + r, sl] + rows_v[1, r, sl]
        return ()
    lax.fori_loop(0, HALF, add_row0, (), unroll=2)
    lax.fori_loop(0, BPW - HALF, add_row1, (), unroll=2)

    pltpu.sync_copy(idx_hbm.at[pl.ds(2 * base, NUNIT)], idx_v)

    lanes = lax.iota(jnp.int32, LANES)
    perms = [lanes ^ (1 << k) for k in range(4)]
    lmask = [lanes == j for j in range(LANES)]

    def start_unit(h, slot):
        pltpu.make_async_copy(
            w_hbm.at[idx_v.at[h]], rows_v.at[slot], gsems[slot]).start()

    def wait_unit(slot):
        pltpu.make_async_copy(
            w_hbm.at[idx_v.at[0]], rows_v.at[slot], gsems[slot]).wait()

    for s in range(NSLOT - 1):
        start_unit(s, s)

    def do_u(h, _):
        nxt = h + (NSLOT - 1)
        for s in range(NSLOT):
            @pl.when(jnp.logical_and(nxt < NUNIT, nxt % NSLOT == s))
            def _():
                start_unit(nxt, s)
        for s in range(NSLOT):
            @pl.when(h % NSLOT == s)
            def _():
                wait_unit(s)
        slot = h % NSLOT

        i = h >> 1
        half = h & 1
        cvec = [ctx_v[i, pl.ds(j * LANES, LANES)] for j in range(DV)]
        lrow = i & (LGROWS - 1)

        def do_g_half(g, _, off):
            out = jnp.zeros((LANES,), jnp.float32)
            for q in range(LANES):
                p = g * LANES + q
                acc = rows_v[slot, p, pl.ds(0, LANES)] * cvec[0]
                for j in range(1, DV):
                    acc = acc + rows_v[slot, p, pl.ds(j * LANES, LANES)] * cvec[j]
                for pm in perms:
                    acc = acc + _take16(acc, pm)
                out = jnp.where(lmask[q], acc, out)
            lg_v[lrow, pl.ds(off + g * LANES, LANES)] = out
            return ()

        @pl.when(half == 0)
        def _():
            lax.fori_loop(0, HALF // LANES,
                          functools.partial(do_g_half, off=0), ())

        @pl.when(half == 1)
        def _():
            lax.fori_loop(0, HALF // LANES,
                          functools.partial(do_g_half, off=HALF), ())

        @pl.when(jnp.logical_and(half == 1, lrow == LGROWS - 1))
        def _():
            st = pl.multiple_of(base + i - (LGROWS - 1), LGROWS)
            pltpu.sync_copy(lg_v, lg_hbm.at[pl.ds(st, LGROWS)])
        return ()
    lax.fori_loop(0, NUNIT, do_u, ())


_sc_logits = functools.partial(
    pl.kernel,
    out_type=jax.ShapeDtypeStruct((BATCH, NP_PAD), jnp.float32),
    mesh=plsc.VectorSubcoreMesh(
        core_axis_name="c", subcore_axis_name="s",
        num_cores=NCORE, num_subcores=NSUB),
    scratch_types=[
        pltpu.VMEM((NUNIT, HALF), jnp.int32),
        pltpu.VMEM((BPW, D), jnp.float32),
        pltpu.VMEM((NSLOT, HALF, D), jnp.float32),
        pltpu.VMEM((LGROWS, NP_PAD), jnp.float32),
        pltpu.VMEM((BPW,), jnp.int32),
    ] + [pltpu.SemaphoreType.DMA] * NSLOT,
)(_sc_body)


def _tc_body(lg_ref, out_ref):
    i = pl.program_id(0)
    x = lg_ref[...]
    col = lax.broadcasted_iota(jnp.int32, x.shape, 1)
    lp = jnp.where(col < WIN_N, x, -x)
    y = jnp.log(jnp.clip(jax.nn.sigmoid(lp), EPS))
    y = jnp.where(col < NPAIR, y, 0.0)
    s = jnp.sum(y)

    @pl.when(i == 0)
    def _():
        out_ref[0, 0] = 0.0
    out_ref[0, 0] += s


_TC_ROWS = 256

_tc_reduce = pl.pallas_call(
    _tc_body,
    grid=(BATCH // _TC_ROWS,),
    in_specs=[pl.BlockSpec((_TC_ROWS, NP_PAD), lambda i: (i, 0))],
    out_specs=pl.BlockSpec(
        block_shape=(1, 1), index_map=lambda i: (0, 0),
        memory_space=pltpu.SMEM),
    out_shape=jax.ShapeDtypeStruct((1, 1), jnp.float32),
)


def kernel(pivot_words, target_words, doc_vectors, W, noise):
    piv = pivot_words.astype(jnp.int32)
    pad = (jnp.arange(BATCH, dtype=jnp.int32)[:, None] * 7
           + jnp.arange(NP_PAD - NPAIR, dtype=jnp.int32)[None, :]) % VOCAB_N
    idx = jnp.concatenate(
        [target_words.astype(jnp.int32), noise.astype(jnp.int32), pad],
        axis=1).reshape(2 * BATCH, HALF)
    lg = _sc_logits(W, piv, doc_vectors, idx)
    total = _tc_reduce(lg)
    return -(total[0, 0] / BATCH)

# --- scband reference (transcript-rebuilt; emitter-appended) ---
"""Pipeline reference for scband-negative-sampling-loss-5282809774932 (READ-ONLY COPY).

The authoritative reference and input builder live on the scoring server;
editing this copy changes nothing except your own understanding.
"""

import jax, jax.numpy as jnp
import numpy as np

VOCAB = 100000
DIM = 128
B = 4096
WIN = 20
NS = 10
EPS = 1e-08


def setup_inputs(seed: int = 0) -> dict:
    key = jax.random.key(seed)
    k1, k2, k3, k4, k5, k6 = jax.random.split(key, 6)
    W = jax.random.normal(k1, (VOCAB, DIM), dtype=jnp.float32) * 0.1
    word_dist = jax.random.uniform(k2, (VOCAB,), dtype=jnp.float32) + 1e-06
    word_dist = word_dist / word_dist.sum()
    pivot_words = jax.random.randint(k3, (B,), 0, VOCAB, dtype=jnp.int64 if jax.config.jax_enable_x64 else jnp.int32)
    target_words = jax.random.randint(k4, (B, WIN), 0, VOCAB, dtype=jnp.int64 if jax.config.jax_enable_x64 else jnp.int32)
    doc_vectors = jax.random.normal(k5, (B, DIM), dtype=jnp.float32)
    # torch.multinomial(word_distribution, B*WIN*NS, replacement=True)
    noise = jax.random.choice(k6, VOCAB, shape=(B * WIN * NS,), replace=True, p=word_dist)
    noise = noise.reshape(B, WIN * NS)
    return {
        'pivot_words': pivot_words,
        'target_words': target_words,
        'doc_vectors': doc_vectors,
        'W': W,
        'noise': noise,
    }


def reference(pivot_words, target_words, doc_vectors, W, noise):
    # Dropout layers are identity in eval mode (deterministic reference).
    pivot_vectors = jnp.take(W, pivot_words, axis=0)            # [B, DIM]
    context_vectors = doc_vectors + pivot_vectors               # [B, DIM]
    targets = jnp.take(W, target_words, axis=0)                 # [B, WIN, DIM]
    unsq_ctx = context_vectors[:, None, :]                      # [B, 1, DIM]
    log_targets = jnp.log(jnp.clip(jax.nn.sigmoid((targets * unsq_ctx).sum(2)), EPS))
    noise_vec = jnp.take(W, noise, axis=0).reshape(B, WIN, NS, DIM)
    unsq_ctx2 = context_vectors[:, None, None, :]               # [B, 1, 1, DIM]
    sum_log_sampled = jnp.log(jnp.clip(jax.nn.sigmoid(-(noise_vec * unsq_ctx2).sum(3)), EPS)).sum(2)
    neg_loss = log_targets + sum_log_sampled                    # [B, WIN]
    return -neg_loss.sum(1).mean()

if __name__ == "__main__":
    import jax
    _d = setup_inputs()
    print(jax.jit(kernel)(*tuple(_d.values())))

</pallas_src>

<mosaic_0001>
#map = affine_map<(d0, d1) -> (0, 0)>
#map1 = affine_map<(d0, d1) -> (0)>
module attributes {stable_mosaic.version = 14 : i64} {
  func.func @_sc_body(%arg0: i32, %arg1: i32, %arg2: memref<100000x128xf32, #tpu.memory_space<hbm>>, %arg3: memref<4096xi32, #tpu.memory_space<hbm>>, %arg4: memref<4096x128xf32, #tpu.memory_space<hbm>>, %arg5: memref<8192x112xi32, #tpu.memory_space<hbm>>, %arg6: memref<4096x224xf32, #tpu.memory_space<hbm>>, %arg7: memref<256x112xi32, #tpu.memory_space<vmem>>, %arg8: memref<128x128xf32, #tpu.memory_space<vmem>>, %arg9: memref<4x112x128xf32, #tpu.memory_space<vmem>>, %arg10: memref<16x224xf32, #tpu.memory_space<vmem>>, %arg11: memref<128xi32, #tpu.memory_space<vmem>>, %arg12: memref<!tpu.dma_semaphore, #tpu.memory_space<semaphore_mem>>, %arg13: memref<!tpu.dma_semaphore, #tpu.memory_space<semaphore_mem>>, %arg14: memref<!tpu.dma_semaphore, #tpu.memory_space<semaphore_mem>>, %arg15: memref<!tpu.dma_semaphore, #tpu.memory_space<semaphore_mem>>) attributes {dimension_semantics = [#tpu.dimension_semantics<core_parallel>, #tpu.dimension_semantics<subcore_parallel>], iteration_bounds = array<i64: 2, 16>, scalar_prefetch = 0 : i64, scratch_operands = 9 : i64, tpu.core_type = #tpu.core_type<sc_vector_subcore>, window_params = [{transform_indices = #map}, {transform_indices = #map1}, {transform_indices = #map}, {transform_indices = #map}, {transform_indices = #map}]} {
    %mul3A = arith.constant 2 : i32
    %mul3A_0 = arith.muli %arg1, %mul3A : i32
    %add3A = arith.addi %mul3A_0, %arg0 : i32
    %mul3A_1 = arith.constant 128 : i32
    %mul3A_2 = arith.muli %add3A, %mul3A_1 : i32
    "tpu.region"() ({
      %run_scoped3A = tpu.sem_alloc : memref<!tpu.dma_semaphore, #tpu.memory_space<semaphore_mem>>
      %dma_start3A_151 = tpu.memref_slice %arg3[%mul3A_2] : memref<4096xi32, #tpu.memory_space<hbm>> -> memref<128xi32, #tpu.memory_space<hbm>>
      %dma_start3A_152 = tpu.memref_slice %arg3[%mul3A_2] : memref<4096xi32, #tpu.memory_space<hbm>> -> memref<128xi32, #tpu.memory_space<hbm>>
      tpu.enqueue_dma source(%dma_start3A_152 : memref<128xi32, #tpu.memory_space<hbm>>) target(%arg11 : memref<128xi32, #tpu.memory_space<vmem>>) target_semaphore(%run_scoped3A : memref<!tpu.dma_semaphore, #tpu.memory_space<semaphore_mem>>)
      %dma_wait3A_153 = tpu.memref_slice %arg3[%mul3A_2] : memref<4096xi32, #tpu.memory_space<hbm>> -> memref<128xi32, #tpu.memory_space<hbm>>
      %dma_wait3A_154 = tpu.memref_slice %arg3[%mul3A_2] : memref<4096xi32, #tpu.memory_space<hbm>> -> memref<128xi32, #tpu.memory_space<hbm>>
      tpu.wait_dma2 semaphore(%run_scoped3A : memref<!tpu.dma_semaphore, #tpu.memory_space<semaphore_mem>>) src(%dma_wait3A_154 : memref<128xi32, #tpu.memory_space<hbm>>) dst(%arg11 : memref<128xi32, #tpu.memory_space<vmem>>)
      tpu.yield
    }) : () -> ()
    %dma_start3A = arith.constant 0 : i32
    %dma_start3A_3 = arith.constant 0 : i32
    %dma_start3A_4 = arith.constant 0 : i32
    %dma_start3A_5 = tpu.memref_slice %arg9[%dma_start3A, %dma_start3A_3, %dma_start3A_4] : memref<4x112x128xf32, #tpu.memory_space<vmem>> -> memref<1x112x128xf32, #tpu.memory_space<vmem>>
    %dma_start3A_6 = tpu.memref_squeeze %dma_start3A_5 : memref<1x112x128xf32, #tpu.memory_space<vmem>> -> memref<112x128xf32, #tpu.memory_space<vmem>>
    %dma_start3A_7 = arith.constant 0 : i32
    %dma_start3A_8 = tpu.memref_slice %arg11[%dma_start3A_7] : memref<128xi32, #tpu.memory_space<vmem>> -> memref<112xi32, #tpu.memory_space<vmem>>
    %dma_start3A_9 = arith.constant 0 : i32
    %dma_start3A_10 = arith.constant 0 : i32
    %dma_start3A_11 = tpu.memref_slice %arg2[%dma_start3A_9, %dma_start3A_10] : memref<100000x128xf32, #tpu.memory_space<hbm>> -> memref<100000x128xf32, #tpu.memory_space<hbm>>
    tpu.enqueue_indirect_dma source(%dma_start3A_11 : memref<100000x128xf32, #tpu.memory_space<hbm>>) target(%dma_start3A_6 : memref<112x128xf32, #tpu.memory_space<vmem>>) offsets(%dma_start3A_8 : memref<112xi32, #tpu.memory_space<vmem>>) semaphore(%arg12 : memref<!tpu.dma_semaphore, #tpu.memory_space<semaphore_mem>>)
    %dma_wait3A = arith.constant 0 : i32
    %dma_wait3A_12 = arith.constant 0 : i32
    %dma_wait3A_13 = arith.constant 0 : i32
    %dma_wait3A_14 = tpu.memref_slice %arg9[%dma_wait3A, %dma_wait3A_12, %dma_wait3A_13] : memref<4x112x128xf32, #tpu.memory_space<vmem>> -> memref<1x112x128xf32, #tpu.memory_space<vmem>>
    %dma_wait3A_15 = tpu.memref_squeeze %dma_wait3A_14 : memref<1x112x128xf32, #tpu.memory_space<vmem>> -> memref<112x128xf32, #tpu.memory_space<vmem>>
    %dma_wait3A_16 = arith.constant 0 : i32
    %dma_wait3A_17 = tpu.memref_slice %arg11[%dma_wait3A_16] : memref<128xi32, #tpu.memory_space<vmem>> -> memref<112xi32, #tpu.memory_space<vmem>>
    %dma_wait3A_18 = arith.constant 0 : i32
    %dma_wait3A_19 = arith.constant 0 : i32
    %dma_wait3A_20 = tpu.memref_slice %arg2[%dma_wait3A_18, %dma_wait3A_19] : memref<100000x128xf32, #tpu.memory_space<hbm>> -> memref<100000x128xf32, #tpu.memory_space<hbm>>
    tpu.wait_indirect_dma semaphore(%arg12 : memref<!tpu.dma_semaphore, #tpu.memory_space<semaphore_mem>>) src(%dma_wait3A_20 : memref<100000x128xf32, #tpu.memory_space<hbm>>) dst(%dma_wait3A_15 : memref<112x128xf32, #tpu.memory_space<vmem>>)
    %dma_start3A_21 = arith.constant 1 : i32
    %dma_start3A_22 = arith.constant 0 : i32
    %dma_start3A_23 = arith.constant 0 : i32
    %dma_start3A_24 = tpu.memref_slice %arg9[%dma_start3A_21, %dma_start3A_22, %dma_start3A_23] : memref<4x112x128xf32, #tpu.memory_space<vmem>> -> memref<1x16x128xf32, #tpu.memory_space<vmem>>
    %dma_start3A_25 = tpu.memref_squeeze %dma_start3A_24 : memref<1x16x128xf32, #tpu.memory_space<vmem>> -> memref<16x128xf32, #tpu.memory_space<vmem>>
    %dma_start3A_26 = arith.constant 112 : i32
    %dma_start3A_27 = tpu.memref_slice %arg11[%dma_start3A_26] : memref<128xi32, #tpu.memory_space<vmem>> -> memref<16xi32, #tpu.memory_space<vmem>>
    %dma_start3A_28 = arith.constant 0 : i32
    %dma_start3A_29 = arith.constant 0 : i32
    %dma_start3A_30 = tpu.memref_slice %arg2[%dma_start3A_28, %dma_start3A_29] : memref<100000x128xf32, #tpu.memory_space<hbm>> -> memref<100000x128xf32, #tpu.memory_space<hbm>>
    tpu.enqueue_indirect_dma source(%dma_start3A_30 : memref<100000x128xf32, #tpu.memory_space<hbm>>) target(%dma_start3A_25 : memref<16x128xf32, #tpu.memory_space<vmem>>) offsets(%dma_start3A_27 : memref<16xi32, #tpu.memory_space<vmem>>) semaphore(%arg13 : memref<!tpu.dma_semaphore, #tpu.memory_space<semaphore_mem>>)
    %dma_wait3A_31 = arith.constant 1 : i32
    %dma_wait3A_32 = arith.constant 0 : i32
    %dma_wait3A_33 = arith.constant 0 : i32
    %dma_wait3A_34 = tpu.memref_slice %arg9[%dma_wait3A_31, %dma_wait3A_32, %dma_wait3A_33] : memref<4x112x128xf32, #tpu.memory_space<vmem>> -> memref<1x16x128xf32, #tpu.memory_space<vmem>>
    %dma_wait3A_35 = tpu.memref_squeeze %dma_wait3A_34 : memref<1x16x128xf32, #tpu.memory_space<vmem>> -> memref<16x128xf32, #tpu.memory_space<vmem>>
    %dma_wait3A_36 = arith.constant 112 : i32
    %dma_wait3A_37 = tpu.memref_slice %arg11[%dma_wait3A_36] : memref<128xi32, #tpu.memory_space<vmem>> -> memref<16xi32, #tpu.memory_space<vmem>>
    %dma_wait3A_38 = arith.constant 0 : i32
    %dma_wait3A_39 = arith.constant 0 : i32
    %dma_wait3A_40 = tpu.memref_slice %arg2[%dma_wait3A_38, %dma_wait3A_39] : memref<100000x128xf32, #tpu.memory_space<hbm>> -> memref<100000x128xf32, #tpu.memory_space<hbm>>
    tpu.wait_indirect_dma semaphore(%arg13 : memref<!tpu.dma_semaphore, #tpu.memory_space<semaphore_mem>>) src(%dma_wait3A_40 : memref<100000x128xf32, #tpu.memory_space<hbm>>) dst(%dma_wait3A_35 : memref<16x128xf32, #tpu.memory_space<vmem>>)
    "tpu.region"() ({
      %run_scoped3A = tpu.sem_alloc : memref<!tpu.dma_semaphore, #tpu.memory_space<semaphore_mem>>
      %dma_start3A_151 = arith.constant 0 : i32
      %dma_start3A_152 = tpu.memref_slice %arg4[%mul3A_2, %dma_start3A_151] : memref<4096x128xf32, #tpu.memory_space<hbm>> -> memref<128x128xf32, #tpu.memory_space<hbm>>
      %dma_start3A_153 = arith.constant 0 : i32
      %dma_start3A_154 = tpu.memref_slice %arg4[%mul3A_2, %dma_start3A_153] : memref<4096x128xf32, #tpu.memory_space<hbm>> -> memref<128x128xf32, #tpu.memory_space<hbm>>
      tpu.enqueue_dma source(%dma_start3A_154 : memref<128x128xf32, #tpu.memory_space<hbm>>) target(%arg8 : memref<128x128xf32, #tpu.memory_space<vmem>>) target_semaphore(%run_scoped3A : memref<!tpu.dma_semaphore, #tpu.memory_space<semaphore_mem>>)
      %dma_wait3A_155 = arith.constant 0 : i32
      %dma_wait3A_156 = tpu.memref_slice %arg4[%mul3A_2, %dma_wait3A_155] : memref<4096x128xf32, #tpu.memory_space<hbm>> -> memref<128x128xf32, #tpu.memory_space<hbm>>
      %dma_wait3A_157 = arith.constant 0 : i32
      %dma_wait3A_158 = tpu.memref_slice %arg4[%mul3A_2, %dma_wait3A_157] : memref<4096x128xf32, #tpu.memory_space<hbm>> -> memref<128x128xf32, #tpu.memory_space<hbm>>
      tpu.wait_dma2 semaphore(%run_scoped3A : memref<!tpu.dma_semaphore, #tpu.memory_space<semaphore_mem>>) src(%dma_wait3A_158 : memref<128x128xf32, #tpu.memory_space<hbm>>) dst(%arg8 : memref<128x128xf32, #tpu.memory_space<vmem>>)
      tpu.yield
    }) : () -> ()
    %scan3A = arith.constant 0 : i32
    %scan3A_41 = arith.constant 112 : i32
    %scan3A_42 = arith.addi %scan3A, %scan3A_41 : i32
    %scan3A_43 = arith.constant 2 : i32
    scf.for %scan3A_151 = %scan3A to %scan3A_42 step %scan3A_43  : i32 {
      %get3A = arith.index_cast %scan3A_151 : i32 to index
      %get3A_152 = arith.constant 0 : index
      %get3A_153 = tpu.vector_load %arg8[%get3A, %get3A_152] {strides = array<i32>} : memref<128x128xf32, #tpu.memory_space<vmem>>, vector<1x16xf32>,
      %get3A_154 = vector.shape_cast %get3A_153 : vector<1x16xf32> to vector<16xf32>
      %get3A_155 = arith.constant 0 : i32
      %get3A_156 = arith.index_cast %get3A_155 : i32 to index
      %get3A_157 = arith.index_cast %scan3A_151 : i32 to index
      %get3A_158 = arith.constant 0 : index
      %get3A_159 = tpu.vector_load %arg9[%get3A_156, %get3A_157, %get3A_158] {strides = array<i32>} : memref<4x112x128xf32, #tpu.memory_space<vmem>>, vector<1x1x16xf32>,
      %get3A_160 = vector.shape_cast %get3A_159 : vector<1x1x16xf32> to vector<16xf32>
      %add3A_161 = arith.addf %get3A_154, %get3A_160 : vector<16xf32>
      %swap3A = arith.index_cast %scan3A_151 : i32 to index
      %swap3A_162 = arith.constant 0 : index
      %swap3A_163 = tpu.vector_load %arg8[%swap3A, %swap3A_162] {strides = array<i32>} : memref<128x128xf32, #tpu.memory_space<vmem>>, vector<1x16xf32>,
      %swap3A_164 = vector.shape_cast %swap3A_163 : vector<1x16xf32> to vector<16xf32>
      %swap3A_165 = vector.shape_cast %add3A_161 : vector<16xf32> to vector<1x16xf32>
      tpu.vector_store %arg8[%swap3A, %swap3A_162], %swap3A_165 {strides = array<i32>} : memref<128x128xf32, #tpu.memory_space<vmem>>, vector<1x16xf32>,
      %get3A_166 = arith.index_cast %scan3A_151 : i32 to index
      %get3A_167 = arith.constant 16 : index
      %get3A_168 = tpu.vector_load %arg8[%get3A_166, %get3A_167] {strides = array<i32>} : memref<128x128xf32, #tpu.memory_space<vmem>>, vector<1x16xf32>,
      %get3A_169 = vector.shape_cast %get3A_168 : vector<1x16xf32> to vector<16xf32>
      %get3A_170 = arith.constant 0 : i32
      %get3A_171 = arith.index_cast %get3A_170 : i32 to index
      %get3A_172 = arith.index_cast %scan3A_151 : i32 to index
      %get3A_173 = arith.constant 16 : index
      %get3A_174 = tpu.vector_load %arg9[%get3A_171, %get3A_172, %get3A_173] {strides = array<i32>} : memref<4x112x128xf32, #tpu.memory_space<vmem>>, vector<1x1x16xf32>,
      %get3A_175 = vector.shape_cast %get3A_174 : vector<1x1x16xf32> to vector<16xf32>
      %add3A_176 = arith.addf %get3A_169, %get3A_175 : vector<16xf32>
      %swap3A_177 = arith.index_cast %scan3A_151 : i32 to index
      %swap3A_178 = arith.constant 16 : index
      %swap3A_179 = tpu.vector_load %arg8[%swap3A_177, %swap3A_178] {strides = array<i32>} : memref<128x128xf32, #tpu.memory_space<vmem>>, vector<1x16xf32>,
      %swap3A_180 = vector.shape_cast %swap3A_179 : vector<1x16xf32> to vector<16xf32>
      %swap3A_181 = vector.shape_cast %add3A_176 : vector<16xf32> to vector<1x16xf32>
      tpu.vector_store %arg8[%swap3A_177, %swap3A_178], %swap3A_181 {strides = array<i32>} : memref<128x128xf32, #tpu.memory_space<vmem>>, vector<1x16xf32>,
      %get3A_182 = arith.index_cast %scan3A_151 : i32 to index
      %get3A_183 = arith.constant 32 : index
      %get3A_184 = tpu.vector_load %arg8[%get3A_182, %get3A_183] {strides = array<i32>} : memref<128x128xf32, #tpu.memory_space<vmem>>, vector<1x16xf32>,
      %get3A_185 = vector.shape_cast %get3A_184 : vector<1x16xf32> to vector<16xf32>
      %get3A_186 = arith.constant 0 : i32
      %get3A_187 = arith.index_cast %get3A_186 : i32 to index
      %get3A_188 = arith.index_cast %scan3A_151 : i32 to index
      %get3A_189 = arith.constant 32 : index
      %get3A_190 = tpu.vector_load %arg9[%get3A_187, %get3A_188, %get3A_189] {strides = array<i32>} : memref<4x112x128xf32, #tpu.memory_space<vmem>>, vector<1x1x16xf32>,
      %get3A_191 = vector.shape_cast %get3A_190 : vector<1x1x16xf32> to vector<16xf32>
      %add3A_192 = arith.addf %get3A_185, %get3A_191 : vector<16xf32>
      %swap3A_193 = arith.index_cast %scan3A_151 : i32 to index
      %swap3A_194 = arith.constant 32 : index
      %swap3A_195 = tpu.vector_load %arg8[%swap3A_193, %swap3A_194] {strides = array<i32>} : memref<128x128xf32, #tpu.memory_space<vmem>>, vector<1x16xf32>,
      %swap3A_196 = vector.shape_cast %swap3A_195 : vector<1x16xf32> to vector<16xf32>
      %swap3A_197 = vector.shape_cast %add3A_192 : vector<16xf32> to vector<1x16xf32>
      tpu.vector_store %arg8[%swap3A_193, %swap3A_194], %swap3A_197 {strides = array<i32>} : memref<128x128xf32, #tpu.memory_space<vmem>>, vector<1x16xf32>,
      %get3A_198 = arith.index_cast %scan3A_151 : i32 to index
      %get3A_199 = arith.constant 48 : index
      %get3A_200 = tpu.vector_load %arg8[%get3A_198, %get3A_199] {strides = array<i32>} : memref<128x128xf32, #tpu.memory_space<vmem>>, vector<1x16xf32>,
      %get3A_201 = vector.shape_cast %get3A_200 : vector<1x16xf32> to vector<16xf32>
      %get3A_202 = arith.constant 0 : i32
      %get3A_203 = arith.index_cast %get3A_202 : i32 to index
      %get3A_204 = arith.index_cast %scan3A_151 : i32 to index
      %get3A_205 = arith.constant 48 : index
      %get3A_206 = tpu.vector_load %arg9[%get3A_203, %get3A_204, %get3A_205] {strides = array<i32>} : memref<4x112x128xf32, #tpu.memory_space<vmem>>, vector<1x1x16xf32>,
      %get3A_207 = vector.shape_cast %get3A_206 : vector<1x1x16xf32> to vector<16xf32>
      %add3A_208 = arith.addf %get3A_201, %get3A_207 : vector<16xf32>
      %swap3A_209 = arith.index_cast %scan3A_151 : i32 to index
      %swap3A_210 = arith.constant 48 : index
      %swap3A_211 = tpu.vector_load %arg8[%swap3A_209, %swap3A_210] {strides = array<i32>} : memref<128x128xf32, #tpu.memory_space<vmem>>, vector<1x16xf32>,
      %swap3A_212 = vector.shape_cast %swap3A_211 : vector<1x16xf32> to vector<16xf32>
      %swap3A_213 = vector.shape_cast %add3A_208 : vector<16xf32> to vector<1x16xf32>
      tpu.vector_store %arg8[%swap3A_209, %swap3A_210], %swap3A_213 {strides = array<i32>} : memref<128x128xf32, #tpu.memory_space<vmem>>, vector<1x16xf32>,
      %get3A_214 = arith.index_cast %scan3A_151 : i32 to index
      %get3A_215 = arith.constant 64 : index
      %get3A_216 = tpu.vector_load %arg8[%get3A_214, %get3A_215] {strides = array<i32>} : memref<128x128xf32, #tpu.memory_space<vmem>>, vector<1x16xf32>,
      %get3A_217 = vector.shape_cast %get3A_216 : vector<1x16xf32> to vector<16xf32>
      %get3A_218 = arith.constant 0 : i32
      %get3A_219 = arith.index_cast %get3A_218 : i32 to index
      %get3A_220 = arith.index_cast %scan3A_151 : i32 to index
      %get3A_221 = arith.constant 64 : index
      %get3A_222 = tpu.vector_load %arg9[%get3A_219, %get3A_220, %get3A_221] {strides = array<i32>} : memref<4x112x128xf32, #tpu.memory_space<vmem>>, vector<1x1x16xf32>,
      %get3A_223 = vector.shape_cast %get3A_222 : vector<1x1x16xf32> to vector<16xf32>
      %add3A_224 = arith.addf %get3A_217, %get3A_223 : vector<16xf32>
      %swap3A_225 = arith.index_cast %scan3A_151 : i32 to index
      %swap3A_226 = arith.constant 64 : index
      %swap3A_227 = tpu.vector_load %arg8[%swap3A_225, %swap3A_226] {strides = array<i32>} : memref<128x128xf32, #tpu.memory_space<vmem>>, vector<1x16xf32>,
      %swap3A_228 = vector.shape_cast %swap3A_227 : vector<1x16xf32> to vector<16xf32>
      %swap3A_229 = vector.shape_cast %add3A_224 : vector<16xf32> to vector<1x16xf32>
      tpu.vector_store %arg8[%swap3A_225, %swap3A_226], %swap3A_229 {strides = array<i32>} : memref<128x128xf32, #tpu.memory_space<vmem>>, vector<1x16xf32>,
      %get3A_230 = arith.index_cast %scan3A_151 : i32 to index
      %get3A_231 = arith.constant 80 : index
      %get3A_232 = tpu.vector_load %arg8[%get3A_230, %get3A_231] {strides = array<i32>} : memref<128x128xf32, #tpu.memory_space<vmem>>, vector<1x16xf32>,
      %get3A_233 = vector.shape_cast %get3A_232 : vector<1x16xf32> to vector<16xf32>
      %get3A_234 = arith.constant 0 : i32
      %get3A_235 = arith.index_cast %get3A_234 : i32 to index
      %get3A_236 = arith.index_cast %scan3A_151 : i32 to index
      %get3A_237 = arith.constant 80 : index
      %get3A_238 = tpu.vector_load %arg9[%get3A_235, %get3A_236, %get3A_237] {strides = array<i32>} : memref<4x112x128xf32, #tpu.memory_space<vmem>>, vector<1x1x16xf32>,
      %get3A_239 = vector.shape_cast %get3A_238 : vector<1x1x16xf32> to vector<16xf32>
      %add3A_240 = arith.addf %get3A_233, %get3A_239 : vector<16xf32>
      %swap3A_241 = arith.index_cast %scan3A_151 : i32 to index
      %swap3A_242 = arith.constant 80 : index
      %swap3A_243 = tpu.vector_load %arg8[%swap3A_241, %swap3A_242] {strides = array<i32>} : memref<128x128xf32, #tpu.memory_space<vmem>>, vector<1x16xf32>,
      %swap3A_244 = vector.shape_cast %swap3A_243 : vector<1x16xf32> to vector<16xf32>
      %swap3A_245 = vector.shape_cast %add3A_240 : vector<16xf32> to vector<1x16xf32>
      tpu.vector_store %arg8[%swap3A_241, %swap3A_242], %swap3A_245 {strides = array<i32>} : memref<128x128xf32, #tpu.memory_space<vmem>>, vector<1x16xf32>,
      %get3A_246 = arith.index_cast %scan3A_151 : i32 to index
      %get3A_247 = arith.constant 96 : index
      %get3A_248 = tpu.vector_load %arg8[%get3A_246, %get3A_247] {strides = array<i32>} : memref<128x128xf32, #tpu.memory_space<vmem>>, vector<1x16xf32>,
      %get3A_249 = vector.shape_cast %get3A_248 : vector<1x16xf32> to vector<16xf32>
      %get3A_250 = arith.constant 0 : i32
      %get3A_251 = arith.index_cast %get3A_250 : i32 to index
      %get3A_252 = arith.index_cast %scan3A_151 : i32 to index
      %get3A_253 = arith.constant 96 : index
      %get3A_254 = tpu.vector_load %arg9[%get3A_251, %get3A_252, %get3A_253] {strides = array<i32>} : memref<4x112x128xf32, #tpu.memory_space<vmem>>, vector<1x1x16xf32>,
      %get3A_255 = vector.shape_cast %get3A_254 : vector<1x1x16xf32> to vector<16xf32>
      %add3A_256 = arith.addf %get3A_249, %get3A_255 : vector<16xf32>
      %swap3A_257 = arith.index_cast %scan3A_151 : i32 to index
      %swap3A_258 = arith.constant 96 : index
      %swap3A_259 = tpu.vector_load %arg8[%swap3A_257, %swap3A_258] {strides = array<i32>} : memref<128x128xf32, #tpu.memory_space<vmem>>, vector<1x16xf32>,
      %swap3A_260 = vector.shape_cast %swap3A_259 : vector<1x16xf32> to vector<16xf32>
      %swap3A_261 = vector.shape_cast %add3A_256 : vector<16xf32> to vector<1x16xf32>
      tpu.vector_store %arg8[%swap3A_257, %swap3A_258], %swap3A_261 {strides = array<i32>} : memref<128x128xf32, #tpu.memory_space<vmem>>, vector<1x16xf32>,
      %get3A_262 = arith.index_cast %scan3A_151 : i32 to index
      %get3A_263 = arith.constant 112 : index
      %get3A_264 = tpu.vector_load %arg8[%get3A_262, %get3A_263] {strides = array<i32>} : memref<128x128xf32, #tpu.memory_space<vmem>>, vector<1x16xf32>,
      %get3A_265 = vector.shape_cast %get3A_264 : vector<1x16xf32> to vector<16xf32>
      %get3A_266 = arith.constant 0 : i32
      %get3A_267 = arith.index_cast %get3A_266 : i32 to index
      %get3A_268 = arith.index_cast %scan3A_151 : i32 to index
      %get3A_269 = arith.constant 112 : index
      %get3A_270 = tpu.vector_load %arg9[%get3A_267, %get3A_268, %get3A_269] {strides = array<i32>} : memref<4x112x128xf32, #tpu.memory_space<vmem>>, vector<1x1x16xf32>,
      %get3A_271 = vector.shape_cast %get3A_270 : vector<1x1x16xf32> to vector<16xf32>
      %add3A_272 = arith.addf %get3A_265, %get3A_271 : vector<16xf32>
      %swap3A_273 = arith.index_cast %scan3A_151 : i32 to index
      %swap3A_274 = arith.constant 112 : index
      %swap3A_275 = tpu.vector_load %arg8[%swap3A_273, %swap3A_274] {strides = array<i32>} : memref<128x128xf32, #tpu.memory_space<vmem>>, vector<1x16xf32>,
      %swap3A_276 = vector.shape_cast %swap3A_275 : vector<1x16xf32> to vector<16xf32>
      %swap3A_277 = vector.shape_cast %add3A_272 : vector<16xf32> to vector<1x16xf32>
      tpu.vector_store %arg8[%swap3A_273, %swap3A_274], %swap3A_277 {strides = array<i32>} : memref<128x128xf32, #tpu.memory_space<vmem>>, vector<1x16xf32>,
      %scan3A_278 = arith.constant 1 : i32
      %scan3A_279 = arith.addi %scan3A_151, %scan3A_278 : i32
      %get3A_280 = arith.index_cast %scan3A_279 : i32 to index
      %get3A_281 = arith.constant 0 : index
      %get3A_282 = tpu.vector_load %arg8[%get3A_280, %get3A_281] {strides = array<i32>} : memref<128x128xf32, #tpu.memory_space<vmem>>, vector<1x16xf32>,
      %get3A_283 = vector.shape_cast %get3A_282 : vector<1x16xf32> to vector<16xf32>
      %get3A_284 = arith.constant 0 : i32
      %get3A_285 = arith.index_cast %get3A_284 : i32 to index
      %get3A_286 = arith.index_cast %scan3A_279 : i32 to index
      %get3A_287 = arith.constant 0 : index
      %get3A_288 = tpu.vector_load %arg9[%get3A_285, %get3A_286, %get3A_287] {strides = array<i32>} : memref<4x112x128xf32, #tpu.memory_space<vmem>>, vector<1x1x16xf32>,
      %get3A_289 = vector.shape_cast %get3A_288 : vector<1x1x16xf32> to vector<16xf32>
      %add3A_290 = arith.addf %get3A_283, %get3A_289 : vector<16xf32>
      %swap3A_291 = arith.index_cast %scan3A_279 : i32 to index
      %swap3A_292 = arith.constant 0 : index
      %swap3A_293 = tpu.vector_load %arg8[%swap3A_291, %swap3A_292] {strides = array<i32>} : memref<128x128xf32, #tpu.memory_space<vmem>>, vector<1x16xf32>,
      %swap3A_294 = vector.shape_cast %swap3A_293 : vector<1x16xf32> to vector<16xf32>
      %swap3A_295 = vector.shape_cast %add3A_290 : vector<16xf32> to vector<1x16xf32>
      tpu.vector_store %arg8[%swap3A_291, %swap3A_292], %swap3A_295 {strides = array<i32>} : memref<128x128xf32, #tpu.memory_space<vmem>>, vector<1x16xf32>,
      %get3A_296 = arith.index_cast %scan3A_279 : i32 to index
      %get3A_297 = arith.constant 16 : index
      %get3A_298 = tpu.vector_load %arg8[%get3A_296, %get3A_297] {strides = array<i32>} : memref<128x128xf32, #tpu.memory_space<vmem>>, vector<1x16xf32>,
      %get3A_299 = vector.shape_cast %get3A_298 : vector<1x16xf32> to vector<16xf32>
      %get3A_300 = arith.constant 0 : i32
      %get3A_301 = arith.index_cast %get3A_300 : i32 to index
      %get3A_302 = arith.index_cast %scan3A_279 : i32 to index
      %get3A_303 = arith.constant 16 : index
      %get3A_304 = tpu.vector_load %arg9[%get3A_301, %get3A_302, %get3A_303] {strides = array<i32>} : memref<4x112x128xf32, #tpu.memory_space<vmem>>, vector<1x1x16xf32>,
      %get3A_305 = vector.shape_cast %get3A_304 : vector<1x1x16xf32> to vector<16xf32>
      %add3A_306 = arith.addf %get3A_299, %get3A_305 : vector<16xf32>
      %swap3A_307 = arith.index_cast %scan3A_279 : i32 to index
      %swap3A_308 = arith.constant 16 : index
      %swap3A_309 = tpu.vector_load %arg8[%swap3A_307, %swap3A_308] {strides = array<i32>} : memref<128x128xf32, #tpu.memory_space<vmem>>, vector<1x16xf32>,
      %swap3A_310 = vector.shape_cast %swap3A_309 : vector<1x16xf32> to vector<16xf32>
      %swap3A_311 = vector.shape_cast %add3A_306 : vector<16xf32> to vector<1x16xf32>
      tpu.vector_store %arg8[%swap3A_307, %swap3A_308], %swap3A_311 {strides = array<i32>} : memref<128x128xf32, #tpu.memory_space<vmem>>, vector<1x16xf32>,
      %get3A_312 = arith.index_cast %scan3A_279 : i32 to index
      %get3A_313 = arith.constant 32 : index
      %get3A_314 = tpu.vector_load %arg8[%get3A_312, %get3A_313] {strides = array<i32>} : memref<128x128xf32, #tpu.memory_space<vmem>>, vector<1x16xf32>,
      %get3A_315 = vector.shape_cast %get3A_314 : vector<1x16xf32> to vector<16xf32>
      %get3A_316 = arith.constant 0 : i32
      %get3A_317 = arith.index_cast %get3A_316 : i32 to index
      %get3A_318 = arith.index_cast %scan3A_279 : i32 to index
      %get3A_319 = arith.constant 32 : index
      %get3A_320 = tpu.vector_load %arg9[%get3A_317, %get3A_318, %get3A_319] {strides = array<i32>} : memref<4x112x128xf32, #tpu.memory_space<vmem>>, vector<1x1x16xf32>,
      %get3A_321 = vector.shape_cast %get3A_320 : vector<1x1x16xf32> to vector<16xf32>
      %add3A_322 = arith.addf %get3A_315, %get3A_321 : vector<16xf32>
      %swap3A_323 = arith.index_cast %scan3A_279 : i32 to index
      %swap3A_324 = arith.constant 32 : index
      %swap3A_325 = tpu.vector_load %arg8[%swap3A_323, %swap3A_324] {strides = array<i32>} : memref<128x128xf32, #tpu.memory_space<vmem>>, vector<1x16xf32>,
      %swap3A_326 = vector.shape_cast %swap3A_325 : vector<1x16xf32> to vector<16xf32>
      %swap3A_327 = vector.shape_cast %add3A_322 : vector<16xf32> to vector<1x16xf32>
      tpu.vector_store %arg8[%swap3A_323, %swap3A_324], %swap3A_327 {strides = array<i32>} : memref<128x128xf32, #tpu.memory_space<vmem>>, vector<1x16xf32>,
      %get3A_328 = arith.index_cast %scan3A_279 : i32 to index
      %get3A_329 = arith.constant 48 : index
      %get3A_330 = tpu.vector_load %arg8[%get3A_328, %get3A_329] {strides = array<i32>} : memref<128x128xf32, #tpu.memory_space<vmem>>, vector<1x16xf32>,
      %get3A_331 = vector.shape_cast %get3A_330 : vector<1x16xf32> to vector<16xf32>
      %get3A_332 = arith.constant 0 : i32
      %get3A_333 = arith.index_cast %get3A_332 : i32 to index
      %get3A_334 = arith.index_cast %scan3A_279 : i32 to index
      %get3A_335 = arith.constant 48 : index
      %get3A_336 = tpu.vector_load %arg9[%get3A_333, %get3A_334, %get3A_335] {strides = array<i32>} : memref<4x112x128xf32, #tpu.memory_space<vmem>>, vector<1x1x16xf32>,
      %get3A_337 = vector.shape_cast %get3A_336 : vector<1x1x16xf32> to vector<16xf32>
      %add3A_338 = arith.addf %get3A_331, %get3A_337 : vector<16xf32>
      %swap3A_339 = arith.index_cast %scan3A_279 : i32 to index
      %swap3A_340 = arith.constant 48 : index
      %swap3A_341 = tpu.vector_load %arg8[%swap3A_339, %swap3A_340] {strides = array<i32>} : memref<128x128xf32, #tpu.memory_space<vmem>>, vector<1x16xf32>,
      %swap3A_342 = vector.shape_cast %swap3A_341 : vector<1x16xf32> to vector<16xf32>
      %swap3A_343 = vector.shape_cast %add3A_338 : vector<16xf32> to vector<1x16xf32>
      tpu.vector_store %arg8[%swap3A_339, %swap3A_340], %swap3A_343 {strides = array<i32>} : memref<128x128xf32, #tpu.memory_space<vmem>>, vector<1x16xf32>,
      %get3A_344 = arith.index_cast %scan3A_279 : i32 to index
      %get3A_345 = arith.constant 64 : index
      %get3A_346 = tpu.vector_load %arg8[%get3A_344, %get3A_345] {strides = array<i32>} : memref<128x128xf32, #tpu.memory_space<vmem>>, vector<1x16xf32>,
      %get3A_347 = vector.shape_cast %get3A_346 : vector<1x16xf32> to vector<16xf32>
      %get3A_348 = arith.constant 0 : i32
      %get3A_349 = arith.index_cast %get3A_348 : i32 to index
      %get3A_350 = arith.index_cast %scan3A_279 : i32 to index
      %get3A_351 = arith.constant 64 : index
      %get3A_352 = tpu.vector_load %arg9[%get3A_349, %get3A_350, %get3A_351] {strides = array<i32>} : memref<4x112x128xf32, #tpu.memory_space<vmem>>, vector<1x1x16xf32>,
      %get3A_353 = vector.shape_cast %get3A_352 : vector<1x1x16xf32> to vector<16xf32>
      %add3A_354 = arith.addf %get3A_347, %get3A_353 : vector<16xf32>
      %swap3A_355 = arith.index_cast %scan3A_279 : i32 to index
      %swap3A_356 = arith.constant 64 : index
      %swap3A_357 = tpu.vector_load %arg8[%swap3A_355, %swap3A_356] {strides = array<i32>} : memref<128x128xf32, #tpu.memory_space<vmem>>, vector<1x16xf32>,
      %swap3A_358 = vector.shape_cast %swap3A_357 : vector<1x16xf32> to vector<16xf32>
      %swap3A_359 = vector.shape_cast %add3A_354 : vector<16xf32> to vector<1x16xf32>
      tpu.vector_store %arg8[%swap3A_355, %swap3A_356], %swap3A_359 {strides = array<i32>} : memref<128x128xf32, #tpu.memory_space<vmem>>, vector<1x16xf32>,
      %get3A_360 = arith.index_cast %scan3A_279 : i32 to index
      %get3A_361 = arith.constant 80 : index
      %get3A_362 = tpu.vector_load %arg8[%get3A_360, %get3A_361] {strides = array<i32>} : memref<128x128xf32, #tpu.memory_space<vmem>>, vector<1x16xf32>,
      %get3A_363 = vector.shape_cast %get3A_362 : vector<1x16xf32> to vector<16xf32>
      %get3A_364 = arith.constant 0 : i32
      %get3A_365 = arith.index_cast %get3A_364 : i32 to index
      %get3A_366 = arith.index_cast %scan3A_279 : i32 to index
      %get3A_367 = arith.constant 80 : index
      %get3A_368 = tpu.vector_load %arg9[%get3A_365, %get3A_366, %get3A_367] {strides = array<i32>} : memref<4x112x128xf32, #tpu.memory_space<vmem>>, vector<1x1x16xf32>,
      %get3A_369 = vector.shape_cast %get3A_368 : vector<1x1x16xf32> to vector<16xf32>
      %add3A_370 = arith.addf %get3A_363, %get3A_369 : vector<16xf32>
      %swap3A_371 = arith.index_cast %scan3A_279 : i32 to index
      %swap3A_372 = arith.constant 80 : index
      %swap3A_373 = tpu.vector_load %arg8[%swap3A_371, %swap3A_372] {strides = array<i32>} : memref<128x128xf32, #tpu.memory_space<vmem>>, vector<1x16xf32>,
      %swap3A_374 = vector.shape_cast %swap3A_373 : vector<1x16xf32> to vector<16xf32>
      %swap3A_375 = vector.shape_cast %add3A_370 : vector<16xf32> to vector<1x16xf32>
      tpu.vector_store %arg8[%swap3A_371, %swap3A_372], %swap3A_375 {strides = array<i32>} : memref<128x128xf32, #tpu.memory_space<vmem>>, vector<1x16xf32>,
      %get3A_376 = arith.index_cast %scan3A_279 : i32 to index
      %get3A_377 = arith.constant 96 : index
      %get3A_378 = tpu.vector_load %arg8[%get3A_376, %get3A_377] {strides = array<i32>} : memref<128x128xf32, #tpu.memory_space<vmem>>, vector<1x16xf32>,
      %get3A_379 = vector.shape_cast %get3A_378 : vector<1x16xf32> to vector<16xf32>
      %get3A_380 = arith.constant 0 : i32
      %get3A_381 = arith.index_cast %get3A_380 : i32 to index
      %get3A_382 = arith.index_cast %scan3A_279 : i32 to index
      %get3A_383 = arith.constant 96 : index
      %get3A_384 = tpu.vector_load %arg9[%get3A_381, %get3A_382, %get3A_383] {strides = array<i32>} : memref<4x112x128xf32, #tpu.memory_space<vmem>>, vector<1x1x16xf32>,
      %get3A_385 = vector.shape_cast %get3A_384 : vector<1x1x16xf32> to vector<16xf32>
      %add3A_386 = arith.addf %get3A_379, %get3A_385 : vector<16xf32>
      %swap3A_387 = arith.index_cast %scan3A_279 : i32 to index
      %swap3A_388 = arith.constant 96 : index
      %swap3A_389 = tpu.vector_load %arg8[%swap3A_387, %swap3A_388] {strides = array<i32>} : memref<128x128xf32, #tpu.memory_space<vmem>>, vector<1x16xf32>,
      %swap3A_390 = vector.shape_cast %swap3A_389 : vector<1x16xf32> to vector<16xf32>
      %swap3A_391 = vector.shape_cast %add3A_386 : vector<16xf32> to vector<1x16xf32>
      tpu.vector_store %arg8[%swap3A_387, %swap3A_388], %swap3A_391 {strides = array<i32>} : memref<128x128xf32, #tpu.memory_space<vmem>>, vector<1x16xf32>,
      %get3A_392 = arith.index_cast %scan3A_279 : i32 to index
      %get3A_393 = arith.constant 112 : index
      %get3A_394 = tpu.vector_load %arg8[%get3A_392, %get3A_393] {strides = array<i32>} : memref<128x128xf32, #tpu.memory_space<vmem>>, vector<1x16xf32>,
      %get3A_395 = vector.shape_cast %get3A_394 : vector<1x16xf32> to vector<16xf32>
      %get3A_396 = arith.constant 0 : i32
      %get3A_397 = arith.index_cast %get3A_396 : i32 to index
      %get3A_398 = arith.index_cast %scan3A_279 : i32 to index
      %get3A_399 = arith.constant 112 : index
      %get3A_400 = tpu.vector_load %arg9[%get3A_397, %get3A_398, %get3A_399] {strides = array<i32>} : memref<4x112x128xf32, #tpu.memory_space<vmem>>, vector<1x1x16xf32>,
      %get3A_401 = vector.shape_cast %get3A_400 : vector<1x1x16xf32> to vector<16xf32>
      %add3A_402 = arith.addf %get3A_395, %get3A_401 : vector<16xf32>
      %swap3A_403 = arith.index_cast %scan3A_279 : i32 to index
      %swap3A_404 = arith.constant 112 : index
      %swap3A_405 = tpu.vector_load %arg8[%swap3A_403, %swap3A_404] {strides = array<i32>} : memref<128x128xf32, #tpu.memory_space<vmem>>, vector<1x16xf32>,
      %swap3A_406 = vector.shape_cast %swap3A_405 : vector<1x16xf32> to vector<16xf32>
      %swap3A_407 = vector.shape_cast %add3A_402 : vector<16xf32> to vector<1x16xf32>
      tpu.vector_store %arg8[%swap3A_403, %swap3A_404], %swap3A_407 {strides = array<i32>} : memref<128x128xf32, #tpu.memory_space<vmem>>, vector<1x16xf32>,
    }
    %scan3A_44 = arith.constant 112 : i32
    %scan3A_45 = arith.constant 0 : i32
    %scan3A_46 = arith.constant 16 : i32
    %scan3A_47 = arith.addi %scan3A_45, %scan3A_46 : i32
    %scan3A_48 = arith.constant 2 : i32
    scf.for %scan3A_151 = %scan3A_45 to %scan3A_47 step %scan3A_48  : i32 {
      %add3A_152 = arith.constant 112 : i32
      %add3A_153 = arith.addi %add3A_152, %scan3A_151 : i32
      %get3A = arith.index_cast %add3A_153 : i32 to index
      %get3A_154 = arith.constant 0 : index
      %get3A_155 = tpu.vector_load %arg8[%get3A, %get3A_154] {strides = array<i32>} : memref<128x128xf32, #tpu.memory_space<vmem>>, vector<1x16xf32>,
      %get3A_156 = vector.shape_cast %get3A_155 : vector<1x16xf32> to vector<16xf32>
      %get3A_157 = arith.constant 1 : i32
      %get3A_158 = arith.index_cast %get3A_157 : i32 to index
      %get3A_159 = arith.index_cast %scan3A_151 : i32 to index
      %get3A_160 = arith.constant 0 : index
      %get3A_161 = tpu.vector_load %arg9[%get3A_158, %get3A_159, %get3A_160] {strides = array<i32>} : memref<4x112x128xf32, #tpu.memory_space<vmem>>, vector<1x1x16xf32>,
      %get3A_162 = vector.shape_cast %get3A_161 : vector<1x1x16xf32> to vector<16xf32>
      %add3A_163 = arith.addf %get3A_156, %get3A_162 : vector<16xf32>
      %add3A_164 = arith.constant 112 : i32
      %add3A_165 = arith.addi %add3A_164, %scan3A_151 : i32
      %swap3A = arith.index_cast %add3A_165 : i32 to index
      %swap3A_166 = arith.constant 0 : index
      %swap3A_167 = tpu.vector_load %arg8[%swap3A, %swap3A_166] {strides = array<i32>} : memref<128x128xf32, #tpu.memory_space<vmem>>, vector<1x16xf32>,
      %swap3A_168 = vector.shape_cast %swap3A_167 : vector<1x16xf32> to vector<16xf32>
      %swap3A_169 = vector.shape_cast %add3A_163 : vector<16xf32> to vector<1x16xf32>
      tpu.vector_store %arg8[%swap3A, %swap3A_166], %swap3A_169 {strides = array<i32>} : memref<128x128xf32, #tpu.memory_space<vmem>>, vector<1x16xf32>,
      %add3A_170 = arith.constant 112 : i32
      %add3A_171 = arith.addi %add3A_170, %scan3A_151 : i32
      %get3A_172 = arith.index_cast %add3A_171 : i32 to index
      %get3A_173 = arith.constant 16 : index
      %get3A_174 = tpu.vector_load %arg8[%get3A_172, %get3A_173] {strides = array<i32>} : memref<128x128xf32, #tpu.memory_space<vmem>>, vector<1x16xf32>,
      %get3A_175 = vector.shape_cast %get3A_174 : vector<1x16xf32> to vector<16xf32>
      %get3A_176 = arith.constant 1 : i32
      %get3A_177 = arith.index_cast %get3A_176 : i32 to index
      %get3A_178 = arith.index_cast %scan3A_151 : i32 to index
      %get3A_179 = arith.constant 16 : index
      %get3A_180 = tpu.vector_load %arg9[%get3A_177, %get3A_178, %get3A_179] {strides = array<i32>} : memref<4x112x128xf32, #tpu.memory_space<vmem>>, vector<1x1x16xf32>,
      %get3A_181 = vector.shape_cast %get3A_180 : vector<1x1x16xf32> to vector<16xf32>
      %add3A_182 = arith.addf %get3A_175, %get3A_181 : vector<16xf32>
      %add3A_183 = arith.constant 112 : i32
      %add3A_184 = arith.addi %add3A_183, %scan3A_151 : i32
      %swap3A_185 = arith.index_cast %add3A_184 : i32 to index
      %swap3A_186 = arith.constant 16 : index
      %swap3A_187 = tpu.vector_load %arg8[%swap3A_185, %swap3A_186] {strides = array<i32>} : memref<128x128xf32, #tpu.memory_space<vmem>>, vector<1x16xf32>,
      %swap3A_188 = vector.shape_cast %swap3A_187 : vector<1x16xf32> to vector<16xf32>
      %swap3A_189 = vector.shape_cast %add3A_182 : vector<16xf32> to vector<1x16xf32>
      tpu.vector_store %arg8[%swap3A_185, %swap3A_186], %swap3A_189 {strides = array<i32>} : memref<128x128xf32, #tpu.memory_space<vmem>>, vector<1x16xf32>,
      %add3A_190 = arith.constant 112 : i32
      %add3A_191 = arith.addi %add3A_190, %scan3A_151 : i32
      %get3A_192 = arith.index_cast %add3A_191 : i32 to index
      %get3A_193 = arith.constant 32 : index
      %get3A_194 = tpu.vector_load %arg8[%get3A_192, %get3A_193] {strides = array<i32>} : memref<128x128xf32, #tpu.memory_space<vmem>>, vector<1x16xf32>,
      %get3A_195 = vector.shape_cast %get3A_194 : vector<1x16xf32> to vector<16xf32>
      %get3A_196 = arith.constant 1 : i32
      %get3A_197 = arith.index_cast %get3A_196 : i32 to index
      %get3A_198 = arith.index_cast %scan3A_151 : i32 to index
      %get3A_199 = arith.constant 32 : index
      %get3A_200 = tpu.vector_load %arg9[%get3A_197, %get3A_198, %get3A_199] {strides = array<i32>} : memref<4x112x128xf32, #tpu.memory_space<vmem>>, vector<1x1x16xf32>,
      %get3A_201 = vector.shape_cast %get3A_200 : vector<1x1x16xf32> to vector<16xf32>
      %add3A_202 = arith.addf %get3A_195, %get3A_201 : vector<16xf32>
      %add3A_203 = arith.constant 112 : i32
      %add3A_204 = arith.addi %add3A_203, %scan3A_151 : i32
      %swap3A_205 = arith.index_cast %add3A_204 : i32 to index
      %swap3A_206 = arith.constant 32 : index
      %swap3A_207 = tpu.vector_load %arg8[%swap3A_205, %swap3A_206] {strides = array<i32>} : memref<128x128xf32, #tpu.memory_space<vmem>>, vector<1x16xf32>,
      %swap3A_208 = vector.shape_cast %swap3A_207 : vector<1x16xf32> to vector<16xf32>
      %swap3A_209 = vector.shape_cast %add3A_202 : vector<16xf32> to vector<1x16xf32>
      tpu.vector_store %arg8[%swap3A_205, %swap3A_206], %swap3A_209 {strides = array<i32>} : memref<128x128xf32, #tpu.memory_space<vmem>>, vector<1x16xf32>,
      %add3A_210 = arith.constant 112 : i32
      %add3A_211 = arith.addi %add3A_210, %scan3A_151 : i32
      %get3A_212 = arith.index_cast %add3A_211 : i32 to index
      %get3A_213 = arith.constant 48 : index
      %get3A_214 = tpu.vector_load %arg8[%get3A_212, %get3A_213] {strides = array<i32>} : memref<128x128xf32, #tpu.memory_space<vmem>>, vector<1x16xf32>,
      %get3A_215 = vector.shape_cast %get3A_214 : vector<1x16xf32> to vector<16xf32>
      %get3A_216 = arith.constant 1 : i32
      %get3A_217 = arith.index_cast %get3A_216 : i32 to index
      %get3A_218 = arith.index_cast %scan3A_151 : i32 to index
      %get3A_219 = arith.constant 48 : index
      %get3A_220 = tpu.vector_load %arg9[%get3A_217, %get3A_218, %get3A_219] {strides = array<i32>} : memref<4x112x128xf32, #tpu.memory_space<vmem>>, vector<1x1x16xf32>,
      %get3A_221 = vector.shape_cast %get3A_220 : vector<1x1x16xf32> to vector<16xf32>
      %add3A_222 = arith.addf %get3A_215, %get3A_221 : vector<16xf32>
      %add3A_223 = arith.constant 112 : i32
      %add3A_224 = arith.addi %add3A_223, %scan3A_151 : i32
      %swap3A_225 = arith.index_cast %add3A_224 : i32 to index
      %swap3A_226 = arith.constant 48 : index
      %swap3A_227 = tpu.vector_load %arg8[%swap3A_225, %swap3A_226] {strides = array<i32>} : memref<128x128xf32, #tpu.memory_space<vmem>>, vector<1x16xf32>,
      %swap3A_228 = vector.shape_cast %swap3A_227 : vector<1x16xf32> to vector<16xf32>
      %swap3A_229 = vector.shape_cast %add3A_222 : vector<16xf32> to vector<1x16xf32>
      tpu.vector_store %arg8[%swap3A_225, %swap3A_226], %swap3A_229 {strides = array<i32>} : memref<128x128xf32, #tpu.memory_space<vmem>>, vector<1x16xf32>,
      %add3A_230 = arith.constant 112 : i32
      %add3A_231 = arith.addi %add3A_230, %scan3A_151 : i32
      %get3A_232 = arith.index_cast %add3A_231 : i32 to index
      %get3A_233 = arith.constant 64 : index
      %get3A_234 = tpu.vector_load %arg8[%get3A_232, %get3A_233] {strides = array<i32>} : memref<128x128xf32, #tpu.memory_space<vmem>>, vector<1x16xf32>,
      %get3A_235 = vector.shape_cast %get3A_234 : vector<1x16xf32> to vector<16xf32>
      %get3A_236 = arith.constant 1 : i32
      %get3A_237 = arith.index_cast %get3A_236 : i32 to index
      %get3A_238 = arith.index_cast %scan3A_151 : i32 to index
      %get3A_239 = arith.constant 64 : index
      %get3A_240 = tpu.vector_load %arg9[%get3A_237, %get3A_238, %get3A_239] {strides = array<i32>} : memref<4x112x128xf32, #tpu.memory_space<vmem>>, vector<1x1x16xf32>,
      %get3A_241 = vector.shape_cast %get3A_240 : vector<1x1x16xf32> to vector<16xf32>
      %add3A_242 = arith.addf %get3A_235, %get3A_241 : vector<16xf32>
      %add3A_243 = arith.constant 112 : i32
      %add3A_244 = arith.addi %add3A_243, %scan3A_151 : i32
      %swap3A_245 = arith.index_cast %add3A_244 : i32 to index
      %swap3A_246 = arith.constant 64 : index
      %swap3A_247 = tpu.vector_load %arg8[%swap3A_245, %swap3A_246] {strides = array<i32>} : memref<128x128xf32, #tpu.memory_space<vmem>>, vector<1x16xf32>,
      %swap3A_248 = vector.shape_cast %swap3A_247 : vector<1x16xf32> to vector<16xf32>
      %swap3A_249 = vector.shape_cast %add3A_242 : vector<16xf32> to vector<1x16xf32>
      tpu.vector_store %arg8[%swap3A_245, %swap3A_246], %swap3A_249 {strides = array<i32>} : memref<128x128xf32, #tpu.memory_space<vmem>>, vector<1x16xf32>,
      %add3A_250 = arith.constant 112 : i32
      %add3A_251 = arith.addi %add3A_250, %scan3A_151 : i32
      %get3A_252 = arith.index_cast %add3A_251 : i32 to index
      %get3A_253 = arith.constant 80 : index
      %get3A_254 = tpu.vector_load %arg8[%get3A_252, %get3A_253] {strides = array<i32>} : memref<128x128xf32, #tpu.memory_space<vmem>>, vector<1x16xf32>,
      %get3A_255 = vector.shape_cast %get3A_254 : vector<1x16xf32> to vector<16xf32>
      %get3A_256 = arith.constant 1 : i32
      %get3A_257 = arith.index_cast %get3A_256 : i32 to index
      %get3A_258 = arith.index_cast %scan3A_151 : i32 to index
      %get3A_259 = arith.constant 80 : index
      %get3A_260 = tpu.vector_load %arg9[%get3A_257, %get3A_258, %get3A_259] {strides = array<i32>} : memref<4x112x128xf32, #tpu.memory_space<vmem>>, vector<1x1x16xf32>,
      %get3A_261 = vector.shape_cast %get3A_260 : vector<1x1x16xf32> to vector<16xf32>
      %add3A_262 = arith.addf %get3A_255, %get3A_261 : vector<16xf32>
      %add3A_263 = arith.constant 112 : i32
      %add3A_264 = arith.addi %add3A_263, %scan3A_151 : i32
      %swap3A_265 = arith.index_cast %add3A_264 : i32 to index
      %swap3A_266 = arith.constant 80 : index
      %swap3A_267 = tpu.vector_load %arg8[%swap3A_265, %swap3A_266] {strides = array<i32>} : memref<128x128xf32, #tpu.memory_space<vmem>>, vector<1x16xf32>,
      %swap3A_268 = vector.shape_cast %swap3A_267 : vector<1x16xf32> to vector<16xf32>
      %swap3A_269 = vector.shape_cast %add3A_262 : vector<16xf32> to vector<1x16xf32>
      tpu.vector_store %arg8[%swap3A_265, %swap3A_266], %swap3A_269 {strides = array<i32>} : memref<128x128xf32, #tpu.memory_space<vmem>>, vector<1x16xf32>,
      %add3A_270 = arith.constant 112 : i32
      %add3A_271 = arith.addi %add3A_270, %scan3A_151 : i32
      %get3A_272 = arith.index_cast %add3A_271 : i32 to index
      %get3A_273 = arith.constant 96 : index
      %get3A_274 = tpu.vector_load %arg8[%get3A_272, %get3A_273] {strides = array<i32>} : memref<128x128xf32, #tpu.memory_space<vmem>>, vector<1x16xf32>,
      %get3A_275 = vector.shape_cast %get3A_274 : vector<1x16xf32> to vector<16xf32>
      %get3A_276 = arith.constant 1 : i32
      %get3A_277 = arith.index_cast %get3A_276 : i32 to index
      %get3A_278 = arith.index_cast %scan3A_151 : i32 to index
      %get3A_279 = arith.constant 96 : index
      %get3A_280 = tpu.vector_load %arg9[%get3A_277, %get3A_278, %get3A_279] {strides = array<i32>} : memref<4x112x128xf32, #tpu.memory_space<vmem>>, vector<1x1x16xf32>,
      %get3A_281 = vector.shape_cast %get3A_280 : vector<1x1x16xf32> to vector<16xf32>
      %add3A_282 = arith.addf %get3A_275, %get3A_281 : vector<16xf32>
      %add3A_283 = arith.constant 112 : i32
      %add3A_284 = arith.addi %add3A_283, %scan3A_151 : i32
      %swap3A_285 = arith.index_cast %add3A_284 : i32 to index
      %swap3A_286 = arith.constant 96 : index
      %swap3A_287 = tpu.vector_load %arg8[%swap3A_285, %swap3A_286] {strides = array<i32>} : memref<128x128xf32, #tpu.memory_space<vmem>>, vector<1x16xf32>,
      %swap3A_288 = vector.shape_cast %swap3A_287 : vector<1x16xf32> to vector<16xf32>
      %swap3A_289 = vector.shape_cast %add3A_282 : vector<16xf32> to vector<1x16xf32>
      tpu.vector_store %arg8[%swap3A_285, %swap3A_286], %swap3A_289 {strides = array<i32>} : memref<128x128xf32, #tpu.memory_space<vmem>>, vector<1x16xf32>,
      %add3A_290 = arith.constant 112 : i32
      %add3A_291 = arith.addi %add3A_290, %scan3A_151 : i32
      %get3A_292 = arith.index_cast %add3A_291 : i32 to index
      %get3A_293 = arith.constant 112 : index
      %get3A_294 = tpu.vector_load %arg8[%get3A_292, %get3A_293] {strides = array<i32>} : memref<128x128xf32, #tpu.memory_space<vmem>>, vector<1x16xf32>,
      %get3A_295 = vector.shape_cast %get3A_294 : vector<1x16xf32> to vector<16xf32>
      %get3A_296 = arith.constant 1 : i32
      %get3A_297 = arith.index_cast %get3A_296 : i32 to index
      %get3A_298 = arith.index_cast %scan3A_151 : i32 to index
      %get3A_299 = arith.constant 112 : index
      %get3A_300 = tpu.vector_load %arg9[%get3A_297, %get3A_298, %get3A_299] {strides = array<i32>} : memref<4x112x128xf32, #tpu.memory_space<vmem>>, vector<1x1x16xf32>,
      %get3A_301 = vector.shape_cast %get3A_300 : vector<1x1x16xf32> to vector<16xf32>
      %add3A_302 = arith.addf %get3A_295, %get3A_301 : vector<16xf32>
      %add3A_303 = arith.constant 112 : i32
      %add3A_304 = arith.addi %add3A_303, %scan3A_151 : i32
      %swap3A_305 = arith.index_cast %add3A_304 : i32 to index
      %swap3A_306 = arith.constant 112 : index
      %swap3A_307 = tpu.vector_load %arg8[%swap3A_305, %swap3A_306] {strides = array<i32>} : memref<128x128xf32, #tpu.memory_space<vmem>>, vector<1x16xf32>,
      %swap3A_308 = vector.shape_cast %swap3A_307 : vector<1x16xf32> to vector<16xf32>
      %swap3A_309 = vector.shape_cast %add3A_302 : vector<16xf32> to vector<1x16xf32>
      tpu.vector_store %arg8[%swap3A_305, %swap3A_306], %swap3A_309 {strides = array<i32>} : memref<128x128xf32, #tpu.memory_space<vmem>>, vector<1x16xf32>,
      %scan3A_310 = arith.constant 1 : i32
      %scan3A_311 = arith.addi %scan3A_151, %scan3A_310 : i32
      %add3A_312 = arith.constant 112 : i32
      %add3A_313 = arith.addi %add3A_312, %scan3A_311 : i32
      %get3A_314 = arith.index_cast %add3A_313 : i32 to index
      %get3A_315 = arith.constant 0 : index
      %get3A_316 = tpu.vector_load %arg8[%get3A_314, %get3A_315] {strides = array<i32>} : memref<128x128xf32, #tpu.memory_space<vmem>>, vector<1x16xf32>,
      %get3A_317 = vector.shape_cast %get3A_316 : vector<1x16xf32> to vector<16xf32>
      %get3A_318 = arith.constant 1 : i32
      %get3A_319 = arith.index_cast %get3A_318 : i32 to index
      %get3A_320 = arith.index_cast %scan3A_311 : i32 to index
      %get3A_321 = arith.constant 0 : index
      %get3A_322 = tpu.vector_load %arg9[%get3A_319, %get3A_320, %get3A_321] {strides = array<i32>} : memref<4x112x128xf32, #tpu.memory_space<vmem>>, vector<1x1x16xf32>,
      %get3A_323 = vector.shape_cast %get3A_322 : vector<1x1x16xf32> to vector<16xf32>
      %add3A_324 = arith.addf %get3A_317, %get3A_323 : vector<16xf32>
      %add3A_325 = arith.constant 112 : i32
      %add3A_326 = arith.addi %add3A_325, %scan3A_311 : i32
      %swap3A_327 = arith.index_cast %add3A_326 : i32 to index
      %swap3A_328 = arith.constant 0 : index
      %swap3A_329 = tpu.vector_load %arg8[%swap3A_327, %swap3A_328] {strides = array<i32>} : memref<128x128xf32, #tpu.memory_space<vmem>>, vector<1x16xf32>,
      %swap3A_330 = vector.shape_cast %swap3A_329 : vector<1x16xf32> to vector<16xf32>
      %swap3A_331 = vector.shape_cast %add3A_324 : vector<16xf32> to vector<1x16xf32>
      tpu.vector_store %arg8[%swap3A_327, %swap3A_328], %swap3A_331 {strides = array<i32>} : memref<128x128xf32, #tpu.memory_space<vmem>>, vector<1x16xf32>,
      %add3A_332 = arith.constant 112 : i32
      %add3A_333 = arith.addi %add3A_332, %scan3A_311 : i32
      %get3A_334 = arith.index_cast %add3A_333 : i32 to index
      %get3A_335 = arith.constant 16 : index
      %get3A_336 = tpu.vector_load %arg8[%get3A_334, %get3A_335] {strides = array<i32>} : memref<128x128xf32, #tpu.memory_space<vmem>>, vector<1x16xf32>,
      %get3A_337 = vector.shape_cast %get3A_336 : vector<1x16xf32> to vector<16xf32>
      %get3A_338 = arith.constant 1 : i32
      %get3A_339 = arith.index_cast %get3A_338 : i32 to index
      %get3A_340 = arith.index_cast %scan3A_311 : i32 to index
      %get3A_341 = arith.constant 16 : index
      %get3A_342 = tpu.vector_load %arg9[%get3A_339, %get3A_340, %get3A_341] {strides = array<i32>} : memref<4x112x128xf32, #tpu.memory_space<vmem>>, vector<1x1x16xf32>,
      %get3A_343 = vector.shape_cast %get3A_342 : vector<1x1x16xf32> to vector<16xf32>
      %add3A_344 = arith.addf %get3A_337, %get3A_343 : vector<16xf32>
      %add3A_345 = arith.constant 112 : i32
      %add3A_346 = arith.addi %add3A_345, %scan3A_311 : i32
      %swap3A_347 = arith.index_cast %add3A_346 : i32 to index
      %swap3A_348 = arith.constant 16 : index
      %swap3A_349 = tpu.vector_load %arg8[%swap3A_347, %swap3A_348] {strides = array<i32>} : memref<128x128xf32, #tpu.memory_space<vmem>>, vector<1x16xf32>,
      %swap3A_350 = vector.shape_cast %swap3A_349 : vector<1x16xf32> to vector<16xf32>
      %swap3A_351 = vector.shape_cast %add3A_344 : vector<16xf32> to vector<1x16xf32>
      tpu.vector_store %arg8[%swap3A_347, %swap3A_348], %swap3A_351 {strides = array<i32>} : memref<128x128xf32, #tpu.memory_space<vmem>>, vector<1x16xf32>,
      %add3A_352 = arith.constant 112 : i32
      %add3A_353 = arith.addi %add3A_352, %scan3A_311 : i32
      %get3A_354 = arith.index_cast %add3A_353 : i32 to index
      %get3A_355 = arith.constant 32 : index
      %get3A_356 = tpu.vector_load %arg8[%get3A_354, %get3A_355] {strides = array<i32>} : memref<128x128xf32, #tpu.memory_space<vmem>>, vector<1x16xf32>,
      %get3A_357 = vector.shape_cast %get3A_356 : vector<1x16xf32> to vector<16xf32>
      %get3A_358 = arith.constant 1 : i32
      %get3A_359 = arith.index_cast %get3A_358 : i32 to index
      %get3A_360 = arith.index_cast %scan3A_311 : i32 to index
      %get3A_361 = arith.constant 32 : index
      %get3A_362 = tpu.vector_load %arg9[%get3A_359, %get3A_360, %get3A_361] {strides = array<i32>} : memref<4x112x128xf32, #tpu.memory_space<vmem>>, vector<1x1x16xf32>,
      %get3A_363 = vector.shape_cast %get3A_362 : vector<1x1x16xf32> to vector<16xf32>
      %add3A_364 = arith.addf %get3A_357, %get3A_363 : vector<16xf32>
      %add3A_365 = arith.constant 112 : i32
      %add3A_366 = arith.addi %add3A_365, %scan3A_311 : i32
      %swap3A_367 = arith.index_cast %add3A_366 : i32 to index
      %swap3A_368 = arith.constant 32 : index
      %swap3A_369 = tpu.vector_load %arg8[%swap3A_367, %swap3A_368] {strides = array<i32>} : memref<128x128xf32, #tpu.memory_space<vmem>>, vector<1x16xf32>,
      %swap3A_370 = vector.shape_cast %swap3A_369 : vector<1x16xf32> to vector<16xf32>
      %swap3A_371 = vector.shape_cast %add3A_364 : vector<16xf32> to vector<1x16xf32>
      tpu.vector_store %arg8[%swap3A_367, %swap3A_368], %swap3A_371 {strides = array<i32>} : memref<128x128xf32, #tpu.memory_space<vmem>>, vector<1x16xf32>,
      %add3A_372 = arith.constant 112 : i32
      %add3A_373 = arith.addi %add3A_372, %scan3A_311 : i32
      %get3A_374 = arith.index_cast %add3A_373 : i32 to index
      %get3A_375 = arith.constant 48 : index
      %get3A_376 = tpu.vector_load %arg8[%get3A_374, %get3A_375] {strides = array<i32>} : memref<128x128xf32, #tpu.memory_space<vmem>>, vector<1x16xf32>,
      %get3A_377 = vector.shape_cast %get3A_376 : vector<1x16xf32> to vector<16xf32>
      %get3A_378 = arith.constant 1 : i32
      %get3A_379 = arith.index_cast %get3A_378 : i32 to index
      %get3A_380 = arith.index_cast %scan3A_311 : i32 to index
      %get3A_381 = arith.constant 48 : index
      %get3A_382 = tpu.vector_load %arg9[%get3A_379, %get3A_380, %get3A_381] {strides = array<i32>} : memref<4x112x128xf32, #tpu.memory_space<vmem>>, vector<1x1x16xf32>,
      %get3A_383 = vector.shape_cast %get3A_382 : vector<1x1x16xf32> to vector<16xf32>
      %add3A_384 = arith.addf %get3A_377, %get3A_383 : vector<16xf32>
      %add3A_385 = arith.constant 112 : i32
      %add3A_386 = arith.addi %add3A_385, %scan3A_311 : i32
      %swap3A_387 = arith.index_cast %add3A_386 : i32 to index
      %swap3A_388 = arith.constant 48 : index
      %swap3A_389 = tpu.vector_load %arg8[%swap3A_387, %swap3A_388] {strides = array<i32>} : memref<128x128xf32, #tpu.memory_space<vmem>>, vector<1x16xf32>,
      %swap3A_390 = vector.shape_cast %swap3A_389 : vector<1x16xf32> to vector<16xf32>
      %swap3A_391 = vector.shape_cast %add3A_384 : vector<16xf32> to vector<1x16xf32>
      tpu.vector_store %arg8[%swap3A_387, %swap3A_388], %swap3A_391 {strides = array<i32>} : memref<128x128xf32, #tpu.memory_space<vmem>>, vector<1x16xf32>,
      %add3A_392 = arith.constant 112 : i32
      %add3A_393 = arith.addi %add3A_392, %scan3A_311 : i32
      %get3A_394 = arith.index_cast %add3A_393 : i32 to index
      %get3A_395 = arith.constant 64 : index
      %get3A_396 = tpu.vector_load %arg8[%get3A_394, %get3A_395] {strides = array<i32>} : memref<128x128xf32, #tpu.memory_space<vmem>>, vector<1x16xf32>,
      %get3A_397 = vector.shape_cast %get3A_396 : vector<1x16xf32> to vector<16xf32>
      %get3A_398 = arith.constant 1 : i32
      %get3A_399 = arith.index_cast %get3A_398 : i32 to index
      %get3A_400 = arith.index_cast %scan3A_311 : i32 to index
      %get3A_401 = arith.constant 64 : index
      %get3A_402 = tpu.vector_load %arg9[%get3A_399, %get3A_400, %get3A_401] {strides = array<i32>} : memref<4x112x128xf32, #tpu.memory_space<vmem>>, vector<1x1x16xf32>,
      %get3A_403 = vector.shape_cast %get3A_402 : vector<1x1x16xf32> to vector<16xf32>
      %add3A_404 = arith.addf %get3A_397, %get3A_403 : vector<16xf32>
      %add3A_405 = arith.constant 112 : i32
      %add3A_406 = arith.addi %add3A_405, %scan3A_311 : i32
      %swap3A_407 = arith.index_cast %add3A_406 : i32 to index
      %swap3A_408 = arith.constant 64 : index
      %swap3A_409 = tpu.vector_load %arg8[%swap3A_407, %swap3A_408] {strides = array<i32>} : memref<128x128xf32, #tpu.memory_space<vmem>>, vector<1x16xf32>,
      %swap3A_410 = vector.shape_cast %swap3A_409 : vector<1x16xf32> to vector<16xf32>
      %swap3A_411 = vector.shape_cast %add3A_404 : vector<16xf32> to vector<1x16xf32>
      tpu.vector_store %arg8[%swap3A_407, %swap3A_408], %swap3A_411 {strides = array<i32>} : memref<128x128xf32, #tpu.memory_space<vmem>>, vector<1x16xf32>,
      %add3A_412 = arith.constant 112 : i32
      %add3A_413 = arith.addi %add3A_412, %scan3A_311 : i32
      %get3A_414 = arith.index_cast %add3A_413 : i32 to index
      %get3A_415 = arith.constant 80 : index
      %get3A_416 = tpu.vector_load %arg8[%get3A_414, %get3A_415] {strides = array<i32>} : memref<128x128xf32, #tpu.memory_space<vmem>>, vector<1x16xf32>,
      %get3A_417 = vector.shape_cast %get3A_416 : vector<1x16xf32> to vector<16xf32>
      %get3A_418 = arith.constant 1 : i32
      %get3A_419 = arith.index_cast %get3A_418 : i32 to index
      %get3A_420 = arith.index_cast %scan3A_311 : i32 to index
      %get3A_421 = arith.constant 80 : index
      %get3A_422 = tpu.vector_load %arg9[%get3A_419, %get3A_420, %get3A_421] {strides = array<i32>} : memref<4x112x128xf32, #tpu.memory_space<vmem>>, vector<1x1x16xf32>,
      %get3A_423 = vector.shape_cast %get3A_422 : vector<1x1x16xf32> to vector<16xf32>
      %add3A_424 = arith.addf %get3A_417, %get3A_423 : vector<16xf32>
      %add3A_425 = arith.constant 112 : i32
      %add3A_426 = arith.addi %add3A_425, %scan3A_311 : i32
      %swap3A_427 = arith.index_cast %add3A_426 : i32 to index
      %swap3A_428 = arith.constant 80 : index
      %swap3A_429 = tpu.vector_load %arg8[%swap3A_427, %swap3A_428] {strides = array<i32>} : memref<128x128xf32, #tpu.memory_space<vmem>>, vector<1x16xf32>,
      %swap3A_430 = vector.shape_cast %swap3A_429 : vector<1x16xf32> to vector<16xf32>
      %swap3A_431 = vector.shape_cast %add3A_424 : vector<16xf32> to vector<1x16xf32>
      tpu.vector_store %arg8[%swap3A_427, %swap3A_428], %swap3A_431 {strides = array<i32>} : memref<128x128xf32, #tpu.memory_space<vmem>>, vector<1x16xf32>,
      %add3A_432 = arith.constant 112 : i32
      %add3A_433 = arith.addi %add3A_432, %scan3A_311 : i32
      %get3A_434 = arith.index_cast %add3A_433 : i32 to index
      %get3A_435 = arith.constant 96 : index
      %get3A_436 = tpu.vector_load %arg8[%get3A_434, %get3A_435] {strides = array<i32>} : memref<128x128xf32, #tpu.memory_space<vmem>>, vector<1x16xf32>,
      %get3A_437 = vector.shape_cast %get3A_436 : vector<1x16xf32> to vector<16xf32>
      %get3A_438 = arith.constant 1 : i32
      %get3A_439 = arith.index_cast %get3A_438 : i32 to index
      %get3A_440 = arith.index_cast %scan3A_311 : i32 to index
      %get3A_441 = arith.constant 96 : index
      %get3A_442 = tpu.vector_load %arg9[%get3A_439, %get3A_440, %get3A_441] {strides = array<i32>} : memref<4x112x128xf32, #tpu.memory_space<vmem>>, vector<1x1x16xf32>,
      %get3A_443 = vector.shape_cast %get3A_442 : vector<1x1x16xf32> to vector<16xf32>
      %add3A_444 = arith.addf %get3A_437, %get3A_443 : vector<16xf32>
      %add3A_445 = arith.constant 112 : i32
      %add3A_446 = arith.addi %add3A_445, %scan3A_311 : i32
      %swap3A_447 = arith.index_cast %add3A_446 : i32 to index
      %swap3A_448 = arith.constant 96 : index
      %swap3A_449 = tpu.vector_load %arg8[%swap3A_447, %swap3A_448] {strides = array<i32>} : memref<128x128xf32, #tpu.memory_space<vmem>>, vector<1x16xf32>,
      %swap3A_450 = vector.shape_cast %swap3A_449 : vector<1x16xf32> to vector<16xf32>
      %swap3A_451 = vector.shape_cast %add3A_444 : vector<16xf32> to vector<1x16xf32>
      tpu.vector_store %arg8[%swap3A_447, %swap3A_448], %swap3A_451 {strides = array<i32>} : memref<128x128xf32, #tpu.memory_space<vmem>>, vector<1x16xf32>,
      %add3A_452 = arith.constant 112 : i32
      %add3A_453 = arith.addi %add3A_452, %scan3A_311 : i32
      %get3A_454 = arith.index_cast %add3A_453 : i32 to index
      %get3A_455 = arith.constant 112 : index
      %get3A_456 = tpu.vector_load %arg8[%get3A_454, %get3A_455] {strides = array<i32>} : memref<128x128xf32, #tpu.memory_space<vmem>>, vector<1x16xf32>,
      %get3A_457 = vector.shape_cast %get3A_456 : vector<1x16xf32> to vector<16xf32>
      %get3A_458 = arith.constant 1 : i32
      %get3A_459 = arith.index_cast %get3A_458 : i32 to index
      %get3A_460 = arith.index_cast %scan3A_311 : i32 to index
      %get3A_461 = arith.constant 112 : index
      %get3A_462 = tpu.vector_load %arg9[%get3A_459, %get3A_460, %get3A_461] {strides = array<i32>} : memref<4x112x128xf32, #tpu.memory_space<vmem>>, vector<1x1x16xf32>,
      %get3A_463 = vector.shape_cast %get3A_462 : vector<1x1x16xf32> to vector<16xf32>
      %add3A_464 = arith.addf %get3A_457, %get3A_463 : vector<16xf32>
      %add3A_465 = arith.constant 112 : i32
      %add3A_466 = arith.addi %add3A_465, %scan3A_311 : i32
      %swap3A_467 = arith.index_cast %add3A_466 : i32 to index
      %swap3A_468 = arith.constant 112 : index
      %swap3A_469 = tpu.vector_load %arg8[%swap3A_467, %swap3A_468] {strides = array<i32>} : memref<128x128xf32, #tpu.memory_space<vmem>>, vector<1x16xf32>,
      %swap3A_470 = vector.shape_cast %swap3A_469 : vector<1x16xf32> to vector<16xf32>
      %swap3A_471 = vector.shape_cast %add3A_464 : vector<16xf32> to vector<1x16xf32>
      tpu.vector_store %arg8[%swap3A_467, %swap3A_468], %swap3A_471 {strides = array<i32>} : memref<128x128xf32, #tpu.memory_space<vmem>>, vector<1x16xf32>,
    }
    %scan3A_49 = arith.constant 16 : i32
    %mul3A_50 = arith.constant 2 : i32
    %mul3A_51 = arith.muli %mul3A_50, %mul3A_2 : i32
    "tpu.region"() ({
      %run_scoped3A = tpu.sem_alloc : memref<!tpu.dma_semaphore, #tpu.memory_space<semaphore_mem>>
      %dma_start3A_151 = arith.constant 0 : i32
      %dma_start3A_152 = tpu.memref_slice %arg5[%mul3A_51, %dma_start3A_151] : memref<8192x112xi32, #tpu.memory_space<hbm>> -> memref<256x112xi32, #tpu.memory_space<hbm>>
      %dma_start3A_153 = arith.constant 0 : i32
      %dma_start3A_154 = tpu.memref_slice %arg5[%mul3A_51, %dma_start3A_153] : memref<8192x112xi32, #tpu.memory_space<hbm>> -> memref<256x112xi32, #tpu.memory_space<hbm>>
      tpu.enqueue_dma source(%dma_start3A_154 : memref<256x112xi32, #tpu.memory_space<hbm>>) target(%arg7 : memref<256x112xi32, #tpu.memory_space<vmem>>) target_semaphore(%run_scoped3A : memref<!tpu.dma_semaphore, #tpu.memory_space<semaphore_mem>>)
      %dma_wait3A_155 = arith.constant 0 : i32
      %dma_wait3A_156 = tpu.memref_slice %arg5[%mul3A_51, %dma_wait3A_155] : memref<8192x112xi32, #tpu.memory_space<hbm>> -> memref<256x112xi32, #tpu.memory_space<hbm>>
      %dma_wait3A_157 = arith.constant 0 : i32
      %dma_wait3A_158 = tpu.memref_slice %arg5[%mul3A_51, %dma_wait3A_157] : memref<8192x112xi32, #tpu.memory_space<hbm>> -> memref<256x112xi32, #tpu.memory_space<hbm>>
      tpu.wait_dma2 semaphore(%run_scoped3A : memref<!tpu.dma_semaphore, #tpu.memory_space<semaphore_mem>>) src(%dma_wait3A_158 : memref<256x112xi32, #tpu.memory_space<hbm>>) dst(%arg7 : memref<256x112xi32, #tpu.memory_space<vmem>>)
      tpu.yield
    }) : () -> ()
    %iota3A = tpu.iota {dimensions = array<i32: 0>} : vector<16xi32>
    %xor3A = arith.constant 1 : i32
    %xor3A_52 = vector.broadcast %xor3A : i32 to vector<16xi32>
    %xor3A_53 = arith.xori %iota3A, %xor3A_52 : vector<16xi32>
    %xor3A_54 = arith.constant 2 : i32
    %xor3A_55 = vector.broadcast %xor3A_54 : i32 to vector<16xi32>
    %xor3A_56 = arith.xori %iota3A, %xor3A_55 : vector<16xi32>
    %xor3A_57 = arith.constant 4 : i32
    %xor3A_58 = vector.broadcast %xor3A_57 : i32 to vector<16xi32>
    %xor3A_59 = arith.xori %iota3A, %xor3A_58 : vector<16xi32>
    %xor3A_60 = arith.constant 8 : i32
    %xor3A_61 = vector.broadcast %xor3A_60 : i32 to vector<16xi32>
    %xor3A_62 = arith.xori %iota3A, %xor3A_61 : vector<16xi32>
    %eq3A = arith.constant 0 : i32
    %eq3A_63 = vector.broadcast %eq3A : i32 to vector<16xi32>
    %eq3A_64 = arith.cmpi eq, %iota3A, %eq3A_63 : vector<16xi32>
    %eq3A_65 = arith.constant 1 : i32
    %eq3A_66 = vector.broadcast %eq3A_65 : i32 to vector<16xi32>
    %eq3A_67 = arith.cmpi eq, %iota3A, %eq3A_66 : vector<16xi32>
    %eq3A_68 = arith.constant 2 : i32
    %eq3A_69 = vector.broadcast %eq3A_68 : i32 to vector<16xi32>
    %eq3A_70 = arith.cmpi eq, %iota3A, %eq3A_69 : vector<16xi32>
    %eq3A_71 = arith.constant 3 : i32
    %eq3A_72 = vector.broadcast %eq3A_71 : i32 to vector<16xi32>
    %eq3A_73 = arith.cmpi eq, %iota3A, %eq3A_72 : vector<16xi32>
    %eq3A_74 = arith.constant 4 : i32
    %eq3A_75 = vector.broadcast %eq3A_74 : i32 to vector<16xi32>
    %eq3A_76 = arith.cmpi eq, %iota3A, %eq3A_75 : vector<16xi32>
    %eq3A_77 = arith.constant 5 : i32
    %eq3A_78 = vector.broadcast %eq3A_77 : i32 to vector<16xi32>
    %eq3A_79 = arith.cmpi eq, %iota3A, %eq3A_78 : vector<16xi32>
    %eq3A_80 = arith.constant 6 : i32
    %eq3A_81 = vector.broadcast %eq3A_80 : i32 to vector<16xi32>
    %eq3A_82 = arith.cmpi eq, %iota3A, %eq3A_81 : vector<16xi32>
    %eq3A_83 = arith.constant 7 : i32
    %eq3A_84 = vector.broadcast %eq3A_83 : i32 to vector<16xi32>
    %eq3A_85 = arith.cmpi eq, %iota3A, %eq3A_84 : vector<16xi32>
    %eq3A_86 = arith.constant 8 : i32
    %eq3A_87 = vector.broadcast %eq3A_86 : i32 to vector<16xi32>
    %eq3A_88 = arith.cmpi eq, %iota3A, %eq3A_87 : vector<16xi32>
    %eq3A_89 = arith.constant 9 : i32
    %eq3A_90 = vector.broadcast %eq3A_89 : i32 to vector<16xi32>
    %eq3A_91 = arith.cmpi eq, %iota3A, %eq3A_90 : vector<16xi32>
    %eq3A_92 = arith.constant 10 : i32
    %eq3A_93 = vector.broadcast %eq3A_92 : i32 to vector<16xi32>
    %eq3A_94 = arith.cmpi eq, %iota3A, %eq3A_93 : vector<16xi32>
    %eq3A_95 = arith.constant 11 : i32
    %eq3A_96 = vector.broadcast %eq3A_95 : i32 to vector<16xi32>
    %eq3A_97 = arith.cmpi eq, %iota3A, %eq3A_96 : vector<16xi32>
    %eq3A_98 = arith.constant 12 : i32
    %eq3A_99 = vector.broadcast %eq3A_98 : i32 to vector<16xi32>
    %eq3A_100 = arith.cmpi eq, %iota3A, %eq3A_99 : vector<16xi32>
    %eq3A_101 = arith.constant 13 : i32
    %eq3A_102 = vector.broadcast %eq3A_101 : i32 to vector<16xi32>
    %eq3A_103 = arith.cmpi eq, %iota3A, %eq3A_102 : vector<16xi32>
    %eq3A_104 = arith.constant 14 : i32
    %eq3A_105 = vector.broadcast %eq3A_104 : i32 to vector<16xi32>
    %eq3A_106 = arith.cmpi eq, %iota3A, %eq3A_105 : vector<16xi32>
    %eq3A_107 = arith.constant 15 : i32
    %eq3A_108 = vector.broadcast %eq3A_107 : i32 to vector<16xi32>
    %eq3A_109 = arith.cmpi eq, %iota3A, %eq3A_108 : vector<16xi32>
    %dma_start3A_110 = arith.constant 0 : i32
    %dma_start3A_111 = arith.constant 0 : i32
    %dma_start3A_112 = arith.constant 0 : i32
    %dma_start3A_113 = arith.constant 0 : i32
    %dma_start3A_114 = tpu.memref_slice %arg9[%dma_start3A_111, %dma_start3A_112, %dma_start3A_113] : memref<4x112x128xf32, #tpu.memory_space<vmem>> -> memref<1x112x128xf32, #tpu.memory_space<vmem>>
    %dma_start3A_115 = tpu.memref_squeeze %dma_start3A_114 : memref<1x112x128xf32, #tpu.memory_space<vmem>> -> memref<112x128xf32, #tpu.memory_space<vmem>>
    %dma_start3A_116 = arith.constant 0 : i32
    %dma_start3A_117 = tpu.memref_slice %arg7[%dma_start3A_110, %dma_start3A_116] : memref<256x112xi32, #tpu.memory_space<vmem>> -> memref<1x112xi32, #tpu.memory_space<vmem>>
    %dma_start3A_118 = tpu.memref_squeeze %dma_start3A_117 : memref<1x112xi32, #tpu.memory_space<vmem>> -> memref<112xi32, #tpu.memory_space<vmem>>
    %dma_start3A_119 = arith.constant 0 : i32
    %dma_start3A_120 = arith.constant 0 : i32
    %dma_start3A_121 = tpu.memref_slice %arg2[%dma_start3A_119, %dma_start3A_120] : memref<100000x128xf32, #tpu.memory_space<hbm>> -> memref<100000x128xf32, #tpu.memory_space<hbm>>
    tpu.enqueue_indirect_dma source(%dma_start3A_121 : memref<100000x128xf32, #tpu.memory_space<hbm>>) target(%dma_start3A_115 : memref<112x128xf32, #tpu.memory_space<vmem>>) offsets(%dma_start3A_118 : memref<112xi32, #tpu.memory_space<vmem>>) semaphore(%arg12 : memref<!tpu.dma_semaphore, #tpu.memory_space<semaphore_mem>>)
    %dma_start3A_122 = arith.constant 1 : i32
    %dma_start3A_123 = arith.constant 1 : i32
    %dma_start3A_124 = arith.constant 0 : i32
    %dma_start3A_125 = arith.constant 0 : i32
    %dma_start3A_126 = tpu.memref_slice %arg9[%dma_start3A_123, %dma_start3A_124, %dma_start3A_125] : memref<4x112x128xf32, #tpu.memory_space<vmem>> -> memref<1x112x128xf32, #tpu.memory_space<vmem>>
    %dma_start3A_127 = tpu.memref_squeeze %dma_start3A_126 : memref<1x112x128xf32, #tpu.memory_space<vmem>> -> memref<112x128xf32, #tpu.memory_space<vmem>>
    %dma_start3A_128 = arith.constant 0 : i32
    %dma_start3A_129 = tpu.memref_slice %arg7[%dma_start3A_122, %dma_start3A_128] : memref<256x112xi32, #tpu.memory_space<vmem>> -> memref<1x112xi32, #tpu.memory_space<vmem>>
    %dma_start3A_130 = tpu.memref_squeeze %dma_start3A_129 : memref<1x112xi32, #tpu.memory_space<vmem>> -> memref<112xi32, #tpu.memory_space<vmem>>
    %dma_start3A_131 = arith.constant 0 : i32
    %dma_start3A_132 = arith.constant 0 : i32
    %dma_start3A_133 = tpu.memref_slice %arg2[%dma_start3A_131, %dma_start3A_132] : memref<100000x128xf32, #tpu.memory_space<hbm>> -> memref<100000x128xf32, #tpu.memory_space<hbm>>
    tpu.enqueue_indirect_dma source(%dma_start3A_133 : memref<100000x128xf32, #tpu.memory_space<hbm>>) target(%dma_start3A_127 : memref<112x128xf32, #tpu.memory_space<vmem>>) offsets(%dma_start3A_130 : memref<112xi32, #tpu.memory_space<vmem>>) semaphore(%arg13 : memref<!tpu.dma_semaphore, #tpu.memory_space<semaphore_mem>>)
    %dma_start3A_134 = arith.constant 2 : i32
    %dma_start3A_135 = arith.constant 2 : i32
    %dma_start3A_136 = arith.constant 0 : i32
    %dma_start3A_137 = arith.constant 0 : i32
    %dma_start3A_138 = tpu.memref_slice %arg9[%dma_start3A_135, %dma_start3A_136, %dma_start3A_137] : memref<4x112x128xf32, #tpu.memory_space<vmem>> -> memref<1x112x128xf32, #tpu.memory_space<vmem>>
    %dma_start3A_139 = tpu.memref_squeeze %dma_start3A_138 : memref<1x112x128xf32, #tpu.memory_space<vmem>> -> memref<112x128xf32, #tpu.memory_space<vmem>>
    %dma_start3A_140 = arith.constant 0 : i32
    %dma_start3A_141 = tpu.memref_slice %arg7[%dma_start3A_134, %dma_start3A_140] : memref<256x112xi32, #tpu.memory_space<vmem>> -> memref<1x112xi32, #tpu.memory_space<vmem>>
    %dma_start3A_142 = tpu.memref_squeeze %dma_start3A_141 : memref<1x112xi32, #tpu.memory_space<vmem>> -> memref<112xi32, #tpu.memory_space<vmem>>
    %dma_start3A_143 = arith.constant 0 : i32
    %dma_start3A_144 = arith.constant 0 : i32
    %dma_start3A_145 = tpu.memref_slice %arg2[%dma_start3A_143, %dma_start3A_144] : memref<100000x128xf32, #tpu.memory_space<hbm>> -> memref<100000x128xf32, #tpu.memory_space<hbm>>
    tpu.enqueue_indirect_dma source(%dma_start3A_145 : memref<100000x128xf32, #tpu.memory_space<hbm>>) target(%dma_start3A_139 : memref<112x128xf32, #tpu.memory_space<vmem>>) offsets(%dma_start3A_142 : memref<112xi32, #tpu.memory_space<vmem>>) semaphore(%arg14 : memref<!tpu.dma_semaphore, #tpu.memory_space<semaphore_mem>>)
    %scan3A_146 = arith.constant 0 : i32
    %scan3A_147 = arith.constant 256 : i32
    %scan3A_148 = arith.addi %scan3A_146, %scan3A_147 : i32
    %scan3A_149 = arith.constant 1 : i32
    scf.for %scan3A_151 = %scan3A_146 to %scan3A_148 step %scan3A_149  : i32 {
      %add3A_152 = arith.constant 3 : i32
      %add3A_153 = arith.addi %scan3A_151, %add3A_152 : i32
      %lt3A = arith.constant 256 : i32
      %lt3A_154 = arith.cmpi slt, %add3A_153, %lt3A : i32
      %jit3A = arith.constant 4 : i32
      %eq3A_155 = arith.constant 0 : i32
      %eq3A_156 = arith.cmpi eq, %jit3A, %eq3A_155 : i32
      %jit3A_157 = arith.constant 1 : i32
      %select_n3A = arith.select %eq3A_156, %jit3A_157, %jit3A : i32
      %rem3A = arith.remsi %add3A_153, %select_n3A : i32
      %ne3A = arith.constant 0 : i32
      %ne3A_158 = arith.cmpi ne, %rem3A, %ne3A : i32
      %lt3A_159 = arith.constant 0 : i32
      %lt3A_160 = arith.cmpi slt, %rem3A, %lt3A_159 : i32
      %lt3A_161 = arith.constant 0 : i32
      %lt3A_162 = arith.cmpi slt, %select_n3A, %lt3A_161 : i32
      %ne3A_163 = arith.xori %lt3A_160, %lt3A_162 : i1
      %and3A = arith.andi %ne3A_163, %ne3A_158 : i1
      %add3A_164 = arith.addi %rem3A, %select_n3A : i32
      %select_n3A_165 = arith.select %and3A, %add3A_164, %rem3A : i32
      %eq3A_166 = arith.constant 0 : i32
      %eq3A_167 = arith.cmpi eq, %select_n3A_165, %eq3A_166 : i32
      %and3A_168 = arith.andi %lt3A_154, %eq3A_167 : i1
      %convert_element_type3A = arith.extui %and3A_168 : i1 to i32
      %cond3A = arith.constant 0 : i32
      %cond3A_169 = arith.cmpi ne, %convert_element_type3A, %cond3A : i32
      scf.if %cond3A_169 {
        %dma_start3A_396 = arith.constant 0 : i32
        %dma_start3A_397 = arith.constant 0 : i32
        %dma_start3A_398 = arith.constant 0 : i32
        %dma_start3A_399 = tpu.memref_slice %arg9[%dma_start3A_396, %dma_start3A_397, %dma_start3A_398] : memref<4x112x128xf32, #tpu.memory_space<vmem>> -> memref<1x112x128xf32, #tpu.memory_space<vmem>>
        %dma_start3A_400 = tpu.memref_squeeze %dma_start3A_399 : memref<1x112x128xf32, #tpu.memory_space<vmem>> -> memref<112x128xf32, #tpu.memory_space<vmem>>
        %dma_start3A_401 = arith.constant 0 : i32
        %dma_start3A_402 = tpu.memref_slice %arg7[%add3A_153, %dma_start3A_401] : memref<256x112xi32, #tpu.memory_space<vmem>> -> memref<1x112xi32, #tpu.memory_space<vmem>>
        %dma_start3A_403 = tpu.memref_squeeze %dma_start3A_402 : memref<1x112xi32, #tpu.memory_space<vmem>> -> memref<112xi32, #tpu.memory_space<vmem>>
        %dma_start3A_404 = arith.constant 0 : i32
        %dma_start3A_405 = arith.constant 0 : i32
        %dma_start3A_406 = tpu.memref_slice %arg2[%dma_start3A_404, %dma_start3A_405] : memref<100000x128xf32, #tpu.memory_space<hbm>> -> memref<100000x128xf32, #tpu.memory_space<hbm>>
        tpu.enqueue_indirect_dma source(%dma_start3A_406 : memref<100000x128xf32, #tpu.memory_space<hbm>>) target(%dma_start3A_400 : memref<112x128xf32, #tpu.memory_space<vmem>>) offsets(%dma_start3A_403 : memref<112xi32, #tpu.memory_space<vmem>>) semaphore(%arg12 : memref<!tpu.dma_semaphore, #tpu.memory_space<semaphore_mem>>)
      } else {
      }
      %lt3A_170 = arith.constant 256 : i32
      %lt3A_171 = arith.cmpi slt, %add3A_153, %lt3A_170 : i32
      %jit3A_172 = arith.constant 4 : i32
      %eq3A_173 = arith.constant 0 : i32
      %eq3A_174 = arith.cmpi eq, %jit3A_172, %eq3A_173 : i32
      %jit3A_175 = arith.constant 1 : i32
      %select_n3A_176 = arith.select %eq3A_174, %jit3A_175, %jit3A_172 : i32
      %rem3A_177 = arith.remsi %add3A_153, %select_n3A_176 : i32
      %ne3A_178 = arith.constant 0 : i32
      %ne3A_179 = arith.cmpi ne, %rem3A_177, %ne3A_178 : i32
      %lt3A_180 = arith.constant 0 : i32
      %lt3A_181 = arith.cmpi slt, %rem3A_177, %lt3A_180 : i32
      %lt3A_182 = arith.constant 0 : i32
      %lt3A_183 = arith.cmpi slt, %select_n3A_176, %lt3A_182 : i32
      %ne3A_184 = arith.xori %lt3A_181, %lt3A_183 : i1
      %and3A_185 = arith.andi %ne3A_184, %ne3A_179 : i1
      %add3A_186 = arith.addi %rem3A_177, %select_n3A_176 : i32
      %select_n3A_187 = arith.select %and3A_185, %add3A_186, %rem3A_177 : i32
      %eq3A_188 = arith.constant 1 : i32
      %eq3A_189 = arith.cmpi eq, %select_n3A_187, %eq3A_188 : i32
      %and3A_190 = arith.andi %lt3A_171, %eq3A_189 : i1
      %convert_element_type3A_191 = arith.extui %and3A_190 : i1 to i32
      %cond3A_192 = arith.constant 0 : i32
      %cond3A_193 = arith.cmpi ne, %convert_element_type3A_191, %cond3A_192 : i32
      scf.if %cond3A_193 {
        %dma_start3A_396 = arith.constant 1 : i32
        %dma_start3A_397 = arith.constant 0 : i32
        %dma_start3A_398 = arith.constant 0 : i32
        %dma_start3A_399 = tpu.memref_slice %arg9[%dma_start3A_396, %dma_start3A_397, %dma_start3A_398] : memref<4x112x128xf32, #tpu.memory_space<vmem>> -> memref<1x112x128xf32, #tpu.memory_space<vmem>>
        %dma_start3A_400 = tpu.memref_squeeze %dma_start3A_399 : memref<1x112x128xf32, #tpu.memory_space<vmem>> -> memref<112x128xf32, #tpu.memory_space<vmem>>
        %dma_start3A_401 = arith.constant 0 : i32
        %dma_start3A_402 = tpu.memref_slice %arg7[%add3A_153, %dma_start3A_401] : memref<256x112xi32, #tpu.memory_space<vmem>> -> memref<1x112xi32, #tpu.memory_space<vmem>>
        %dma_start3A_403 = tpu.memref_squeeze %dma_start3A_402 : memref<1x112xi32, #tpu.memory_space<vmem>> -> memref<112xi32, #tpu.memory_space<vmem>>
        %dma_start3A_404 = arith.constant 0 : i32
        %dma_start3A_405 = arith.constant 0 : i32
        %dma_start3A_406 = tpu.memref_slice %arg2[%dma_start3A_404, %dma_start3A_405] : memref<100000x128xf32, #tpu.memory_space<hbm>> -> memref<100000x128xf32, #tpu.memory_space<hbm>>
        tpu.enqueue_indirect_dma source(%dma_start3A_406 : memref<100000x128xf32, #tpu.memory_space<hbm>>) target(%dma_start3A_400 : memref<112x128xf32, #tpu.memory_space<vmem>>) offsets(%dma_start3A_403 : memref<112xi32, #tpu.memory_space<vmem>>) semaphore(%arg13 : memref<!tpu.dma_semaphore, #tpu.memory_space<semaphore_mem>>)
      } else {
      }
      %lt3A_194 = arith.constant 256 : i32
      %lt3A_195 = arith.cmpi slt, %add3A_153, %lt3A_194 : i32
      %jit3A_196 = arith.constant 4 : i32
      %eq3A_197 = arith.constant 0 : i32
      %eq3A_198 = arith.cmpi eq, %jit3A_196, %eq3A_197 : i32
      %jit3A_199 = arith.constant 1 : i32
      %select_n3A_200 = arith.select %eq3A_198, %jit3A_199, %jit3A_196 : i32
      %rem3A_201 = arith.remsi %add3A_153, %select_n3A_200 : i32
      %ne3A_202 = arith.constant 0 : i32
      %ne3A_203 = arith.cmpi ne, %rem3A_201, %ne3A_202 : i32
      %lt3A_204 = arith.constant 0 : i32
      %lt3A_205 = arith.cmpi slt, %rem3A_201, %lt3A_204 : i32
      %lt3A_206 = arith.constant 0 : i32
      %lt3A_207 = arith.cmpi slt, %select_n3A_200, %lt3A_206 : i32
      %ne3A_208 = arith.xori %lt3A_205, %lt3A_207 : i1
      %and3A_209 = arith.andi %ne3A_208, %ne3A_203 : i1
      %add3A_210 = arith.addi %rem3A_201, %select_n3A_200 : i32
      %select_n3A_211 = arith.select %and3A_209, %add3A_210, %rem3A_201 : i32
      %eq3A_212 = arith.constant 2 : i32
      %eq3A_213 = arith.cmpi eq, %select_n3A_211, %eq3A_212 : i32
      %and3A_214 = arith.andi %lt3A_195, %eq3A_213 : i1
      %convert_element_type3A_215 = arith.extui %and3A_214 : i1 to i32
      %cond3A_216 = arith.constant 0 : i32
      %cond3A_217 = arith.cmpi ne, %convert_element_type3A_215, %cond3A_216 : i32
      scf.if %cond3A_217 {
        %dma_start3A_396 = arith.constant 2 : i32
        %dma_start3A_397 = arith.constant 0 : i32
        %dma_start3A_398 = arith.constant 0 : i32
        %dma_start3A_399 = tpu.memref_slice %arg9[%dma_start3A_396, %dma_start3A_397, %dma_start3A_398] : memref<4x112x128xf32, #tpu.memory_space<vmem>> -> memref<1x112x128xf32, #tpu.memory_space<vmem>>
        %dma_start3A_400 = tpu.memref_squeeze %dma_start3A_399 : memref<1x112x128xf32, #tpu.memory_space<vmem>> -> memref<112x128xf32, #tpu.memory_space<vmem>>
        %dma_start3A_401 = arith.constant 0 : i32
        %dma_start3A_402 = tpu.memref_slice %arg7[%add3A_153, %dma_start3A_401] : memref<256x112xi32, #tpu.memory_space<vmem>> -> memref<1x112xi32, #tpu.memory_space<vmem>>
        %dma_start3A_403 = tpu.memref_squeeze %dma_start3A_402 : memref<1x112xi32, #tpu.memory_space<vmem>> -> memref<112xi32, #tpu.memory_space<vmem>>
        %dma_start3A_404 = arith.constant 0 : i32
        %dma_start3A_405 = arith.constant 0 : i32
        %dma_start3A_406 = tpu.memref_slice %arg2[%dma_start3A_404, %dma_start3A_405] : memref<100000x128xf32, #tpu.memory_space<hbm>> -> memref<100000x128xf32, #tpu.memory_space<hbm>>
        tpu.enqueue_indirect_dma source(%dma_start3A_406 : memref<100000x128xf32, #tpu.memory_space<hbm>>) target(%dma_start3A_400 : memref<112x128xf32, #tpu.memory_space<vmem>>) offsets(%dma_start3A_403 : memref<112xi32, #tpu.memory_space<vmem>>) semaphore(%arg14 : memref<!tpu.dma_semaphore, #tpu.memory_space<semaphore_mem>>)
      } else {
      }
      %lt3A_218 = arith.constant 256 : i32
      %lt3A_219 = arith.cmpi slt, %add3A_153, %lt3A_218 : i32
      %jit3A_220 = arith.constant 4 : i32
      %eq3A_221 = arith.constant 0 : i32
      %eq3A_222 = arith.cmpi eq, %jit3A_220, %eq3A_221 : i32
      %jit3A_223 = arith.constant 1 : i32
      %select_n3A_224 = arith.select %eq3A_222, %jit3A_223, %jit3A_220 : i32
      %rem3A_225 = arith.remsi %add3A_153, %select_n3A_224 : i32
      %ne3A_226 = arith.constant 0 : i32
      %ne3A_227 = arith.cmpi ne, %rem3A_225, %ne3A_226 : i32
      %lt3A_228 = arith.constant 0 : i32
      %lt3A_229 = arith.cmpi slt, %rem3A_225, %lt3A_228 : i32
      %lt3A_230 = arith.constant 0 : i32
      %lt3A_231 = arith.cmpi slt, %select_n3A_224, %lt3A_230 : i32
      %ne3A_232 = arith.xori %lt3A_229, %lt3A_231 : i1
      %and3A_233 = arith.andi %ne3A_232, %ne3A_227 : i1
      %add3A_234 = arith.addi %rem3A_225, %select_n3A_224 : i32
      %select_n3A_235 = arith.select %and3A_233, %add3A_234, %rem3A_225 : i32
      %eq3A_236 = arith.constant 3 : i32
      %eq3A_237 = arith.cmpi eq, %select_n3A_235, %eq3A_236 : i32
      %and3A_238 = arith.andi %lt3A_219, %eq3A_237 : i1
      %convert_element_type3A_239 = arith.extui %and3A_238 : i1 to i32
      %cond3A_240 = arith.constant 0 : i32
      %cond3A_241 = arith.cmpi ne, %convert_element_type3A_239, %cond3A_240 : i32
      scf.if %cond3A_241 {
        %dma_start3A_396 = arith.constant 3 : i32
        %dma_start3A_397 = arith.constant 0 : i32
        %dma_start3A_398 = arith.constant 0 : i32
        %dma_start3A_399 = tpu.memref_slice %arg9[%dma_start3A_396, %dma_start3A_397, %dma_start3A_398] : memref<4x112x128xf32, #tpu.memory_space<vmem>> -> memref<1x112x128xf32, #tpu.memory_space<vmem>>
        %dma_start3A_400 = tpu.memref_squeeze %dma_start3A_399 : memref<1x112x128xf32, #tpu.memory_space<vmem>> -> memref<112x128xf32, #tpu.memory_space<vmem>>
        %dma_start3A_401 = arith.constant 0 : i32
        %dma_start3A_402 = tpu.memref_slice %arg7[%add3A_153, %dma_start3A_401] : memref<256x112xi32, #tpu.memory_space<vmem>> -> memref<1x112xi32, #tpu.memory_space<vmem>>
        %dma_start3A_403 = tpu.memref_squeeze %dma_start3A_402 : memref<1x112xi32, #tpu.memory_space<vmem>> -> memref<112xi32, #tpu.memory_space<vmem>>
        %dma_start3A_404 = arith.constant 0 : i32
        %dma_start3A_405 = arith.constant 0 : i32
        %dma_start3A_406 = tpu.memref_slice %arg2[%dma_start3A_404, %dma_start3A_405] : memref<100000x128xf32, #tpu.memory_space<hbm>> -> memref<100000x128xf32, #tpu.memory_space<hbm>>
        tpu.enqueue_indirect_dma source(%dma_start3A_406 : memref<100000x128xf32, #tpu.memory_space<hbm>>) target(%dma_start3A_400 : memref<112x128xf32, #tpu.memory_space<vmem>>) offsets(%dma_start3A_403 : memref<112xi32, #tpu.memory_space<vmem>>) semaphore(%arg15 : memref<!tpu.dma_semaphore, #tpu.memory_space<semaphore_mem>>)
      } else {
      }
      %jit3A_242 = arith.constant 4 : i32
      %eq3A_243 = arith.constant 0 : i32
      %eq3A_244 = arith.cmpi eq, %jit3A_242, %eq3A_243 : i32
      %jit3A_245 = arith.constant 1 : i32
      %select_n3A_246 = arith.select %eq3A_244, %jit3A_245, %jit3A_242 : i32
      %rem3A_247 = arith.remsi %scan3A_151, %select_n3A_246 : i32
      %ne3A_248 = arith.constant 0 : i32
      %ne3A_249 = arith.cmpi ne, %rem3A_247, %ne3A_248 : i32
      %lt3A_250 = arith.constant 0 : i32
      %lt3A_251 = arith.cmpi slt, %rem3A_247, %lt3A_250 : i32
      %lt3A_252 = arith.constant 0 : i32
      %lt3A_253 = arith.cmpi slt, %select_n3A_246, %lt3A_252 : i32
      %ne3A_254 = arith.xori %lt3A_251, %lt3A_253 : i1
      %and3A_255 = arith.andi %ne3A_254, %ne3A_249 : i1
      %add3A_256 = arith.addi %rem3A_247, %select_n3A_246 : i32
      %select_n3A_257 = arith.select %and3A_255, %add3A_256, %rem3A_247 : i32
      %eq3A_258 = arith.constant 0 : i32
      %eq3A_259 = arith.cmpi eq, %select_n3A_257, %eq3A_258 : i32
      %convert_element_type3A_260 = arith.extui %eq3A_259 : i1 to i32
      %cond3A_261 = arith.constant 0 : i32
      %cond3A_262 = arith.cmpi ne, %convert_element_type3A_260, %cond3A_261 : i32
      scf.if %cond3A_262 {
        %dma_wait3A_396 = arith.constant 0 : i32
        %dma_wait3A_397 = arith.constant 0 : i32
        %dma_wait3A_398 = arith.constant 0 : i32
        %dma_wait3A_399 = arith.constant 0 : i32
        %dma_wait3A_400 = tpu.memref_slice %arg9[%dma_wait3A_397, %dma_wait3A_398, %dma_wait3A_399] : memref<4x112x128xf32, #tpu.memory_space<vmem>> -> memref<1x112x128xf32, #tpu.memory_space<vmem>>
        %dma_wait3A_401 = tpu.memref_squeeze %dma_wait3A_400 : memref<1x112x128xf32, #tpu.memory_space<vmem>> -> memref<112x128xf32, #tpu.memory_space<vmem>>
        %dma_wait3A_402 = arith.constant 0 : i32
        %dma_wait3A_403 = tpu.memref_slice %arg7[%dma_wait3A_396, %dma_wait3A_402] : memref<256x112xi32, #tpu.memory_space<vmem>> -> memref<1x112xi32, #tpu.memory_space<vmem>>
        %dma_wait3A_404 = tpu.memref_squeeze %dma_wait3A_403 : memref<1x112xi32, #tpu.memory_space<vmem>> -> memref<112xi32, #tpu.memory_space<vmem>>
        %dma_wait3A_405 = arith.constant 0 : i32
        %dma_wait3A_406 = arith.constant 0 : i32
        %dma_wait3A_407 = tpu.memref_slice %arg2[%dma_wait3A_405, %dma_wait3A_406] : memref<100000x128xf32, #tpu.memory_space<hbm>> -> memref<100000x128xf32, #tpu.memory_space<hbm>>
        tpu.wait_indirect_dma semaphore(%arg12 : memref<!tpu.dma_semaphore, #tpu.memory_space<semaphore_mem>>) src(%dma_wait3A_407 : memref<100000x128xf32, #tpu.memory_space<hbm>>) dst(%dma_wait3A_401 : memref<112x128xf32, #tpu.memory_space<vmem>>)
      } else {
      }
      %jit3A_263 = arith.constant 4 : i32
      %eq3A_264 = arith.constant 0 : i32
      %eq3A_265 = arith.cmpi eq, %jit3A_263, %eq3A_264 : i32
      %jit3A_266 = arith.constant 1 : i32
      %select_n3A_267 = arith.select %eq3A_265, %jit3A_266, %jit3A_263 : i32
      %rem3A_268 = arith.remsi %scan3A_151, %select_n3A_267 : i32
      %ne3A_269 = arith.constant 0 : i32
      %ne3A_270 = arith.cmpi ne, %rem3A_268, %ne3A_269 : i32
      %lt3A_271 = arith.constant 0 : i32
      %lt3A_272 = arith.cmpi slt, %rem3A_268, %lt3A_271 : i32
      %lt3A_273 = arith.constant 0 : i32
      %lt3A_274 = arith.cmpi slt, %select_n3A_267, %lt3A_273 : i32
      %ne3A_275 = arith.xori %lt3A_272, %lt3A_274 : i1
      %and3A_276 = arith.andi %ne3A_275, %ne3A_270 : i1
      %add3A_277 = arith.addi %rem3A_268, %select_n3A_267 : i32
      %select_n3A_278 = arith.select %and3A_276, %add3A_277, %rem3A_268 : i32
      %eq3A_279 = arith.constant 1 : i32
      %eq3A_280 = arith.cmpi eq, %select_n3A_278, %eq3A_279 : i32
      %convert_element_type3A_281 = arith.extui %eq3A_280 : i1 to i32
      %cond3A_282 = arith.constant 0 : i32
      %cond3A_283 = arith.cmpi ne, %convert_element_type3A_281, %cond3A_282 : i32
      scf.if %cond3A_283 {
        %dma_wait3A_396 = arith.constant 0 : i32
        %dma_wait3A_397 = arith.constant 1 : i32
        %dma_wait3A_398 = arith.constant 0 : i32
        %dma_wait3A_399 = arith.constant 0 : i32
        %dma_wait3A_400 = tpu.memref_slice %arg9[%dma_wait3A_397, %dma_wait3A_398, %dma_wait3A_399] : memref<4x112x128xf32, #tpu.memory_space<vmem>> -> memref<1x112x128xf32, #tpu.memory_space<vmem>>
        %dma_wait3A_401 = tpu.memref_squeeze %dma_wait3A_400 : memref<1x112x128xf32, #tpu.memory_space<vmem>> -> memref<112x128xf32, #tpu.memory_space<vmem>>
        %dma_wait3A_402 = arith.constant 0 : i32
        %dma_wait3A_403 = tpu.memref_slice %arg7[%dma_wait3A_396, %dma_wait3A_402] : memref<256x112xi32, #tpu.memory_space<vmem>> -> memref<1x112xi32, #tpu.memory_space<vmem>>
        %dma_wait3A_404 = tpu.memref_squeeze %dma_wait3A_403 : memref<1x112xi32, #tpu.memory_space<vmem>> -> memref<112xi32, #tpu.memory_space<vmem>>
        %dma_wait3A_405 = arith.constant 0 : i32
        %dma_wait3A_406 = arith.constant 0 : i32
        %dma_wait3A_407 = tpu.memref_slice %arg2[%dma_wait3A_405, %dma_wait3A_406] : memref<100000x128xf32, #tpu.memory_space<hbm>> -> memref<100000x128xf32, #tpu.memory_space<hbm>>
        tpu.wait_indirect_dma semaphore(%arg13 : memref<!tpu.dma_semaphore, #tpu.memory_space<semaphore_mem>>) src(%dma_wait3A_407 : memref<100000x128xf32, #tpu.memory_space<hbm>>) dst(%dma_wait3A_401 : memref<112x128xf32, #tpu.memory_space<vmem>>)
      } else {
      }
      %jit3A_284 = arith.constant 4 : i32
      %eq3A_285 = arith.constant 0 : i32
      %eq3A_286 = arith.cmpi eq, %jit3A_284, %eq3A_285 : i32
      %jit3A_287 = arith.constant 1 : i32
      %select_n3A_288 = arith.select %eq3A_286, %jit3A_287, %jit3A_284 : i32
      %rem3A_289 = arith.remsi %scan3A_151, %select_n3A_288 : i32
      %ne3A_290 = arith.constant 0 : i32
      %ne3A_291 = arith.cmpi ne, %rem3A_289, %ne3A_290 : i32
      %lt3A_292 = arith.constant 0 : i32
      %lt3A_293 = arith.cmpi slt, %rem3A_289, %lt3A_292 : i32
      %lt3A_294 = arith.constant 0 : i32
      %lt3A_295 = arith.cmpi slt, %select_n3A_288, %lt3A_294 : i32
      %ne3A_296 = arith.xori %lt3A_293, %lt3A_295 : i1
      %and3A_297 = arith.andi %ne3A_296, %ne3A_291 : i1
      %add3A_298 = arith.addi %rem3A_289, %select_n3A_288 : i32
      %select_n3A_299 = arith.select %and3A_297, %add3A_298, %rem3A_289 : i32
      %eq3A_300 = arith.constant 2 : i32
      %eq3A_301 = arith.cmpi eq, %select_n3A_299, %eq3A_300 : i32
      %convert_element_type3A_302 = arith.extui %eq3A_301 : i1 to i32
      %cond3A_303 = arith.constant 0 : i32
      %cond3A_304 = arith.cmpi ne, %convert_element_type3A_302, %cond3A_303 : i32
      scf.if %cond3A_304 {
        %dma_wait3A_396 = arith.constant 0 : i32
        %dma_wait3A_397 = arith.constant 2 : i32
        %dma_wait3A_398 = arith.constant 0 : i32
        %dma_wait3A_399 = arith.constant 0 : i32
        %dma_wait3A_400 = tpu.memref_slice %arg9[%dma_wait3A_397, %dma_wait3A_398, %dma_wait3A_399] : memref<4x112x128xf32, #tpu.memory_space<vmem>> -> memref<1x112x128xf32, #tpu.memory_space<vmem>>
        %dma_wait3A_401 = tpu.memref_squeeze %dma_wait3A_400 : memref<1x112x128xf32, #tpu.memory_space<vmem>> -> memref<112x128xf32, #tpu.memory_space<vmem>>
        %dma_wait3A_402 = arith.constant 0 : i32
        %dma_wait3A_403 = tpu.memref_slice %arg7[%dma_wait3A_396, %dma_wait3A_402] : memref<256x112xi32, #tpu.memory_space<vmem>> -> memref<1x112xi32, #tpu.memory_space<vmem>>
        %dma_wait3A_404 = tpu.memref_squeeze %dma_wait3A_403 : memref<1x112xi32, #tpu.memory_space<vmem>> -> memref<112xi32, #tpu.memory_space<vmem>>
        %dma_wait3A_405 = arith.constant 0 : i32
        %dma_wait3A_406 = arith.constant 0 : i32
        %dma_wait3A_407 = tpu.memref_slice %arg2[%dma_wait3A_405, %dma_wait3A_406] : memref<100000x128xf32, #tpu.memory_space<hbm>> -> memref<100000x128xf32, #tpu.memory_space<hbm>>
        tpu.wait_indirect_dma semaphore(%arg14 : memref<!tpu.dma_semaphore, #tpu.memory_space<semaphore_mem>>) src(%dma_wait3A_407 : memref<100000x128xf32, #tpu.memory_space<hbm>>) dst(%dma_wait3A_401 : memref<112x128xf32, #tpu.memory_space<vmem>>)
      } else {
      }
      %jit3A_305 = arith.constant 4 : i32
      %eq3A_306 = arith.constant 0 : i32
      %eq3A_307 = arith.cmpi eq, %jit3A_305, %eq3A_306 : i32
      %jit3A_308 = arith.constant 1 : i32
      %select_n3A_309 = arith.select %eq3A_307, %jit3A_308, %jit3A_305 : i32
      %rem3A_310 = arith.remsi %scan3A_151, %select_n3A_309 : i32
      %ne3A_311 = arith.constant 0 : i32
      %ne3A_312 = arith.cmpi ne, %rem3A_310, %ne3A_311 : i32
      %lt3A_313 = arith.constant 0 : i32
      %lt3A_314 = arith.cmpi slt, %rem3A_310, %lt3A_313 : i32
      %lt3A_315 = arith.constant 0 : i32
      %lt3A_316 = arith.cmpi slt, %select_n3A_309, %lt3A_315 : i32
      %ne3A_317 = arith.xori %lt3A_314, %lt3A_316 : i1
      %and3A_318 = arith.andi %ne3A_317, %ne3A_312 : i1
      %add3A_319 = arith.addi %rem3A_310, %select_n3A_309 : i32
      %select_n3A_320 = arith.select %and3A_318, %add3A_319, %rem3A_310 : i32
      %eq3A_321 = arith.constant 3 : i32
      %eq3A_322 = arith.cmpi eq, %select_n3A_320, %eq3A_321 : i32
      %convert_element_type3A_323 = arith.extui %eq3A_322 : i1 to i32
      %cond3A_324 = arith.constant 0 : i32
      %cond3A_325 = arith.cmpi ne, %convert_element_type3A_323, %cond3A_324 : i32
      scf.if %cond3A_325 {
        %dma_wait3A_396 = arith.constant 0 : i32
        %dma_wait3A_397 = arith.constant 3 : i32
        %dma_wait3A_398 = arith.constant 0 : i32
        %dma_wait3A_399 = arith.constant 0 : i32
        %dma_wait3A_400 = tpu.memref_slice %arg9[%dma_wait3A_397, %dma_wait3A_398, %dma_wait3A_399] : memref<4x112x128xf32, #tpu.memory_space<vmem>> -> memref<1x112x128xf32, #tpu.memory_space<vmem>>
        %dma_wait3A_401 = tpu.memref_squeeze %dma_wait3A_400 : memref<1x112x128xf32, #tpu.memory_space<vmem>> -> memref<112x128xf32, #tpu.memory_space<vmem>>
        %dma_wait3A_402 = arith.constant 0 : i32
        %dma_wait3A_403 = tpu.memref_slice %arg7[%dma_wait3A_396, %dma_wait3A_402] : memref<256x112xi32, #tpu.memory_space<vmem>> -> memref<1x112xi32, #tpu.memory_space<vmem>>
        %dma_wait3A_404 = tpu.memref_squeeze %dma_wait3A_403 : memref<1x112xi32, #tpu.memory_space<vmem>> -> memref<112xi32, #tpu.memory_space<vmem>>
        %dma_wait3A_405 = arith.constant 0 : i32
        %dma_wait3A_406 = arith.constant 0 : i32
        %dma_wait3A_407 = tpu.memref_slice %arg2[%dma_wait3A_405, %dma_wait3A_406] : memref<100000x128xf32, #tpu.memory_space<hbm>> -> memref<100000x128xf32, #tpu.memory_space<hbm>>
        tpu.wait_indirect_dma semaphore(%arg15 : memref<!tpu.dma_semaphore, #tpu.memory_space<semaphore_mem>>) src(%dma_wait3A_407 : memref<100000x128xf32, #tpu.memory_space<hbm>>) dst(%dma_wait3A_401 : memref<112x128xf32, #tpu.memory_space<vmem>>)
      } else {
      }
      %jit3A_326 = arith.constant 4 : i32
      %eq3A_327 = arith.constant 0 : i32
      %eq3A_328 = arith.cmpi eq, %jit3A_326, %eq3A_327 : i32
      %jit3A_329 = arith.constant 1 : i32
      %select_n3A_330 = arith.select %eq3A_328, %jit3A_329, %jit3A_326 : i32
      %rem3A_331 = arith.remsi %scan3A_151, %select_n3A_330 : i32
      %ne3A_332 = arith.constant 0 : i32
      %ne3A_333 = arith.cmpi ne, %rem3A_331, %ne3A_332 : i32
      %lt3A_334 = arith.constant 0 : i32
      %lt3A_335 = arith.cmpi slt, %rem3A_331, %lt3A_334 : i32
      %lt3A_336 = arith.constant 0 : i32
      %lt3A_337 = arith.cmpi slt, %select_n3A_330, %lt3A_336 : i32
      %ne3A_338 = arith.xori %lt3A_335, %lt3A_337 : i1
      %and3A_339 = arith.andi %ne3A_338, %ne3A_333 : i1
      %add3A_340 = arith.addi %rem3A_331, %select_n3A_330 : i32
      %select_n3A_341 = arith.select %and3A_339, %add3A_340, %rem3A_331 : i32
      %shift_right_arithmetic3A = arith.constant 1 : i32
      %shift_right_arithmetic3A_342 = arith.shrsi %scan3A_151, %shift_right_arithmetic3A : i32
      %and3A_343 = arith.constant 1 : i32
      %and3A_344 = arith.andi %scan3A_151, %and3A_343 : i32
      %get3A = arith.index_cast %shift_right_arithmetic3A_342 : i32 to index
      %get3A_345 = arith.constant 0 : index
      %get3A_346 = tpu.vector_load %arg8[%get3A, %get3A_345] {strides = array<i32>} : memref<128x128xf32, #tpu.memory_space<vmem>>, vector<1x16xf32>,
      %get3A_347 = vector.shape_cast %get3A_346 : vector<1x16xf32> to vector<16xf32>
      %get3A_348 = arith.index_cast %shift_right_arithmetic3A_342 : i32 to index
      %get3A_349 = arith.constant 16 : index
      %get3A_350 = tpu.vector_load %arg8[%get3A_348, %get3A_349] {strides = array<i32>} : memref<128x128xf32, #tpu.memory_space<vmem>>, vector<1x16xf32>,
      %get3A_351 = vector.shape_cast %get3A_350 : vector<1x16xf32> to vector<16xf32>
      %get3A_352 = arith.index_cast %shift_right_arithmetic3A_342 : i32 to index
      %get3A_353 = arith.constant 32 : index
      %get3A_354 = tpu.vector_load %arg8[%get3A_352, %get3A_353] {strides = array<i32>} : memref<128x128xf32, #tpu.memory_space<vmem>>, vector<1x16xf32>,
      %get3A_355 = vector.shape_cast %get3A_354 : vector<1x16xf32> to vector<16xf32>
      %get3A_356 = arith.index_cast %shift_right_arithmetic3A_342 : i32 to index
      %get3A_357 = arith.constant 48 : index
      %get3A_358 = tpu.vector_load %arg8[%get3A_356, %get3A_357] {strides = array<i32>} : memref<128x128xf32, #tpu.memory_space<vmem>>, vector<1x16xf32>,
      %get3A_359 = vector.shape_cast %get3A_358 : vector<1x16xf32> to vector<16xf32>
      %get3A_360 = arith.index_cast %shift_right_arithmetic3A_342 : i32 to index
      %get3A_361 = arith.constant 64 : index
      %get3A_362 = tpu.vector_load %arg8[%get3A_360, %get3A_361] {strides = array<i32>} : memref<128x128xf32, #tpu.memory_space<vmem>>, vector<1x16xf32>,
      %get3A_363 = vector.shape_cast %get3A_362 : vector<1x16xf32> to vector<16xf32>
      %get3A_364 = arith.index_cast %shift_right_arithmetic3A_342 : i32 to index
      %get3A_365 = arith.constant 80 : index
      %get3A_366 = tpu.vector_load %arg8[%get3A_364, %get3A_365] {strides = array<i32>} : memref<128x128xf32, #tpu.memory_space<vmem>>, vector<1x16xf32>,
      %get3A_367 = vector.shape_cast %get3A_366 : vector<1x16xf32> to vector<16xf32>
      %get3A_368 = arith.index_cast %shift_right_arithmetic3A_342 : i32 to index
      %get3A_369 = arith.constant 96 : index
      %get3A_370 = tpu.vector_load %arg8[%get3A_368, %get3A_369] {strides = array<i32>} : memref<128x128xf32, #tpu.memory_space<vmem>>, vector<1x16xf32>,
      %get3A_371 = vector.shape_cast %get3A_370 : vector<1x16xf32> to vector<16xf32>
      %get3A_372 = arith.index_cast %shift_right_arithmetic3A_342 : i32 to index
      %get3A_373 = arith.constant 112 : index
      %get3A_374 = tpu.vector_load %arg8[%get3A_372, %get3A_373] {strides = array<i32>} : memref<128x128xf32, #tpu.memory_space<vmem>>, vector<1x16xf32>,
      %get3A_375 = vector.shape_cast %get3A_374 : vector<1x16xf32> to vector<16xf32>
      %and3A_376 = arith.constant 15 : i32
      %and3A_377 = arith.andi %shift_right_arithmetic3A_342, %and3A_376 : i32
      %eq3A_378 = arith.constant 0 : i32
      %eq3A_379 = arith.cmpi eq, %and3A_344, %eq3A_378 : i32
      %convert_element_type3A_380 = arith.extui %eq3A_379 : i1 to i32
      %cond3A_381 = arith.constant 0 : i32
      %cond3A_382 = arith.cmpi ne, %convert_element_type3A_380, %cond3A_381 : i32
      scf.if %cond3A_382 {
        %scan3A_396 = arith.constant 0 : i32
        %scan3A_397 = arith.constant 7 : i32
        %scan3A_398 = arith.addi %scan3A_396, %scan3A_397 : i32
        %scan3A_399 = arith.constant 1 : i32
        scf.for %scan3A_401 = %scan3A_396 to %scan3A_398 step %scan3A_399  : i32 {
          %broadcast_in_dim3A = arith.constant 0.000000e+00 : f32
          %broadcast_in_dim3A_402 = vector.broadcast %broadcast_in_dim3A : f32 to vector<16xf32>
          %mul3A_403 = arith.constant 16 : i32
          %mul3A_404 = arith.muli %scan3A_401, %mul3A_403 : i32
          %add3A_405 = arith.constant 0 : i32
          %add3A_406 = arith.addi %mul3A_404, %add3A_405 : i32
          %get3A_407 = arith.index_cast %select_n3A_341 : i32 to index
          %get3A_408 = arith.index_cast %add3A_406 : i32 to index
          %get3A_409 = arith.constant 0 : index
          %get3A_410 = tpu.vector_load %arg9[%get3A_407, %get3A_408, %get3A_409] {strides = array<i32>} : memref<4x112x128xf32, #tpu.memory_space<vmem>>, vector<1x1x16xf32>,
          %get3A_411 = vector.shape_cast %get3A_410 : vector<1x1x16xf32> to vector<16xf32>
          %mul3A_412 = arith.mulf %get3A_411, %get3A_347 : vector<16xf32>
          %get3A_413 = arith.index_cast %select_n3A_341 : i32 to index
          %get3A_414 = arith.index_cast %add3A_406 : i32 to index
          %get3A_415 = arith.constant 16 : index
          %get3A_416 = tpu.vector_load %arg9[%get3A_413, %get3A_414, %get3A_415] {strides = array<i32>} : memref<4x112x128xf32, #tpu.memory_space<vmem>>, vector<1x1x16xf32>,
          %get3A_417 = vector.shape_cast %get3A_416 : vector<1x1x16xf32> to vector<16xf32>
          %mul3A_418 = arith.mulf %get3A_417, %get3A_351 : vector<16xf32>
          %add3A_419 = arith.addf %mul3A_412, %mul3A_418 : vector<16xf32>
          %get3A_420 = arith.index_cast %select_n3A_341 : i32 to index
          %get3A_421 = arith.index_cast %add3A_406 : i32 to index
          %get3A_422 = arith.constant 32 : index
          %get3A_423 = tpu.vector_load %arg9[%get3A_420, %get3A_421, %get3A_422] {strides = array<i32>} : memref<4x112x128xf32, #tpu.memory_space<vmem>>, vector<1x1x16xf32>,
          %get3A_424 = vector.shape_cast %get3A_423 : vector<1x1x16xf32> to vector<16xf32>
          %mul3A_425 = arith.mulf %get3A_424, %get3A_355 : vector<16xf32>
          %add3A_426 = arith.addf %add3A_419, %mul3A_425 : vector<16xf32>
          %get3A_427 = arith.index_cast %select_n3A_341 : i32 to index
          %get3A_428 = arith.index_cast %add3A_406 : i32 to index
          %get3A_429 = arith.constant 48 : index
          %get3A_430 = tpu.vector_load %arg9[%get3A_427, %get3A_428, %get3A_429] {strides = array<i32>} : memref<4x112x128xf32, #tpu.memory_space<vmem>>, vector<1x1x16xf32>,
          %get3A_431 = vector.shape_cast %get3A_430 : vector<1x1x16xf32> to vector<16xf32>
          %mul3A_432 = arith.mulf %get3A_431, %get3A_359 : vector<16xf32>
          %add3A_433 = arith.addf %add3A_426, %mul3A_432 : vector<16xf32>
          %get3A_434 = arith.index_cast %select_n3A_341 : i32 to index
          %get3A_435 = arith.index_cast %add3A_406 : i32 to index
          %get3A_436 = arith.constant 64 : index
          %get3A_437 = tpu.vector_load %arg9[%get3A_434, %get3A_435, %get3A_436] {strides = array<i32>} : memref<4x112x128xf32, #tpu.memory_space<vmem>>, vector<1x1x16xf32>,
          %get3A_438 = vector.shape_cast %get3A_437 : vector<1x1x16xf32> to vector<16xf32>
          %mul3A_439 = arith.mulf %get3A_438, %get3A_363 : vector<16xf32>
          %add3A_440 = arith.addf %add3A_433, %mul3A_439 : vector<16xf32>
          %get3A_441 = arith.index_cast %select_n3A_341 : i32 to index
          %get3A_442 = arith.index_cast %add3A_406 : i32 to index
          %get3A_443 = arith.constant 80 : index
          %get3A_444 = tpu.vector_load %arg9[%get3A_441, %get3A_442, %get3A_443] {strides = array<i32>} : memref<4x112x128xf32, #tpu.memory_space<vmem>>, vector<1x1x16xf32>,
          %get3A_445 = vector.shape_cast %get3A_444 : vector<1x1x16xf32> to vector<16xf32>
          %mul3A_446 = arith.mulf %get3A_445, %get3A_367 : vector<16xf32>
          %add3A_447 = arith.addf %add3A_440, %mul3A_446 : vector<16xf32>
          %get3A_448 = arith.index_cast %select_n3A_341 : i32 to index
          %get3A_449 = arith.index_cast %add3A_406 : i32 to index
          %get3A_450 = arith.constant 96 : index
          %get3A_451 = tpu.vector_load %arg9[%get3A_448, %get3A_449, %get3A_450] {strides = array<i32>} : memref<4x112x128xf32, #tpu.memory_space<vmem>>, vector<1x1x16xf32>,
          %get3A_452 = vector.shape_cast %get3A_451 : vector<1x1x16xf32> to vector<16xf32>
          %mul3A_453 = arith.mulf %get3A_452, %get3A_371 : vector<16xf32>
          %add3A_454 = arith.addf %add3A_447, %mul3A_453 : vector<16xf32>
          %get3A_455 = arith.index_cast %select_n3A_341 : i32 to index
          %get3A_456 = arith.index_cast %add3A_406 : i32 to index
          %get3A_457 = arith.constant 112 : index
          %get3A_458 = tpu.vector_load %arg9[%get3A_455, %get3A_456, %get3A_457] {strides = array<i32>} : memref<4x112x128xf32, #tpu.memory_space<vmem>>, vector<1x1x16xf32>,
          %get3A_459 = vector.shape_cast %get3A_458 : vector<1x1x16xf32> to vector<16xf32>
          %mul3A_460 = arith.mulf %get3A_459, %get3A_375 : vector<16xf32>
          %add3A_461 = arith.addf %add3A_454, %mul3A_460 : vector<16xf32>
          %broadcast_in_dim3A_462 = vector.shape_cast %xor3A_53 : vector<16xi32> to vector<16x1xi32>
          %gather3A = vector.shape_cast %broadcast_in_dim3A_462 : vector<16x1xi32> to vector<16xi32>
          %gather3A_463 = tpu.dynamic_gather %add3A_461[%gather3A] in [0] : vector<16xf32>, vector<16xi32> -> vector<16xf32>
          %add3A_464 = arith.addf %add3A_461, %gather3A_463 : vector<16xf32>
          %broadcast_in_dim3A_465 = vector.shape_cast %xor3A_56 : vector<16xi32> to vector<16x1xi32>
          %gather3A_466 = vector.shape_cast %broadcast_in_dim3A_465 : vector<16x1xi32> to vector<16xi32>
          %gather3A_467 = tpu.dynamic_gather %add3A_464[%gather3A_466] in [0] : vector<16xf32>, vector<16xi32> -> vector<16xf32>
          %add3A_468 = arith.addf %add3A_464, %gather3A_467 : vector<16xf32>
          %broadcast_in_dim3A_469 = vector.shape_cast %xor3A_59 : vector<16xi32> to vector<16x1xi32>
          %gather3A_470 = vector.shape_cast %broadcast_in_dim3A_469 : vector<16x1xi32> to vector<16xi32>
          %gather3A_471 = tpu.dynamic_gather %add3A_468[%gather3A_470] in [0] : vector<16xf32>, vector<16xi32> -> vector<16xf32>
          %add3A_472 = arith.addf %add3A_468, %gather3A_471 : vector<16xf32>
          %broadcast_in_dim3A_473 = vector.shape_cast %xor3A_62 : vector<16xi32> to vector<16x1xi32>
          %gather3A_474 = vector.shape_cast %broadcast_in_dim3A_473 : vector<16x1xi32> to vector<16xi32>
          %gather3A_475 = tpu.dynamic_gather %add3A_472[%gather3A_474] in [0] : vector<16xf32>, vector<16xi32> -> vector<16xf32>
          %add3A_476 = arith.addf %add3A_472, %gather3A_475 : vector<16xf32>
          %select_n3A_477 = arith.select %eq3A_64, %add3A_476, %broadcast_in_dim3A_402 : vector<16xi1>, vector<16xf32>
          %mul3A_478 = arith.constant 16 : i32
          %mul3A_479 = arith.muli %scan3A_401, %mul3A_478 : i32
          %add3A_480 = arith.constant 1 : i32
          %add3A_481 = arith.addi %mul3A_479, %add3A_480 : i32
          %get3A_482 = arith.index_cast %select_n3A_341 : i32 to index
          %get3A_483 = arith.index_cast %add3A_481 : i32 to index
          %get3A_484 = arith.constant 0 : index
          %get3A_485 = tpu.vector_load %arg9[%get3A_482, %get3A_483, %get3A_484] {strides = array<i32>} : memref<4x112x128xf32, #tpu.memory_space<vmem>>, vector<1x1x16xf32>,
          %get3A_486 = vector.shape_cast %get3A_485 : vector<1x1x16xf32> to vector<16xf32>
          %mul3A_487 = arith.mulf %get3A_486, %get3A_347 : vector<16xf32>
          %get3A_488 = arith.index_cast %select_n3A_341 : i32 to index
          %get3A_489 = arith.index_cast %add3A_481 : i32 to index
          %get3A_490 = arith.constant 16 : index
          %get3A_491 = tpu.vector_load %arg9[%get3A_488, %get3A_489, %get3A_490] {strides = array<i32>} : memref<4x112x128xf32, #tpu.memory_space<vmem>>, vector<1x1x16xf32>,
          %get3A_492 = vector.shape_cast %get3A_491 : vector<1x1x16xf32> to vector<16xf32>
          %mul3A_493 = arith.mulf %get3A_492, %get3A_351 : vector<16xf32>
          %add3A_494 = arith.addf %mul3A_487, %mul3A_493 : vector<16xf32>
          %get3A_495 = arith.index_cast %select_n3A_341 : i32 to index
          %get3A_496 = arith.index_cast %add3A_481 : i32 to index
          %get3A_497 = arith.constant 32 : index
          %get3A_498 = tpu.vector_load %arg9[%get3A_495, %get3A_496, %get3A_497] {strides = array<i32>} : memref<4x112x128xf32, #tpu.memory_space<vmem>>, vector<1x1x16xf32>,
          %get3A_499 = vector.shape_cast %get3A_498 : vector<1x1x16xf32> to vector<16xf32>
          %mul3A_500 = arith.mulf %get3A_499, %get3A_355 : vector<16xf32>
          %add3A_501 = arith.addf %add3A_494, %mul3A_500 : vector<16xf32>
          %get3A_502 = arith.index_cast %select_n3A_341 : i32 to index
          %get3A_503 = arith.index_cast %add3A_481 : i32 to index
          %get3A_504 = arith.constant 48 : index
          %get3A_505 = tpu.vector_load %arg9[%get3A_502, %get3A_503, %get3A_504] {strides = array<i32>} : memref<4x112x128xf32, #tpu.memory_space<vmem>>, vector<1x1x16xf32>,
          %get3A_506 = vector.shape_cast %get3A_505 : vector<1x1x16xf32> to vector<16xf32>
          %mul3A_507 = arith.mulf %get3A_506, %get3A_359 : vector<16xf32>
          %add3A_508 = arith.addf %add3A_501, %mul3A_507 : vector<16xf32>
          %get3A_509 = arith.index_cast %select_n3A_341 : i32 to index
          %get3A_510 = arith.index_cast %add3A_481 : i32 to index
          %get3A_511 = arith.constant 64 : index
          %get3A_512 = tpu.vector_load %arg9[%get3A_509, %get3A_510, %get3A_511] {strides = array<i32>} : memref<4x112x128xf32, #tpu.memory_space<vmem>>, vector<1x1x16xf32>,
          %get3A_513 = vector.shape_cast %get3A_512 : vector<1x1x16xf32> to vector<16xf32>
          %mul3A_514 = arith.mulf %get3A_513, %get3A_363 : vector<16xf32>
          %add3A_515 = arith.addf %add3A_508, %mul3A_514 : vector<16xf32>
          %get3A_516 = arith.index_cast %select_n3A_341 : i32 to index
          %get3A_517 = arith.index_cast %add3A_481 : i32 to index
          %get3A_518 = arith.constant 80 : index
          %get3A_519 = tpu.vector_load %arg9[%get3A_516, %get3A_517, %get3A_518] {strides = array<i32>} : memref<4x112x128xf32, #tpu.memory_space<vmem>>, vector<1x1x16xf32>,
          %get3A_520 = vector.shape_cast %get3A_519 : vector<1x1x16xf32> to vector<16xf32>
          %mul3A_521 = arith.mulf %get3A_520, %get3A_367 : vector<16xf32>
          %add3A_522 = arith.addf %add3A_515, %mul3A_521 : vector<16xf32>
          %get3A_523 = arith.index_cast %select_n3A_341 : i32 to index
          %get3A_524 = arith.index_cast %add3A_481 : i32 to index
          %get3A_525 = arith.constant 96 : index
          %get3A_526 = tpu.vector_load %arg9[%get3A_523, %get3A_524, %get3A_525] {strides = array<i32>} : memref<4x112x128xf32, #tpu.memory_space<vmem>>, vector<1x1x16xf32>,
          %get3A_527 = vector.shape_cast %get3A_526 : vector<1x1x16xf32> to vector<16xf32>
          %mul3A_528 = arith.mulf %get3A_527, %get3A_371 : vector<16xf32>
          %add3A_529 = arith.addf %add3A_522, %mul3A_528 : vector<16xf32>
          %get3A_530 = arith.index_cast %select_n3A_341 : i32 to index
          %get3A_531 = arith.index_cast %add3A_481 : i32 to index
          %get3A_532 = arith.constant 112 : index
          %get3A_533 = tpu.vector_load %arg9[%get3A_530, %get3A_531, %get3A_532] {strides = array<i32>} : memref<4x112x128xf32, #tpu.memory_space<vmem>>, vector<1x1x16xf32>,
          %get3A_534 = vector.shape_cast %get3A_533 : vector<1x1x16xf32> to vector<16xf32>
          %mul3A_535 = arith.mulf %get3A_534, %get3A_375 : vector<16xf32>
          %add3A_536 = arith.addf %add3A_529, %mul3A_535 : vector<16xf32>
          %broadcast_in_dim3A_537 = vector.shape_cast %xor3A_53 : vector<16xi32> to vector<16x1xi32>
          %gather3A_538 = vector.shape_cast %broadcast_in_dim3A_537 : vector<16x1xi32> to vector<16xi32>
          %gather3A_539 = tpu.dynamic_gather %add3A_536[%gather3A_538] in [0] : vector<16xf32>, vector<16xi32> -> vector<16xf32>
          %add3A_540 = arith.addf %add3A_536, %gather3A_539 : vector<16xf32>
          %broadcast_in_dim3A_541 = vector.shape_cast %xor3A_56 : vector<16xi32> to vector<16x1xi32>
          %gather3A_542 = vector.shape_cast %broadcast_in_dim3A_541 : vector<16x1xi32> to vector<16xi32>
          %gather3A_543 = tpu.dynamic_gather %add3A_540[%gather3A_542] in [0] : vector<16xf32>, vector<16xi32> -> vector<16xf32>
          %add3A_544 = arith.addf %add3A_540, %gather3A_543 : vector<16xf32>
          %broadcast_in_dim3A_545 = vector.shape_cast %xor3A_59 : vector<16xi32> to vector<16x1xi32>
          %gather3A_546 = vector.shape_cast %broadcast_in_dim3A_545 : vector<16x1xi32> to vector<16xi32>
          %gather3A_547 = tpu.dynamic_gather %add3A_544[%gather3A_546] in [0] : vector<16xf32>, vector<16xi32> -> vector<16xf32>
          %add3A_548 = arith.addf %add3A_544, %gather3A_547 : vector<16xf32>
          %broadcast_in_dim3A_549 = vector.shape_cast %xor3A_62 : vector<16xi32> to vector<16x1xi32>
          %gather3A_550 = vector.shape_cast %broadcast_in_dim3A_549 : vector<16x1xi32> to vector<16xi32>
          %gather3A_551 = tpu.dynamic_gather %add3A_548[%gather3A_550] in [0] : vector<16xf32>, vector<16xi32> -> vector<16xf32>
          %add3A_552 = arith.addf %add3A_548, %gather3A_551 : vector<16xf32>
          %select_n3A_553 = arith.select %eq3A_67, %add3A_552, %select_n3A_477 : vector<16xi1>, vector<16xf32>
          %mul3A_554 = arith.constant 16 : i32
          %mul3A_555 = arith.muli %scan3A_401, %mul3A_554 : i32
          %add3A_556 = arith.constant 2 : i32
          %add3A_557 = arith.addi %mul3A_555, %add3A_556 : i32
          %get3A_558 = arith.index_cast %select_n3A_341 : i32 to index
          %get3A_559 = arith.index_cast %add3A_557 : i32 to index
          %get3A_560 = arith.constant 0 : index
          %get3A_561 = tpu.vector_load %arg9[%get3A_558, %get3A_559, %get3A_560] {strides = array<i32>} : memref<4x112x128xf32, #tpu.memory_space<vmem>>, vector<1x1x16xf32>,
          %get3A_562 = vector.shape_cast %get3A_561 : vector<1x1x16xf32> to vector<16xf32>
          %mul3A_563 = arith.mulf %get3A_562, %get3A_347 : vector<16xf32>
          %get3A_564 = arith.index_cast %select_n3A_341 : i32 to index
          %get3A_565 = arith.index_cast %add3A_557 : i32 to index
          %get3A_566 = arith.constant 16 : index
          %get3A_567 = tpu.vector_load %arg9[%get3A_564, %get3A_565, %get3A_566] {strides = array<i32>} : memref<4x112x128xf32, #tpu.memory_space<vmem>>, vector<1x1x16xf32>,
          %get3A_568 = vector.shape_cast %get3A_567 : vector<1x1x16xf32> to vector<16xf32>
          %mul3A_569 = arith.mulf %get3A_568, %get3A_351 : vector<16xf32>
          %add3A_570 = arith.addf %mul3A_563, %mul3A_569 : vector<16xf32>
          %get3A_571 = arith.index_cast %select_n3A_341 : i32 to index
          %get3A_572 = arith.index_cast %add3A_557 : i32 to index
          %get3A_573 = arith.constant 32 : index
          %get3A_574 = tpu.vector_load %arg9[%get3A_571, %get3A_572, %get3A_573] {strides = array<i32>} : memref<4x112x128xf32, #tpu.memory_space<vmem>>, vector<1x1x16xf32>,
          %get3A_575 = vector.shape_cast %get3A_574 : vector<1x1x16xf32> to vector<16xf32>
          %mul3A_576 = arith.mulf %get3A_575, %get3A_355 : vector<16xf32>
          %add3A_577 = arith.addf %add3A_570, %mul3A_576 : vector<16xf32>
          %get3A_578 = arith.index_cast %select_n3A_341 : i32 to index
          %get3A_579 = arith.index_cast %add3A_557 : i32 to index
          %get3A_580 = arith.constant 48 : index
          %get3A_581 = tpu.vector_load %arg9[%get3A_578, %get3A_579, %get3A_580] {strides = array<i32>} : memref<4x112x128xf32, #tpu.memory_space<vmem>>, vector<1x1x16xf32>,
          %get3A_582 = vector.shape_cast %get3A_581 : vector<1x1x16xf32> to vector<16xf32>
          %mul3A_583 = arith.mulf %get3A_582, %get3A_359 : vector<16xf32>
          %add3A_584 = arith.addf %add3A_577, %mul3A_583 : vector<16xf32>
          %get3A_585 = arith.index_cast %select_n3A_341 : i32 to index
          %get3A_586 = arith.index_cast %add3A_557 : i32 to index
          %get3A_587 = arith.constant 64 : index
          %get3A_588 = tpu.vector_load %arg9[%get3A_585, %get3A_586, %get3A_587] {strides = array<i32>} : memref<4x112x128xf32, #tpu.memory_space<vmem>>, vector<1x1x16xf32>,
          %get3A_589 = vector.shape_cast %get3A_588 : vector<1x1x16xf32> to vector<16xf32>
          %mul3A_590 = arith.mulf %get3A_589, %get3A_363 : vector<16xf32>
          %add3A_591 = arith.addf %add3A_584, %mul3A_590 : vector<16xf32>
          %get3A_592 = arith.index_cast %select_n3A_341 : i32 to index
          %get3A_593 = arith.index_cast %add3A_557 : i32 to index
          %get3A_594 = arith.constant 80 : index
          %get3A_595 = tpu.vector_load %arg9[%get3A_592, %get3A_593, %get3A_594] {strides = array<i32>} : memref<4x112x128xf32, #tpu.memory_space<vmem>>, vector<1x1x16xf32>,
          %get3A_596 = vector.shape_cast %get3A_595 : vector<1x1x16xf32> to vector<16xf32>
          %mul3A_597 = arith.mulf %get3A_596, %get3A_367 : vector<16xf32>
          %add3A_598 = arith.addf %add3A_591, %mul3A_597 : vector<16xf32>
          %get3A_599 = arith.index_cast %select_n3A_341 : i32 to index
          %get3A_600 = arith.index_cast %add3A_557 : i32 to index
          %get3A_601 = arith.constant 96 : index
          %get3A_602 = tpu.vector_load %arg9[%get3A_599, %get3A_600, %get3A_601] {strides = array<i32>} : memref<4x112x128xf32, #tpu.memory_space<vmem>>, vector<1x1x16xf32>,
          %get3A_603 = vector.shape_cast %get3A_602 : vector<1x1x16xf32> to vector<16xf32>
          %mul3A_604 = arith.mulf %get3A_603, %get3A_371 : vector<16xf32>
          %add3A_605 = arith.addf %add3A_598, %mul3A_604 : vector<16xf32>
          %get3A_606 = arith.index_cast %select_n3A_341 : i32 to index
          %get3A_607 = arith.index_cast %add3A_557 : i32 to index
          %get3A_608 = arith.constant 112 : index
          %get3A_609 = tpu.vector_load %arg9[%get3A_606, %get3A_607, %get3A_608] {strides = array<i32>} : memref<4x112x128xf32, #tpu.memory_space<vmem>>, vector<1x1x16xf32>,
          %get3A_610 = vector.shape_cast %get3A_609 : vector<1x1x16xf32> to vector<16xf32>
          %mul3A_611 = arith.mulf %get3A_610, %get3A_375 : vector<16xf32>
          %add3A_612 = arith.addf %add3A_605, %mul3A_611 : vector<16xf32>
          %broadcast_in_dim3A_613 = vector.shape_cast %xor3A_53 : vector<16xi32> to vector<16x1xi32>
          %gather3A_614 = vector.shape_cast %broadcast_in_dim3A_613 : vector<16x1xi32> to vector<16xi32>
          %gather3A_615 = tpu.dynamic_gather %add3A_612[%gather3A_614] in [0] : vector<16xf32>, vector<16xi32> -> vector<16xf32>
          %add3A_616 = arith.addf %add3A_612, %gather3A_615 : vector<16xf32>
          %broadcast_in_dim3A_617 = vector.shape_cast %xor3A_56 : vector<16xi32> to vector<16x1xi32>
          %gather3A_618 = vector.shape_cast %broadcast_in_dim3A_617 : vector<16x1xi32> to vector<16xi32>
          %gather3A_619 = tpu.dynamic_gather %add3A_616[%gather3A_618] in [0] : vector<16xf32>, vector<16xi32> -> vector<16xf32>
          %add3A_620 = arith.addf %add3A_616, %gather3A_619 : vector<16xf32>
          %broadcast_in_dim3A_621 = vector.shape_cast %xor3A_59 : vector<16xi32> to vector<16x1xi32>
          %gather3A_622 = vector.shape_cast %broadcast_in_dim3A_621 : vector<16x1xi32> to vector<16xi32>
          %gather3A_623 = tpu.dynamic_gather %add3A_620[%gather3A_622] in [0] : vector<16xf32>, vector<16xi32> -> vector<16xf32>
          %add3A_624 = arith.addf %add3A_620, %gather3A_623 : vector<16xf32>
          %broadcast_in_dim3A_625 = vector.shape_cast %xor3A_62 : vector<16xi32> to vector<16x1xi32>
          %gather3A_626 = vector.shape_cast %broadcast_in_dim3A_625 : vector<16x1xi32> to vector<16xi32>
          %gather3A_627 = tpu.dynamic_gather %add3A_624[%gather3A_626] in [0] : vector<16xf32>, vector<16xi32> -> vector<16xf32>
          %add3A_628 = arith.addf %add3A_624, %gather3A_627 : vector<16xf32>
          %select_n3A_629 = arith.select %eq3A_70, %add3A_628, %select_n3A_553 : vector<16xi1>, vector<16xf32>
          %mul3A_630 = arith.constant 16 : i32
          %mul3A_631 = arith.muli %scan3A_401, %mul3A_630 : i32
          %add3A_632 = arith.constant 3 : i32
          %add3A_633 = arith.addi %mul3A_631, %add3A_632 : i32
          %get3A_634 = arith.index_cast %select_n3A_341 : i32 to index
          %get3A_635 = arith.index_cast %add3A_633 : i32 to index
          %get3A_636 = arith.constant 0 : index
          %get3A_637 = tpu.vector_load %arg9[%get3A_634, %get3A_635, %get3A_636] {strides = array<i32>} : memref<4x112x128xf32, #tpu.memory_space<vmem>>, vector<1x1x16xf32>,
          %get3A_638 = vector.shape_cast %get3A_637 : vector<1x1x16xf32> to vector<16xf32>
          %mul3A_639 = arith.mulf %get3A_638, %get3A_347 : vector<16xf32>
          %get3A_640 = arith.index_cast %select_n3A_341 : i32 to index
          %get3A_641 = arith.index_cast %add3A_633 : i32 to index
          %get3A_642 = arith.constant 16 : index
          %get3A_643 = tpu.vector_load %arg9[%get3A_640, %get3A_641, %get3A_642] {strides = array<i32>} : memref<4x112x128xf32, #tpu.memory_space<vmem>>, vector<1x1x16xf32>,
          %get3A_644 = vector.shape_cast %get3A_643 : vector<1x1x16xf32> to vector<16xf32>
          %mul3A_645 = arith.mulf %get3A_644, %get3A_351 : vector<16xf32>
          %add3A_646 = arith.addf %mul3A_639, %mul3A_645 : vector<16xf32>
          %get3A_647 = arith.index_cast %select_n3A_341 : i32 to index
          %get3A_648 = arith.index_cast %add3A_633 : i32 to index
          %get3A_649 = arith.constant 32 : index
          %get3A_650 = tpu.vector_load %arg9[%get3A_647, %get3A_648, %get3A_649] {strides = array<i32>} : memref<4x112x128xf32, #tpu.memory_space<vmem>>, vector<1x1x16xf32>,
          %get3A_651 = vector.shape_cast %get3A_650 : vector<1x1x16xf32> to vector<16xf32>
          %mul3A_652 = arith.mulf %get3A_651, %get3A_355 : vector<16xf32>
          %add3A_653 = arith.addf %add3A_646, %mul3A_652 : vector<16xf32>
          %get3A_654 = arith.index_cast %select_n3A_341 : i32 to index
          %get3A_655 = arith.index_cast %add3A_633 : i32 to index
          %get3A_656 = arith.constant 48 : index
          %get3A_657 = tpu.vector_load %arg9[%get3A_654, %get3A_655, %get3A_656] {strides = array<i32>} : memref<4x112x128xf32, #tpu.memory_space<vmem>>, vector<1x1x16xf32>,
          %get3A_658 = vector.shape_cast %get3A_657 : vector<1x1x16xf32> to vector<16xf32>
          %mul3A_659 = arith.mulf %get3A_658, %get3A_359 : vector<16xf32>
          %add3A_660 = arith.addf %add3A_653, %mul3A_659 : vector<16xf32>
          %get3A_661 = arith.index_cast %select_n3A_341 : i32 to index
          %get3A_662 = arith.index_cast %add3A_633 : i32 to index
          %get3A_663 = arith.constant 64 : index
          %get3A_664 = tpu.vector_load %arg9[%get3A_661, %get3A_662, %get3A_663] {strides = array<i32>} : memref<4x112x128xf32, #tpu.memory_space<vmem>>, vector<1x1x16xf32>,
          %get3A_665 = vector.shape_cast %get3A_664 : vector<1x1x16xf32> to vector<16xf32>
          %mul3A_666 = arith.mulf %get3A_665, %get3A_363 : vector<16xf32>
          %add3A_667 = arith.addf %add3A_660, %mul3A_666 : vector<16xf32>
          %get3A_668 = arith.index_cast %select_n3A_341 : i32 to index
          %get3A_669 = arith.index_cast %add3A_633 : i32 to index
          %get3A_670 = arith.constant 80 : index
          %get3A_671 = tpu.vector_load %arg9[%get3A_668, %get3A_669, %get3A_670] {strides = array<i32>} : memref<4x112x128xf32, #tpu.memory_space<vmem>>, vector<1x1x16xf32>,
          %get3A_672 = vector.shape_cast %get3A_671 : vector<1x1x16xf32> to vector<16xf32>
          %mul3A_673 = arith.mulf %get3A_672, %get3A_367 : vector<16xf32>
          %add3A_674 = arith.addf %add3A_667, %mul3A_673 : vector<16xf32>
          %get3A_675 = arith.index_cast %select_n3A_341 : i32 to index
          %get3A_676 = arith.index_cast %add3A_633 : i32 to index
          %get3A_677 = arith.constant 96 : index
          %get3A_678 = tpu.vector_load %arg9[%get3A_675, %get3A_676, %get3A_677] {strides = array<i32>} : memref<4x112x128xf32, #tpu.memory_space<vmem>>, vector<1x1x16xf32>,
          %get3A_679 = vector.shape_cast %get3A_678 : vector<1x1x16xf32> to vector<16xf32>
          %mul3A_680 = arith.mulf %get3A_679, %get3A_371 : vector<16xf32>
          %add3A_681 = arith.addf %add3A_674, %mul3A_680 : vector<16xf32>
          %get3A_682 = arith.index_cast %select_n3A_341 : i32 to index
          %get3A_683 = arith.index_cast %add3A_633 : i32 to index
          %get3A_684 = arith.constant 112 : index
          %get3A_685 = tpu.vector_load %arg9[%get3A_682, %get3A_683, %get3A_684] {strides = array<i32>} : memref<4x112x128xf32, #tpu.memory_space<vmem>>, vector<1x1x16xf32>,
          %get3A_686 = vector.shape_cast %get3A_685 : vector<1x1x16xf32> to vector<16xf32>
          %mul3A_687 = arith.mulf %get3A_686, %get3A_375 : vector<16xf32>
          %add3A_688 = arith.addf %add3A_681, %mul3A_687 : vector<16xf32>
          %broadcast_in_dim3A_689 = vector.shape_cast %xor3A_53 : vector<16xi32> to vector<16x1xi32>
          %gather3A_690 = vector.shape_cast %broadcast_in_dim3A_689 : vector<16x1xi32> to vector<16xi32>
          %gather3A_691 = tpu.dynamic_gather %add3A_688[%gather3A_690] in [0] : vector<16xf32>, vector<16xi32> -> vector<16xf32>
          %add3A_692 = arith.addf %add3A_688, %gather3A_691 : vector<16xf32>
          %broadcast_in_dim3A_693 = vector.shape_cast %xor3A_56 : vector<16xi32> to vector<16x1xi32>
          %gather3A_694 = vector.shape_cast %broadcast_in_dim3A_693 : vector<16x1xi32> to vector<16xi32>
          %gather3A_695 = tpu.dynamic_gather %add3A_692[%gather3A_694] in [0] : vector<16xf32>, vector<16xi32> -> vector<16xf32>
          %add3A_696 = arith.addf %add3A_692, %gather3A_695 : vector<16xf32>
          %broadcast_in_dim3A_697 = vector.shape_cast %xor3A_59 : vector<16xi32> to vector<16x1xi32>
          %gather3A_698 = vector.shape_cast %broadcast_in_dim3A_697 : vector<16x1xi32> to vector<16xi32>
          %gather3A_699 = tpu.dynamic_gather %add3A_696[%gather3A_698] in [0] : vector<16xf32>, vector<16xi32> -> vector<16xf32>
          %add3A_700 = arith.addf %add3A_696, %gather3A_699 : vector<16xf32>
          %broadcast_in_dim3A_701 = vector.shape_cast %xor3A_62 : vector<16xi32> to vector<16x1xi32>
          %gather3A_702 = vector.shape_cast %broadcast_in_dim3A_701 : vector<16x1xi32> to vector<16xi32>
          %gather3A_703 = tpu.dynamic_gather %add3A_700[%gather3A_702] in [0] : vector<16xf32>, vector<16xi32> -> vector<16xf32>
          %add3A_704 = arith.addf %add3A_700, %gather3A_703 : vector<16xf32>
          %select_n3A_705 = arith.select %eq3A_73, %add3A_704, %select_n3A_629 : vector<16xi1>, vector<16xf32>
          %mul3A_706 = arith.constant 16 : i32
          %mul3A_707 = arith.muli %scan3A_401, %mul3A_706 : i32
          %add3A_708 = arith.constant 4 : i32
          %add3A_709 = arith.addi %mul3A_707, %add3A_708 : i32
          %get3A_710 = arith.index_cast %select_n3A_341 : i32 to index
          %get3A_711 = arith.index_cast %add3A_709 : i32 to index
          %get3A_712 = arith.constant 0 : index
          %get3A_713 = tpu.vector_load %arg9[%get3A_710, %get3A_711, %get3A_712] {strides = array<i32>} : memref<4x112x128xf32, #tpu.memory_space<vmem>>, vector<1x1x16xf32>,
          %get3A_714 = vector.shape_cast %get3A_713 : vector<1x1x16xf32> to vector<16xf32>
          %mul3A_715 = arith.mulf %get3A_714, %get3A_347 : vector<16xf32>
          %get3A_716 = arith.index_cast %select_n3A_341 : i32 to index
          %get3A_717 = arith.index_cast %add3A_709 : i32 to index
          %get3A_718 = arith.constant 16 : index
          %get3A_719 = tpu.vector_load %arg9[%get3A_716, %get3A_717, %get3A_718] {strides = array<i32>} : memref<4x112x128xf32, #tpu.memory_space<vmem>>, vector<1x1x16xf32>,
          %get3A_720 = vector.shape_cast %get3A_719 : vector<1x1x16xf32> to vector<16xf32>
          %mul3A_721 = arith.mulf %get3A_720, %get3A_351 : vector<16xf32>
          %add3A_722 = arith.addf %mul3A_715, %mul3A_721 : vector<16xf32>
          %get3A_723 = arith.index_cast %select_n3A_341 : i32 to index
          %get3A_724 = arith.index_cast %add3A_709 : i32 to index
          %get3A_725 = arith.constant 32 : index
          %get3A_726 = tpu.vector_load %arg9[%get3A_723, %get3A_724, %get3A_725] {strides = array<i32>} : memref<4x112x128xf32, #tpu.memory_space<vmem>>, vector<1x1x16xf32>,
          %get3A_727 = vector.shape_cast %get3A_726 : vector<1x1x16xf32> to vector<16xf32>
          %mul3A_728 = arith.mulf %get3A_727, %get3A_355 : vector<16xf32>
          %add3A_729 = arith.addf %add3A_722, %mul3A_728 : vector<16xf32>
          %get3A_730 = arith.index_cast %select_n3A_341 : i32 to index
          %get3A_731 = arith.index_cast %add3A_709 : i32 to index
          %get3A_732 = arith.constant 48 : index
          %get3A_733 = tpu.vector_load %arg9[%get3A_730, %get3A_731, %get3A_732] {strides = array<i32>} : memref<4x112x128xf32, #tpu.memory_space<vmem>>, vector<1x1x16xf32>,
          %get3A_734 = vector.shape_cast %get3A_733 : vector<1x1x16xf32> to vector<16xf32>
          %mul3A_735 = arith.mulf %get3A_734, %get3A_359 : vector<16xf32>
          %add3A_736 = arith.addf %add3A_729, %mul3A_735 : vector<16xf32>
          %get3A_737 = arith.index_cast %select_n3A_341 : i32 to index
          %get3A_738 = arith.index_cast %add3A_709 : i32 to index
          %get3A_739 = arith.constant 64 : index
          %get3A_740 = tpu.vector_load %arg9[%get3A_737, %get3A_738, %get3A_739] {strides = array<i32>} : memref<4x112x128xf32, #tpu.memory_space<vmem>>, vector<1x1x16xf32>,
          %get3A_741 = vector.shape_cast %get3A_740 : vector<1x1x16xf32> to vector<16xf32>
          %mul3A_742 = arith.mulf %get3A_741, %get3A_363 : vector<16xf32>
          %add3A_743 = arith.addf %add3A_736, %mul3A_742 : vector<16xf32>
          %get3A_744 = arith.index_cast %select_n3A_341 : i32 to index
          %get3A_745 = arith.index_cast %add3A_709 : i32 to index
          %get3A_746 = arith.constant 80 : index
          %get3A_747 = tpu.vector_load %arg9[%get3A_744, %get3A_745, %get3A_746] {strides = array<i32>} : memref<4x112x128xf32, #tpu.memory_space<vmem>>, vector<1x1x16xf32>,
          %get3A_748 = vector.shape_cast %get3A_747 : vector<1x1x16xf32> to vector<16xf32>
          %mul3A_749 = arith.mulf %get3A_748, %get3A_367 : vector<16xf32>
          %add3A_750 = arith.addf %add3A_743, %mul3A_749 : vector<16xf32>
          %get3A_751 = arith.index_cast %select_n3A_341 : i32 to index
          %get3A_752 = arith.index_cast %add3A_709 : i32 to index
          %get3A_753 = arith.constant 96 : index
          %get3A_754 = tpu.vector_load %arg9[%get3A_751, %get3A_752, %get3A_753] {strides = array<i32>} : memref<4x112x128xf32, #tpu.memory_space<vmem>>, vector<1x1x16xf32>,
          %get3A_755 = vector.shape_cast %get3A_754 : vector<1x1x16xf32> to vector<16xf32>
          %mul3A_756 = arith.mulf %get3A_755, %get3A_371 : vector<16xf32>
          %add3A_757 = arith.addf %add3A_750, %mul3A_756 : vector<16xf32>
          %get3A_758 = arith.index_cast %select_n3A_341 : i32 to index
          %get3A_759 = arith.index_cast %add3A_709 : i32 to index
          %get3A_760 = arith.constant 112 : index
          %get3A_761 = tpu.vector_load %arg9[%get3A_758, %get3A_759, %get3A_760] {strides = array<i32>} : memref<4x112x128xf32, #tpu.memory_space<vmem>>, vector<1x1x16xf32>,
          %get3A_762 = vector.shape_cast %get3A_761 : vector<1x1x16xf32> to vector<16xf32>
          %mul3A_763 = arith.mulf %get3A_762, %get3A_375 : vector<16xf32>
          %add3A_764 = arith.addf %add3A_757, %mul3A_763 : vector<16xf32>
          %broadcast_in_dim3A_765 = vector.shape_cast %xor3A_53 : vector<16xi32> to vector<16x1xi32>
          %gather3A_766 = vector.shape_cast %broadcast_in_dim3A_765 : vector<16x1xi32> to vector<16xi32>
          %gather3A_767 = tpu.dynamic_gather %add3A_764[%gather3A_766] in [0] : vector<16xf32>, vector<16xi32> -> vector<16xf32>
          %add3A_768 = arith.addf %add3A_764, %gather3A_767 : vector<16xf32>
          %broadcast_in_dim3A_769 = vector.shape_cast %xor3A_56 : vector<16xi32> to vector<16x1xi32>
          %gather3A_770 = vector.shape_cast %broadcast_in_dim3A_769 : vector<16x1xi32> to vector<16xi32>
          %gather3A_771 = tpu.dynamic_gather %add3A_768[%gather3A_770] in [0] : vector<16xf32>, vector<16xi32> -> vector<16xf32>
          %add3A_772 = arith.addf %add3A_768, %gather3A_771 : vector<16xf32>
          %broadcast_in_dim3A_773 = vector.shape_cast %xor3A_59 : vector<16xi32> to vector<16x1xi32>
          %gather3A_774 = vector.shape_cast %broadcast_in_dim3A_773 : vector<16x1xi32> to vector<16xi32>
          %gather3A_775 = tpu.dynamic_gather %add3A_772[%gather3A_774] in [0] : vector<16xf32>, vector<16xi32> -> vector<16xf32>
          %add3A_776 = arith.addf %add3A_772, %gather3A_775 : vector<16xf32>
          %broadcast_in_dim3A_777 = vector.shape_cast %xor3A_62 : vector<16xi32> to vector<16x1xi32>
          %gather3A_778 = vector.shape_cast %broadcast_in_dim3A_777 : vector<16x1xi32> to vector<16xi32>
          %gather3A_779 = tpu.dynamic_gather %add3A_776[%gather3A_778] in [0] : vector<16xf32>, vector<16xi32> -> vector<16xf32>
          %add3A_780 = arith.addf %add3A_776, %gather3A_779 : vector<16xf32>
          %select_n3A_781 = arith.select %eq3A_76, %add3A_780, %select_n3A_705 : vector<16xi1>, vector<16xf32>
          %mul3A_782 = arith.constant 16 : i32
          %mul3A_783 = arith.muli %scan3A_401, %mul3A_782 : i32
          %add3A_784 = arith.constant 5 : i32
          %add3A_785 = arith.addi %mul3A_783, %add3A_784 : i32
          %get3A_786 = arith.index_cast %select_n3A_341 : i32 to index
          %get3A_787 = arith.index_cast %add3A_785 : i32 to index
          %get3A_788 = arith.constant 0 : index
          %get3A_789 = tpu.vector_load %arg9[%get3A_786, %get3A_787, %get3A_788] {strides = array<i32>} : memref<4x112x128xf32, #tpu.memory_space<vmem>>, vector<1x1x16xf32>,
          %get3A_790 = vector.shape_cast %get3A_789 : vector<1x1x16xf32> to vector<16xf32>
          %mul3A_791 = arith.mulf %get3A_790, %get3A_347 : vector<16xf32>
          %get3A_792 = arith.index_cast %select_n3A_341 : i32 to index
          %get3A_793 = arith.index_cast %add3A_785 : i32 to index
          %get3A_794 = arith.constant 16 : index
          %get3A_795 = tpu.vector_load %arg9[%get3A_792, %get3A_793, %get3A_794] {strides = array<i32>} : memref<4x112x128xf32, #tpu.memory_space<vmem>>, vector<1x1x16xf32>,
          %get3A_796 = vector.shape_cast %get3A_795 : vector<1x1x16xf32> to vector<16xf32>
          %mul3A_797 = arith.mulf %get3A_796, %get3A_351 : vector<16xf32>
          %add3A_798 = arith.addf %mul3A_791, %mul3A_797 : vector<16xf32>
          %get3A_799 = arith.index_cast %select_n3A_341 : i32 to index
          %get3A_800 = arith.index_cast %add3A_785 : i32 to index
          %get3A_801 = arith.constant 32 : index
          %get3A_802 = tpu.vector_load %arg9[%get3A_799, %get3A_800, %get3A_801] {strides = array<i32>} : memref<4x112x128xf32, #tpu.memory_space<vmem>>, vector<1x1x16xf32>,
          %get3A_803 = vector.shape_cast %get3A_802 : vector<1x1x16xf32> to vector<16xf32>
          %mul3A_804 = arith.mulf %get3A_803, %get3A_355 : vector<16xf32>
          %add3A_805 = arith.addf %add3A_798, %mul3A_804 : vector<16xf32>
          %get3A_806 = arith.index_cast %select_n3A_341 : i32 to index
          %get3A_807 = arith.index_cast %add3A_785 : i32 to index
          %get3A_808 = arith.constant 48 : index
          %get3A_809 = tpu.vector_load %arg9[%get3A_806, %get3A_807, %get3A_808] {strides = array<i32>} : memref<4x112x128xf32, #tpu.memory_space<vmem>>, vector<1x1x16xf32>,
          %get3A_810 = vector.shape_cast %get3A_809 : vector<1x1x16xf32> to vector<16xf32>
          %mul3A_811 = arith.mulf %get3A_810, %get3A_359 : vector<16xf32>
          %add3A_812 = arith.addf %add3A_805, %mul3A_811 : vector<16xf32>
          %get3A_813 = arith.index_cast %select_n3A_341 : i32 to index
          %get3A_814 = arith.index_cast %add3A_785 : i32 to index
          %get3A_815 = arith.constant 64 : index
          %get3A_816 = tpu.vector_load %arg9[%get3A_813, %get3A_814, %get3A_815] {strides = array<i32>} : memref<4x112x128xf32, #tpu.memory_space<vmem>>, vector<1x1x16xf32>,
          %get3A_817 = vector.shape_cast %get3A_816 : vector<1x1x16xf32> to vector<16xf32>
          %mul3A_818 = arith.mulf %get3A_817, %get3A_363 : vector<16xf32>
          %add3A_819 = arith.addf %add3A_812, %mul3A_818 : vector<16xf32>
          %get3A_820 = arith.index_cast %select_n3A_341 : i32 to index
          %get3A_821 = arith.index_cast %add3A_785 : i32 to index
          %get3A_822 = arith.constant 80 : index
          %get3A_823 = tpu.vector_load %arg9[%get3A_820, %get3A_821, %get3A_822] {strides = array<i32>} : memref<4x112x128xf32, #tpu.memory_space<vmem>>, vector<1x1x16xf32>,
          %get3A_824 = vector.shape_cast %get3A_823 : vector<1x1x16xf32> to vector<16xf32>
          %mul3A_825 = arith.mulf %get3A_824, %get3A_367 : vector<16xf32>
          %add3A_826 = arith.addf %add3A_819, %mul3A_825 : vector<16xf32>
          %get3A_827 = arith.index_cast %select_n3A_341 : i32 to index
          %get3A_828 = arith.index_cast %add3A_785 : i32 to index
          %get3A_829 = arith.constant 96 : index
          %get3A_830 = tpu.vector_load %arg9[%get3A_827, %get3A_828, %get3A_829] {strides = array<i32>} : memref<4x112x128xf32, #tpu.memory_space<vmem>>, vector<1x1x16xf32>,
          %get3A_831 = vector.shape_cast %get3A_830 : vector<1x1x16xf32> to vector<16xf32>
          %mul3A_832 = arith.mulf %get3A_831, %get3A_371 : vector<16xf32>
          %add3A_833 = arith.addf %add3A_826, %mul3A_832 : vector<16xf32>
          %get3A_834 = arith.index_cast %select_n3A_341 : i32 to index
          %get3A_835 = arith.index_cast %add3A_785 : i32 to index
          %get3A_836 = arith.constant 112 : index
          %get3A_837 = tpu.vector_load %arg9[%get3A_834, %get3A_835, %get3A_836] {strides = array<i32>} : memref<4x112x128xf32, #tpu.memory_space<vmem>>, vector<1x1x16xf32>,
          %get3A_838 = vector.shape_cast %get3A_837 : vector<1x1x16xf32> to vector<16xf32>
          %mul3A_839 = arith.mulf %get3A_838, %get3A_375 : vector<16xf32>
          %add3A_840 = arith.addf %add3A_833, %mul3A_839 : vector<16xf32>
          %broadcast_in_dim3A_841 = vector.shape_cast %xor3A_53 : vector<16xi32> to vector<16x1xi32>
          %gather3A_842 = vector.shape_cast %broadcast_in_dim3A_841 : vector<16x1xi32> to vector<16xi32>
          %gather3A_843 = tpu.dynamic_gather %add3A_840[%gather3A_842] in [0] : vector<16xf32>, vector<16xi32> -> vector<16xf32>
          %add3A_844 = arith.addf %add3A_840, %gather3A_843 : vector<16xf32>
          %broadcast_in_dim3A_845 = vector.shape_cast %xor3A_56 : vector<16xi32> to vector<16x1xi32>
          %gather3A_846 = vector.shape_cast %broadcast_in_dim3A_845 : vector<16x1xi32> to vector<16xi32>
          %gather3A_847 = tpu.dynamic_gather %add3A_844[%gather3A_846] in [0] : vector<16xf32>, vector<16xi32> -> vector<16xf32>
          %add3A_848 = arith.addf %add3A_844, %gather3A_847 : vector<16xf32>
          %broadcast_in_dim3A_849 = vector.shape_cast %xor3A_59 : vector<16xi32> to vector<16x1xi32>
          %gather3A_850 = vector.shape_cast %broadcast_in_dim3A_849 : vector<16x1xi32> to vector<16xi32>
          %gather3A_851 = tpu.dynamic_gather %add3A_848[%gather3A_850] in [0] : vector<16xf32>, vector<16xi32> -> vector<16xf32>
          %add3A_852 = arith.addf %add3A_848, %gather3A_851 : vector<16xf32>
          %broadcast_in_dim3A_853 = vector.shape_cast %xor3A_62 : vector<16xi32> to vector<16x1xi32>
          %gather3A_854 = vector.shape_cast %broadcast_in_dim3A_853 : vector<16x1xi32> to vector<16xi32>
          %gather3A_855 = tpu.dynamic_gather %add3A_852[%gather3A_854] in [0] : vector<16xf32>, vector<16xi32> -> vector<16xf32>
          %add3A_856 = arith.addf %add3A_852, %gather3A_855 : vector<16xf32>
          %select_n3A_857 = arith.select %eq3A_79, %add3A_856, %select_n3A_781 : vector<16xi1>, vector<16xf32>
          %mul3A_858 = arith.constant 16 : i32
          %mul3A_859 = arith.muli %scan3A_401, %mul3A_858 : i32
          %add3A_860 = arith.constant 6 : i32
          %add3A_861 = arith.addi %mul3A_859, %add3A_860 : i32
          %get3A_862 = arith.index_cast %select_n3A_341 : i32 to index
          %get3A_863 = arith.index_cast %add3A_861 : i32 to index
          %get3A_864 = arith.constant 0 : index
          %get3A_865 = tpu.vector_load %arg9[%get3A_862, %get3A_863, %get3A_864] {strides = array<i32>} : memref<4x112x128xf32, #tpu.memory_space<vmem>>, vector<1x1x16xf32>,
          %get3A_866 = vector.shape_cast %get3A_865 : vector<1x1x16xf32> to vector<16xf32>
          %mul3A_867 = arith.mulf %get3A_866, %get3A_347 : vector<16xf32>
          %get3A_868 = arith.index_cast %select_n3A_341 : i32 to index
          %get3A_869 = arith.index_cast %add3A_861 : i32 to index
          %get3A_870 = arith.constant 16 : index
          %get3A_871 = tpu.vector_load %arg9[%get3A_868, %get3A_869, %get3A_870] {strides = array<i32>} : memref<4x112x128xf32, #tpu.memory_space<vmem>>, vector<1x1x16xf32>,
          %get3A_872 = vector.shape_cast %get3A_871 : vector<1x1x16xf32> to vector<16xf32>
          %mul3A_873 = arith.mulf %get3A_872, %get3A_351 : vector<16xf32>
          %add3A_874 = arith.addf %mul3A_867, %mul3A_873 : vector<16xf32>
          %get3A_875 = arith.index_cast %select_n3A_341 : i32 to index
          %get3A_876 = arith.index_cast %add3A_861 : i32 to index
          %get3A_877 = arith.constant 32 : index
          %get3A_878 = tpu.vector_load %arg9[%get3A_875, %get3A_876, %get3A_877] {strides = array<i32>} : memref<4x112x128xf32, #tpu.memory_space<vmem>>, vector<1x1x16xf32>,
          %get3A_879 = vector.shape_cast %get3A_878 : vector<1x1x16xf32> to vector<16xf32>
          %mul3A_880 = arith.mulf %get3A_879, %get3A_355 : vector<16xf32>
          %add3A_881 = arith.addf %add3A_874, %mul3A_880 : vector<16xf32>
          %get3A_882 = arith.index_cast %select_n3A_341 : i32 to index
          %get3A_883 = arith.index_cast %add3A_861 : i32 to index
          %get3A_884 = arith.constant 48 : index
          %get3A_885 = tpu.vector_load %arg9[%get3A_882, %get3A_883, %get3A_884] {strides = array<i32>} : memref<4x112x128xf32, #tpu.memory_space<vmem>>, vector<1x1x16xf32>,
          %get3A_886 = vector.shape_cast %get3A_885 : vector<1x1x16xf32> to vector<16xf32>
          %mul3A_887 = arith.mulf %get3A_886, %get3A_359 : vector<16xf32>
          %add3A_888 = arith.addf %add3A_881, %mul3A_887 : vector<16xf32>
          %get3A_889 = arith.index_cast %select_n3A_341 : i32 to index
          %get3A_890 = arith.index_cast %add3A_861 : i32 to index
          %get3A_891 = arith.constant 64 : index
          %get3A_892 = tpu.vector_load %arg9[%get3A_889, %get3A_890, %get3A_891] {strides = array<i32>} : memref<4x112x128xf32, #tpu.memory_space<vmem>>, vector<1x1x16xf32>,
          %get3A_893 = vector.shape_cast %get3A_892 : vector<1x1x16xf32> to vector<16xf32>
          %mul3A_894 = arith.mulf %get3A_893, %get3A_363 : vector<16xf32>
          %add3A_895 = arith.addf %add3A_888, %mul3A_894 : vector<16xf32>
          %get3A_896 = arith.index_cast %select_n3A_341 : i32 to index
          %get3A_897 = arith.index_cast %add3A_861 : i32 to index
          %get3A_898 = arith.constant 80 : index
          %get3A_899 = tpu.vector_load %arg9[%get3A_896, %get3A_897, %get3A_898] {strides = array<i32>} : memref<4x112x128xf32, #tpu.memory_space<vmem>>, vector<1x1x16xf32>,
          %get3A_900 = vector.shape_cast %get3A_899 : vector<1x1x16xf32> to vector<16xf32>
          %mul3A_901 = arith.mulf %get3A_900, %get3A_367 : vector<16xf32>
          %add3A_902 = arith.addf %add3A_895, %mul3A_901 : vector<16xf32>
          %get3A_903 = arith.index_cast %select_n3A_341 : i32 to index
          %get3A_904 = arith.index_cast %add3A_861 : i32 to index
          %get3A_905 = arith.constant 96 : index
          %get3A_906 = tpu.vector_load %arg9[%get3A_903, %get3A_904, %get3A_905] {strides = array<i32>} : memref<4x112x128xf32, #tpu.memory_space<vmem>>, vector<1x1x16xf32>,
          %get3A_907 = vector.shape_cast %get3A_906 : vector<1x1x16xf32> to vector<16xf32>
          %mul3A_908 = arith.mulf %get3A_907, %get3A_371 : vector<16xf32>
          %add3A_909 = arith.addf %add3A_902, %mul3A_908 : vector<16xf32>
          %get3A_910 = arith.index_cast %select_n3A_341 : i32 to index
          %get3A_911 = arith.index_cast %add3A_861 : i32 to index
          %get3A_912 = arith.constant 112 : index
          %get3A_913 = tpu.vector_load %arg9[%get3A_910, %get3A_911, %get3A_912] {strides = array<i32>} : memref<4x112x128xf32, #tpu.memory_space<vmem>>, vector<1x1x16xf32>,
          %get3A_914 = vector.shape_cast %get3A_913 : vector<1x1x16xf32> to vector<16xf32>
          %mul3A_915 = arith.mulf %get3A_914, %get3A_375 : vector<16xf32>
          %add3A_916 = arith.addf %add3A_909, %mul3A_915 : vector<16xf32>
          %broadcast_in_dim3A_917 = vector.shape_cast %xor3A_53 : vector<16xi32> to vector<16x1xi32>
          %gather3A_918 = vector.shape_cast %broadcast_in_dim3A_917 : vector<16x1xi32> to vector<16xi32>
          %gather3A_919 = tpu.dynamic_gather %add3A_916[%gather3A_918] in [0] : vector<16xf32>, vector<16xi32> -> vector<16xf32>
          %add3A_920 = arith.addf %add3A_916, %gather3A_919 : vector<16xf32>
          %broadcast_in_dim3A_921 = vector.shape_cast %xor3A_56 : vector<16xi32> to vector<16x1xi32>
          %gather3A_922 = vector.shape_cast %broadcast_in_dim3A_921 : vector<16x1xi32> to vector<16xi32>
          %gather3A_923 = tpu.dynamic_gather %add3A_920[%gather3A_922] in [0] : vector<16xf32>, vector<16xi32> -> vector<16xf32>
          %add3A_924 = arith.addf %add3A_920, %gather3A_923 : vector<16xf32>
          %broadcast_in_dim3A_925 = vector.shape_cast %xor3A_59 : vector<16xi32> to vector<16x1xi32>
          %gather3A_926 = vector.shape_cast %broadcast_in_dim3A_925 : vector<16x1xi32> to vector<16xi32>
          %gather3A_927 = tpu.dynamic_gather %add3A_924[%gather3A_926] in [0] : vector<16xf32>, vector<16xi32> -> vector<16xf32>
          %add3A_928 = arith.addf %add3A_924, %gather3A_927 : vector<16xf32>
          %broadcast_in_dim3A_929 = vector.shape_cast %xor3A_62 : vector<16xi32> to vector<16x1xi32>
          %gather3A_930 = vector.shape_cast %broadcast_in_dim3A_929 : vector<16x1xi32> to vector<16xi32>
          %gather3A_931 = tpu.dynamic_gather %add3A_928[%gather3A_930] in [0] : vector<16xf32>, vector<16xi32> -> vector<16xf32>
          %add3A_932 = arith.addf %add3A_928, %gather3A_931 : vector<16xf32>
          %select_n3A_933 = arith.select %eq3A_82, %add3A_932, %select_n3A_857 : vector<16xi1>, vector<16xf32>
          %mul3A_934 = arith.constant 16 : i32
          %mul3A_935 = arith.muli %scan3A_401, %mul3A_934 : i32
          %add3A_936 = arith.constant 7 : i32
          %add3A_937 = arith.addi %mul3A_935, %add3A_936 : i32
          %get3A_938 = arith.index_cast %select_n3A_341 : i32 to index
          %get3A_939 = arith.index_cast %add3A_937 : i32 to index
          %get3A_940 = arith.constant 0 : index
          %get3A_941 = tpu.vector_load %arg9[%get3A_938, %get3A_939, %get3A_940] {strides = array<i32>} : memref<4x112x128xf32, #tpu.memory_space<vmem>>, vector<1x1x16xf32>,
          %get3A_942 = vector.shape_cast %get3A_941 : vector<1x1x16xf32> to vector<16xf32>
          %mul3A_943 = arith.mulf %get3A_942, %get3A_347 : vector<16xf32>
          %get3A_944 = arith.index_cast %select_n3A_341 : i32 to index
          %get3A_945 = arith.index_cast %add3A_937 : i32 to index
          %get3A_946 = arith.constant 16 : index
          %get3A_947 = tpu.vector_load %arg9[%get3A_944, %get3A_945, %get3A_946] {strides = array<i32>} : memref<4x112x128xf32, #tpu.memory_space<vmem>>, vector<1x1x16xf32>,
          %get3A_948 = vector.shape_cast %get3A_947 : vector<1x1x16xf32> to vector<16xf32>
          %mul3A_949 = arith.mulf %get3A_948, %get3A_351 : vector<16xf32>
          %add3A_950 = arith.addf %mul3A_943, %mul3A_949 : vector<16xf32>
          %get3A_951 = arith.index_cast %select_n3A_341 : i32 to index
          %get3A_952 = arith.index_cast %add3A_937 : i32 to index
          %get3A_953 = arith.constant 32 : index
          %get3A_954 = tpu.vector_load %arg9[%get3A_951, %get3A_952, %get3A_953] {strides = array<i32>} : memref<4x112x128xf32, #tpu.memory_space<vmem>>, vector<1x1x16xf32>,
          %get3A_955 = vector.shape_cast %get3A_954 : vector<1x1x16xf32> to vector<16xf32>
          %mul3A_956 = arith.mulf %get3A_955, %get3A_355 : vector<16xf32>
          %add3A_957 = arith.addf %add3A_950, %mul3A_956 : vector<16xf32>
          %get3A_958 = arith.index_cast %select_n3A_341 : i32 to index
          %get3A_959 = arith.index_cast %add3A_937 : i32 to index
          %get3A_960 = arith.constant 48 : index
          %get3A_961 = tpu.vector_load %arg9[%get3A_958, %get3A_959, %get3A_960] {strides = array<i32>} : memref<4x112x128xf32, #tpu.memory_space<vmem>>, vector<1x1x16xf32>,
          %get3A_962 = vector.shape_cast %get3A_961 : vector<1x1x16xf32> to vector<16xf32>
          %mul3A_963 = arith.mulf %get3A_962, %get3A_359 : vector<16xf32>
          %add3A_964 = arith.addf %add3A_957, %mul3A_963 : vector<16xf32>
          %get3A_965 = arith.index_cast %select_n3A_341 : i32 to index
          %get3A_966 = arith.index_cast %add3A_937 : i32 to index
          %get3A_967 = arith.constant 64 : index
          %get3A_968 = tpu.vector_load %arg9[%get3A_965, %get3A_966, %get3A_967] {strides = array<i32>} : memref<4x112x128xf32, #tpu.memory_space<vmem>>, vector<1x1x16xf32>,
          %get3A_969 = vector.shape_cast %get3A_968 : vector<1x1x16xf32> to vector<16xf32>
          %mul3A_970 = arith.mulf %get3A_969, %get3A_363 : vector<16xf32>
          %add3A_971 = arith.addf %add3A_964, %mul3A_970 : vector<16xf32>
          %get3A_972 = arith.index_cast %select_n3A_341 : i32 to index
          %get3A_973 = arith.index_cast %add3A_937 : i32 to index
          %get3A_974 = arith.constant 80 : index
          %get3A_975 = tpu.vector_load %arg9[%get3A_972, %get3A_973, %get3A_974] {strides = array<i32>} : memref<4x112x128xf32, #tpu.memory_space<vmem>>, vector<1x1x16xf32>,
          %get3A_976 = vector.shape_cast %get3A_975 : vector<1x1x16xf32> to vector<16xf32>
          %mul3A_977 = arith.mulf %get3A_976, %get3A_367 : vector<16xf32>
          %add3A_978 = arith.addf %add3A_971, %mul3A_977 : vector<16xf32>
          %get3A_979 = arith.index_cast %select_n3A_341 : i32 to index
          %get3A_980 = arith.index_cast %add3A_937 : i32 to index
          %get3A_981 = arith.constant 96 : index
          %get3A_982 = tpu.vector_load %arg9[%get3A_979, %get3A_980, %get3A_981] {strides = array<i32>} : memref<4x112x128xf32, #tpu.memory_space<vmem>>, vector<1x1x16xf32>,
          %get3A_983 = vector.shape_cast %get3A_982 : vector<1x1x16xf32> to vector<16xf32>
          %mul3A_984 = arith.mulf %get3A_983, %get3A_371 : vector<16xf32>
          %add3A_985 = arith.addf %add3A_978, %mul3A_984 : vector<16xf32>
          %get3A_986 = arith.index_cast %select_n3A_341 : i32 to index
          %get3A_987 = arith.index_cast %add3A_937 : i32 to index
          %get3A_988 = arith.constant 112 : index
          %get3A_989 = tpu.vector_load %arg9[%get3A_986, %get3A_987, %get3A_988] {strides = array<i32>} : memref<4x112x128xf32, #tpu.memory_space<vmem>>, vector<1x1x16xf32>,
          %get3A_990 = vector.shape_cast %get3A_989 : vector<1x1x16xf32> to vector<16xf32>
          %mul3A_991 = arith.mulf %get3A_990, %get3A_375 : vector<16xf32>
          %add3A_992 = arith.addf %add3A_985, %mul3A_991 : vector<16xf32>
          %broadcast_in_dim3A_993 = vector.shape_cast %xor3A_53 : vector<16xi32> to vector<16x1xi32>
          %gather3A_994 = vector.shape_cast %broadcast_in_dim3A_993 : vector<16x1xi32> to vector<16xi32>
          %gather3A_995 = tpu.dynamic_gather %add3A_992[%gather3A_994] in [0] : vector<16xf32>, vector<16xi32> -> vector<16xf32>
          %add3A_996 = arith.addf %add3A_992, %gather3A_995 : vector<16xf32>
          %broadcast_in_dim3A_997 = vector.shape_cast %xor3A_56 : vector<16xi32> to vector<16x1xi32>
          %gather3A_998 = vector.shape_cast %broadcast_in_dim3A_997 : vector<16x1xi32> to vector<16xi32>
          %gather3A_999 = tpu.dynamic_gather %add3A_996[%gather3A_998] in [0] : vector<16xf32>, vector<16xi32> -> vector<16xf32>
          %add3A_1000 = arith.addf %add3A_996, %gather3A_999 : vector<16xf32>
          %broadcast_in_dim3A_1001 = vector.shape_cast %xor3A_59 : vector<16xi32> to vector<16x1xi32>
          %gather3A_1002 = vector.shape_cast %broadcast_in_dim3A_1001 : vector<16x1xi32> to vector<16xi32>
          %gather3A_1003 = tpu.dynamic_gather %add3A_1000[%gather3A_1002] in [0] : vector<16xf32>, vector<16xi32> -> vector<16xf32>
          %add3A_1004 = arith.addf %add3A_1000, %gather3A_1003 : vector<16xf32>
          %broadcast_in_dim3A_1005 = vector.shape_cast %xor3A_62 : vector<16xi32> to vector<16x1xi32>
          %gather3A_1006 = vector.shape_cast %broadcast_in_dim3A_1005 : vector<16x1xi32> to vector<16xi32>
          %gather3A_1007 = tpu.dynamic_gather %add3A_1004[%gather3A_1006] in [0] : vector<16xf32>, vector<16xi32> -> vector<16xf32>
          %add3A_1008 = arith.addf %add3A_1004, %gather3A_1007 : vector<16xf32>
          %select_n3A_1009 = arith.select %eq3A_85, %add3A_1008, %select_n3A_933 : vector<16xi1>, vector<16xf32>
          %mul3A_1010 = arith.constant 16 : i32
          %mul3A_1011 = arith.muli %scan3A_401, %mul3A_1010 : i32
          %add3A_1012 = arith.constant 8 : i32
          %add3A_1013 = arith.addi %mul3A_1011, %add3A_1012 : i32
          %get3A_1014 = arith.index_cast %select_n3A_341 : i32 to index
          %get3A_1015 = arith.index_cast %add3A_1013 : i32 to index
          %get3A_1016 = arith.constant 0 : index
          %get3A_1017 = tpu.vector_load %arg9[%get3A_1014, %get3A_1015, %get3A_1016] {strides = array<i32>} : memref<4x112x128xf32, #tpu.memory_space<vmem>>, vector<1x1x16xf32>,
          %get3A_1018 = vector.shape_cast %get3A_1017 : vector<1x1x16xf32> to vector<16xf32>
          %mul3A_1019 = arith.mulf %get3A_1018, %get3A_347 : vector<16xf32>
          %get3A_1020 = arith.index_cast %select_n3A_341 : i32 to index
          %get3A_1021 = arith.index_cast %add3A_1013 : i32 to index
          %get3A_1022 = arith.constant 16 : index
          %get3A_1023 = tpu.vector_load %arg9[%get3A_1020, %get3A_1021, %get3A_1022] {strides = array<i32>} : memref<4x112x128xf32, #tpu.memory_space<vmem>>, vector<1x1x16xf32>,
          %get3A_1024 = vector.shape_cast %get3A_1023 : vector<1x1x16xf32> to vector<16xf32>
          %mul3A_1025 = arith.mulf %get3A_1024, %get3A_351 : vector<16xf32>
          %add3A_1026 = arith.addf %mul3A_1019, %mul3A_1025 : vector<16xf32>
          %get3A_1027 = arith.index_cast %select_n3A_341 : i32 to index
          %get3A_1028 = arith.index_cast %add3A_1013 : i32 to index
          %get3A_1029 = arith.constant 32 : index
          %get3A_1030 = tpu.vector_load %arg9[%get3A_1027, %get3A_1028, %get3A_1029] {strides = array<i32>} : memref<4x112x128xf32, #tpu.memory_space<vmem>>, vector<1x1x16xf32>,
          %get3A_1031 = vector.shape_cast %get3A_1030 : vector<1x1x16xf32> to vector<16xf32>
          %mul3A_1032 = arith.mulf %get3A_1031, %get3A_355 : vector<16xf32>
          %add3A_1033 = arith.addf %add3A_1026, %mul3A_1032 : vector<16xf32>
          %get3A_1034 = arith.index_cast %select_n3A_341 : i32 to index
          %get3A_1035 = arith.index_cast %add3A_1013 : i32 to index
          %get3A_1036 = arith.constant 48 : index
          %get3A_1037 = tpu.vector_load %arg9[%get3A_1034, %get3A_1035, %get3A_1036] {strides = array<i32>} : memref<4x112x128xf32, #tpu.memory_space<vmem>>, vector<1x1x16xf32>,
          %get3A_1038 = vector.shape_cast %get3A_1037 : vector<1x1x16xf32> to vector<16xf32>
          %mul3A_1039 = arith.mulf %get3A_1038, %get3A_359 : vector<16xf32>
          %add3A_1040 = arith.addf %add3A_1033, %mul3A_1039 : vector<16xf32>
          %get3A_1041 = arith.index_cast %select_n3A_341 : i32 to index
          %get3A_1042 = arith.index_cast %add3A_1013 : i32 to index
          %get3A_1043 = arith.constant 64 : index
          %get3A_1044 = tpu.vector_load %arg9[%get3A_1041, %get3A_1042, %get3A_1043] {strides = array<i32>} : memref<4x112x128xf32, #tpu.memory_space<vmem>>, vector<1x1x16xf32>,
          %get3A_1045 = vector.shape_cast %get3A_1044 : vector<1x1x16xf32> to vector<16xf32>
          %mul3A_1046 = arith.mulf %get3A_1045, %get3A_363 : vector<16xf32>
          %add3A_1047 = arith.addf %add3A_1040, %mul3A_1046 : vector<16xf32>
          %get3A_1048 = arith.index_cast %select_n3A_341 : i32 to index
          %get3A_1049 = arith.index_cast %add3A_1013 : i32 to index
          %get3A_1050 = arith.constant 80 : index
          %get3A_1051 = tpu.vector_load %arg9[%get3A_1048, %get3A_1049, %get3A_1050] {strides = array<i32>} : memref<4x112x128xf32, #tpu.memory_space<vmem>>, vector<1x1x16xf32>,
          %get3A_1052 = vector.shape_cast %get3A_1051 : vector<1x1x16xf32> to vector<16xf32>
          %mul3A_1053 = arith.mulf %get3A_1052, %get3A_367 : vector<16xf32>
          %add3A_1054 = arith.addf %add3A_1047, %mul3A_1053 : vector<16xf32>
          %get3A_1055 = arith.index_cast %select_n3A_341 : i32 to index
          %get3A_1056 = arith.index_cast %add3A_1013 : i32 to index
          %get3A_1057 = arith.constant 96 : index
          %get3A_1058 = tpu.vector_load %arg9[%get3A_1055, %get3A_1056, %get3A_1057] {strides = array<i32>} : memref<4x112x128xf32, #tpu.memory_space<vmem>>, vector<1x1x16xf32>,
          %get3A_1059 = vector.shape_cast %get3A_1058 : vector<1x1x16xf32> to vector<16xf32>
          %mul3A_1060 = arith.mulf %get3A_1059, %get3A_371 : vector<16xf32>
          %add3A_1061 = arith.addf %add3A_1054, %mul3A_1060 : vector<16xf32>
          %get3A_1062 = arith.index_cast %select_n3A_341 : i32 to index
          %get3A_1063 = arith.index_cast %add3A_1013 : i32 to index
          %get3A_1064 = arith.constant 112 : index
          %get3A_1065 = tpu.vector_load %arg9[%get3A_1062, %get3A_1063, %get3A_1064] {strides = array<i32>} : memref<4x112x128xf32, #tpu.memory_space<vmem>>, vector<1x1x16xf32>,
          %get3A_1066 = vector.shape_cast %get3A_1065 : vector<1x1x16xf32> to vector<16xf32>
          %mul3A_1067 = arith.mulf %get3A_1066, %get3A_375 : vector<16xf32>
          %add3A_1068 = arith.addf %add3A_1061, %mul3A_1067 : vector<16xf32>
          %broadcast_in_dim3A_1069 = vector.shape_cast %xor3A_53 : vector<16xi32> to vector<16x1xi32>
          %gather3A_1070 = vector.shape_cast %broadcast_in_dim3A_1069 : vector<16x1xi32> to vector<16xi32>
          %gather3A_1071 = tpu.dynamic_gather %add3A_1068[%gather3A_1070] in [0] : vector<16xf32>, vector<16xi32> -> vector<16xf32>
          %add3A_1072 = arith.addf %add3A_1068, %gather3A_1071 : vector<16xf32>
          %broadcast_in_dim3A_1073 = vector.shape_cast %xor3A_56 : vector<16xi32> to vector<16x1xi32>
          %gather3A_1074 = vector.shape_cast %broadcast_in_dim3A_1073 : vector<16x1xi32> to vector<16xi32>
          %gather3A_1075 = tpu.dynamic_gather %add3A_1072[%gather3A_1074] in [0] : vector<16xf32>, vector<16xi32> -> vector<16xf32>
          %add3A_1076 = arith.addf %add3A_1072, %gather3A_1075 : vector<16xf32>
          %broadcast_in_dim3A_1077 = vector.shape_cast %xor3A_59 : vector<16xi32> to vector<16x1xi32>
          %gather3A_1078 = vector.shape_cast %broadcast_in_dim3A_1077 : vector<16x1xi32> to vector<16xi32>
          %gather3A_1079 = tpu.dynamic_gather %add3A_1076[%gather3A_1078] in [0] : vector<16xf32>, vector<16xi32> -> vector<16xf32>
          %add3A_1080 = arith.addf %add3A_1076, %gather3A_1079 : vector<16xf32>
          %broadcast_in_dim3A_1081 = vector.shape_cast %xor3A_62 : vector<16xi32> to vector<16x1xi32>
          %gather3A_1082 = vector.shape_cast %broadcast_in_dim3A_1081 : vector<16x1xi32> to vector<16xi32>
          %gather3A_1083 = tpu.dynamic_gather %add3A_1080[%gather3A_1082] in [0] : vector<16xf32>, vector<16xi32> -> vector<16xf32>
          %add3A_1084 = arith.addf %add3A_1080, %gather3A_1083 : vector<16xf32>
          %select_n3A_1085 = arith.select %eq3A_88, %add3A_1084, %select_n3A_1009 : vector<16xi1>, vector<16xf32>
          %mul3A_1086 = arith.constant 16 : i32
          %mul3A_1087 = arith.muli %scan3A_401, %mul3A_1086 : i32
          %add3A_1088 = arith.constant 9 : i32
          %add3A_1089 = arith.addi %mul3A_1087, %add3A_1088 : i32
          %get3A_1090 = arith.index_cast %select_n3A_341 : i32 to index
          %get3A_1091 = arith.index_cast %add3A_1089 : i32 to index
          %get3A_1092 = arith.constant 0 : index
          %get3A_1093 = tpu.vector_load %arg9[%get3A_1090, %get3A_1091, %get3A_1092] {strides = array<i32>} : memref<4x112x128xf32, #tpu.memory_space<vmem>>, vector<1x1x16xf32>,
          %get3A_1094 = vector.shape_cast %get3A_1093 : vector<1x1x16xf32> to vector<16xf32>
          %mul3A_1095 = arith.mulf %get3A_1094, %get3A_347 : vector<16xf32>
          %get3A_1096 = arith.index_cast %select_n3A_341 : i32 to index
          %get3A_1097 = arith.index_cast %add3A_1089 : i32 to index
          %get3A_1098 = arith.constant 16 : index
          %get3A_1099 = tpu.vector_load %arg9[%get3A_1096, %get3A_1097, %get3A_1098] {strides = array<i32>} : memref<4x112x128xf32, #tpu.memory_space<vmem>>, vector<1x1x16xf32>,
          %get3A_1100 = vector.shape_cast %get3A_1099 : vector<1x1x16xf32> to vector<16xf32>
          %mul3A_1101 = arith.mulf %get3A_1100, %get3A_351 : vector<16xf32>
          %add3A_1102 = arith.addf %mul3A_1095, %mul3A_1101 : vector<16xf32>
          %get3A_1103 = arith.index_cast %select_n3A_341 : i32 to index
          %get3A_1104 = arith.index_cast %add3A_1089 : i32 to index
          %get3A_1105 = arith.constant 32 : index
          %get3A_1106 = tpu.vector_load %arg9[%get3A_1103, %get3A_1104, %get3A_1105] {strides = array<i32>} : memref<4x112x128xf32, #tpu.memory_space<vmem>>, vector<1x1x16xf32>,
          %get3A_1107 = vector.shape_cast %get3A_1106 : vector<1x1x16xf32> to vector<16xf32>
          %mul3A_1108 = arith.mulf %get3A_1107, %get3A_355 : vector<16xf32>
          %add3A_1109 = arith.addf %add3A_1102, %mul3A_1108 : vector<16xf32>
          %get3A_1110 = arith.index_cast %select_n3A_341 : i32 to index
          %get3A_1111 = arith.index_cast %add3A_1089 : i32 to index
          %get3A_1112 = arith.constant 48 : index
          %get3A_1113 = tpu.vector_load %arg9[%get3A_1110, %get3A_1111, %get3A_1112] {strides = array<i32>} : memref<4x112x128xf32, #tpu.memory_space<vmem>>, vector<1x1x16xf32>,
          %get3A_1114 = vector.shape_cast %get3A_1113 : vector<1x1x16xf32> to vector<16xf32>
          %mul3A_1115 = arith.mulf %get3A_1114, %get3A_359 : vector<16xf32>
          %add3A_1116 = arith.addf %add3A_1109, %mul3A_1115 : vector<16xf32>
          %get3A_1117 = arith.index_cast %select_n3A_341 : i32 to index
          %get3A_1118 = arith.index_cast %add3A_1089 : i32 to index
          %get3A_1119 = arith.constant 64 : index
          %get3A_1120 = tpu.vector_load %arg9[%get3A_1117, %get3A_1118, %get3A_1119] {strides = array<i32>} : memref<4x112x128xf32, #tpu.memory_space<vmem>>, vector<1x1x16xf32>,
          %get3A_1121 = vector.shape_cast %get3A_1120 : vector<1x1x16xf32> to vector<16xf32>
          %mul3A_1122 = arith.mulf %get3A_1121, %get3A_363 : vector<16xf32>
          %add3A_1123 = arith.addf %add3A_1116, %mul3A_1122 : vector<16xf32>
          %get3A_1124 = arith.index_cast %select_n3A_341 : i32 to index
          %get3A_1125 = arith.index_cast %add3A_1089 : i32 to index
          %get3A_1126 = arith.constant 80 : index
          %get3A_1127 = tpu.vector_load %arg9[%get3A_1124, %get3A_1125, %get3A_1126] {strides = array<i32>} : memref<4x112x128xf32, #tpu.memory_space<vmem>>, vector<1x1x16xf32>,
          %get3A_1128 = vector.shape_cast %get3A_1127 : vector<1x1x16xf32> to vector<16xf32>
          %mul3A_1129 = arith.mulf %get3A_1128, %get3A_367 : vector<16xf32>
          %add3A_1130 = arith.addf %add3A_1123, %mul3A_1129 : vector<16xf32>
          %get3A_1131 = arith.index_cast %select_n3A_341 : i32 to index
          %get3A_1132 = arith.index_cast %add3A_1089 : i32 to index
          %get3A_1133 = arith.constant 96 : index
          %get3A_1134 = tpu.vector_load %arg9[%get3A_1131, %get3A_1132, %get3A_1133] {strides = array<i32>} : memref<4x112x128xf32, #tpu.memory_space<vmem>>, vector<1x1x16xf32>,
          %get3A_1135 = vector.shape_cast %get3A_1134 : vector<1x1x16xf32> to vector<16xf32>
          %mul3A_1136 = arith.mulf %get3A_1135, %get3A_371 : vector<16xf32>
          %add3A_1137 = arith.addf %add3A_1130, %mul3A_1136 : vector<16xf32>
          %get3A_1138 = arith.index_cast %select_n3A_341 : i32 to index
          %get3A_1139 = arith.index_cast %add3A_1089 : i32 to index
          %get3A_1140 = arith.constant 112 : index
          %get3A_1141 = tpu.vector_load %arg9[%get3A_1138, %get3A_1139, %get3A_1140] {strides = array<i32>} : memref<4x112x128xf32, #tpu.memory_space<vmem>>, vector<1x1x16xf32>,
          %get3A_1142 = vector.shape_cast %get3A_1141 : vector<1x1x16xf32> to vector<16xf32>
          %mul3A_1143 = arith.mulf %get3A_1142, %get3A_375 : vector<16xf32>
          %add3A_1144 = arith.addf %add3A_1137, %mul3A_1143 : vector<16xf32>
          %broadcast_in_dim3A_1145 = vector.shape_cast %xor3A_53 : vector<16xi32> to vector<16x1xi32>
          %gather3A_1146 = vector.shape_cast %broadcast_in_dim3A_1145 : vector<16x1xi32> to vector<16xi32>
          %gather3A_1147 = tpu.dynamic_gather %add3A_1144[%gather3A_1146] in [0] : vector<16xf32>, vector<16xi32> -> vector<16xf32>
          %add3A_1148 = arith.addf %add3A_1144, %gather3A_1147 : vector<16xf32>
          %broadcast_in_dim3A_1149 = vector.shape_cast %xor3A_56 : vector<16xi32> to vector<16x1xi32>
          %gather3A_1150 = vector.shape_cast %broadcast_in_dim3A_1149 : vector<16x1xi32> to vector<16xi32>
          %gather3A_1151 = tpu.dynamic_gather %add3A_1148[%gather3A_1150] in [0] : vector<16xf32>, vector<16xi32> -> vector<16xf32>
          %add3A_1152 = arith.addf %add3A_1148, %gather3A_1151 : vector<16xf32>
          %broadcast_in_dim3A_1153 = vector.shape_cast %xor3A_59 : vector<16xi32> to vector<16x1xi32>
          %gather3A_1154 = vector.shape_cast %broadcast_in_dim3A_1153 : vector<16x1xi32> to vector<16xi32>
          %gather3A_1155 = tpu.dynamic_gather %add3A_1152[%gather3A_1154] in [0] : vector<16xf32>, vector<16xi32> -> vector<16xf32>
          %add3A_1156 = arith.addf %add3A_1152, %gather3A_1155 : vector<16xf32>
          %broadcast_in_dim3A_1157 = vector.shape_cast %xor3A_62 : vector<16xi32> to vector<16x1xi32>
          %gather3A_1158 = vector.shape_cast %broadcast_in_dim3A_1157 : vector<16x1xi32> to vector<16xi32>
          %gather3A_1159 = tpu.dynamic_gather %add3A_1156[%gather3A_1158] in [0] : vector<16xf32>, vector<16xi32> -> vector<16xf32>
          %add3A_1160 = arith.addf %add3A_1156, %gather3A_1159 : vector<16xf32>
          %select_n3A_1161 = arith.select %eq3A_91, %add3A_1160, %select_n3A_1085 : vector<16xi1>, vector<16xf32>
          %mul3A_1162 = arith.constant 16 : i32
          %mul3A_1163 = arith.muli %scan3A_401, %mul3A_1162 : i32
          %add3A_1164 = arith.constant 10 : i32
          %add3A_1165 = arith.addi %mul3A_1163, %add3A_1164 : i32
          %get3A_1166 = arith.index_cast %select_n3A_341 : i32 to index
          %get3A_1167 = arith.index_cast %add3A_1165 : i32 to index
          %get3A_1168 = arith.constant 0 : index
          %get3A_1169 = tpu.vector_load %arg9[%get3A_1166, %get3A_1167, %get3A_1168] {strides = array<i32>} : memref<4x112x128xf32, #tpu.memory_space<vmem>>, vector<1x1x16xf32>,
          %get3A_1170 = vector.shape_cast %get3A_1169 : vector<1x1x16xf32> to vector<16xf32>
          %mul3A_1171 = arith.mulf %get3A_1170, %get3A_347 : vector<16xf32>
          %get3A_1172 = arith.index_cast %select_n3A_341 : i32 to index
          %get3A_1173 = arith.index_cast %add3A_1165 : i32 to index
          %get3A_1174 = arith.constant 16 : index
          %get3A_1175 = tpu.vector_load %arg9[%get3A_1172, %get3A_1173, %get3A_1174] {strides = array<i32>} : memref<4x112x128xf32, #tpu.memory_space<vmem>>, vector<1x1x16xf32>,
          %get3A_1176 = vector.shape_cast %get3A_1175 : vector<1x1x16xf32> to vector<16xf32>
          %mul3A_1177 = arith.mulf %get3A_1176, %get3A_351 : vector<16xf32>
          %add3A_1178 = arith.addf %mul3A_1171, %mul3A_1177 : vector<16xf32>
          %get3A_1179 = arith.index_cast %select_n3A_341 : i32 to index
          %get3A_1180 = arith.index_cast %add3A_1165 : i32 to index
          %get3A_1181 = arith.constant 32 : index
          %get3A_1182 = tpu.vector_load %arg9[%get3A_1179, %get3A_1180, %get3A_1181] {strides = array<i32>} : memref<4x112x128xf32, #tpu.memory_space<vmem>>, vector<1x1x16xf32>,
          %get3A_1183 = vector.shape_cast %get3A_1182 : vector<1x1x16xf32> to vector<16xf32>
          %mul3A_1184 = arith.mulf %get3A_1183, %get3A_355 : vector<16xf32>
          %add3A_1185 = arith.addf %add3A_1178, %mul3A_1184 : vector<16xf32>
          %get3A_1186 = arith.index_cast %select_n3A_341 : i32 to index
          %get3A_1187 = arith.index_cast %add3A_1165 : i32 to index
          %get3A_1188 = arith.constant 48 : index
          %get3A_1189 = tpu.vector_load %arg9[%get3A_1186, %get3A_1187, %get3A_1188] {strides = array<i32>} : memref<4x112x128xf32, #tpu.memory_space<vmem>>, vector<1x1x16xf32>,
          %get3A_1190 = vector.shape_cast %get3A_1189 : vector<1x1x16xf32> to vector<16xf32>
          %mul3A_1191 = arith.mulf %get3A_1190, %get3A_359 : vector<16xf32>
          %add3A_1192 = arith.addf %add3A_1185, %mul3A_1191 : vector<16xf32>
          %get3A_1193 = arith.index_cast %select_n3A_341 : i32 to index
          %get3A_1194 = arith.index_cast %add3A_1165 : i32 to index
          %get3A_1195 = arith.constant 64 : index
          %get3A_1196 = tpu.vector_load %arg9[%get3A_1193, %get3A_1194, %get3A_1195] {strides = array<i32>} : memref<4x112x128xf32, #tpu.memory_space<vmem>>, vector<1x1x16xf32>,
          %get3A_1197 = vector.shape_cast %get3A_1196 : vector<1x1x16xf32> to vector<16xf32>
          %mul3A_1198 = arith.mulf %get3A_1197, %get3A_363 : vector<16xf32>
          %add3A_1199 = arith.addf %add3A_1192, %mul3A_1198 : vector<16xf32>
          %get3A_1200 = arith.index_cast %select_n3A_341 : i32 to index
          %get3A_1201 = arith.index_cast %add3A_1165 : i32 to index
          %get3A_1202 = arith.constant 80 : index
          %get3A_1203 = tpu.vector_load %arg9[%get3A_1200, %get3A_1201, %get3A_1202] {strides = array<i32>} : memref<4x112x128xf32, #tpu.memory_space<vmem>>, vector<1x1x16xf32>,
          %get3A_1204 = vector.shape_cast %get3A_1203 : vector<1x1x16xf32> to vector<16xf32>
          %mul3A_1205 = arith.mulf %get3A_1204, %get3A_367 : vector<16xf32>
          %add3A_1206 = arith.addf %add3A_1199, %mul3A_1205 : vector<16xf32>
          %get3A_1207 = arith.index_cast %select_n3A_341 : i32 to index
          %get3A_1208 = arith.index_cast %add3A_1165 : i32 to index
          %get3A_1209 = arith.constant 96 : index
          %get3A_1210 = tpu.vector_load %arg9[%get3A_1207, %get3A_1208, %get3A_1209] {strides = array<i32>} : memref<4x112x128xf32, #tpu.memory_space<vmem>>, vector<1x1x16xf32>,
          %get3A_1211 = vector.shape_cast %get3A_1210 : vector<1x1x16xf32> to vector<16xf32>
          %mul3A_1212 = arith.mulf %get3A_1211, %get3A_371 : vector<16xf32>
          %add3A_1213 = arith.addf %add3A_1206, %mul3A_1212 : vector<16xf32>
          %get3A_1214 = arith.index_cast %select_n3A_341 : i32 to index
          %get3A_1215 = arith.index_cast %add3A_1165 : i32 to index
          %get3A_1216 = arith.constant 112 : index
          %get3A_1217 = tpu.vector_load %arg9[%get3A_1214, %get3A_1215, %get3A_1216] {strides = array<i32>} : memref<4x112x128xf32, #tpu.memory_space<vmem>>, vector<1x1x16xf32>,
          %get3A_1218 = vector.shape_cast %get3A_1217 : vector<1x1x16xf32> to vector<16xf32>
          %mul3A_1219 = arith.mulf %get3A_1218, %get3A_375 : vector<16xf32>
          %add3A_1220 = arith.addf %add3A_1213, %mul3A_1219 : vector<16xf32>
          %broadcast_in_dim3A_1221 = vector.shape_cast %xor3A_53 : vector<16xi32> to vector<16x1xi32>
          %gather3A_1222 = vector.shape_cast %broadcast_in_dim3A_1221 : vector<16x1xi32> to vector<16xi32>
          %gather3A_1223 = tpu.dynamic_gather %add3A_1220[%gather3A_1222] in [0] : vector<16xf32>, vector<16xi32> -> vector<16xf32>
          %add3A_1224 = arith.addf %add3A_1220, %gather3A_1223 : vector<16xf32>
          %broadcast_in_dim3A_1225 = vector.shape_cast %xor3A_56 : vector<16xi32> to vector<16x1xi32>
          %gather3A_1226 = vector.shape_cast %broadcast_in_dim3A_1225 : vector<16x1xi32> to vector<16xi32>
          %gather3A_1227 = tpu.dynamic_gather %add3A_1224[%gather3A_1226] in [0] : vector<16xf32>, vector<16xi32> -> vector<16xf32>
          %add3A_1228 = arith.addf %add3A_1224, %gather3A_1227 : vector<16xf32>
          %broadcast_in_dim3A_1229 = vector.shape_cast %xor3A_59 : vector<16xi32> to vector<16x1xi32>
          %gather3A_1230 = vector.shape_cast %broadcast_in_dim3A_1229 : vector<16x1xi32> to vector<16xi32>
          %gather3A_1231 = tpu.dynamic_gather %add3A_1228[%gather3A_1230] in [0] : vector<16xf32>, vector<16xi32> -> vector<16xf32>
          %add3A_1232 = arith.addf %add3A_1228, %gather3A_1231 : vector<16xf32>
          %broadcast_in_dim3A_1233 = vector.shape_cast %xor3A_62 : vector<16xi32> to vector<16x1xi32>
          %gather3A_1234 = vector.shape_cast %broadcast_in_dim3A_1233 : vector<16x1xi32> to vector<16xi32>
          %gather3A_1235 = tpu.dynamic_gather %add3A_1232[%gather3A_1234] in [0] : vector<16xf32>, vector<16xi32> -> vector<16xf32>
          %add3A_1236 = arith.addf %add3A_1232, %gather3A_1235 : vector<16xf32>
          %select_n3A_1237 = arith.select %eq3A_94, %add3A_1236, %select_n3A_1161 : vector<16xi1>, vector<16xf32>
          %mul3A_1238 = arith.constant 16 : i32
          %mul3A_1239 = arith.muli %scan3A_401, %mul3A_1238 : i32
          %add3A_1240 = arith.constant 11 : i32
          %add3A_1241 = arith.addi %mul3A_1239, %add3A_1240 : i32
          %get3A_1242 = arith.index_cast %select_n3A_341 : i32 to index
          %get3A_1243 = arith.index_cast %add3A_1241 : i32 to index
          %get3A_1244 = arith.constant 0 : index
          %get3A_1245 = tpu.vector_load %arg9[%get3A_1242, %get3A_1243, %get3A_1244] {strides = array<i32>} : memref<4x112x128xf32, #tpu.memory_space<vmem>>, vector<1x1x16xf32>,
          %get3A_1246 = vector.shape_cast %get3A_1245 : vector<1x1x16xf32> to vector<16xf32>
          %mul3A_1247 = arith.mulf %get3A_1246, %get3A_347 : vector<16xf32>
          %get3A_1248 = arith.index_cast %select_n3A_341 : i32 to index
          %get3A_1249 = arith.index_cast %add3A_1241 : i32 to index
          %get3A_1250 = arith.constant 16 : index
          %get3A_1251 = tpu.vector_load %arg9[%get3A_1248, %get3A_1249, %get3A_1250] {strides = array<i32>} : memref<4x112x128xf32, #tpu.memory_space<vmem>>, vector<1x1x16xf32>,
          %get3A_1252 = vector.shape_cast %get3A_1251 : vector<1x1x16xf32> to vector<16xf32>
          %mul3A_1253 = arith.mulf %get3A_1252, %get3A_351 : vector<16xf32>
          %add3A_1254 = arith.addf %mul3A_1247, %mul3A_1253 : vector<16xf32>
          %get3A_1255 = arith.index_cast %select_n3A_341 : i32 to index
          %get3A_1256 = arith.index_cast %add3A_1241 : i32 to index
          %get3A_1257 = arith.constant 32 : index
          %get3A_1258 = tpu.vector_load %arg9[%get3A_1255, %get3A_1256, %get3A_1257] {strides = array<i32>} : memref<4x112x128xf32, #tpu.memory_space<vmem>>, vector<1x1x16xf32>,
          %get3A_1259 = vector.shape_cast %get3A_1258 : vector<1x1x16xf32> to vector<16xf32>
          %mul3A_1260 = arith.mulf %get3A_1259, %get3A_355 : vector<16xf32>
          %add3A_1261 = arith.addf %add3A_1254, %mul3A_1260 : vector<16xf32>
          %get3A_1262 = arith.index_cast %select_n3A_341 : i32 to index
          %get3A_1263 = arith.index_cast %add3A_1241 : i32 to index
          %get3A_1264 = arith.constant 48 : index
          %get3A_1265 = tpu.vector_load %arg9[%get3A_1262, %get3A_1263, %get3A_1264] {strides = array<i32>} : memref<4x112x128xf32, #tpu.memory_space<vmem>>, vector<1x1x16xf32>,
          %get3A_1266 = vector.shape_cast %get3A_1265 : vector<1x1x16xf32> to vector<16xf32>
          %mul3A_1267 = arith.mulf %get3A_1266, %get3A_359 : vector<16xf32>
          %add3A_1268 = arith.addf %add3A_1261, %mul3A_1267 : vector<16xf32>
          %get3A_1269 = arith.index_cast %select_n3A_341 : i32 to index
          %get3A_1270 = arith.index_cast %add3A_1241 : i32 to index
          %get3A_1271 = arith.constant 64 : index
          %get3A_1272 = tpu.vector_load %arg9[%get3A_1269, %get3A_1270, %get3A_1271] {strides = array<i32>} : memref<4x112x128xf32, #tpu.memory_space<vmem>>, vector<1x1x16xf32>,
          %get3A_1273 = vector.shape_cast %get3A_1272 : vector<1x1x16xf32> to vector<16xf32>
          %mul3A_1274 = arith.mulf %get3A_1273, %get3A_363 : vector<16xf32>
          %add3A_1275 = arith.addf %add3A_1268, %mul3A_1274 : vector<16xf32>
          %get3A_1276 = arith.index_cast %select_n3A_341 : i32 to index
          %get3A_1277 = arith.index_cast %add3A_1241 : i32 to index
          %get3A_1278 = arith.constant 80 : index
          %get3A_1279 = tpu.vector_load %arg9[%get3A_1276, %get3A_1277, %get3A_1278] {strides = array<i32>} : memref<4x112x128xf32, #tpu.memory_space<vmem>>, vector<1x1x16xf32>,
          %get3A_1280 = vector.shape_cast %get3A_1279 : vector<1x1x16xf32> to vector<16xf32>
          %mul3A_1281 = arith.mulf %get3A_1280, %get3A_367 : vector<16xf32>
          %add3A_1282 = arith.addf %add3A_1275, %mul3A_1281 : vector<16xf32>
          %get3A_1283 = arith.index_cast %select_n3A_341 : i32 to index
          %get3A_1284 = arith.index_cast %add3A_1241 : i32 to index
          %get3A_1285 = arith.constant 96 : index
          %get3A_1286 = tpu.vector_load %arg9[%get3A_1283, %get3A_1284, %get3A_1285] {strides = array<i32>} : memref<4x112x128xf32, #tpu.memory_space<vmem>>, vector<1x1x16xf32>,
          %get3A_1287 = vector.shape_cast %get3A_1286 : vector<1x1x16xf32> to vector<16xf32>
          %mul3A_1288 = arith.mulf %get3A_1287, %get3A_371 : vector<16xf32>
          %add3A_1289 = arith.addf %add3A_1282, %mul3A_1288 : vector<16xf32>
          %get3A_1290 = arith.index_cast %select_n3A_341 : i32 to index
          %get3A_1291 = arith.index_cast %add3A_1241 : i32 to index
          %get3A_1292 = arith.constant 112 : index
          %get3A_1293 = tpu.vector_load %arg9[%get3A_1290, %get3A_1291, %get3A_1292] {strides = array<i32>} : memref<4x112x128xf32, #tpu.memory_space<vmem>>, vector<1x1x16xf32>,
          %get3A_1294 = vector.shape_cast %get3A_1293 : vector<1x1x16xf32> to vector<16xf32>
          %mul3A_1295 = arith.mulf %get3A_1294, %get3A_375 : vector<16xf32>
          %add3A_1296 = arith.addf %add3A_1289, %mul3A_1295 : vector<16xf32>
          %broadcast_in_dim3A_1297 = vector.shape_cast %xor3A_53 : vector<16xi32> to vector<16x1xi32>
          %gather3A_1298 = vector.shape_cast %broadcast_in_dim3A_1297 : vector<16x1xi32> to vector<16xi32>
          %gather3A_1299 = tpu.dynamic_gather %add3A_1296[%gather3A_1298] in [0] : vector<16xf32>, vector<16xi32> -> vector<16xf32>
          %add3A_1300 = arith.addf %add3A_1296, %gather3A_1299 : vector<16xf32>
          %broadcast_in_dim3A_1301 = vector.shape_cast %xor3A_56 : vector<16xi32> to vector<16x1xi32>
          %gather3A_1302 = vector.shape_cast %broadcast_in_dim3A_1301 : vector<16x1xi32> to vector<16xi32>
          %gather3A_1303 = tpu.dynamic_gather %add3A_1300[%gather3A_1302] in [0] : vector<16xf32>, vector<16xi32> -> vector<16xf32>
          %add3A_1304 = arith.addf %add3A_1300, %gather3A_1303 : vector<16xf32>
          %broadcast_in_dim3A_1305 = vector.shape_cast %xor3A_59 : vector<16xi32> to vector<16x1xi32>
          %gather3A_1306 = vector.shape_cast %broadcast_in_dim3A_1305 : vector<16x1xi32> to vector<16xi32>
          %gather3A_1307 = tpu.dynamic_gather %add3A_1304[%gather3A_1306] in [0] : vector<16xf32>, vector<16xi32> -> vector<16xf32>
          %add3A_1308 = arith.addf %add3A_1304, %gather3A_1307 : vector<16xf32>
          %broadcast_in_dim3A_1309 = vector.shape_cast %xor3A_62 : vector<16xi32> to vector<16x1xi32>
          %gather3A_1310 = vector.shape_cast %broadcast_in_dim3A_1309 : vector<16x1xi32> to vector<16xi32>
          %gather3A_1311 = tpu.dynamic_gather %add3A_1308[%gather3A_1310] in [0] : vector<16xf32>, vector<16xi32> -> vector<16xf32>
          %add3A_1312 = arith.addf %add3A_1308, %gather3A_1311 : vector<16xf32>
          %select_n3A_1313 = arith.select %eq3A_97, %add3A_1312, %select_n3A_1237 : vector<16xi1>, vector<16xf32>
          %mul3A_1314 = arith.constant 16 : i32
          %mul3A_1315 = arith.muli %scan3A_401, %mul3A_1314 : i32
          %add3A_1316 = arith.constant 12 : i32
          %add3A_1317 = arith.addi %mul3A_1315, %add3A_1316 : i32
          %get3A_1318 = arith.index_cast %select_n3A_341 : i32 to index
          %get3A_1319 = arith.index_cast %add3A_1317 : i32 to index
          %get3A_1320 = arith.constant 0 : index
          %get3A_1321 = tpu.vector_load %arg9[%get3A_1318, %get3A_1319, %get3A_1320] {strides = array<i32>} : memref<4x112x128xf32, #tpu.memory_space<vmem>>, vector<1x1x16xf32>,
          %get3A_1322 = vector.shape_cast %get3A_1321 : vector<1x1x16xf32> to vector<16xf32>
          %mul3A_1323 = arith.mulf %get3A_1322, %get3A_347 : vector<16xf32>
          %get3A_1324 = arith.index_cast %select_n3A_341 : i32 to index
          %get3A_1325 = arith.index_cast %add3A_1317 : i32 to index
          %get3A_1326 = arith.constant 16 : index
          %get3A_1327 = tpu.vector_load %arg9[%get3A_1324, %get3A_1325, %get3A_1326] {strides = array<i32>} : memref<4x112x128xf32, #tpu.memory_space<vmem>>, vector<1x1x16xf32>,
          %get3A_1328 = vector.shape_cast %get3A_1327 : vector<1x1x16xf32> to vector<16xf32>
          %mul3A_1329 = arith.mulf %get3A_1328, %get3A_351 : vector<16xf32>
          %add3A_1330 = arith.addf %mul3A_1323, %mul3A_1329 : vector<16xf32>
          %get3A_1331 = arith.index_cast %select_n3A_341 : i32 to index
          %get3A_1332 = arith.index_cast %add3A_1317 : i32 to index
          %get3A_1333 = arith.constant 32 : index
          %get3A_1334 = tpu.vector_load %arg9[%get3A_1331, %get3A_1332, %get3A_1333] {strides = array<i32>} : memref<4x112x128xf32, #tpu.memory_space<vmem>>, vector<1x1x16xf32>,
          %get3A_1335 = vector.shape_cast %get3A_1334 : vector<1x1x16xf32> to vector<16xf32>
          %mul3A_1336 = arith.mulf %get3A_1335, %get3A_355 : vector<16xf32>
          %add3A_1337 = arith.addf %add3A_1330, %mul3A_1336 : vector<16xf32>
          %get3A_1338 = arith.index_cast %select_n3A_341 : i32 to index
          %get3A_1339 = arith.index_cast %add3A_1317 : i32 to index
          %get3A_1340 = arith.constant 48 : index
          %get3A_1341 = tpu.vector_load %arg9[%get3A_1338, %get3A_1339, %get3A_1340] {strides = array<i32>} : memref<4x112x128xf32, #tpu.memory_space<vmem>>, vector<1x1x16xf32>,
          %get3A_1342 = vector.shape_cast %get3A_1341 : vector<1x1x16xf32> to vector<16xf32>
          %mul3A_1343 = arith.mulf %get3A_1342, %get3A_359 : vector<16xf32>
          %add3A_1344 = arith.addf %add3A_1337, %mul3A_1343 : vector<16xf32>
          %get3A_1345 = arith.index_cast %select_n3A_341 : i32 to index
          %get3A_1346 = arith.index_cast %add3A_1317 : i32 to index
          %get3A_1347 = arith.constant 64 : index
          %get3A_1348 = tpu.vector_load %arg9[%get3A_1345, %get3A_1346, %get3A_1347] {strides = array<i32>} : memref<4x112x128xf32, #tpu.memory_space<vmem>>, vector<1x1x16xf32>,
          %get3A_1349 = vector.shape_cast %get3A_1348 : vector<1x1x16xf32> to vector<16xf32>
          %mul3A_1350 = arith.mulf %get3A_1349, %get3A_363 : vector<16xf32>
          %add3A_1351 = arith.addf %add3A_1344, %mul3A_1350 : vector<16xf32>
          %get3A_1352 = arith.index_cast %select_n3A_341 : i32 to index
          %get3A_1353 = arith.index_cast %add3A_1317 : i32 to index
          %get3A_1354 = arith.constant 80 : index
          %get3A_1355 = tpu.vector_load %arg9[%get3A_1352, %get3A_1353, %get3A_1354] {strides = array<i32>} : memref<4x112x128xf32, #tpu.memory_space<vmem>>, vector<1x1x16xf32>,
          %get3A_1356 = vector.shape_cast %get3A_1355 : vector<1x1x16xf32> to vector<16xf32>
          %mul3A_1357 = arith.mulf %get3A_1356, %get3A_367 : vector<16xf32>
          %add3A_1358 = arith.addf %add3A_1351, %mul3A_1357 : vector<16xf32>
          %get3A_1359 = arith.index_cast %select_n3A_341 : i32 to index
          %get3A_1360 = arith.index_cast %add3A_1317 : i32 to index
          %get3A_1361 = arith.constant 96 : index
          %get3A_1362 = tpu.vector_load %arg9[%get3A_1359, %get3A_1360, %get3A_1361] {strides = array<i32>} : memref<4x112x128xf32, #tpu.memory_space<vmem>>, vector<1x1x16xf32>,
          %get3A_1363 = vector.shape_cast %get3A_1362 : vector<1x1x16xf32> to vector<16xf32>
          %mul3A_1364 = arith.mulf %get3A_1363, %get3A_371 : vector<16xf32>
          %add3A_1365 = arith.addf %add3A_1358, %mul3A_1364 : vector<16xf32>
          %get3A_1366 = arith.index_cast %select_n3A_341 : i32 to index
          %get3A_1367 = arith.index_cast %add3A_1317 : i32 to index
          %get3A_1368 = arith.constant 112 : index
          %get3A_1369 = tpu.vector_load %arg9[%get3A_1366, %get3A_1367, %get3A_1368] {strides = array<i32>} : memref<4x112x128xf32, #tpu.memory_space<vmem>>, vector<1x1x16xf32>,
          %get3A_1370 = vector.shape_cast %get3A_1369 : vector<1x1x16xf32> to vector<16xf32>
          %mul3A_1371 = arith.mulf %get3A_1370, %get3A_375 : vector<16xf32>
          %add3A_1372 = arith.addf %add3A_1365, %mul3A_1371 : vector<16xf32>
          %broadcast_in_dim3A_1373 = vector.shape_cast %xor3A_53 : vector<16xi32> to vector<16x1xi32>
          %gather3A_1374 = vector.shape_cast %broadcast_in_dim3A_1373 : vector<16x1xi32> to vector<16xi32>
          %gather3A_1375 = tpu.dynamic_gather %add3A_1372[%gather3A_1374] in [0] : vector<16xf32>, vector<16xi32> -> vector<16xf32>
          %add3A_1376 = arith.addf %add3A_1372, %gather3A_1375 : vector<16xf32>
          %broadcast_in_dim3A_1377 = vector.shape_cast %xor3A_56 : vector<16xi32> to vector<16x1xi32>
          %gather3A_1378 = vector.shape_cast %broadcast_in_dim3A_1377 : vector<16x1xi32> to vector<16xi32>
          %gather3A_1379 = tpu.dynamic_gather %add3A_1376[%gather3A_1378] in [0] : vector<16xf32>, vector<16xi32> -> vector<16xf32>
          %add3A_1380 = arith.addf %add3A_1376, %gather3A_1379 : vector<16xf32>
          %broadcast_in_dim3A_1381 = vector.shape_cast %xor3A_59 : vector<16xi32> to vector<16x1xi32>
          %gather3A_1382 = vector.shape_cast %broadcast_in_dim3A_1381 : vector<16x1xi32> to vector<16xi32>
          %gather3A_1383 = tpu.dynamic_gather %add3A_1380[%gather3A_1382] in [0] : vector<16xf32>, vector<16xi32> -> vector<16xf32>
          %add3A_1384 = arith.addf %add3A_1380, %gather3A_1383 : vector<16xf32>
          %broadcast_in_dim3A_1385 = vector.shape_cast %xor3A_62 : vector<16xi32> to vector<16x1xi32>
          %gather3A_1386 = vector.shape_cast %broadcast_in_dim3A_1385 : vector<16x1xi32> to vector<16xi32>
          %gather3A_1387 = tpu.dynamic_gather %add3A_1384[%gather3A_1386] in [0] : vector<16xf32>, vector<16xi32> -> vector<16xf32>
          %add3A_1388 = arith.addf %add3A_1384, %gather3A_1387 : vector<16xf32>
          %select_n3A_1389 = arith.select %eq3A_100, %add3A_1388, %select_n3A_1313 : vector<16xi1>, vector<16xf32>
          %mul3A_1390 = arith.constant 16 : i32
          %mul3A_1391 = arith.muli %scan3A_401, %mul3A_1390 : i32
          %add3A_1392 = arith.constant 13 : i32
          %add3A_1393 = arith.addi %mul3A_1391, %add3A_1392 : i32
          %get3A_1394 = arith.index_cast %select_n3A_341 : i32 to index
          %get3A_1395 = arith.index_cast %add3A_1393 : i32 to index
          %get3A_1396 = arith.constant 0 : index
          %get3A_1397 = tpu.vector_load %arg9[%get3A_1394, %get3A_1395, %get3A_1396] {strides = array<i32>} : memref<4x112x128xf32, #tpu.memory_space<vmem>>, vector<1x1x16xf32>,
          %get3A_1398 = vector.shape_cast %get3A_1397 : vector<1x1x16xf32> to vector<16xf32>
          %mul3A_1399 = arith.mulf %get3A_1398, %get3A_347 : vector<16xf32>
          %get3A_1400 = arith.index_cast %select_n3A_341 : i32 to index
          %get3A_1401 = arith.index_cast %add3A_1393 : i32 to index
          %get3A_1402 = arith.constant 16 : index
          %get3A_1403 = tpu.vector_load %arg9[%get3A_1400, %get3A_1401, %get3A_1402] {strides = array<i32>} : memref<4x112x128xf32, #tpu.memory_space<vmem>>, vector<1x1x16xf32>,
          %get3A_1404 = vector.shape_cast %get3A_1403 : vector<1x1x16xf32> to vector<16xf32>
          %mul3A_1405 = arith.mulf %get3A_1404, %get3A_351 : vector<16xf32>
          %add3A_1406 = arith.addf %mul3A_1399, %mul3A_1405 : vector<16xf32>
          %get3A_1407 = arith.index_cast %select_n3A_341 : i32 to index
          %get3A_1408 = arith.index_cast %add3A_1393 : i32 to index
          %get3A_1409 = arith.constant 32 : index
          %get3A_1410 = tpu.vector_load %arg9[%get3A_1407, %get3A_1408, %get3A_1409] {strides = array<i32>} : memref<4x112x128xf32, #tpu.memory_space<vmem>>, vector<1x1x16xf32>,
          %get3A_1411 = vector.shape_cast %get3A_1410 : vector<1x1x16xf32> to vector<16xf32>
          %mul3A_1412 = arith.mulf %get3A_1411, %get3A_355 : vector<16xf32>
          %add3A_1413 = arith.addf %add3A_1406, %mul3A_1412 : vector<16xf32>
          %get3A_1414 = arith.index_cast %select_n3A_341 : i32 to index
          %get3A_1415 = arith.index_cast %add3A_1393 : i32 to index
          %get3A_1416 = arith.constant 48 : index
          %get3A_1417 = tpu.vector_load %arg9[%get3A_1414, %get3A_1415, %get3A_1416] {strides = array<i32>} : memref<4x112x128xf32, #tpu.memory_space<vmem>>, vector<1x1x16xf32>,
          %get3A_1418 = vector.shape_cast %get3A_1417 : vector<1x1x16xf32> to vector<16xf32>
          %mul3A_1419 = arith.mulf %get3A_1418, %get3A_359 : vector<16xf32>
          %add3A_1420 = arith.addf %add3A_1413, %mul3A_1419 : vector<16xf32>
          %get3A_1421 = arith.index_cast %select_n3A_341 : i32 to index
          %get3A_1422 = arith.index_cast %add3A_1393 : i32 to index
          %get3A_1423 = arith.constant 64 : index
          %get3A_1424 = tpu.vector_load %arg9[%get3A_1421, %get3A_1422, %get3A_1423] {strides = array<i32>} : memref<4x112x128xf32, #tpu.memory_space<vmem>>, vector<1x1x16xf32>,
          %get3A_1425 = vector.shape_cast %get3A_1424 : vector<1x1x16xf32> to vector<16xf32>
          %mul3A_1426 = arith.mulf %get3A_1425, %get3A_363 : vector<16xf32>
          %add3A_1427 = arith.addf %add3A_1420, %mul3A_1426 : vector<16xf32>
          %get3A_1428 = arith.index_cast %select_n3A_341 : i32 to index
          %get3A_1429 = arith.index_cast %add3A_1393 : i32 to index
          %get3A_1430 = arith.constant 80 : index
          %get3A_1431 = tpu.vector_load %arg9[%get3A_1428, %get3A_1429, %get3A_1430] {strides = array<i32>} : memref<4x112x128xf32, #tpu.memory_space<vmem>>, vector<1x1x16xf32>,
          %get3A_1432 = vector.shape_cast %get3A_1431 : vector<1x1x16xf32> to vector<16xf32>
          %mul3A_1433 = arith.mulf %get3A_1432, %get3A_367 : vector<16xf32>
          %add3A_1434 = arith.addf %add3A_1427, %mul3A_1433 : vector<16xf32>
          %get3A_1435 = arith.index_cast %select_n3A_341 : i32 to index
          %get3A_1436 = arith.index_cast %add3A_1393 : i32 to index
          %get3A_1437 = arith.constant 96 : index
          %get3A_1438 = tpu.vector_load %arg9[%get3A_1435, %get3A_1436, %get3A_1437] {strides = array<i32>} : memref<4x112x128xf32, #tpu.memory_space<vmem>>, vector<1x1x16xf32>,
          %get3A_1439 = vector.shape_cast %get3A_1438 : vector<1x1x16xf32> to vector<16xf32>
          %mul3A_1440 = arith.mulf %get3A_1439, %get3A_371 : vector<16xf32>
          %add3A_1441 = arith.addf %add3A_1434, %mul3A_1440 : vector<16xf32>
          %get3A_1442 = arith.index_cast %select_n3A_341 : i32 to index
          %get3A_1443 = arith.index_cast %add3A_1393 : i32 to index
          %get3A_1444 = arith.constant 112 : index
          %get3A_1445 = tpu.vector_load %arg9[%get3A_1442, %get3A_1443, %get3A_1444] {strides = array<i32>} : memref<4x112x128xf32, #tpu.memory_space<vmem>>, vector<1x1x16xf32>,
          %get3A_1446 = vector.shape_cast %get3A_1445 : vector<1x1x16xf32> to vector<16xf32>
          %mul3A_1447 = arith.mulf %get3A_1446, %get3A_375 : vector<16xf32>
          %add3A_1448 = arith.addf %add3A_1441, %mul3A_1447 : vector<16xf32>
          %broadcast_in_dim3A_1449 = vector.shape_cast %xor3A_53 : vector<16xi32> to vector<16x1xi32>
          %gather3A_1450 = vector.shape_cast %broadcast_in_dim3A_1449 : vector<16x1xi32> to vector<16xi32>
          %gather3A_1451 = tpu.dynamic_gather %add3A_1448[%gather3A_1450] in [0] : vector<16xf32>, vector<16xi32> -> vector<16xf32>
          %add3A_1452 = arith.addf %add3A_1448, %gather3A_1451 : vector<16xf32>
          %broadcast_in_dim3A_1453 = vector.shape_cast %xor3A_56 : vector<16xi32> to vector<16x1xi32>
          %gather3A_1454 = vector.shape_cast %broadcast_in_dim3A_1453 : vector<16x1xi32> to vector<16xi32>
          %gather3A_1455 = tpu.dynamic_gather %add3A_1452[%gather3A_1454] in [0] : vector<16xf32>, vector<16xi32> -> vector<16xf32>
          %add3A_1456 = arith.addf %add3A_1452, %gather3A_1455 : vector<16xf32>
          %broadcast_in_dim3A_1457 = vector.shape_cast %xor3A_59 : vector<16xi32> to vector<16x1xi32>
          %gather3A_1458 = vector.shape_cast %broadcast_in_dim3A_1457 : vector<16x1xi32> to vector<16xi32>
          %gather3A_1459 = tpu.dynamic_gather %add3A_1456[%gather3A_1458] in [0] : vector<16xf32>, vector<16xi32> -> vector<16xf32>
          %add3A_1460 = arith.addf %add3A_1456, %gather3A_1459 : vector<16xf32>
          %broadcast_in_dim3A_1461 = vector.shape_cast %xor3A_62 : vector<16xi32> to vector<16x1xi32>
          %gather3A_1462 = vector.shape_cast %broadcast_in_dim3A_1461 : vector<16x1xi32> to vector<16xi32>
          %gather3A_1463 = tpu.dynamic_gather %add3A_1460[%gather3A_1462] in [0] : vector<16xf32>, vector<16xi32> -> vector<16xf32>
          %add3A_1464 = arith.addf %add3A_1460, %gather3A_1463 : vector<16xf32>
          %select_n3A_1465 = arith.select %eq3A_103, %add3A_1464, %select_n3A_1389 : vector<16xi1>, vector<16xf32>
          %mul3A_1466 = arith.constant 16 : i32
          %mul3A_1467 = arith.muli %scan3A_401, %mul3A_1466 : i32
          %add3A_1468 = arith.constant 14 : i32
          %add3A_1469 = arith.addi %mul3A_1467, %add3A_1468 : i32
          %get3A_1470 = arith.index_cast %select_n3A_341 : i32 to index
          %get3A_1471 = arith.index_cast %add3A_1469 : i32 to index
          %get3A_1472 = arith.constant 0 : index
          %get3A_1473 = tpu.vector_load %arg9[%get3A_1470, %get3A_1471, %get3A_1472] {strides = array<i32>} : memref<4x112x128xf32, #tpu.memory_space<vmem>>, vector<1x1x16xf32>,
          %get3A_1474 = vector.shape_cast %get3A_1473 : vector<1x1x16xf32> to vector<16xf32>
          %mul3A_1475 = arith.mulf %get3A_1474, %get3A_347 : vector<16xf32>
          %get3A_1476 = arith.index_cast %select_n3A_341 : i32 to index
          %get3A_1477 = arith.index_cast %add3A_1469 : i32 to index
          %get3A_1478 = arith.constant 16 : index
          %get3A_1479 = tpu.vector_load %arg9[%get3A_1476, %get3A_1477, %get3A_1478] {strides = array<i32>} : memref<4x112x128xf32, #tpu.memory_space<vmem>>, vector<1x1x16xf32>,
          %get3A_1480 = vector.shape_cast %get3A_1479 : vector<1x1x16xf32> to vector<16xf32>
          %mul3A_1481 = arith.mulf %get3A_1480, %get3A_351 : vector<16xf32>
          %add3A_1482 = arith.addf %mul3A_1475, %mul3A_1481 : vector<16xf32>
          %get3A_1483 = arith.index_cast %select_n3A_341 : i32 to index
          %get3A_1484 = arith.index_cast %add3A_1469 : i32 to index
          %get3A_1485 = arith.constant 32 : index
          %get3A_1486 = tpu.vector_load %arg9[%get3A_1483, %get3A_1484, %get3A_1485] {strides = array<i32>} : memref<4x112x128xf32, #tpu.memory_space<vmem>>, vector<1x1x16xf32>,
          %get3A_1487 = vector.shape_cast %get3A_1486 : vector<1x1x16xf32> to vector<16xf32>
          %mul3A_1488 = arith.mulf %get3A_1487, %get3A_355 : vector<16xf32>
          %add3A_1489 = arith.addf %add3A_1482, %mul3A_1488 : vector<16xf32>
          %get3A_1490 = arith.index_cast %select_n3A_341 : i32 to index
          %get3A_1491 = arith.index_cast %add3A_1469 : i32 to index
          %get3A_1492 = arith.constant 48 : index
          %get3A_1493 = tpu.vector_load %arg9[%get3A_1490, %get3A_1491, %get3A_1492] {strides = array<i32>} : memref<4x112x128xf32, #tpu.memory_space<vmem>>, vector<1x1x16xf32>,
          %get3A_1494 = vector.shape_cast %get3A_1493 : vector<1x1x16xf32> to vector<16xf32>
          %mul3A_1495 = arith.mulf %get3A_1494, %get3A_359 : vector<16xf32>
          %add3A_1496 = arith.addf %add3A_1489, %mul3A_1495 : vector<16xf32>
          %get3A_1497 = arith.index_cast %select_n3A_341 : i32 to index
          %get3A_1498 = arith.index_cast %add3A_1469 : i32 to index
          %get3A_1499 = arith.constant 64 : index
          %get3A_1500 = tpu.vector_load %arg9[%get3A_1497, %get3A_1498, %get3A_1499] {strides = array<i32>} : memref<4x112x128xf32, #tpu.memory_space<vmem>>, vector<1x1x16xf32>,
          %get3A_1501 = vector.shape_cast %get3A_1500 : vector<1x1x16xf32> to vector<16xf32>
          %mul3A_1502 = arith.mulf %get3A_1501, %get3A_363 : vector<16xf32>
          %add3A_1503 = arith.addf %add3A_1496, %mul3A_1502 : vector<16xf32>
          %get3A_1504 = arith.index_cast %select_n3A_341 : i32 to index
          %get3A_1505 = arith.index_cast %add3A_1469 : i32 to index
          %get3A_1506 = arith.constant 80 : index
          %get3A_1507 = tpu.vector_load %arg9[%get3A_1504, %get3A_1505, %get3A_1506] {strides = array<i32>} : memref<4x112x128xf32, #tpu.memory_space<vmem>>, vector<1x1x16xf32>,
          %get3A_1508 = vector.shape_cast %get3A_1507 : vector<1x1x16xf32> to vector<16xf32>
          %mul3A_1509 = arith.mulf %get3A_1508, %get3A_367 : vector<16xf32>
          %add3A_1510 = arith.addf %add3A_1503, %mul3A_1509 : vector<16xf32>
          %get3A_1511 = arith.index_cast %select_n3A_341 : i32 to index
          %get3A_1512 = arith.index_cast %add3A_1469 : i32 to index
          %get3A_1513 = arith.constant 96 : index
          %get3A_1514 = tpu.vector_load %arg9[%get3A_1511, %get3A_1512, %get3A_1513] {strides = array<i32>} : memref<4x112x128xf32, #tpu.memory_space<vmem>>, vector<1x1x16xf32>,
          %get3A_1515 = vector.shape_cast %get3A_1514 : vector<1x1x16xf32> to vector<16xf32>
          %mul3A_1516 = arith.mulf %get3A_1515, %get3A_371 : vector<16xf32>
          %add3A_1517 = arith.addf %add3A_1510, %mul3A_1516 : vector<16xf32>
          %get3A_1518 = arith.index_cast %select_n3A_341 : i32 to index
          %get3A_1519 = arith.index_cast %add3A_1469 : i32 to index
          %get3A_1520 = arith.constant 112 : index
          %get3A_1521 = tpu.vector_load %arg9[%get3A_1518, %get3A_1519, %get3A_1520] {strides = array<i32>} : memref<4x112x128xf32, #tpu.memory_space<vmem>>, vector<1x1x16xf32>,
          %get3A_1522 = vector.shape_cast %get3A_1521 : vector<1x1x16xf32> to vector<16xf32>
          %mul3A_1523 = arith.mulf %get3A_1522, %get3A_375 : vector<16xf32>
          %add3A_1524 = arith.addf %add3A_1517, %mul3A_1523 : vector<16xf32>
          %broadcast_in_dim3A_1525 = vector.shape_cast %xor3A_53 : vector<16xi32> to vector<16x1xi32>
          %gather3A_1526 = vector.shape_cast %broadcast_in_dim3A_1525 : vector<16x1xi32> to vector<16xi32>
          %gather3A_1527 = tpu.dynamic_gather %add3A_1524[%gather3A_1526] in [0] : vector<16xf32>, vector<16xi32> -> vector<16xf32>
          %add3A_1528 = arith.addf %add3A_1524, %gather3A_1527 : vector<16xf32>
          %broadcast_in_dim3A_1529 = vector.shape_cast %xor3A_56 : vector<16xi32> to vector<16x1xi32>
          %gather3A_1530 = vector.shape_cast %broadcast_in_dim3A_1529 : vector<16x1xi32> to vector<16xi32>
          %gather3A_1531 = tpu.dynamic_gather %add3A_1528[%gather3A_1530] in [0] : vector<16xf32>, vector<16xi32> -> vector<16xf32>
          %add3A_1532 = arith.addf %add3A_1528, %gather3A_1531 : vector<16xf32>
          %broadcast_in_dim3A_1533 = vector.shape_cast %xor3A_59 : vector<16xi32> to vector<16x1xi32>
          %gather3A_1534 = vector.shape_cast %broadcast_in_dim3A_1533 : vector<16x1xi32> to vector<16xi32>
          %gather3A_1535 = tpu.dynamic_gather %add3A_1532[%gather3A_1534] in [0] : vector<16xf32>, vector<16xi32> -> vector<16xf32>
          %add3A_1536 = arith.addf %add3A_1532, %gather3A_1535 : vector<16xf32>
          %broadcast_in_dim3A_1537 = vector.shape_cast %xor3A_62 : vector<16xi32> to vector<16x1xi32>
          %gather3A_1538 = vector.shape_cast %broadcast_in_dim3A_1537 : vector<16x1xi32> to vector<16xi32>
          %gather3A_1539 = tpu.dynamic_gather %add3A_1536[%gather3A_1538] in [0] : vector<16xf32>, vector<16xi32> -> vector<16xf32>
          %add3A_1540 = arith.addf %add3A_1536, %gather3A_1539 : vector<16xf32>
          %select_n3A_1541 = arith.select %eq3A_106, %add3A_1540, %select_n3A_1465 : vector<16xi1>, vector<16xf32>
          %mul3A_1542 = arith.constant 16 : i32
          %mul3A_1543 = arith.muli %scan3A_401, %mul3A_1542 : i32
          %add3A_1544 = arith.constant 15 : i32
          %add3A_1545 = arith.addi %mul3A_1543, %add3A_1544 : i32
          %get3A_1546 = arith.index_cast %select_n3A_341 : i32 to index
          %get3A_1547 = arith.index_cast %add3A_1545 : i32 to index
          %get3A_1548 = arith.constant 0 : index
          %get3A_1549 = tpu.vector_load %arg9[%get3A_1546, %get3A_1547, %get3A_1548] {strides = array<i32>} : memref<4x112x128xf32, #tpu.memory_space<vmem>>, vector<1x1x16xf32>,
          %get3A_1550 = vector.shape_cast %get3A_1549 : vector<1x1x16xf32> to vector<16xf32>
          %mul3A_1551 = arith.mulf %get3A_1550, %get3A_347 : vector<16xf32>
          %get3A_1552 = arith.index_cast %select_n3A_341 : i32 to index
          %get3A_1553 = arith.index_cast %add3A_1545 : i32 to index
          %get3A_1554 = arith.constant 16 : index
          %get3A_1555 = tpu.vector_load %arg9[%get3A_1552, %get3A_1553, %get3A_1554] {strides = array<i32>} : memref<4x112x128xf32, #tpu.memory_space<vmem>>, vector<1x1x16xf32>,
          %get3A_1556 = vector.shape_cast %get3A_1555 : vector<1x1x16xf32> to vector<16xf32>
          %mul3A_1557 = arith.mulf %get3A_1556, %get3A_351 : vector<16xf32>
          %add3A_1558 = arith.addf %mul3A_1551, %mul3A_1557 : vector<16xf32>
          %get3A_1559 = arith.index_cast %select_n3A_341 : i32 to index
          %get3A_1560 = arith.index_cast %add3A_1545 : i32 to index
          %get3A_1561 = arith.constant 32 : index
          %get3A_1562 = tpu.vector_load %arg9[%get3A_1559, %get3A_1560, %get3A_1561] {strides = array<i32>} : memref<4x112x128xf32, #tpu.memory_space<vmem>>, vector<1x1x16xf32>,
          %get3A_1563 = vector.shape_cast %get3A_1562 : vector<1x1x16xf32> to vector<16xf32>
          %mul3A_1564 = arith.mulf %get3A_1563, %get3A_355 : vector<16xf32>
          %add3A_1565 = arith.addf %add3A_1558, %mul3A_1564 : vector<16xf32>
          %get3A_1566 = arith.index_cast %select_n3A_341 : i32 to index
          %get3A_1567 = arith.index_cast %add3A_1545 : i32 to index
          %get3A_1568 = arith.constant 48 : index
          %get3A_1569 = tpu.vector_load %arg9[%get3A_1566, %get3A_1567, %get3A_1568] {strides = array<i32>} : memref<4x112x128xf32, #tpu.memory_space<vmem>>, vector<1x1x16xf32>,
          %get3A_1570 = vector.shape_cast %get3A_1569 : vector<1x1x16xf32> to vector<16xf32>
          %mul3A_1571 = arith.mulf %get3A_1570, %get3A_359 : vector<16xf32>
          %add3A_1572 = arith.addf %add3A_1565, %mul3A_1571 : vector<16xf32>
          %get3A_1573 = arith.index_cast %select_n3A_341 : i32 to index
          %get3A_1574 = arith.index_cast %add3A_1545 : i32 to index
          %get3A_1575 = arith.constant 64 : index
          %get3A_1576 = tpu.vector_load %arg9[%get3A_1573, %get3A_1574, %get3A_1575] {strides = array<i32>} : memref<4x112x128xf32, #tpu.memory_space<vmem>>, vector<1x1x16xf32>,
          %get3A_1577 = vector.shape_cast %get3A_1576 : vector<1x1x16xf32> to vector<16xf32>
          %mul3A_1578 = arith.mulf %get3A_1577, %get3A_363 : vector<16xf32>
          %add3A_1579 = arith.addf %add3A_1572, %mul3A_1578 : vector<16xf32>
          %get3A_1580 = arith.index_cast %select_n3A_341 : i32 to index
          %get3A_1581 = arith.index_cast %add3A_1545 : i32 to index
          %get3A_1582 = arith.constant 80 : index
          %get3A_1583 = tpu.vector_load %arg9[%get3A_1580, %get3A_1581, %get3A_1582] {strides = array<i32>} : memref<4x112x128xf32, #tpu.memory_space<vmem>>, vector<1x1x16xf32>,
          %get3A_1584 = vector.shape_cast %get3A_1583 : vector<1x1x16xf32> to vector<16xf32>
          %mul3A_1585 = arith.mulf %get3A_1584, %get3A_367 : vector<16xf32>
          %add3A_1586 = arith.addf %add3A_1579, %mul3A_1585 : vector<16xf32>
          %get3A_1587 = arith.index_cast %select_n3A_341 : i32 to index
          %get3A_1588 = arith.index_cast %add3A_1545 : i32 to index
          %get3A_1589 = arith.constant 96 : index
          %get3A_1590 = tpu.vector_load %arg9[%get3A_1587, %get3A_1588, %get3A_1589] {strides = array<i32>} : memref<4x112x128xf32, #tpu.memory_space<vmem>>, vector<1x1x16xf32>,
          %get3A_1591 = vector.shape_cast %get3A_1590 : vector<1x1x16xf32> to vector<16xf32>
          %mul3A_1592 = arith.mulf %get3A_1591, %get3A_371 : vector<16xf32>
          %add3A_1593 = arith.addf %add3A_1586, %mul3A_1592 : vector<16xf32>
          %get3A_1594 = arith.index_cast %select_n3A_341 : i32 to index
          %get3A_1595 = arith.index_cast %add3A_1545 : i32 to index
          %get3A_1596 = arith.constant 112 : index
          %get3A_1597 = tpu.vector_load %arg9[%get3A_1594, %get3A_1595, %get3A_1596] {strides = array<i32>} : memref<4x112x128xf32, #tpu.memory_space<vmem>>, vector<1x1x16xf32>,
          %get3A_1598 = vector.shape_cast %get3A_1597 : vector<1x1x16xf32> to vector<16xf32>
          %mul3A_1599 = arith.mulf %get3A_1598, %get3A_375 : vector<16xf32>
          %add3A_1600 = arith.addf %add3A_1593, %mul3A_1599 : vector<16xf32>
          %broadcast_in_dim3A_1601 = vector.shape_cast %xor3A_53 : vector<16xi32> to vector<16x1xi32>
          %gather3A_1602 = vector.shape_cast %broadcast_in_dim3A_1601 : vector<16x1xi32> to vector<16xi32>
          %gather3A_1603 = tpu.dynamic_gather %add3A_1600[%gather3A_1602] in [0] : vector<16xf32>, vector<16xi32> -> vector<16xf32>
          %add3A_1604 = arith.addf %add3A_1600, %gather3A_1603 : vector<16xf32>
          %broadcast_in_dim3A_1605 = vector.shape_cast %xor3A_56 : vector<16xi32> to vector<16x1xi32>
          %gather3A_1606 = vector.shape_cast %broadcast_in_dim3A_1605 : vector<16x1xi32> to vector<16xi32>
          %gather3A_1607 = tpu.dynamic_gather %add3A_1604[%gather3A_1606] in [0] : vector<16xf32>, vector<16xi32> -> vector<16xf32>
          %add3A_1608 = arith.addf %add3A_1604, %gather3A_1607 : vector<16xf32>
          %broadcast_in_dim3A_1609 = vector.shape_cast %xor3A_59 : vector<16xi32> to vector<16x1xi32>
          %gather3A_1610 = vector.shape_cast %broadcast_in_dim3A_1609 : vector<16x1xi32> to vector<16xi32>
          %gather3A_1611 = tpu.dynamic_gather %add3A_1608[%gather3A_1610] in [0] : vector<16xf32>, vector<16xi32> -> vector<16xf32>
          %add3A_1612 = arith.addf %add3A_1608, %gather3A_1611 : vector<16xf32>
          %broadcast_in_dim3A_1613 = vector.shape_cast %xor3A_62 : vector<16xi32> to vector<16x1xi32>
          %gather3A_1614 = vector.shape_cast %broadcast_in_dim3A_1613 : vector<16x1xi32> to vector<16xi32>
          %gather3A_1615 = tpu.dynamic_gather %add3A_1612[%gather3A_1614] in [0] : vector<16xf32>, vector<16xi32> -> vector<16xf32>
          %add3A_1616 = arith.addf %add3A_1612, %gather3A_1615 : vector<16xf32>
          %select_n3A_1617 = arith.select %eq3A_109, %add3A_1616, %select_n3A_1541 : vector<16xi1>, vector<16xf32>
          %mul3A_1618 = arith.constant 16 : i32
          %mul3A_1619 = arith.muli %scan3A_401, %mul3A_1618 : i32
          %add3A_1620 = arith.constant 0 : i32
          %add3A_1621 = arith.addi %add3A_1620, %mul3A_1619 : i32
          %swap3A = arith.index_cast %and3A_377 : i32 to index
          %swap3A_1622 = arith.index_cast %add3A_1621 : i32 to index
          %swap3A_1623 = tpu.vector_load %arg10[%swap3A, %swap3A_1622] {strides = array<i32>} : memref<16x224xf32, #tpu.memory_space<vmem>>, vector<1x16xf32>,
          %swap3A_1624 = vector.shape_cast %swap3A_1623 : vector<1x16xf32> to vector<16xf32>
          %swap3A_1625 = vector.shape_cast %select_n3A_1617 : vector<16xf32> to vector<1x16xf32>
          tpu.vector_store %arg10[%swap3A, %swap3A_1622], %swap3A_1625 {strides = array<i32>} : memref<16x224xf32, #tpu.memory_space<vmem>>, vector<1x16xf32>,
        }
        %scan3A_400 = arith.constant 7 : i32
      } else {
      }
      %eq3A_383 = arith.constant 1 : i32
      %eq3A_384 = arith.cmpi eq, %and3A_344, %eq3A_383 : i32
      %convert_element_type3A_385 = arith.extui %eq3A_384 : i1 to i32
      %cond3A_386 = arith.constant 0 : i32
      %cond3A_387 = arith.cmpi ne, %convert_element_type3A_385, %cond3A_386 : i32
      scf.if %cond3A_387 {
        %scan3A_396 = arith.constant 0 : i32
        %scan3A_397 = arith.constant 7 : i32
        %scan3A_398 = arith.addi %scan3A_396, %scan3A_397 : i32
        %scan3A_399 = arith.constant 1 : i32
        scf.for %scan3A_401 = %scan3A_396 to %scan3A_398 step %scan3A_399  : i32 {
          %broadcast_in_dim3A = arith.constant 0.000000e+00 : f32
          %broadcast_in_dim3A_402 = vector.broadcast %broadcast_in_dim3A : f32 to vector<16xf32>
          %mul3A_403 = arith.constant 16 : i32
          %mul3A_404 = arith.muli %scan3A_401, %mul3A_403 : i32
          %add3A_405 = arith.constant 0 : i32
          %add3A_406 = arith.addi %mul3A_404, %add3A_405 : i32
          %get3A_407 = arith.index_cast %select_n3A_341 : i32 to index
          %get3A_408 = arith.index_cast %add3A_406 : i32 to index
          %get3A_409 = arith.constant 0 : index
          %get3A_410 = tpu.vector_load %arg9[%get3A_407, %get3A_408, %get3A_409] {strides = array<i32>} : memref<4x112x128xf32, #tpu.memory_space<vmem>>, vector<1x1x16xf32>,
          %get3A_411 = vector.shape_cast %get3A_410 : vector<1x1x16xf32> to vector<16xf32>
          %mul3A_412 = arith.mulf %get3A_411, %get3A_347 : vector<16xf32>
          %get3A_413 = arith.index_cast %select_n3A_341 : i32 to index
          %get3A_414 = arith.index_cast %add3A_406 : i32 to index
          %get3A_415 = arith.constant 16 : index
          %get3A_416 = tpu.vector_load %arg9[%get3A_413, %get3A_414, %get3A_415] {strides = array<i32>} : memref<4x112x128xf32, #tpu.memory_space<vmem>>, vector<1x1x16xf32>,
          %get3A_417 = vector.shape_cast %get3A_416 : vector<1x1x16xf32> to vector<16xf32>
          %mul3A_418 = arith.mulf %get3A_417, %get3A_351 : vector<16xf32>
          %add3A_419 = arith.addf %mul3A_412, %mul3A_418 : vector<16xf32>
          %get3A_420 = arith.index_cast %select_n3A_341 : i32 to index
          %get3A_421 = arith.index_cast %add3A_406 : i32 to index
          %get3A_422 = arith.constant 32 : index
          %get3A_423 = tpu.vector_load %arg9[%get3A_420, %get3A_421, %get3A_422] {strides = array<i32>} : memref<4x112x128xf32, #tpu.memory_space<vmem>>, vector<1x1x16xf32>,
          %get3A_424 = vector.shape_cast %get3A_423 : vector<1x1x16xf32> to vector<16xf32>
          %mul3A_425 = arith.mulf %get3A_424, %get3A_355 : vector<16xf32>
          %add3A_426 = arith.addf %add3A_419, %mul3A_425 : vector<16xf32>
          %get3A_427 = arith.index_cast %select_n3A_341 : i32 to index
          %get3A_428 = arith.index_cast %add3A_406 : i32 to index
          %get3A_429 = arith.constant 48 : index
          %get3A_430 = tpu.vector_load %arg9[%get3A_427, %get3A_428, %get3A_429] {strides = array<i32>} : memref<4x112x128xf32, #tpu.memory_space<vmem>>, vector<1x1x16xf32>,
          %get3A_431 = vector.shape_cast %get3A_430 : vector<1x1x16xf32> to vector<16xf32>
          %mul3A_432 = arith.mulf %get3A_431, %get3A_359 : vector<16xf32>
          %add3A_433 = arith.addf %add3A_426, %mul3A_432 : vector<16xf32>
          %get3A_434 = arith.index_cast %select_n3A_341 : i32 to index
          %get3A_435 = arith.index_cast %add3A_406 : i32 to index
          %get3A_436 = arith.constant 64 : index
          %get3A_437 = tpu.vector_load %arg9[%get3A_434, %get3A_435, %get3A_436] {strides = array<i32>} : memref<4x112x128xf32, #tpu.memory_space<vmem>>, vector<1x1x16xf32>,
          %get3A_438 = vector.shape_cast %get3A_437 : vector<1x1x16xf32> to vector<16xf32>
          %mul3A_439 = arith.mulf %get3A_438, %get3A_363 : vector<16xf32>
          %add3A_440 = arith.addf %add3A_433, %mul3A_439 : vector<16xf32>
          %get3A_441 = arith.index_cast %select_n3A_341 : i32 to index
          %get3A_442 = arith.index_cast %add3A_406 : i32 to index
          %get3A_443 = arith.constant 80 : index
          %get3A_444 = tpu.vector_load %arg9[%get3A_441, %get3A_442, %get3A_443] {strides = array<i32>} : memref<4x112x128xf32, #tpu.memory_space<vmem>>, vector<1x1x16xf32>,
          %get3A_445 = vector.shape_cast %get3A_444 : vector<1x1x16xf32> to vector<16xf32>
          %mul3A_446 = arith.mulf %get3A_445, %get3A_367 : vector<16xf32>
          %add3A_447 = arith.addf %add3A_440, %mul3A_446 : vector<16xf32>
          %get3A_448 = arith.index_cast %select_n3A_341 : i32 to index
          %get3A_449 = arith.index_cast %add3A_406 : i32 to index
          %get3A_450 = arith.constant 96 : index
          %get3A_451 = tpu.vector_load %arg9[%get3A_448, %get3A_449, %get3A_450] {strides = array<i32>} : memref<4x112x128xf32, #tpu.memory_space<vmem>>, vector<1x1x16xf32>,
          %get3A_452 = vector.shape_cast %get3A_451 : vector<1x1x16xf32> to vector<16xf32>
          %mul3A_453 = arith.mulf %get3A_452, %get3A_371 : vector<16xf32>
          %add3A_454 = arith.addf %add3A_447, %mul3A_453 : vector<16xf32>
          %get3A_455 = arith.index_cast %select_n3A_341 : i32 to index
          %get3A_456 = arith.index_cast %add3A_406 : i32 to index
          %get3A_457 = arith.constant 112 : index
          %get3A_458 = tpu.vector_load %arg9[%get3A_455, %get3A_456, %get3A_457] {strides = array<i32>} : memref<4x112x128xf32, #tpu.memory_space<vmem>>, vector<1x1x16xf32>,
          %get3A_459 = vector.shape_cast %get3A_458 : vector<1x1x16xf32> to vector<16xf32>
          %mul3A_460 = arith.mulf %get3A_459, %get3A_375 : vector<16xf32>
          %add3A_461 = arith.addf %add3A_454, %mul3A_460 : vector<16xf32>
          %broadcast_in_dim3A_462 = vector.shape_cast %xor3A_53 : vector<16xi32> to vector<16x1xi32>
          %gather3A = vector.shape_cast %broadcast_in_dim3A_462 : vector<16x1xi32> to vector<16xi32>
          %gather3A_463 = tpu.dynamic_gather %add3A_461[%gather3A] in [0] : vector<16xf32>, vector<16xi32> -> vector<16xf32>
          %add3A_464 = arith.addf %add3A_461, %gather3A_463 : vector<16xf32>
          %broadcast_in_dim3A_465 = vector.shape_cast %xor3A_56 : vector<16xi32> to vector<16x1xi32>
          %gather3A_466 = vector.shape_cast %broadcast_in_dim3A_465 : vector<16x1xi32> to vector<16xi32>
          %gather3A_467 = tpu.dynamic_gather %add3A_464[%gather3A_466] in [0] : vector<16xf32>, vector<16xi32> -> vector<16xf32>
          %add3A_468 = arith.addf %add3A_464, %gather3A_467 : vector<16xf32>
          %broadcast_in_dim3A_469 = vector.shape_cast %xor3A_59 : vector<16xi32> to vector<16x1xi32>
          %gather3A_470 = vector.shape_cast %broadcast_in_dim3A_469 : vector<16x1xi32> to vector<16xi32>
          %gather3A_471 = tpu.dynamic_gather %add3A_468[%gather3A_470] in [0] : vector<16xf32>, vector<16xi32> -> vector<16xf32>
          %add3A_472 = arith.addf %add3A_468, %gather3A_471 : vector<16xf32>
          %broadcast_in_dim3A_473 = vector.shape_cast %xor3A_62 : vector<16xi32> to vector<16x1xi32>
          %gather3A_474 = vector.shape_cast %broadcast_in_dim3A_473 : vector<16x1xi32> to vector<16xi32>
          %gather3A_475 = tpu.dynamic_gather %add3A_472[%gather3A_474] in [0] : vector<16xf32>, vector<16xi32> -> vector<16xf32>
          %add3A_476 = arith.addf %add3A_472, %gather3A_475 : vector<16xf32>
          %select_n3A_477 = arith.select %eq3A_64, %add3A_476, %broadcast_in_dim3A_402 : vector<16xi1>, vector<16xf32>
          %mul3A_478 = arith.constant 16 : i32
          %mul3A_479 = arith.muli %scan3A_401, %mul3A_478 : i32
          %add3A_480 = arith.constant 1 : i32
          %add3A_481 = arith.addi %mul3A_479, %add3A_480 : i32
          %get3A_482 = arith.index_cast %select_n3A_341 : i32 to index
          %get3A_483 = arith.index_cast %add3A_481 : i32 to index
          %get3A_484 = arith.constant 0 : index
          %get3A_485 = tpu.vector_load %arg9[%get3A_482, %get3A_483, %get3A_484] {strides = array<i32>} : memref<4x112x128xf32, #tpu.memory_space<vmem>>, vector<1x1x16xf32>,
          %get3A_486 = vector.shape_cast %get3A_485 : vector<1x1x16xf32> to vector<16xf32>
          %mul3A_487 = arith.mulf %get3A_486, %get3A_347 : vector<16xf32>
          %get3A_488 = arith.index_cast %select_n3A_341 : i32 to index
          %get3A_489 = arith.index_cast %add3A_481 : i32 to index
          %get3A_490 = arith.constant 16 : index
          %get3A_491 = tpu.vector_load %arg9[%get3A_488, %get3A_489, %get3A_490] {strides = array<i32>} : memref<4x112x128xf32, #tpu.memory_space<vmem>>, vector<1x1x16xf32>,
          %get3A_492 = vector.shape_cast %get3A_491 : vector<1x1x16xf32> to vector<16xf32>
          %mul3A_493 = arith.mulf %get3A_492, %get3A_351 : vector<16xf32>
          %add3A_494 = arith.addf %mul3A_487, %mul3A_493 : vector<16xf32>
          %get3A_495 = arith.index_cast %select_n3A_341 : i32 to index
          %get3A_496 = arith.index_cast %add3A_481 : i32 to index
          %get3A_497 = arith.constant 32 : index
          %get3A_498 = tpu.vector_load %arg9[%get3A_495, %get3A_496, %get3A_497] {strides = array<i32>} : memref<4x112x128xf32, #tpu.memory_space<vmem>>, vector<1x1x16xf32>,
          %get3A_499 = vector.shape_cast %get3A_498 : vector<1x1x16xf32> to vector<16xf32>
          %mul3A_500 = arith.mulf %get3A_499, %get3A_355 : vector<16xf32>
          %add3A_501 = arith.addf %add3A_494, %mul3A_500 : vector<16xf32>
          %get3A_502 = arith.index_cast %select_n3A_341 : i32 to index
          %get3A_503 = arith.index_cast %add3A_481 : i32 to index
          %get3A_504 = arith.constant 48 : index
          %get3A_505 = tpu.vector_load %arg9[%get3A_502, %get3A_503, %get3A_504] {strides = array<i32>} : memref<4x112x128xf32, #tpu.memory_space<vmem>>, vector<1x1x16xf32>,
          %get3A_506 = vector.shape_cast %get3A_505 : vector<1x1x16xf32> to vector<16xf32>
          %mul3A_507 = arith.mulf %get3A_506, %get3A_359 : vector<16xf32>
          %add3A_508 = arith.addf %add3A_501, %mul3A_507 : vector<16xf32>
          %get3A_509 = arith.index_cast %select_n3A_341 : i32 to index
          %get3A_510 = arith.index_cast %add3A_481 : i32 to index
          %get3A_511 = arith.constant 64 : index
          %get3A_512 = tpu.vector_load %arg9[%get3A_509, %get3A_510, %get3A_511] {strides = array<i32>} : memref<4x112x128xf32, #tpu.memory_space<vmem>>, vector<1x1x16xf32>,
          %get3A_513 = vector.shape_cast %get3A_512 : vector<1x1x16xf32> to vector<16xf32>
          %mul3A_514 = arith.mulf %get3A_513, %get3A_363 : vector<16xf32>
          %add3A_515 = arith.addf %add3A_508, %mul3A_514 : vector<16xf32>
          %get3A_516 = arith.index_cast %select_n3A_341 : i32 to index
          %get3A_517 = arith.index_cast %add3A_481 : i32 to index
          %get3A_518 = arith.constant 80 : index
          %get3A_519 = tpu.vector_load %arg9[%get3A_516, %get3A_517, %get3A_518] {strides = array<i32>} : memref<4x112x128xf32, #tpu.memory_space<vmem>>, vector<1x1x16xf32>,
          %get3A_520 = vector.shape_cast %get3A_519 : vector<1x1x16xf32> to vector<16xf32>
          %mul3A_521 = arith.mulf %get3A_520, %get3A_367 : vector<16xf32>
          %add3A_522 = arith.addf %add3A_515, %mul3A_521 : vector<16xf32>
          %get3A_523 = arith.index_cast %select_n3A_341 : i32 to index
          %get3A_524 = arith.index_cast %add3A_481 : i32 to index
          %get3A_525 = arith.constant 96 : index
          %get3A_526 = tpu.vector_load %arg9[%get3A_523, %get3A_524, %get3A_525] {strides = array<i32>} : memref<4x112x128xf32, #tpu.memory_space<vmem>>, vector<1x1x16xf32>,
          %get3A_527 = vector.shape_cast %get3A_526 : vector<1x1x16xf32> to vector<16xf32>
          %mul3A_528 = arith.mulf %get3A_527, %get3A_371 : vector<16xf32>
          %add3A_529 = arith.addf %add3A_522, %mul3A_528 : vector<16xf32>
          %get3A_530 = arith.index_cast %select_n3A_341 : i32 to index
          %get3A_531 = arith.index_cast %add3A_481 : i32 to index
          %get3A_532 = arith.constant 112 : index
          %get3A_533 = tpu.vector_load %arg9[%get3A_530, %get3A_531, %get3A_532] {strides = array<i32>} : memref<4x112x128xf32, #tpu.memory_space<vmem>>, vector<1x1x16xf32>,
          %get3A_534 = vector.shape_cast %get3A_533 : vector<1x1x16xf32> to vector<16xf32>
          %mul3A_535 = arith.mulf %get3A_534, %get3A_375 : vector<16xf32>
          %add3A_536 = arith.addf %add3A_529, %mul3A_535 : vector<16xf32>
          %broadcast_in_dim3A_537 = vector.shape_cast %xor3A_53 : vector<16xi32> to vector<16x1xi32>
          %gather3A_538 = vector.shape_cast %broadcast_in_dim3A_537 : vector<16x1xi32> to vector<16xi32>
          %gather3A_539 = tpu.dynamic_gather %add3A_536[%gather3A_538] in [0] : vector<16xf32>, vector<16xi32> -> vector<16xf32>
          %add3A_540 = arith.addf %add3A_536, %gather3A_539 : vector<16xf32>
          %broadcast_in_dim3A_541 = vector.shape_cast %xor3A_56 : vector<16xi32> to vector<16x1xi32>
          %gather3A_542 = vector.shape_cast %broadcast_in_dim3A_541 : vector<16x1xi32> to vector<16xi32>
          %gather3A_543 = tpu.dynamic_gather %add3A_540[%gather3A_542] in [0] : vector<16xf32>, vector<16xi32> -> vector<16xf32>
          %add3A_544 = arith.addf %add3A_540, %gather3A_543 : vector<16xf32>
          %broadcast_in_dim3A_545 = vector.shape_cast %xor3A_59 : vector<16xi32> to vector<16x1xi32>
          %gather3A_546 = vector.shape_cast %broadcast_in_dim3A_545 : vector<16x1xi32> to vector<16xi32>
          %gather3A_547 = tpu.dynamic_gather %add3A_544[%gather3A_546] in [0] : vector<16xf32>, vector<16xi32> -> vector<16xf32>
          %add3A_548 = arith.addf %add3A_544, %gather3A_547 : vector<16xf32>
          %broadcast_in_dim3A_549 = vector.shape_cast %xor3A_62 : vector<16xi32> to vector<16x1xi32>
          %gather3A_550 = vector.shape_cast %broadcast_in_dim3A_549 : vector<16x1xi32> to vector<16xi32>
          %gather3A_551 = tpu.dynamic_gather %add3A_548[%gather3A_550] in [0] : vector<16xf32>, vector<16xi32> -> vector<16xf32>
          %add3A_552 = arith.addf %add3A_548, %gather3A_551 : vector<16xf32>
          %select_n3A_553 = arith.select %eq3A_67, %add3A_552, %select_n3A_477 : vector<16xi1>, vector<16xf32>
          %mul3A_554 = arith.constant 16 : i32
          %mul3A_555 = arith.muli %scan3A_401, %mul3A_554 : i32
          %add3A_556 = arith.constant 2 : i32
          %add3A_557 = arith.addi %mul3A_555, %add3A_556 : i32
          %get3A_558 = arith.index_cast %select_n3A_341 : i32 to index
          %get3A_559 = arith.index_cast %add3A_557 : i32 to index
          %get3A_560 = arith.constant 0 : index
          %get3A_561 = tpu.vector_load %arg9[%get3A_558, %get3A_559, %get3A_560] {strides = array<i32>} : memref<4x112x128xf32, #tpu.memory_space<vmem>>, vector<1x1x16xf32>,
          %get3A_562 = vector.shape_cast %get3A_561 : vector<1x1x16xf32> to vector<16xf32>
          %mul3A_563 = arith.mulf %get3A_562, %get3A_347 : vector<16xf32>
          %get3A_564 = arith.index_cast %select_n3A_341 : i32 to index
          %get3A_565 = arith.index_cast %add3A_557 : i32 to index
          %get3A_566 = arith.constant 16 : index
          %get3A_567 = tpu.vector_load %arg9[%get3A_564, %get3A_565, %get3A_566] {strides = array<i32>} : memref<4x112x128xf32, #tpu.memory_space<vmem>>, vector<1x1x16xf32>,
          %get3A_568 = vector.shape_cast %get3A_567 : vector<1x1x16xf32> to vector<16xf32>
          %mul3A_569 = arith.mulf %get3A_568, %get3A_351 : vector<16xf32>
          %add3A_570 = arith.addf %mul3A_563, %mul3A_569 : vector<16xf32>
          %get3A_571 = arith.index_cast %select_n3A_341 : i32 to index
          %get3A_572 = arith.index_cast %add3A_557 : i32 to index
          %get3A_573 = arith.constant 32 : index
          %get3A_574 = tpu.vector_load %arg9[%get3A_571, %get3A_572, %get3A_573] {strides = array<i32>} : memref<4x112x128xf32, #tpu.memory_space<vmem>>, vector<1x1x16xf32>,
          %get3A_575 = vector.shape_cast %get3A_574 : vector<1x1x16xf32> to vector<16xf32>
          %mul3A_576 = arith.mulf %get3A_575, %get3A_355 : vector<16xf32>
          %add3A_577 = arith.addf %add3A_570, %mul3A_576 : vector<16xf32>
          %get3A_578 = arith.index_cast %select_n3A_341 : i32 to index
          %get3A_579 = arith.index_cast %add3A_557 : i32 to index
          %get3A_580 = arith.constant 48 : index
          %get3A_581 = tpu.vector_load %arg9[%get3A_578, %get3A_579, %get3A_580] {strides = array<i32>} : memref<4x112x128xf32, #tpu.memory_space<vmem>>, vector<1x1x16xf32>,
          %get3A_582 = vector.shape_cast %get3A_581 : vector<1x1x16xf32> to vector<16xf32>
          %mul3A_583 = arith.mulf %get3A_582, %get3A_359 : vector<16xf32>
          %add3A_584 = arith.addf %add3A_577, %mul3A_583 : vector<16xf32>
          %get3A_585 = arith.index_cast %select_n3A_341 : i32 to index
          %get3A_586 = arith.index_cast %add3A_557 : i32 to index
          %get3A_587 = arith.constant 64 : index
          %get3A_588 = tpu.vector_load %arg9[%get3A_585, %get3A_586, %get3A_587] {strides = array<i32>} : memref<4x112x128xf32, #tpu.memory_space<vmem>>, vector<1x1x16xf32>,
          %get3A_589 = vector.shape_cast %get3A_588 : vector<1x1x16xf32> to vector<16xf32>
          %mul3A_590 = arith.mulf %get3A_589, %get3A_363 : vector<16xf32>
          %add3A_591 = arith.addf %add3A_584, %mul3A_590 : vector<16xf32>
          %get3A_592 = arith.index_cast %select_n3A_341 : i32 to index
          %get3A_593 = arith.index_cast %add3A_557 : i32 to index
          %get3A_594 = arith.constant 80 : index
          %get3A_595 = tpu.vector_load %arg9[%get3A_592, %get3A_593, %get3A_594] {strides = array<i32>} : memref<4x112x128xf32, #tpu.memory_space<vmem>>, vector<1x1x16xf32>,
          %get3A_596 = vector.shape_cast %get3A_595 : vector<1x1x16xf32> to vector<16xf32>
          %mul3A_597 = arith.mulf %get3A_596, %get3A_367 : vector<16xf32>
          %add3A_598 = arith.addf %add3A_591, %mul3A_597 : vector<16xf32>
          %get3A_599 = arith.index_cast %select_n3A_341 : i32 to index
          %get3A_600 = arith.index_cast %add3A_557 : i32 to index
          %get3A_601 = arith.constant 96 : index
          %get3A_602 = tpu.vector_load %arg9[%get3A_599, %get3A_600, %get3A_601] {strides = array<i32>} : memref<4x112x128xf32, #tpu.memory_space<vmem>>, vector<1x1x16xf32>,
          %get3A_603 = vector.shape_cast %get3A_602 : vector<1x1x16xf32> to vector<16xf32>
          %mul3A_604 = arith.mulf %get3A_603, %get3A_371 : vector<16xf32>
          %add3A_605 = arith.addf %add3A_598, %mul3A_604 : vector<16xf32>
          %get3A_606 = arith.index_cast %select_n3A_341 : i32 to index
          %get3A_607 = arith.index_cast %add3A_557 : i32 to index
          %get3A_608 = arith.constant 112 : index
          %get3A_609 = tpu.vector_load %arg9[%get3A_606, %get3A_607, %get3A_608] {strides = array<i32>} : memref<4x112x128xf32, #tpu.memory_space<vmem>>, vector<1x1x16xf32>,
          %get3A_610 = vector.shape_cast %get3A_609 : vector<1x1x16xf32> to vector<16xf32>
          %mul3A_611 = arith.mulf %get3A_610, %get3A_375 : vector<16xf32>
          %add3A_612 = arith.addf %add3A_605, %mul3A_611 : vector<16xf32>
          %broadcast_in_dim3A_613 = vector.shape_cast %xor3A_53 : vector<16xi32> to vector<16x1xi32>
          %gather3A_614 = vector.shape_cast %broadcast_in_dim3A_613 : vector<16x1xi32> to vector<16xi32>
          %gather3A_615 = tpu.dynamic_gather %add3A_612[%gather3A_614] in [0] : vector<16xf32>, vector<16xi32> -> vector<16xf32>
          %add3A_616 = arith.addf %add3A_612, %gather3A_615 : vector<16xf32>
          %broadcast_in_dim3A_617 = vector.shape_cast %xor3A_56 : vector<16xi32> to vector<16x1xi32>
          %gather3A_618 = vector.shape_cast %broadcast_in_dim3A_617 : vector<16x1xi32> to vector<16xi32>
          %gather3A_619 = tpu.dynamic_gather %add3A_616[%gather3A_618] in [0] : vector<16xf32>, vector<16xi32> -> vector<16xf32>
          %add3A_620 = arith.addf %add3A_616, %gather3A_619 : vector<16xf32>
          %broadcast_in_dim3A_621 = vector.shape_cast %xor3A_59 : vector<16xi32> to vector<16x1xi32>
          %gather3A_622 = vector.shape_cast %broadcast_in_dim3A_621 : vector<16x1xi32> to vector<16xi32>
          %gather3A_623 = tpu.dynamic_gather %add3A_620[%gather3A_622] in [0] : vector<16xf32>, vector<16xi32> -> vector<16xf32>
          %add3A_624 = arith.addf %add3A_620, %gather3A_623 : vector<16xf32>
          %broadcast_in_dim3A_625 = vector.shape_cast %xor3A_62 : vector<16xi32> to vector<16x1xi32>
          %gather3A_626 = vector.shape_cast %broadcast_in_dim3A_625 : vector<16x1xi32> to vector<16xi32>
          %gather3A_627 = tpu.dynamic_gather %add3A_624[%gather3A_626] in [0] : vector<16xf32>, vector<16xi32> -> vector<16xf32>
          %add3A_628 = arith.addf %add3A_624, %gather3A_627 : vector<16xf32>
          %select_n3A_629 = arith.select %eq3A_70, %add3A_628, %select_n3A_553 : vector<16xi1>, vector<16xf32>
          %mul3A_630 = arith.constant 16 : i32
          %mul3A_631 = arith.muli %scan3A_401, %mul3A_630 : i32
          %add3A_632 = arith.constant 3 : i32
          %add3A_633 = arith.addi %mul3A_631, %add3A_632 : i32
          %get3A_634 = arith.index_cast %select_n3A_341 : i32 to index
          %get3A_635 = arith.index_cast %add3A_633 : i32 to index
          %get3A_636 = arith.constant 0 : index
          %get3A_637 = tpu.vector_load %arg9[%get3A_634, %get3A_635, %get3A_636] {strides = array<i32>} : memref<4x112x128xf32, #tpu.memory_space<vmem>>, vector<1x1x16xf32>,
          %get3A_638 = vector.shape_cast %get3A_637 : vector<1x1x16xf32> to vector<16xf32>
          %mul3A_639 = arith.mulf %get3A_638, %get3A_347 : vector<16xf32>
          %get3A_640 = arith.index_cast %select_n3A_341 : i32 to index
          %get3A_641 = arith.index_cast %add3A_633 : i32 to index
          %get3A_642 = arith.constant 16 : index
          %get3A_643 = tpu.vector_load %arg9[%get3A_640, %get3A_641, %get3A_642] {strides = array<i32>} : memref<4x112x128xf32, #tpu.memory_space<vmem>>, vector<1x1x16xf32>,
          %get3A_644 = vector.shape_cast %get3A_643 : vector<1x1x16xf32> to vector<16xf32>
          %mul3A_645 = arith.mulf %get3A_644, %get3A_351 : vector<16xf32>
          %add3A_646 = arith.addf %mul3A_639, %mul3A_645 : vector<16xf32>
          %get3A_647 = arith.index_cast %select_n3A_341 : i32 to index
          %get3A_648 = arith.index_cast %add3A_633 : i32 to index
          %get3A_649 = arith.constant 32 : index
          %get3A_650 = tpu.vector_load %arg9[%get3A_647, %get3A_648, %get3A_649] {strides = array<i32>} : memref<4x112x128xf32, #tpu.memory_space<vmem>>, vector<1x1x16xf32>,
          %get3A_651 = vector.shape_cast %get3A_650 : vector<1x1x16xf32> to vector<16xf32>
          %mul3A_652 = arith.mulf %get3A_651, %get3A_355 : vector<16xf32>
          %add3A_653 = arith.addf %add3A_646, %mul3A_652 : vector<16xf32>
          %get3A_654 = arith.index_cast %select_n3A_341 : i32 to index
          %get3A_655 = arith.index_cast %add3A_633 : i32 to index
          %get3A_656 = arith.constant 48 : index
          %get3A_657 = tpu.vector_load %arg9[%get3A_654, %get3A_655, %get3A_656] {strides = array<i32>} : memref<4x112x128xf32, #tpu.memory_space<vmem>>, vector<1x1x16xf32>,
          %get3A_658 = vector.shape_cast %get3A_657 : vector<1x1x16xf32> to vector<16xf32>
          %mul3A_659 = arith.mulf %get3A_658, %get3A_359 : vector<16xf32>
          %add3A_660 = arith.addf %add3A_653, %mul3A_659 : vector<16xf32>
          %get3A_661 = arith.index_cast %select_n3A_341 : i32 to index
          %get3A_662 = arith.index_cast %add3A_633 : i32 to index
          %get3A_663 = arith.constant 64 : index
          %get3A_664 = tpu.vector_load %arg9[%get3A_661, %get3A_662, %get3A_663] {strides = array<i32>} : memref<4x112x128xf32, #tpu.memory_space<vmem>>, vector<1x1x16xf32>,
          %get3A_665 = vector.shape_cast %get3A_664 : vector<1x1x16xf32> to vector<16xf32>
          %mul3A_666 = arith.mulf %get3A_665, %get3A_363 : vector<16xf32>
          %add3A_667 = arith.addf %add3A_660, %mul3A_666 : vector<16xf32>
          %get3A_668 = arith.index_cast %select_n3A_341 : i32 to index
          %get3A_669 = arith.index_cast %add3A_633 : i32 to index
          %get3A_670 = arith.constant 80 : index
          %get3A_671 = tpu.vector_load %arg9[%get3A_668, %get3A_669, %get3A_670] {strides = array<i32>} : memref<4x112x128xf32, #tpu.memory_space<vmem>>, vector<1x1x16xf32>,
          %get3A_672 = vector.shape_cast %get3A_671 : vector<1x1x16xf32> to vector<16xf32>
          %mul3A_673 = arith.mulf %get3A_672, %get3A_367 : vector<16xf32>
          %add3A_674 = arith.addf %add3A_667, %mul3A_673 : vector<16xf32>
          %get3A_675 = arith.index_cast %select_n3A_341 : i32 to index
          %get3A_676 = arith.index_cast %add3A_633 : i32 to index
          %get3A_677 = arith.constant 96 : index
          %get3A_678 = tpu.vector_load %arg9[%get3A_675, %get3A_676, %get3A_677] {strides = array<i32>} : memref<4x112x128xf32, #tpu.memory_space<vmem>>, vector<1x1x16xf32>,
          %get3A_679 = vector.shape_cast %get3A_678 : vector<1x1x16xf32> to vector<16xf32>
          %mul3A_680 = arith.mulf %get3A_679, %get3A_371 : vector<16xf32>
          %add3A_681 = arith.addf %add3A_674, %mul3A_680 : vector<16xf32>
          %get3A_682 = arith.index_cast %select_n3A_341 : i32 to index
          %get3A_683 = arith.index_cast %add3A_633 : i32 to index
          %get3A_684 = arith.constant 112 : index
          %get3A_685 = tpu.vector_load %arg9[%get3A_682, %get3A_683, %get3A_684] {strides = array<i32>} : memref<4x112x128xf32, #tpu.memory_space<vmem>>, vector<1x1x16xf32>,
          %get3A_686 = vector.shape_cast %get3A_685 : vector<1x1x16xf32> to vector<16xf32>
          %mul3A_687 = arith.mulf %get3A_686, %get3A_375 : vector<16xf32>
          %add3A_688 = arith.addf %add3A_681, %mul3A_687 : vector<16xf32>
          %broadcast_in_dim3A_689 = vector.shape_cast %xor3A_53 : vector<16xi32> to vector<16x1xi32>
          %gather3A_690 = vector.shape_cast %broadcast_in_dim3A_689 : vector<16x1xi32> to vector<16xi32>
          %gather3A_691 = tpu.dynamic_gather %add3A_688[%gather3A_690] in [0] : vector<16xf32>, vector<16xi32> -> vector<16xf32>
          %add3A_692 = arith.addf %add3A_688, %gather3A_691 : vector<16xf32>
          %broadcast_in_dim3A_693 = vector.shape_cast %xor3A_56 : vector<16xi32> to vector<16x1xi32>
          %gather3A_694 = vector.shape_cast %broadcast_in_dim3A_693 : vector<16x1xi32> to vector<16xi32>
          %gather3A_695 = tpu.dynamic_gather %add3A_692[%gather3A_694] in [0] : vector<16xf32>, vector<16xi32> -> vector<16xf32>
          %add3A_696 = arith.addf %add3A_692, %gather3A_695 : vector<16xf32>
          %broadcast_in_dim3A_697 = vector.shape_cast %xor3A_59 : vector<16xi32> to vector<16x1xi32>
          %gather3A_698 = vector.shape_cast %broadcast_in_dim3A_697 : vector<16x1xi32> to vector<16xi32>
          %gather3A_699 = tpu.dynamic_gather %add3A_696[%gather3A_698] in [0] : vector<16xf32>, vector<16xi32> -> vector<16xf32>
          %add3A_700 = arith.addf %add3A_696, %gather3A_699 : vector<16xf32>
          %broadcast_in_dim3A_701 = vector.shape_cast %xor3A_62 : vector<16xi32> to vector<16x1xi32>
          %gather3A_702 = vector.shape_cast %broadcast_in_dim3A_701 : vector<16x1xi32> to vector<16xi32>
          %gather3A_703 = tpu.dynamic_gather %add3A_700[%gather3A_702] in [0] : vector<16xf32>, vector<16xi32> -> vector<16xf32>
          %add3A_704 = arith.addf %add3A_700, %gather3A_703 : vector<16xf32>
          %select_n3A_705 = arith.select %eq3A_73, %add3A_704, %select_n3A_629 : vector<16xi1>, vector<16xf32>
          %mul3A_706 = arith.constant 16 : i32
          %mul3A_707 = arith.muli %scan3A_401, %mul3A_706 : i32
          %add3A_708 = arith.constant 4 : i32
          %add3A_709 = arith.addi %mul3A_707, %add3A_708 : i32
          %get3A_710 = arith.index_cast %select_n3A_341 : i32 to index
          %get3A_711 = arith.index_cast %add3A_709 : i32 to index
          %get3A_712 = arith.constant 0 : index
          %get3A_713 = tpu.vector_load %arg9[%get3A_710, %get3A_711, %get3A_712] {strides = array<i32>} : memref<4x112x128xf32, #tpu.memory_space<vmem>>, vector<1x1x16xf32>,
          %get3A_714 = vector.shape_cast %get3A_713 : vector<1x1x16xf32> to vector<16xf32>
          %mul3A_715 = arith.mulf %get3A_714, %get3A_347 : vector<16xf32>
          %get3A_716 = arith.index_cast %select_n3A_341 : i32 to index
          %get3A_717 = arith.index_cast %add3A_709 : i32 to index
          %get3A_718 = arith.constant 16 : index
          %get3A_719 = tpu.vector_load %arg9[%get3A_716, %get3A_717, %get3A_718] {strides = array<i32>} : memref<4x112x128xf32, #tpu.memory_space<vmem>>, vector<1x1x16xf32>,
          %get3A_720 = vector.shape_cast %get3A_719 : vector<1x1x16xf32> to vector<16xf32>
          %mul3A_721 = arith.mulf %get3A_720, %get3A_351 : vector<16xf32>
          %add3A_722 = arith.addf %mul3A_715, %mul3A_721 : vector<16xf32>
          %get3A_723 = arith.index_cast %select_n3A_341 : i32 to index
          %get3A_724 = arith.index_cast %add3A_709 : i32 to index
          %get3A_725 = arith.constant 32 : index
          %get3A_726 = tpu.vector_load %arg9[%get3A_723, %get3A_724, %get3A_725] {strides = array<i32>} : memref<4x112x128xf32, #tpu.memory_space<vmem>>, vector<1x1x16xf32>,
          %get3A_727 = vector.shape_cast %get3A_726 : vector<1x1x16xf32> to vector<16xf32>
          %mul3A_728 = arith.mulf %get3A_727, %get3A_355 : vector<16xf32>
          %add3A_729 = arith.addf %add3A_722, %mul3A_728 : vector<16xf32>
          %get3A_730 = arith.index_cast %select_n3A_341 : i32 to index
          %get3A_731 = arith.index_cast %add3A_709 : i32 to index
          %get3A_732 = arith.constant 48 : index
          %get3A_733 = tpu.vector_load %arg9[%get3A_730, %get3A_731, %get3A_732] {strides = array<i32>} : memref<4x112x128xf32, #tpu.memory_space<vmem>>, vector<1x1x16xf32>,
          %get3A_734 = vector.shape_cast %get3A_733 : vector<1x1x16xf32> to vector<16xf32>
          %mul3A_735 = arith.mulf %get3A_734, %get3A_359 : vector<16xf32>
          %add3A_736 = arith.addf %add3A_729, %mul3A_735 : vector<16xf32>
          %get3A_737 = arith.index_cast %select_n3A_341 : i32 to index
          %get3A_738 = arith.index_cast %add3A_709 : i32 to index
          %get3A_739 = arith.constant 64 : index
          %get3A_740 = tpu.vector_load %arg9[%get3A_737, %get3A_738, %get3A_739] {strides = array<i32>} : memref<4x112x128xf32, #tpu.memory_space<vmem>>, vector<1x1x16xf32>,
          %get3A_741 = vector.shape_cast %get3A_740 : vector<1x1x16xf32> to vector<16xf32>
          %mul3A_742 = arith.mulf %get3A_741, %get3A_363 : vector<16xf32>
          %add3A_743 = arith.addf %add3A_736, %mul3A_742 : vector<16xf32>
          %get3A_744 = arith.index_cast %select_n3A_341 : i32 to index
          %get3A_745 = arith.index_cast %add3A_709 : i32 to index
          %get3A_746 = arith.constant 80 : index
          %get3A_747 = tpu.vector_load %arg9[%get3A_744, %get3A_745, %get3A_746] {strides = array<i32>} : memref<4x112x128xf32, #tpu.memory_space<vmem>>, vector<1x1x16xf32>,
          %get3A_748 = vector.shape_cast %get3A_747 : vector<1x1x16xf32> to vector<16xf32>
          %mul3A_749 = arith.mulf %get3A_748, %get3A_367 : vector<16xf32>
          %add3A_750 = arith.addf %add3A_743, %mul3A_749 : vector<16xf32>
          %get3A_751 = arith.index_cast %select_n3A_341 : i32 to index
          %get3A_752 = arith.index_cast %add3A_709 : i32 to index
          %get3A_753 = arith.constant 96 : index
          %get3A_754 = tpu.vector_load %arg9[%get3A_751, %get3A_752, %get3A_753] {strides = array<i32>} : memref<4x112x128xf32, #tpu.memory_space<vmem>>, vector<1x1x16xf32>,
          %get3A_755 = vector.shape_cast %get3A_754 : vector<1x1x16xf32> to vector<16xf32>
          %mul3A_756 = arith.mulf %get3A_755, %get3A_371 : vector<16xf32>
          %add3A_757 = arith.addf %add3A_750, %mul3A_756 : vector<16xf32>
          %get3A_758 = arith.index_cast %select_n3A_341 : i32 to index
          %get3A_759 = arith.index_cast %add3A_709 : i32 to index
          %get3A_760 = arith.constant 112 : index
          %get3A_761 = tpu.vector_load %arg9[%get3A_758, %get3A_759, %get3A_760] {strides = array<i32>} : memref<4x112x128xf32, #tpu.memory_space<vmem>>, vector<1x1x16xf32>,
          %get3A_762 = vector.shape_cast %get3A_761 : vector<1x1x16xf32> to vector<16xf32>
          %mul3A_763 = arith.mulf %get3A_762, %get3A_375 : vector<16xf32>
          %add3A_764 = arith.addf %add3A_757, %mul3A_763 : vector<16xf32>
          %broadcast_in_dim3A_765 = vector.shape_cast %xor3A_53 : vector<16xi32> to vector<16x1xi32>
          %gather3A_766 = vector.shape_cast %broadcast_in_dim3A_765 : vector<16x1xi32> to vector<16xi32>
          %gather3A_767 = tpu.dynamic_gather %add3A_764[%gather3A_766] in [0] : vector<16xf32>, vector<16xi32> -> vector<16xf32>
          %add3A_768 = arith.addf %add3A_764, %gather3A_767 : vector<16xf32>
          %broadcast_in_dim3A_769 = vector.shape_cast %xor3A_56 : vector<16xi32> to vector<16x1xi32>
          %gather3A_770 = vector.shape_cast %broadcast_in_dim3A_769 : vector<16x1xi32> to vector<16xi32>
          %gather3A_771 = tpu.dynamic_gather %add3A_768[%gather3A_770] in [0] : vector<16xf32>, vector<16xi32> -> vector<16xf32>
          %add3A_772 = arith.addf %add3A_768, %gather3A_771 : vector<16xf32>
          %broadcast_in_dim3A_773 = vector.shape_cast %xor3A_59 : vector<16xi32> to vector<16x1xi32>
          %gather3A_774 = vector.shape_cast %broadcast_in_dim3A_773 : vector<16x1xi32> to vector<16xi32>
          %gather3A_775 = tpu.dynamic_gather %add3A_772[%gather3A_774] in [0] : vector<16xf32>, vector<16xi32> -> vector<16xf32>
          %add3A_776 = arith.addf %add3A_772, %gather3A_775 : vector<16xf32>
          %broadcast_in_dim3A_777 = vector.shape_cast %xor3A_62 : vector<16xi32> to vector<16x1xi32>
          %gather3A_778 = vector.shape_cast %broadcast_in_dim3A_777 : vector<16x1xi32> to vector<16xi32>
          %gather3A_779 = tpu.dynamic_gather %add3A_776[%gather3A_778] in [0] : vector<16xf32>, vector<16xi32> -> vector<16xf32>
          %add3A_780 = arith.addf %add3A_776, %gather3A_779 : vector<16xf32>
          %select_n3A_781 = arith.select %eq3A_76, %add3A_780, %select_n3A_705 : vector<16xi1>, vector<16xf32>
          %mul3A_782 = arith.constant 16 : i32
          %mul3A_783 = arith.muli %scan3A_401, %mul3A_782 : i32
          %add3A_784 = arith.constant 5 : i32
          %add3A_785 = arith.addi %mul3A_783, %add3A_784 : i32
          %get3A_786 = arith.index_cast %select_n3A_341 : i32 to index
          %get3A_787 = arith.index_cast %add3A_785 : i32 to index
          %get3A_788 = arith.constant 0 : index
          %get3A_789 = tpu.vector_load %arg9[%get3A_786, %get3A_787, %get3A_788] {strides = array<i32>} : memref<4x112x128xf32, #tpu.memory_space<vmem>>, vector<1x1x16xf32>,
          %get3A_790 = vector.shape_cast %get3A_789 : vector<1x1x16xf32> to vector<16xf32>
          %mul3A_791 = arith.mulf %get3A_790, %get3A_347 : vector<16xf32>
          %get3A_792 = arith.index_cast %select_n3A_341 : i32 to index
          %get3A_793 = arith.index_cast %add3A_785 : i32 to index
          %get3A_794 = arith.constant 16 : index
          %get3A_795 = tpu.vector_load %arg9[%get3A_792, %get3A_793, %get3A_794] {strides = array<i32>} : memref<4x112x128xf32, #tpu.memory_space<vmem>>, vector<1x1x16xf32>,
          %get3A_796 = vector.shape_cast %get3A_795 : vector<1x1x16xf32> to vector<16xf32>
          %mul3A_797 = arith.mulf %get3A_796, %get3A_351 : vector<16xf32>
          %add3A_798 = arith.addf %mul3A_791, %mul3A_797 : vector<16xf32>
          %get3A_799 = arith.index_cast %select_n3A_341 : i32 to index
          %get3A_800 = arith.index_cast %add3A_785 : i32 to index
          %get3A_801 = arith.constant 32 : index
          %get3A_802 = tpu.vector_load %arg9[%get3A_799, %get3A_800, %get3A_801] {strides = array<i32>} : memref<4x112x128xf32, #tpu.memory_space<vmem>>, vector<1x1x16xf32>,
          %get3A_803 = vector.shape_cast %get3A_802 : vector<1x1x16xf32> to vector<16xf32>
          %mul3A_804 = arith.mulf %get3A_803, %get3A_355 : vector<16xf32>
          %add3A_805 = arith.addf %add3A_798, %mul3A_804 : vector<16xf32>
          %get3A_806 = arith.index_cast %select_n3A_341 : i32 to index
          %get3A_807 = arith.index_cast %add3A_785 : i32 to index
          %get3A_808 = arith.constant 48 : index
          %get3A_809 = tpu.vector_load %arg9[%get3A_806, %get3A_807, %get3A_808] {strides = array<i32>} : memref<4x112x128xf32, #tpu.memory_space<vmem>>, vector<1x1x16xf32>,
          %get3A_810 = vector.shape_cast %get3A_809 : vector<1x1x16xf32> to vector<16xf32>
          %mul3A_811 = arith.mulf %get3A_810, %get3A_359 : vector<16xf32>
          %add3A_812 = arith.addf %add3A_805, %mul3A_811 : vector<16xf32>
          %get3A_813 = arith.index_cast %select_n3A_341 : i32 to index
          %get3A_814 = arith.index_cast %add3A_785 : i32 to index
          %get3A_815 = arith.constant 64 : index
          %get3A_816 = tpu.vector_load %arg9[%get3A_813, %get3A_814, %get3A_815] {strides = array<i32>} : memref<4x112x128xf32, #tpu.memory_space<vmem>>, vector<1x1x16xf32>,
          %get3A_817 = vector.shape_cast %get3A_816 : vector<1x1x16xf32> to vector<16xf32>
          %mul3A_818 = arith.mulf %get3A_817, %get3A_363 : vector<16xf32>
          %add3A_819 = arith.addf %add3A_812, %mul3A_818 : vector<16xf32>
          %get3A_820 = arith.index_cast %select_n3A_341 : i32 to index
          %get3A_821 = arith.index_cast %add3A_785 : i32 to index
          %get3A_822 = arith.constant 80 : index
          %get3A_823 = tpu.vector_load %arg9[%get3A_820, %get3A_821, %get3A_822] {strides = array<i32>} : memref<4x112x128xf32, #tpu.memory_space<vmem>>, vector<1x1x16xf32>,
          %get3A_824 = vector.shape_cast %get3A_823 : vector<1x1x16xf32> to vector<16xf32>
          %mul3A_825 = arith.mulf %get3A_824, %get3A_367 : vector<16xf32>
          %add3A_826 = arith.addf %add3A_819, %mul3A_825 : vector<16xf32>
          %get3A_827 = arith.index_cast %select_n3A_341 : i32 to index
          %get3A_828 = arith.index_cast %add3A_785 : i32 to index
          %get3A_829 = arith.constant 96 : index
          %get3A_830 = tpu.vector_load %arg9[%get3A_827, %get3A_828, %get3A_829] {strides = array<i32>} : memref<4x112x128xf32, #tpu.memory_space<vmem>>, vector<1x1x16xf32>,
          %get3A_831 = vector.shape_cast %get3A_830 : vector<1x1x16xf32> to vector<16xf32>
          %mul3A_832 = arith.mulf %get3A_831, %get3A_371 : vector<16xf32>
          %add3A_833 = arith.addf %add3A_826, %mul3A_832 : vector<16xf32>
          %get3A_834 = arith.index_cast %select_n3A_341 : i32 to index
          %get3A_835 = arith.index_cast %add3A_785 : i32 to index
          %get3A_836 = arith.constant 112 : index
          %get3A_837 = tpu.vector_load %arg9[%get3A_834, %get3A_835, %get3A_836] {strides = array<i32>} : memref<4x112x128xf32, #tpu.memory_space<vmem>>, vector<1x1x16xf32>,
          %get3A_838 = vector.shape_cast %get3A_837 : vector<1x1x16xf32> to vector<16xf32>
          %mul3A_839 = arith.mulf %get3A_838, %get3A_375 : vector<16xf32>
          %add3A_840 = arith.addf %add3A_833, %mul3A_839 : vector<16xf32>
          %broadcast_in_dim3A_841 = vector.shape_cast %xor3A_53 : vector<16xi32> to vector<16x1xi32>
          %gather3A_842 = vector.shape_cast %broadcast_in_dim3A_841 : vector<16x1xi32> to vector<16xi32>
          %gather3A_843 = tpu.dynamic_gather %add3A_840[%gather3A_842] in [0] : vector<16xf32>, vector<16xi32> -> vector<16xf32>
          %add3A_844 = arith.addf %add3A_840, %gather3A_843 : vector<16xf32>
          %broadcast_in_dim3A_845 = vector.shape_cast %xor3A_56 : vector<16xi32> to vector<16x1xi32>
          %gather3A_846 = vector.shape_cast %broadcast_in_dim3A_845 : vector<16x1xi32> to vector<16xi32>
          %gather3A_847 = tpu.dynamic_gather %add3A_844[%gather3A_846] in [0] : vector<16xf32>, vector<16xi32> -> vector<16xf32>
          %add3A_848 = arith.addf %add3A_844, %gather3A_847 : vector<16xf32>
          %broadcast_in_dim3A_849 = vector.shape_cast %xor3A_59 : vector<16xi32> to vector<16x1xi32>
          %gather3A_850 = vector.shape_cast %broadcast_in_dim3A_849 : vector<16x1xi32> to vector<16xi32>
          %gather3A_851 = tpu.dynamic_gather %add3A_848[%gather3A_850] in [0] : vector<16xf32>, vector<16xi32> -> vector<16xf32>
          %add3A_852 = arith.addf %add3A_848, %gather3A_851 : vector<16xf32>
          %broadcast_in_dim3A_853 = vector.shape_cast %xor3A_62 : vector<16xi32> to vector<16x1xi32>
          %gather3A_854 = vector.shape_cast %broadcast_in_dim3A_853 : vector<16x1xi32> to vector<16xi32>
          %gather3A_855 = tpu.dynamic_gather %add3A_852[%gather3A_854] in [0] : vector<16xf32>, vector<16xi32> -> vector<16xf32>
          %add3A_856 = arith.addf %add3A_852, %gather3A_855 : vector<16xf32>
          %select_n3A_857 = arith.select %eq3A_79, %add3A_856, %select_n3A_781 : vector<16xi1>, vector<16xf32>
          %mul3A_858 = arith.constant 16 : i32
          %mul3A_859 = arith.muli %scan3A_401, %mul3A_858 : i32
          %add3A_860 = arith.constant 6 : i32
          %add3A_861 = arith.addi %mul3A_859, %add3A_860 : i32
          %get3A_862 = arith.index_cast %select_n3A_341 : i32 to index
          %get3A_863 = arith.index_cast %add3A_861 : i32 to index
          %get3A_864 = arith.constant 0 : index
          %get3A_865 = tpu.vector_load %arg9[%get3A_862, %get3A_863, %get3A_864] {strides = array<i32>} : memref<4x112x128xf32, #tpu.memory_space<vmem>>, vector<1x1x16xf32>,
          %get3A_866 = vector.shape_cast %get3A_865 : vector<1x1x16xf32> to vector<16xf32>
          %mul3A_867 = arith.mulf %get3A_866, %get3A_347 : vector<16xf32>
          %get3A_868 = arith.index_cast %select_n3A_341 : i32 to index
          %get3A_869 = arith.index_cast %add3A_861 : i32 to index
          %get3A_870 = arith.constant 16 : index
          %get3A_871 = tpu.vector_load %arg9[%get3A_868, %get3A_869, %get3A_870] {strides = array<i32>} : memref<4x112x128xf32, #tpu.memory_space<vmem>>, vector<1x1x16xf32>,
          %get3A_872 = vector.shape_cast %get3A_871 : vector<1x1x16xf32> to vector<16xf32>
          %mul3A_873 = arith.mulf %get3A_872, %get3A_351 : vector<16xf32>
          %add3A_874 = arith.addf %mul3A_867, %mul3A_873 : vector<16xf32>
          %get3A_875 = arith.index_cast %select_n3A_341 : i32 to index
          %get3A_876 = arith.index_cast %add3A_861 : i32 to index
          %get3A_877 = arith.constant 32 : index
          %get3A_878 = tpu.vector_load %arg9[%get3A_875, %get3A_876, %get3A_877] {strides = array<i32>} : memref<4x112x128xf32, #tpu.memory_space<vmem>>, vector<1x1x16xf32>,
          %get3A_879 = vector.shape_cast %get3A_878 : vector<1x1x16xf32> to vector<16xf32>
          %mul3A_880 = arith.mulf %get3A_879, %get3A_355 : vector<16xf32>
          %add3A_881 = arith.addf %add3A_874, %mul3A_880 : vector<16xf32>
          %get3A_882 = arith.index_cast %select_n3A_341 : i32 to index
          %get3A_883 = arith.index_cast %add3A_861 : i32 to index
          %get3A_884 = arith.constant 48 : index
          %get3A_885 = tpu.vector_load %arg9[%get3A_882, %get3A_883, %get3A_884] {strides = array<i32>} : memref<4x112x128xf32, #tpu.memory_space<vmem>>, vector<1x1x16xf32>,
          %get3A_886 = vector.shape_cast %get3A_885 : vector<1x1x16xf32> to vector<16xf32>
          %mul3A_887 = arith.mulf %get3A_886, %get3A_359 : vector<16xf32>
          %add3A_888 = arith.addf %add3A_881, %mul3A_887 : vector<16xf32>
          %get3A_889 = arith.index_cast %select_n3A_341 : i32 to index
          %get3A_890 = arith.index_cast %add3A_861 : i32 to index
          %get3A_891 = arith.constant 64 : index
          %get3A_892 = tpu.vector_load %arg9[%get3A_889, %get3A_890, %get3A_891] {strides = array<i32>} : memref<4x112x128xf32, #tpu.memory_space<vmem>>, vector<1x1x16xf32>,
          %get3A_893 = vector.shape_cast %get3A_892 : vector<1x1x16xf32> to vector<16xf32>
          %mul3A_894 = arith.mulf %get3A_893, %get3A_363 : vector<16xf32>
          %add3A_895 = arith.addf %add3A_888, %mul3A_894 : vector<16xf32>
          %get3A_896 = arith.index_cast %select_n3A_341 : i32 to index
          %get3A_897 = arith.index_cast %add3A_861 : i32 to index
          %get3A_898 = arith.constant 80 : index
          %get3A_899 = tpu.vector_load %arg9[%get3A_896, %get3A_897, %get3A_898] {strides = array<i32>} : memref<4x112x128xf32, #tpu.memory_space<vmem>>, vector<1x1x16xf32>,
          %get3A_900 = vector.shape_cast %get3A_899 : vector<1x1x16xf32> to vector<16xf32>
          %mul3A_901 = arith.mulf %get3A_900, %get3A_367 : vector<16xf32>
          %add3A_902 = arith.addf %add3A_895, %mul3A_901 : vector<16xf32>
          %get3A_903 = arith.index_cast %select_n3A_341 : i32 to index
          %get3A_904 = arith.index_cast %add3A_861 : i32 to index
          %get3A_905 = arith.constant 96 : index
          %get3A_906 = tpu.vector_load %arg9[%get3A_903, %get3A_904, %get3A_905] {strides = array<i32>} : memref<4x112x128xf32, #tpu.memory_space<vmem>>, vector<1x1x16xf32>,
          %get3A_907 = vector.shape_cast %get3A_906 : vector<1x1x16xf32> to vector<16xf32>
          %mul3A_908 = arith.mulf %get3A_907, %get3A_371 : vector<16xf32>
          %add3A_909 = arith.addf %add3A_902, %mul3A_908 : vector<16xf32>
          %get3A_910 = arith.index_cast %select_n3A_341 : i32 to index
          %get3A_911 = arith.index_cast %add3A_861 : i32 to index
          %get3A_912 = arith.constant 112 : index
          %get3A_913 = tpu.vector_load %arg9[%get3A_910, %get3A_911, %get3A_912] {strides = array<i32>} : memref<4x112x128xf32, #tpu.memory_space<vmem>>, vector<1x1x16xf32>,
          %get3A_914 = vector.shape_cast %get3A_913 : vector<1x1x16xf32> to vector<16xf32>
          %mul3A_915 = arith.mulf %get3A_914, %get3A_375 : vector<16xf32>
          %add3A_916 = arith.addf %add3A_909, %mul3A_915 : vector<16xf32>
          %broadcast_in_dim3A_917 = vector.shape_cast %xor3A_53 : vector<16xi32> to vector<16x1xi32>
          %gather3A_918 = vector.shape_cast %broadcast_in_dim3A_917 : vector<16x1xi32> to vector<16xi32>
          %gather3A_919 = tpu.dynamic_gather %add3A_916[%gather3A_918] in [0] : vector<16xf32>, vector<16xi32> -> vector<16xf32>
          %add3A_920 = arith.addf %add3A_916, %gather3A_919 : vector<16xf32>
          %broadcast_in_dim3A_921 = vector.shape_cast %xor3A_56 : vector<16xi32> to vector<16x1xi32>
          %gather3A_922 = vector.shape_cast %broadcast_in_dim3A_921 : vector<16x1xi32> to vector<16xi32>
          %gather3A_923 = tpu.dynamic_gather %add3A_920[%gather3A_922] in [0] : vector<16xf32>, vector<16xi32> -> vector<16xf32>
          %add3A_924 = arith.addf %add3A_920, %gather3A_923 : vector<16xf32>
          %broadcast_in_dim3A_925 = vector.shape_cast %xor3A_59 : vector<16xi32> to vector<16x1xi32>
          %gather3A_926 = vector.shape_cast %broadcast_in_dim3A_925 : vector<16x1xi32> to vector<16xi32>
          %gather3A_927 = tpu.dynamic_gather %add3A_924[%gather3A_926] in [0] : vector<16xf32>, vector<16xi32> -> vector<16xf32>
          %add3A_928 = arith.addf %add3A_924, %gather3A_927 : vector<16xf32>
          %broadcast_in_dim3A_929 = vector.shape_cast %xor3A_62 : vector<16xi32> to vector<16x1xi32>
          %gather3A_930 = vector.shape_cast %broadcast_in_dim3A_929 : vector<16x1xi32> to vector<16xi32>
          %gather3A_931 = tpu.dynamic_gather %add3A_928[%gather3A_930] in [0] : vector<16xf32>, vector<16xi32> -> vector<16xf32>
          %add3A_932 = arith.addf %add3A_928, %gather3A_931 : vector<16xf32>
          %select_n3A_933 = arith.select %eq3A_82, %add3A_932, %select_n3A_857 : vector<16xi1>, vector<16xf32>
          %mul3A_934 = arith.constant 16 : i32
          %mul3A_935 = arith.muli %scan3A_401, %mul3A_934 : i32
          %add3A_936 = arith.constant 7 : i32
          %add3A_937 = arith.addi %mul3A_935, %add3A_936 : i32
          %get3A_938 = arith.index_cast %select_n3A_341 : i32 to index
          %get3A_939 = arith.index_cast %add3A_937 : i32 to index
          %get3A_940 = arith.constant 0 : index
          %get3A_941 = tpu.vector_load %arg9[%get3A_938, %get3A_939, %get3A_940] {strides = array<i32>} : memref<4x112x128xf32, #tpu.memory_space<vmem>>, vector<1x1x16xf32>,
          %get3A_942 = vector.shape_cast %get3A_941 : vector<1x1x16xf32> to vector<16xf32>
          %mul3A_943 = arith.mulf %get3A_942, %get3A_347 : vector<16xf32>
          %get3A_944 = arith.index_cast %select_n3A_341 : i32 to index
          %get3A_945 = arith.index_cast %add3A_937 : i32 to index
          %get3A_946 = arith.constant 16 : index
          %get3A_947 = tpu.vector_load %arg9[%get3A_944, %get3A_945, %get3A_946] {strides = array<i32>} : memref<4x112x128xf32, #tpu.memory_space<vmem>>, vector<1x1x16xf32>,
          %get3A_948 = vector.shape_cast %get3A_947 : vector<1x1x16xf32> to vector<16xf32>
          %mul3A_949 = arith.mulf %get3A_948, %get3A_351 : vector<16xf32>
          %add3A_950 = arith.addf %mul3A_943, %mul3A_949 : vector<16xf32>
          %get3A_951 = arith.index_cast %select_n3A_341 : i32 to index
          %get3A_952 = arith.index_cast %add3A_937 : i32 to index
          %get3A_953 = arith.constant 32 : index
          %get3A_954 = tpu.vector_load %arg9[%get3A_951, %get3A_952, %get3A_953] {strides = array<i32>} : memref<4x112x128xf32, #tpu.memory_space<vmem>>, vector<1x1x16xf32>,
          %get3A_955 = vector.shape_cast %get3A_954 : vector<1x1x16xf32> to vector<16xf32>
          %mul3A_956 = arith.mulf %get3A_955, %get3A_355 : vector<16xf32>
          %add3A_957 = arith.addf %add3A_950, %mul3A_956 : vector<16xf32>
          %get3A_958 = arith.index_cast %select_n3A_341 : i32 to index
          %get3A_959 = arith.index_cast %add3A_937 : i32 to index
          %get3A_960 = arith.constant 48 : index
          %get3A_961 = tpu.vector_load %arg9[%get3A_958, %get3A_959, %get3A_960] {strides = array<i32>} : memref<4x112x128xf32, #tpu.memory_space<vmem>>, vector<1x1x16xf32>,
          %get3A_962 = vector.shape_cast %get3A_961 : vector<1x1x16xf32> to vector<16xf32>
          %mul3A_963 = arith.mulf %get3A_962, %get3A_359 : vector<16xf32>
          %add3A_964 = arith.addf %add3A_957, %mul3A_963 : vector<16xf32>
          %get3A_965 = arith.index_cast %select_n3A_341 : i32 to index
          %get3A_966 = arith.index_cast %add3A_937 : i32 to index
          %get3A_967 = arith.constant 64 : index
          %get3A_968 = tpu.vector_load %arg9[%get3A_965, %get3A_966, %get3A_967] {strides = array<i32>} : memref<4x112x128xf32, #tpu.memory_space<vmem>>, vector<1x1x16xf32>,
          %get3A_969 = vector.shape_cast %get3A_968 : vector<1x1x16xf32> to vector<16xf32>
          %mul3A_970 = arith.mulf %get3A_969, %get3A_363 : vector<16xf32>
          %add3A_971 = arith.addf %add3A_964, %mul3A_970 : vector<16xf32>
          %get3A_972 = arith.index_cast %select_n3A_341 : i32 to index
          %get3A_973 = arith.index_cast %add3A_937 : i32 to index
          %get3A_974 = arith.constant 80 : index
          %get3A_975 = tpu.vector_load %arg9[%get3A_972, %get3A_973, %get3A_974] {strides = array<i32>} : memref<4x112x128xf32, #tpu.memory_space<vmem>>, vector<1x1x16xf32>,
          %get3A_976 = vector.shape_cast %get3A_975 : vector<1x1x16xf32> to vector<16xf32>
          %mul3A_977 = arith.mulf %get3A_976, %get3A_367 : vector<16xf32>
          %add3A_978 = arith.addf %add3A_971, %mul3A_977 : vector<16xf32>
          %get3A_979 = arith.index_cast %select_n3A_341 : i32 to index
          %get3A_980 = arith.index_cast %add3A_937 : i32 to index
          %get3A_981 = arith.constant 96 : index
          %get3A_982 = tpu.vector_load %arg9[%get3A_979, %get3A_980, %get3A_981] {strides = array<i32>} : memref<4x112x128xf32, #tpu.memory_space<vmem>>, vector<1x1x16xf32>,
          %get3A_983 = vector.shape_cast %get3A_982 : vector<1x1x16xf32> to vector<16xf32>
          %mul3A_984 = arith.mulf %get3A_983, %get3A_371 : vector<16xf32>
          %add3A_985 = arith.addf %add3A_978, %mul3A_984 : vector<16xf32>
          %get3A_986 = arith.index_cast %select_n3A_341 : i32 to index
          %get3A_987 = arith.index_cast %add3A_937 : i32 to index
          %get3A_988 = arith.constant 112 : index
          %get3A_989 = tpu.vector_load %arg9[%get3A_986, %get3A_987, %get3A_988] {strides = array<i32>} : memref<4x112x128xf32, #tpu.memory_space<vmem>>, vector<1x1x16xf32>,
          %get3A_990 = vector.shape_cast %get3A_989 : vector<1x1x16xf32> to vector<16xf32>
          %mul3A_991 = arith.mulf %get3A_990, %get3A_375 : vector<16xf32>
          %add3A_992 = arith.addf %add3A_985, %mul3A_991 : vector<16xf32>
          %broadcast_in_dim3A_993 = vector.shape_cast %xor3A_53 : vector<16xi32> to vector<16x1xi32>
          %gather3A_994 = vector.shape_cast %broadcast_in_dim3A_993 : vector<16x1xi32> to vector<16xi32>
          %gather3A_995 = tpu.dynamic_gather %add3A_992[%gather3A_994] in [0] : vector<16xf32>, vector<16xi32> -> vector<16xf32>
          %add3A_996 = arith.addf %add3A_992, %gather3A_995 : vector<16xf32>
          %broadcast_in_dim3A_997 = vector.shape_cast %xor3A_56 : vector<16xi32> to vector<16x1xi32>
          %gather3A_998 = vector.shape_cast %broadcast_in_dim3A_997 : vector<16x1xi32> to vector<16xi32>
          %gather3A_999 = tpu.dynamic_gather %add3A_996[%gather3A_998] in [0] : vector<16xf32>, vector<16xi32> -> vector<16xf32>
          %add3A_1000 = arith.addf %add3A_996, %gather3A_999 : vector<16xf32>
          %broadcast_in_dim3A_1001 = vector.shape_cast %xor3A_59 : vector<16xi32> to vector<16x1xi32>
          %gather3A_1002 = vector.shape_cast %broadcast_in_dim3A_1001 : vector<16x1xi32> to vector<16xi32>
          %gather3A_1003 = tpu.dynamic_gather %add3A_1000[%gather3A_1002] in [0] : vector<16xf32>, vector<16xi32> -> vector<16xf32>
          %add3A_1004 = arith.addf %add3A_1000, %gather3A_1003 : vector<16xf32>
          %broadcast_in_dim3A_1005 = vector.shape_cast %xor3A_62 : vector<16xi32> to vector<16x1xi32>
          %gather3A_1006 = vector.shape_cast %broadcast_in_dim3A_1005 : vector<16x1xi32> to vector<16xi32>
          %gather3A_1007 = tpu.dynamic_gather %add3A_1004[%gather3A_1006] in [0] : vector<16xf32>, vector<16xi32> -> vector<16xf32>
          %add3A_1008 = arith.addf %add3A_1004, %gather3A_1007 : vector<16xf32>
          %select_n3A_1009 = arith.select %eq3A_85, %add3A_1008, %select_n3A_933 : vector<16xi1>, vector<16xf32>
          %mul3A_1010 = arith.constant 16 : i32
          %mul3A_1011 = arith.muli %scan3A_401, %mul3A_1010 : i32
          %add3A_1012 = arith.constant 8 : i32
          %add3A_1013 = arith.addi %mul3A_1011, %add3A_1012 : i32
          %get3A_1014 = arith.index_cast %select_n3A_341 : i32 to index
          %get3A_1015 = arith.index_cast %add3A_1013 : i32 to index
          %get3A_1016 = arith.constant 0 : index
          %get3A_1017 = tpu.vector_load %arg9[%get3A_1014, %get3A_1015, %get3A_1016] {strides = array<i32>} : memref<4x112x128xf32, #tpu.memory_space<vmem>>, vector<1x1x16xf32>,
          %get3A_1018 = vector.shape_cast %get3A_1017 : vector<1x1x16xf32> to vector<16xf32>
          %mul3A_1019 = arith.mulf %get3A_1018, %get3A_347 : vector<16xf32>
          %get3A_1020 = arith.index_cast %select_n3A_341 : i32 to index
          %get3A_1021 = arith.index_cast %add3A_1013 : i32 to index
          %get3A_1022 = arith.constant 16 : index
          %get3A_1023 = tpu.vector_load %arg9[%get3A_1020, %get3A_1021, %get3A_1022] {strides = array<i32>} : memref<4x112x128xf32, #tpu.memory_space<vmem>>, vector<1x1x16xf32>,
          %get3A_1024 = vector.shape_cast %get3A_1023 : vector<1x1x16xf32> to vector<16xf32>
          %mul3A_1025 = arith.mulf %get3A_1024, %get3A_351 : vector<16xf32>
          %add3A_1026 = arith.addf %mul3A_1019, %mul3A_1025 : vector<16xf32>
          %get3A_1027 = arith.index_cast %select_n3A_341 : i32 to index
          %get3A_1028 = arith.index_cast %add3A_1013 : i32 to index
          %get3A_1029 = arith.constant 32 : index
          %get3A_1030 = tpu.vector_load %arg9[%get3A_1027, %get3A_1028, %get3A_1029] {strides = array<i32>} : memref<4x112x128xf32, #tpu.memory_space<vmem>>, vector<1x1x16xf32>,
          %get3A_1031 = vector.shape_cast %get3A_1030 : vector<1x1x16xf32> to vector<16xf32>
          %mul3A_1032 = arith.mulf %get3A_1031, %get3A_355 : vector<16xf32>
          %add3A_1033 = arith.addf %add3A_1026, %mul3A_1032 : vector<16xf32>
          %get3A_1034 = arith.index_cast %select_n3A_341 : i32 to index
          %get3A_1035 = arith.index_cast %add3A_1013 : i32 to index
          %get3A_1036 = arith.constant 48 : index
          %get3A_1037 = tpu.vector_load %arg9[%get3A_1034, %get3A_1035, %get3A_1036] {strides = array<i32>} : memref<4x112x128xf32, #tpu.memory_space<vmem>>, vector<1x1x16xf32>,
          %get3A_1038 = vector.shape_cast %get3A_1037 : vector<1x1x16xf32> to vector<16xf32>
          %mul3A_1039 = arith.mulf %get3A_1038, %get3A_359 : vector<16xf32>
          %add3A_1040 = arith.addf %add3A_1033, %mul3A_1039 : vector<16xf32>
          %get3A_1041 = arith.index_cast %select_n3A_341 : i32 to index
          %get3A_1042 = arith.index_cast %add3A_1013 : i32 to index
          %get3A_1043 = arith.constant 64 : index
          %get3A_1044 = tpu.vector_load %arg9[%get3A_1041, %get3A_1042, %get3A_1043] {strides = array<i32>} : memref<4x112x128xf32, #tpu.memory_space<vmem>>, vector<1x1x16xf32>,
          %get3A_1045 = vector.shape_cast %get3A_1044 : vector<1x1x16xf32> to vector<16xf32>
          %mul3A_1046 = arith.mulf %get3A_1045, %get3A_363 : vector<16xf32>
          %add3A_1047 = arith.addf %add3A_1040, %mul3A_1046 : vector<16xf32>
          %get3A_1048 = arith.index_cast %select_n3A_341 : i32 to index
          %get3A_1049 = arith.index_cast %add3A_1013 : i32 to index
          %get3A_1050 = arith.constant 80 : index
          %get3A_1051 = tpu.vector_load %arg9[%get3A_1048, %get3A_1049, %get3A_1050] {strides = array<i32>} : memref<4x112x128xf32, #tpu.memory_space<vmem>>, vector<1x1x16xf32>,
          %get3A_1052 = vector.shape_cast %get3A_1051 : vector<1x1x16xf32> to vector<16xf32>
          %mul3A_1053 = arith.mulf %get3A_1052, %get3A_367 : vector<16xf32>
          %add3A_1054 = arith.addf %add3A_1047, %mul3A_1053 : vector<16xf32>
          %get3A_1055 = arith.index_cast %select_n3A_341 : i32 to index
          %get3A_1056 = arith.index_cast %add3A_1013 : i32 to index
          %get3A_1057 = arith.constant 96 : index
          %get3A_1058 = tpu.vector_load %arg9[%get3A_1055, %get3A_1056, %get3A_1057] {strides = array<i32>} : memref<4x112x128xf32, #tpu.memory_space<vmem>>, vector<1x1x16xf32>,
          %get3A_1059 = vector.shape_cast %get3A_1058 : vector<1x1x16xf32> to vector<16xf32>
          %mul3A_1060 = arith.mulf %get3A_1059, %get3A_371 : vector<16xf32>
          %add3A_1061 = arith.addf %add3A_1054, %mul3A_1060 : vector<16xf32>
          %get3A_1062 = arith.index_cast %select_n3A_341 : i32 to index
          %get3A_1063 = arith.index_cast %add3A_1013 : i32 to index
          %get3A_1064 = arith.constant 112 : index
          %get3A_1065 = tpu.vector_load %arg9[%get3A_1062, %get3A_1063, %get3A_1064] {strides = array<i32>} : memref<4x112x128xf32, #tpu.memory_space<vmem>>, vector<1x1x16xf32>,
          %get3A_1066 = vector.shape_cast %get3A_1065 : vector<1x1x16xf32> to vector<16xf32>
          %mul3A_1067 = arith.mulf %get3A_1066, %get3A_375 : vector<16xf32>
          %add3A_1068 = arith.addf %add3A_1061, %mul3A_1067 : vector<16xf32>
          %broadcast_in_dim3A_1069 = vector.shape_cast %xor3A_53 : vector<16xi32> to vector<16x1xi32>
          %gather3A_1070 = vector.shape_cast %broadcast_in_dim3A_1069 : vector<16x1xi32> to vector<16xi32>
          %gather3A_1071 = tpu.dynamic_gather %add3A_1068[%gather3A_1070] in [0] : vector<16xf32>, vector<16xi32> -> vector<16xf32>
          %add3A_1072 = arith.addf %add3A_1068, %gather3A_1071 : vector<16xf32>
          %broadcast_in_dim3A_1073 = vector.shape_cast %xor3A_56 : vector<16xi32> to vector<16x1xi32>
          %gather3A_1074 = vector.shape_cast %broadcast_in_dim3A_1073 : vector<16x1xi32> to vector<16xi32>
          %gather3A_1075 = tpu.dynamic_gather %add3A_1072[%gather3A_1074] in [0] : vector<16xf32>, vector<16xi32> -> vector<16xf32>
          %add3A_1076 = arith.addf %add3A_1072, %gather3A_1075 : vector<16xf32>
          %broadcast_in_dim3A_1077 = vector.shape_cast %xor3A_59 : vector<16xi32> to vector<16x1xi32>
          %gather3A_1078 = vector.shape_cast %broadcast_in_dim3A_1077 : vector<16x1xi32> to vector<16xi32>
          %gather3A_1079 = tpu.dynamic_gather %add3A_1076[%gather3A_1078] in [0] : vector<16xf32>, vector<16xi32> -> vector<16xf32>
          %add3A_1080 = arith.addf %add3A_1076, %gather3A_1079 : vector<16xf32>
          %broadcast_in_dim3A_1081 = vector.shape_cast %xor3A_62 : vector<16xi32> to vector<16x1xi32>
          %gather3A_1082 = vector.shape_cast %broadcast_in_dim3A_1081 : vector<16x1xi32> to vector<16xi32>
          %gather3A_1083 = tpu.dynamic_gather %add3A_1080[%gather3A_1082] in [0] : vector<16xf32>, vector<16xi32> -> vector<16xf32>
          %add3A_1084 = arith.addf %add3A_1080, %gather3A_1083 : vector<16xf32>
          %select_n3A_1085 = arith.select %eq3A_88, %add3A_1084, %select_n3A_1009 : vector<16xi1>, vector<16xf32>
          %mul3A_1086 = arith.constant 16 : i32
          %mul3A_1087 = arith.muli %scan3A_401, %mul3A_1086 : i32
          %add3A_1088 = arith.constant 9 : i32
          %add3A_1089 = arith.addi %mul3A_1087, %add3A_1088 : i32
          %get3A_1090 = arith.index_cast %select_n3A_341 : i32 to index
          %get3A_1091 = arith.index_cast %add3A_1089 : i32 to index
          %get3A_1092 = arith.constant 0 : index
          %get3A_1093 = tpu.vector_load %arg9[%get3A_1090, %get3A_1091, %get3A_1092] {strides = array<i32>} : memref<4x112x128xf32, #tpu.memory_space<vmem>>, vector<1x1x16xf32>,
          %get3A_1094 = vector.shape_cast %get3A_1093 : vector<1x1x16xf32> to vector<16xf32>
          %mul3A_1095 = arith.mulf %get3A_1094, %get3A_347 : vector<16xf32>
          %get3A_1096 = arith.index_cast %select_n3A_341 : i32 to index
          %get3A_1097 = arith.index_cast %add3A_1089 : i32 to index
          %get3A_1098 = arith.constant 16 : index
          %get3A_1099 = tpu.vector_load %arg9[%get3A_1096, %get3A_1097, %get3A_1098] {strides = array<i32>} : memref<4x112x128xf32, #tpu.memory_space<vmem>>, vector<1x1x16xf32>,
          %get3A_1100 = vector.shape_cast %get3A_1099 : vector<1x1x16xf32> to vector<16xf32>
          %mul3A_1101 = arith.mulf %get3A_1100, %get3A_351 : vector<16xf32>
          %add3A_1102 = arith.addf %mul3A_1095, %mul3A_1101 : vector<16xf32>
          %get3A_1103 = arith.index_cast %select_n3A_341 : i32 to index
          %get3A_1104 = arith.index_cast %add3A_1089 : i32 to index
          %get3A_1105 = arith.constant 32 : index
          %get3A_1106 = tpu.vector_load %arg9[%get3A_1103, %get3A_1104, %get3A_1105] {strides = array<i32>} : memref<4x112x128xf32, #tpu.memory_space<vmem>>, vector<1x1x16xf32>,
          %get3A_1107 = vector.shape_cast %get3A_1106 : vector<1x1x16xf32> to vector<16xf32>
          %mul3A_1108 = arith.mulf %get3A_1107, %get3A_355 : vector<16xf32>
          %add3A_1109 = arith.addf %add3A_1102, %mul3A_1108 : vector<16xf32>
          %get3A_1110 = arith.index_cast %select_n3A_341 : i32 to index
          %get3A_1111 = arith.index_cast %add3A_1089 : i32 to index
          %get3A_1112 = arith.constant 48 : index
          %get3A_1113 = tpu.vector_load %arg9[%get3A_1110, %get3A_1111, %get3A_1112] {strides = array<i32>} : memref<4x112x128xf32, #tpu.memory_space<vmem>>, vector<1x1x16xf32>,
          %get3A_1114 = vector.shape_cast %get3A_1113 : vector<1x1x16xf32> to vector<16xf32>
          %mul3A_1115 = arith.mulf %get3A_1114, %get3A_359 : vector<16xf32>
          %add3A_1116 = arith.addf %add3A_1109, %mul3A_1115 : vector<16xf32>
          %get3A_1117 = arith.index_cast %select_n3A_341 : i32 to index
          %get3A_1118 = arith.index_cast %add3A_1089 : i32 to index
          %get3A_1119 = arith.constant 64 : index
          %get3A_1120 = tpu.vector_load %arg9[%get3A_1117, %get3A_1118, %get3A_1119] {strides = array<i32>} : memref<4x112x128xf32, #tpu.memory_space<vmem>>, vector<1x1x16xf32>,
          %get3A_1121 = vector.shape_cast %get3A_1120 : vector<1x1x16xf32> to vector<16xf32>
          %mul3A_1122 = arith.mulf %get3A_1121, %get3A_363 : vector<16xf32>
          %add3A_1123 = arith.addf %add3A_1116, %mul3A_1122 : vector<16xf32>
          %get3A_1124 = arith.index_cast %select_n3A_341 : i32 to index
          %get3A_1125 = arith.index_cast %add3A_1089 : i32 to index
          %get3A_1126 = arith.constant 80 : index
          %get3A_1127 = tpu.vector_load %arg9[%get3A_1124, %get3A_1125, %get3A_1126] {strides = array<i32>} : memref<4x112x128xf32, #tpu.memory_space<vmem>>, vector<1x1x16xf32>,
          %get3A_1128 = vector.shape_cast %get3A_1127 : vector<1x1x16xf32> to vector<16xf32>
          %mul3A_1129 = arith.mulf %get3A_1128, %get3A_367 : vector<16xf32>
          %add3A_1130 = arith.addf %add3A_1123, %mul3A_1129 : vector<16xf32>
          %get3A_1131 = arith.index_cast %select_n3A_341 : i32 to index
          %get3A_1132 = arith.index_cast %add3A_1089 : i32 to index
          %get3A_1133 = arith.constant 96 : index
          %get3A_1134 = tpu.vector_load %arg9[%get3A_1131, %get3A_1132, %get3A_1133] {strides = array<i32>} : memref<4x112x128xf32, #tpu.memory_space<vmem>>, vector<1x1x16xf32>,
          %get3A_1135 = vector.shape_cast %get3A_1134 : vector<1x1x16xf32> to vector<16xf32>
          %mul3A_1136 = arith.mulf %get3A_1135, %get3A_371 : vector<16xf32>
          %add3A_1137 = arith.addf %add3A_1130, %mul3A_1136 : vector<16xf32>
          %get3A_1138 = arith.index_cast %select_n3A_341 : i32 to index
          %get3A_1139 = arith.index_cast %add3A_1089 : i32 to index
          %get3A_1140 = arith.constant 112 : index
          %get3A_1141 = tpu.vector_load %arg9[%get3A_1138, %get3A_1139, %get3A_1140] {strides = array<i32>} : memref<4x112x128xf32, #tpu.memory_space<vmem>>, vector<1x1x16xf32>,
          %get3A_1142 = vector.shape_cast %get3A_1141 : vector<1x1x16xf32> to vector<16xf32>
          %mul3A_1143 = arith.mulf %get3A_1142, %get3A_375 : vector<16xf32>
          %add3A_1144 = arith.addf %add3A_1137, %mul3A_1143 : vector<16xf32>
          %broadcast_in_dim3A_1145 = vector.shape_cast %xor3A_53 : vector<16xi32> to vector<16x1xi32>
          %gather3A_1146 = vector.shape_cast %broadcast_in_dim3A_1145 : vector<16x1xi32> to vector<16xi32>
          %gather3A_1147 = tpu.dynamic_gather %add3A_1144[%gather3A_1146] in [0] : vector<16xf32>, vector<16xi32> -> vector<16xf32>
          %add3A_1148 = arith.addf %add3A_1144, %gather3A_1147 : vector<16xf32>
          %broadcast_in_dim3A_1149 = vector.shape_cast %xor3A_56 : vector<16xi32> to vector<16x1xi32>
          %gather3A_1150 = vector.shape_cast %broadcast_in_dim3A_1149 : vector<16x1xi32> to vector<16xi32>
          %gather3A_1151 = tpu.dynamic_gather %add3A_1148[%gather3A_1150] in [0] : vector<16xf32>, vector<16xi32> -> vector<16xf32>
          %add3A_1152 = arith.addf %add3A_1148, %gather3A_1151 : vector<16xf32>
          %broadcast_in_dim3A_1153 = vector.shape_cast %xor3A_59 : vector<16xi32> to vector<16x1xi32>
          %gather3A_1154 = vector.shape_cast %broadcast_in_dim3A_1153 : vector<16x1xi32> to vector<16xi32>
          %gather3A_1155 = tpu.dynamic_gather %add3A_1152[%gather3A_1154] in [0] : vector<16xf32>, vector<16xi32> -> vector<16xf32>
          %add3A_1156 = arith.addf %add3A_1152, %gather3A_1155 : vector<16xf32>
          %broadcast_in_dim3A_1157 = vector.shape_cast %xor3A_62 : vector<16xi32> to vector<16x1xi32>
          %gather3A_1158 = vector.shape_cast %broadcast_in_dim3A_1157 : vector<16x1xi32> to vector<16xi32>
          %gather3A_1159 = tpu.dynamic_gather %add3A_1156[%gather3A_1158] in [0] : vector<16xf32>, vector<16xi32> -> vector<16xf32>
          %add3A_1160 = arith.addf %add3A_1156, %gather3A_1159 : vector<16xf32>
          %select_n3A_1161 = arith.select %eq3A_91, %add3A_1160, %select_n3A_1085 : vector<16xi1>, vector<16xf32>
          %mul3A_1162 = arith.constant 16 : i32
          %mul3A_1163 = arith.muli %scan3A_401, %mul3A_1162 : i32
          %add3A_1164 = arith.constant 10 : i32
          %add3A_1165 = arith.addi %mul3A_1163, %add3A_1164 : i32
          %get3A_1166 = arith.index_cast %select_n3A_341 : i32 to index
          %get3A_1167 = arith.index_cast %add3A_1165 : i32 to index
          %get3A_1168 = arith.constant 0 : index
          %get3A_1169 = tpu.vector_load %arg9[%get3A_1166, %get3A_1167, %get3A_1168] {strides = array<i32>} : memref<4x112x128xf32, #tpu.memory_space<vmem>>, vector<1x1x16xf32>,
          %get3A_1170 = vector.shape_cast %get3A_1169 : vector<1x1x16xf32> to vector<16xf32>
          %mul3A_1171 = arith.mulf %get3A_1170, %get3A_347 : vector<16xf32>
          %get3A_1172 = arith.index_cast %select_n3A_341 : i32 to index
          %get3A_1173 = arith.index_cast %add3A_1165 : i32 to index
          %get3A_1174 = arith.constant 16 : index
          %get3A_1175 = tpu.vector_load %arg9[%get3A_1172, %get3A_1173, %get3A_1174] {strides = array<i32>} : memref<4x112x128xf32, #tpu.memory_space<vmem>>, vector<1x1x16xf32>,
          %get3A_1176 = vector.shape_cast %get3A_1175 : vector<1x1x16xf32> to vector<16xf32>
          %mul3A_1177 = arith.mulf %get3A_1176, %get3A_351 : vector<16xf32>
          %add3A_1178 = arith.addf %mul3A_1171, %mul3A_1177 : vector<16xf32>
          %get3A_1179 = arith.index_cast %select_n3A_341 : i32 to index
          %get3A_1180 = arith.index_cast %add3A_1165 : i32 to index
          %get3A_1181 = arith.constant 32 : index
          %get3A_1182 = tpu.vector_load %arg9[%get3A_1179, %get3A_1180, %get3A_1181] {strides = array<i32>} : memref<4x112x128xf32, #tpu.memory_space<vmem>>, vector<1x1x16xf32>,
          %get3A_1183 = vector.shape_cast %get3A_1182 : vector<1x1x16xf32> to vector<16xf32>
          %mul3A_1184 = arith.mulf %get3A_1183, %get3A_355 : vector<16xf32>
          %add3A_1185 = arith.addf %add3A_1178, %mul3A_1184 : vector<16xf32>
          %get3A_1186 = arith.index_cast %select_n3A_341 : i32 to index
          %get3A_1187 = arith.index_cast %add3A_1165 : i32 to index
          %get3A_1188 = arith.constant 48 : index
          %get3A_1189 = tpu.vector_load %arg9[%get3A_1186, %get3A_1187, %get3A_1188] {strides = array<i32>} : memref<4x112x128xf32, #tpu.memory_space<vmem>>, vector<1x1x16xf32>,
          %get3A_1190 = vector.shape_cast %get3A_1189 : vector<1x1x16xf32> to vector<16xf32>
          %mul3A_1191 = arith.mulf %get3A_1190, %get3A_359 : vector<16xf32>
          %add3A_1192 = arith.addf %add3A_1185, %mul3A_1191 : vector<16xf32>
          %get3A_1193 = arith.index_cast %select_n3A_341 : i32 to index
          %get3A_1194 = arith.index_cast %add3A_1165 : i32 to index
          %get3A_1195 = arith.constant 64 : index
          %get3A_1196 = tpu.vector_load %arg9[%get3A_1193, %get3A_1194, %get3A_1195] {strides = array<i32>} : memref<4x112x128xf32, #tpu.memory_space<vmem>>, vector<1x1x16xf32>,
          %get3A_1197 = vector.shape_cast %get3A_1196 : vector<1x1x16xf32> to vector<16xf32>
          %mul3A_1198 = arith.mulf %get3A_1197, %get3A_363 : vector<16xf32>
          %add3A_1199 = arith.addf %add3A_1192, %mul3A_1198 : vector<16xf32>
          %get3A_1200 = arith.index_cast %select_n3A_341 : i32 to index
          %get3A_1201 = arith.index_cast %add3A_1165 : i32 to index
          %get3A_1202 = arith.constant 80 : index
          %get3A_1203 = tpu.vector_load %arg9[%get3A_1200, %get3A_1201, %get3A_1202] {strides = array<i32>} : memref<4x112x128xf32, #tpu.memory_space<vmem>>, vector<1x1x16xf32>,
          %get3A_1204 = vector.shape_cast %get3A_1203 : vector<1x1x16xf32> to vector<16xf32>
          %mul3A_1205 = arith.mulf %get3A_1204, %get3A_367 : vector<16xf32>
          %add3A_1206 = arith.addf %add3A_1199, %mul3A_1205 : vector<16xf32>
          %get3A_1207 = arith.index_cast %select_n3A_341 : i32 to index
          %get3A_1208 = arith.index_cast %add3A_1165 : i32 to index
          %get3A_1209 = arith.constant 96 : index
          %get3A_1210 = tpu.vector_load %arg9[%get3A_1207, %get3A_1208, %get3A_1209] {strides = array<i32>} : memref<4x112x128xf32, #tpu.memory_space<vmem>>, vector<1x1x16xf32>,
          %get3A_1211 = vector.shape_cast %get3A_1210 : vector<1x1x16xf32> to vector<16xf32>
          %mul3A_1212 = arith.mulf %get3A_1211, %get3A_371 : vector<16xf32>
          %add3A_1213 = arith.addf %add3A_1206, %mul3A_1212 : vector<16xf32>
          %get3A_1214 = arith.index_cast %select_n3A_341 : i32 to index
          %get3A_1215 = arith.index_cast %add3A_1165 : i32 to index
          %get3A_1216 = arith.constant 112 : index
          %get3A_1217 = tpu.vector_load %arg9[%get3A_1214, %get3A_1215, %get3A_1216] {strides = array<i32>} : memref<4x112x128xf32, #tpu.memory_space<vmem>>, vector<1x1x16xf32>,
          %get3A_1218 = vector.shape_cast %get3A_1217 : vector<1x1x16xf32> to vector<16xf32>
          %mul3A_1219 = arith.mulf %get3A_1218, %get3A_375 : vector<16xf32>
          %add3A_1220 = arith.addf %add3A_1213, %mul3A_1219 : vector<16xf32>
          %broadcast_in_dim3A_1221 = vector.shape_cast %xor3A_53 : vector<16xi32> to vector<16x1xi32>
          %gather3A_1222 = vector.shape_cast %broadcast_in_dim3A_1221 : vector<16x1xi32> to vector<16xi32>
          %gather3A_1223 = tpu.dynamic_gather %add3A_1220[%gather3A_1222] in [0] : vector<16xf32>, vector<16xi32> -> vector<16xf32>
          %add3A_1224 = arith.addf %add3A_1220, %gather3A_1223 : vector<16xf32>
          %broadcast_in_dim3A_1225 = vector.shape_cast %xor3A_56 : vector<16xi32> to vector<16x1xi32>
          %gather3A_1226 = vector.shape_cast %broadcast_in_dim3A_1225 : vector<16x1xi32> to vector<16xi32>
          %gather3A_1227 = tpu.dynamic_gather %add3A_1224[%gather3A_1226] in [0] : vector<16xf32>, vector<16xi32> -> vector<16xf32>
          %add3A_1228 = arith.addf %add3A_1224, %gather3A_1227 : vector<16xf32>
          %broadcast_in_dim3A_1229 = vector.shape_cast %xor3A_59 : vector<16xi32> to vector<16x1xi32>
          %gather3A_1230 = vector.shape_cast %broadcast_in_dim3A_1229 : vector<16x1xi32> to vector<16xi32>
          %gather3A_1231 = tpu.dynamic_gather %add3A_1228[%gather3A_1230] in [0] : vector<16xf32>, vector<16xi32> -> vector<16xf32>
          %add3A_1232 = arith.addf %add3A_1228, %gather3A_1231 : vector<16xf32>
          %broadcast_in_dim3A_1233 = vector.shape_cast %xor3A_62 : vector<16xi32> to vector<16x1xi32>
          %gather3A_1234 = vector.shape_cast %broadcast_in_dim3A_1233 : vector<16x1xi32> to vector<16xi32>
          %gather3A_1235 = tpu.dynamic_gather %add3A_1232[%gather3A_1234] in [0] : vector<16xf32>, vector<16xi32> -> vector<16xf32>
          %add3A_1236 = arith.addf %add3A_1232, %gather3A_1235 : vector<16xf32>
          %select_n3A_1237 = arith.select %eq3A_94, %add3A_1236, %select_n3A_1161 : vector<16xi1>, vector<16xf32>
          %mul3A_1238 = arith.constant 16 : i32
          %mul3A_1239 = arith.muli %scan3A_401, %mul3A_1238 : i32
          %add3A_1240 = arith.constant 11 : i32
          %add3A_1241 = arith.addi %mul3A_1239, %add3A_1240 : i32
          %get3A_1242 = arith.index_cast %select_n3A_341 : i32 to index
          %get3A_1243 = arith.index_cast %add3A_1241 : i32 to index
          %get3A_1244 = arith.constant 0 : index
          %get3A_1245 = tpu.vector_load %arg9[%get3A_1242, %get3A_1243, %get3A_1244] {strides = array<i32>} : memref<4x112x128xf32, #tpu.memory_space<vmem>>, vector<1x1x16xf32>,
          %get3A_1246 = vector.shape_cast %get3A_1245 : vector<1x1x16xf32> to vector<16xf32>
          %mul3A_1247 = arith.mulf %get3A_1246, %get3A_347 : vector<16xf32>
          %get3A_1248 = arith.index_cast %select_n3A_341 : i32 to index
          %get3A_1249 = arith.index_cast %add3A_1241 : i32 to index
          %get3A_1250 = arith.constant 16 : index
          %get3A_1251 = tpu.vector_load %arg9[%get3A_1248, %get3A_1249, %get3A_1250] {strides = array<i32>} : memref<4x112x128xf32, #tpu.memory_space<vmem>>, vector<1x1x16xf32>,
          %get3A_1252 = vector.shape_cast %get3A_1251 : vector<1x1x16xf32> to vector<16xf32>
          %mul3A_1253 = arith.mulf %get3A_1252, %get3A_351 : vector<16xf32>
          %add3A_1254 = arith.addf %mul3A_1247, %mul3A_1253 : vector<16xf32>
          %get3A_1255 = arith.index_cast %select_n3A_341 : i32 to index
          %get3A_1256 = arith.index_cast %add3A_1241 : i32 to index
          %get3A_1257 = arith.constant 32 : index
          %get3A_1258 = tpu.vector_load %arg9[%get3A_1255, %get3A_1256, %get3A_1257] {strides = array<i32>} : memref<4x112x128xf32, #tpu.memory_space<vmem>>, vector<1x1x16xf32>,
          %get3A_1259 = vector.shape_cast %get3A_1258 : vector<1x1x16xf32> to vector<16xf32>
          %mul3A_1260 = arith.mulf %get3A_1259, %get3A_355 : vector<16xf32>
          %add3A_1261 = arith.addf %add3A_1254, %mul3A_1260 : vector<16xf32>
          %get3A_1262 = arith.index_cast %select_n3A_341 : i32 to index
          %get3A_1263 = arith.index_cast %add3A_1241 : i32 to index
          %get3A_1264 = arith.constant 48 : index
          %get3A_1265 = tpu.vector_load %arg9[%get3A_1262, %get3A_1263, %get3A_1264] {strides = array<i32>} : memref<4x112x128xf32, #tpu.memory_space<vmem>>, vector<1x1x16xf32>,
          %get3A_1266 = vector.shape_cast %get3A_1265 : vector<1x1x16xf32> to vector<16xf32>
          %mul3A_1267 = arith.mulf %get3A_1266, %get3A_359 : vector<16xf32>
          %add3A_1268 = arith.addf %add3A_1261, %mul3A_1267 : vector<16xf32>
          %get3A_1269 = arith.index_cast %select_n3A_341 : i32 to index
          %get3A_1270 = arith.index_cast %add3A_1241 : i32 to index
          %get3A_1271 = arith.constant 64 : index
          %get3A_1272 = tpu.vector_load %arg9[%get3A_1269, %get3A_1270, %get3A_1271] {strides = array<i32>} : memref<4x112x128xf32, #tpu.memory_space<vmem>>, vector<1x1x16xf32>,
          %get3A_1273 = vector.shape_cast %get3A_1272 : vector<1x1x16xf32> to vector<16xf32>
          %mul3A_1274 = arith.mulf %get3A_1273, %get3A_363 : vector<16xf32>
          %add3A_1275 = arith.addf %add3A_1268, %mul3A_1274 : vector<16xf32>
          %get3A_1276 = arith.index_cast %select_n3A_341 : i32 to index
          %get3A_1277 = arith.index_cast %add3A_1241 : i32 to index
          %get3A_1278 = arith.constant 80 : index
          %get3A_1279 = tpu.vector_load %arg9[%get3A_1276, %get3A_1277, %get3A_1278] {strides = array<i32>} : memref<4x112x128xf32, #tpu.memory_space<vmem>>, vector<1x1x16xf32>,
          %get3A_1280 = vector.shape_cast %get3A_1279 : vector<1x1x16xf32> to vector<16xf32>
          %mul3A_1281 = arith.mulf %get3A_1280, %get3A_367 : vector<16xf32>
          %add3A_1282 = arith.addf %add3A_1275, %mul3A_1281 : vector<16xf32>
          %get3A_1283 = arith.index_cast %select_n3A_341 : i32 to index
          %get3A_1284 = arith.index_cast %add3A_1241 : i32 to index
          %get3A_1285 = arith.constant 96 : index
          %get3A_1286 = tpu.vector_load %arg9[%get3A_1283, %get3A_1284, %get3A_1285] {strides = array<i32>} : memref<4x112x128xf32, #tpu.memory_space<vmem>>, vector<1x1x16xf32>,
          %get3A_1287 = vector.shape_cast %get3A_1286 : vector<1x1x16xf32> to vector<16xf32>
          %mul3A_1288 = arith.mulf %get3A_1287, %get3A_371 : vector<16xf32>
          %add3A_1289 = arith.addf %add3A_1282, %mul3A_1288 : vector<16xf32>
          %get3A_1290 = arith.index_cast %select_n3A_341 : i32 to index
          %get3A_1291 = arith.index_cast %add3A_1241 : i32 to index
          %get3A_1292 = arith.constant 112 : index
          %get3A_1293 = tpu.vector_load %arg9[%get3A_1290, %get3A_1291, %get3A_1292] {strides = array<i32>} : memref<4x112x128xf32, #tpu.memory_space<vmem>>, vector<1x1x16xf32>,
          %get3A_1294 = vector.shape_cast %get3A_1293 : vector<1x1x16xf32> to vector<16xf32>
          %mul3A_1295 = arith.mulf %get3A_1294, %get3A_375 : vector<16xf32>
          %add3A_1296 = arith.addf %add3A_1289, %mul3A_1295 : vector<16xf32>
          %broadcast_in_dim3A_1297 = vector.shape_cast %xor3A_53 : vector<16xi32> to vector<16x1xi32>
          %gather3A_1298 = vector.shape_cast %broadcast_in_dim3A_1297 : vector<16x1xi32> to vector<16xi32>
          %gather3A_1299 = tpu.dynamic_gather %add3A_1296[%gather3A_1298] in [0] : vector<16xf32>, vector<16xi32> -> vector<16xf32>
          %add3A_1300 = arith.addf %add3A_1296, %gather3A_1299 : vector<16xf32>
          %broadcast_in_dim3A_1301 = vector.shape_cast %xor3A_56 : vector<16xi32> to vector<16x1xi32>
          %gather3A_1302 = vector.shape_cast %broadcast_in_dim3A_1301 : vector<16x1xi32> to vector<16xi32>
          %gather3A_1303 = tpu.dynamic_gather %add3A_1300[%gather3A_1302] in [0] : vector<16xf32>, vector<16xi32> -> vector<16xf32>
          %add3A_1304 = arith.addf %add3A_1300, %gather3A_1303 : vector<16xf32>
          %broadcast_in_dim3A_1305 = vector.shape_cast %xor3A_59 : vector<16xi32> to vector<16x1xi32>
          %gather3A_1306 = vector.shape_cast %broadcast_in_dim3A_1305 : vector<16x1xi32> to vector<16xi32>
          %gather3A_1307 = tpu.dynamic_gather %add3A_1304[%gather3A_1306] in [0] : vector<16xf32>, vector<16xi32> -> vector<16xf32>
          %add3A_1308 = arith.addf %add3A_1304, %gather3A_1307 : vector<16xf32>
          %broadcast_in_dim3A_1309 = vector.shape_cast %xor3A_62 : vector<16xi32> to vector<16x1xi32>
          %gather3A_1310 = vector.shape_cast %broadcast_in_dim3A_1309 : vector<16x1xi32> to vector<16xi32>
          %gather3A_1311 = tpu.dynamic_gather %add3A_1308[%gather3A_1310] in [0] : vector<16xf32>, vector<16xi32> -> vector<16xf32>
          %add3A_1312 = arith.addf %add3A_1308, %gather3A_1311 : vector<16xf32>
          %select_n3A_1313 = arith.select %eq3A_97, %add3A_1312, %select_n3A_1237 : vector<16xi1>, vector<16xf32>
          %mul3A_1314 = arith.constant 16 : i32
          %mul3A_1315 = arith.muli %scan3A_401, %mul3A_1314 : i32
          %add3A_1316 = arith.constant 12 : i32
          %add3A_1317 = arith.addi %mul3A_1315, %add3A_1316 : i32
          %get3A_1318 = arith.index_cast %select_n3A_341 : i32 to index
          %get3A_1319 = arith.index_cast %add3A_1317 : i32 to index
          %get3A_1320 = arith.constant 0 : index
          %get3A_1321 = tpu.vector_load %arg9[%get3A_1318, %get3A_1319, %get3A_1320] {strides = array<i32>} : memref<4x112x128xf32, #tpu.memory_space<vmem>>, vector<1x1x16xf32>,
          %get3A_1322 = vector.shape_cast %get3A_1321 : vector<1x1x16xf32> to vector<16xf32>
          %mul3A_1323 = arith.mulf %get3A_1322, %get3A_347 : vector<16xf32>
          %get3A_1324 = arith.index_cast %select_n3A_341 : i32 to index
          %get3A_1325 = arith.index_cast %add3A_1317 : i32 to index
          %get3A_1326 = arith.constant 16 : index
          %get3A_1327 = tpu.vector_load %arg9[%get3A_1324, %get3A_1325, %get3A_1326] {strides = array<i32>} : memref<4x112x128xf32, #tpu.memory_space<vmem>>, vector<1x1x16xf32>,
          %get3A_1328 = vector.shape_cast %get3A_1327 : vector<1x1x16xf32> to vector<16xf32>
          %mul3A_1329 = arith.mulf %get3A_1328, %get3A_351 : vector<16xf32>
          %add3A_1330 = arith.addf %mul3A_1323, %mul3A_1329 : vector<16xf32>
          %get3A_1331 = arith.index_cast %select_n3A_341 : i32 to index
          %get3A_1332 = arith.index_cast %add3A_1317 : i32 to index
          %get3A_1333 = arith.constant 32 : index
          %get3A_1334 = tpu.vector_load %arg9[%get3A_1331, %get3A_1332, %get3A_1333] {strides = array<i32>} : memref<4x112x128xf32, #tpu.memory_space<vmem>>, vector<1x1x16xf32>,
          %get3A_1335 = vector.shape_cast %get3A_1334 : vector<1x1x16xf32> to vector<16xf32>
          %mul3A_1336 = arith.mulf %get3A_1335, %get3A_355 : vector<16xf32>
          %add3A_1337 = arith.addf %add3A_1330, %mul3A_1336 : vector<16xf32>
          %get3A_1338 = arith.index_cast %select_n3A_341 : i32 to index
          %get3A_1339 = arith.index_cast %add3A_1317 : i32 to index
          %get3A_1340 = arith.constant 48 : index
          %get3A_1341 = tpu.vector_load %arg9[%get3A_1338, %get3A_1339, %get3A_1340] {strides = array<i32>} : memref<4x112x128xf32, #tpu.memory_space<vmem>>, vector<1x1x16xf32>,
          %get3A_1342 = vector.shape_cast %get3A_1341 : vector<1x1x16xf32> to vector<16xf32>
          %mul3A_1343 = arith.mulf %get3A_1342, %get3A_359 : vector<16xf32>
          %add3A_1344 = arith.addf %add3A_1337, %mul3A_1343 : vector<16xf32>
          %get3A_1345 = arith.index_cast %select_n3A_341 : i32 to index
          %get3A_1346 = arith.index_cast %add3A_1317 : i32 to index
          %get3A_1347 = arith.constant 64 : index
          %get3A_1348 = tpu.vector_load %arg9[%get3A_1345, %get3A_1346, %get3A_1347] {strides = array<i32>} : memref<4x112x128xf32, #tpu.memory_space<vmem>>, vector<1x1x16xf32>,
          %get3A_1349 = vector.shape_cast %get3A_1348 : vector<1x1x16xf32> to vector<16xf32>
          %mul3A_1350 = arith.mulf %get3A_1349, %get3A_363 : vector<16xf32>
          %add3A_1351 = arith.addf %add3A_1344, %mul3A_1350 : vector<16xf32>
          %get3A_1352 = arith.index_cast %select_n3A_341 : i32 to index
          %get3A_1353 = arith.index_cast %add3A_1317 : i32 to index
          %get3A_1354 = arith.constant 80 : index
          %get3A_1355 = tpu.vector_load %arg9[%get3A_1352, %get3A_1353, %get3A_1354] {strides = array<i32>} : memref<4x112x128xf32, #tpu.memory_space<vmem>>, vector<1x1x16xf32>,
          %get3A_1356 = vector.shape_cast %get3A_1355 : vector<1x1x16xf32> to vector<16xf32>
          %mul3A_1357 = arith.mulf %get3A_1356, %get3A_367 : vector<16xf32>
          %add3A_1358 = arith.addf %add3A_1351, %mul3A_1357 : vector<16xf32>
          %get3A_1359 = arith.index_cast %select_n3A_341 : i32 to index
          %get3A_1360 = arith.index_cast %add3A_1317 : i32 to index
          %get3A_1361 = arith.constant 96 : index
          %get3A_1362 = tpu.vector_load %arg9[%get3A_1359, %get3A_1360, %get3A_1361] {strides = array<i32>} : memref<4x112x128xf32, #tpu.memory_space<vmem>>, vector<1x1x16xf32>,
          %get3A_1363 = vector.shape_cast %get3A_1362 : vector<1x1x16xf32> to vector<16xf32>
          %mul3A_1364 = arith.mulf %get3A_1363, %get3A_371 : vector<16xf32>
          %add3A_1365 = arith.addf %add3A_1358, %mul3A_1364 : vector<16xf32>
          %get3A_1366 = arith.index_cast %select_n3A_341 : i32 to index
          %get3A_1367 = arith.index_cast %add3A_1317 : i32 to index
          %get3A_1368 = arith.constant 112 : index
          %get3A_1369 = tpu.vector_load %arg9[%get3A_1366, %get3A_1367, %get3A_1368] {strides = array<i32>} : memref<4x112x128xf32, #tpu.memory_space<vmem>>, vector<1x1x16xf32>,
          %get3A_1370 = vector.shape_cast %get3A_1369 : vector<1x1x16xf32> to vector<16xf32>
          %mul3A_1371 = arith.mulf %get3A_1370, %get3A_375 : vector<16xf32>
          %add3A_1372 = arith.addf %add3A_1365, %mul3A_1371 : vector<16xf32>
          %broadcast_in_dim3A_1373 = vector.shape_cast %xor3A_53 : vector<16xi32> to vector<16x1xi32>
          %gather3A_1374 = vector.shape_cast %broadcast_in_dim3A_1373 : vector<16x1xi32> to vector<16xi32>
          %gather3A_1375 = tpu.dynamic_gather %add3A_1372[%gather3A_1374] in [0] : vector<16xf32>, vector<16xi32> -> vector<16xf32>
          %add3A_1376 = arith.addf %add3A_1372, %gather3A_1375 : vector<16xf32>
          %broadcast_in_dim3A_1377 = vector.shape_cast %xor3A_56 : vector<16xi32> to vector<16x1xi32>
          %gather3A_1378 = vector.shape_cast %broadcast_in_dim3A_1377 : vector<16x1xi32> to vector<16xi32>
          %gather3A_1379 = tpu.dynamic_gather %add3A_1376[%gather3A_1378] in [0] : vector<16xf32>, vector<16xi32> -> vector<16xf32>
          %add3A_1380 = arith.addf %add3A_1376, %gather3A_1379 : vector<16xf32>
          %broadcast_in_dim3A_1381 = vector.shape_cast %xor3A_59 : vector<16xi32> to vector<16x1xi32>
          %gather3A_1382 = vector.shape_cast %broadcast_in_dim3A_1381 : vector<16x1xi32> to vector<16xi32>
          %gather3A_1383 = tpu.dynamic_gather %add3A_1380[%gather3A_1382] in [0] : vector<16xf32>, vector<16xi32> -> vector<16xf32>
          %add3A_1384 = arith.addf %add3A_1380, %gather3A_1383 : vector<16xf32>
          %broadcast_in_dim3A_1385 = vector.shape_cast %xor3A_62 : vector<16xi32> to vector<16x1xi32>
          %gather3A_1386 = vector.shape_cast %broadcast_in_dim3A_1385 : vector<16x1xi32> to vector<16xi32>
          %gather3A_1387 = tpu.dynamic_gather %add3A_1384[%gather3A_1386] in [0] : vector<16xf32>, vector<16xi32> -> vector<16xf32>
          %add3A_1388 = arith.addf %add3A_1384, %gather3A_1387 : vector<16xf32>
          %select_n3A_1389 = arith.select %eq3A_100, %add3A_1388, %select_n3A_1313 : vector<16xi1>, vector<16xf32>
          %mul3A_1390 = arith.constant 16 : i32
          %mul3A_1391 = arith.muli %scan3A_401, %mul3A_1390 : i32
          %add3A_1392 = arith.constant 13 : i32
          %add3A_1393 = arith.addi %mul3A_1391, %add3A_1392 : i32
          %get3A_1394 = arith.index_cast %select_n3A_341 : i32 to index
          %get3A_1395 = arith.index_cast %add3A_1393 : i32 to index
          %get3A_1396 = arith.constant 0 : index
          %get3A_1397 = tpu.vector_load %arg9[%get3A_1394, %get3A_1395, %get3A_1396] {strides = array<i32>} : memref<4x112x128xf32, #tpu.memory_space<vmem>>, vector<1x1x16xf32>,
          %get3A_1398 = vector.shape_cast %get3A_1397 : vector<1x1x16xf32> to vector<16xf32>
          %mul3A_1399 = arith.mulf %get3A_1398, %get3A_347 : vector<16xf32>
          %get3A_1400 = arith.index_cast %select_n3A_341 : i32 to index
          %get3A_1401 = arith.index_cast %add3A_1393 : i32 to index
          %get3A_1402 = arith.constant 16 : index
          %get3A_1403 = tpu.vector_load %arg9[%get3A_1400, %get3A_1401, %get3A_1402] {strides = array<i32>} : memref<4x112x128xf32, #tpu.memory_space<vmem>>, vector<1x1x16xf32>,
          %get3A_1404 = vector.shape_cast %get3A_1403 : vector<1x1x16xf32> to vector<16xf32>
          %mul3A_1405 = arith.mulf %get3A_1404, %get3A_351 : vector<16xf32>
          %add3A_1406 = arith.addf %mul3A_1399, %mul3A_1405 : vector<16xf32>
          %get3A_1407 = arith.index_cast %select_n3A_341 : i32 to index
          %get3A_1408 = arith.index_cast %add3A_1393 : i32 to index
          %get3A_1409 = arith.constant 32 : index
          %get3A_1410 = tpu.vector_load %arg9[%get3A_1407, %get3A_1408, %get3A_1409] {strides = array<i32>} : memref<4x112x128xf32, #tpu.memory_space<vmem>>, vector<1x1x16xf32>,
          %get3A_1411 = vector.shape_cast %get3A_1410 : vector<1x1x16xf32> to vector<16xf32>
          %mul3A_1412 = arith.mulf %get3A_1411, %get3A_355 : vector<16xf32>
          %add3A_1413 = arith.addf %add3A_1406, %mul3A_1412 : vector<16xf32>
          %get3A_1414 = arith.index_cast %select_n3A_341 : i32 to index
          %get3A_1415 = arith.index_cast %add3A_1393 : i32 to index
          %get3A_1416 = arith.constant 48 : index
          %get3A_1417 = tpu.vector_load %arg9[%get3A_1414, %get3A_1415, %get3A_1416] {strides = array<i32>} : memref<4x112x128xf32, #tpu.memory_space<vmem>>, vector<1x1x16xf32>,
          %get3A_1418 = vector.shape_cast %get3A_1417 : vector<1x1x16xf32> to vector<16xf32>
          %mul3A_1419 = arith.mulf %get3A_1418, %get3A_359 : vector<16xf32>
          %add3A_1420 = arith.addf %add3A_1413, %mul3A_1419 : vector<16xf32>
          %get3A_1421 = arith.index_cast %select_n3A_341 : i32 to index
          %get3A_1422 = arith.index_cast %add3A_1393 : i32 to index
          %get3A_1423 = arith.constant 64 : index
          %get3A_1424 = tpu.vector_load %arg9[%get3A_1421, %get3A_1422, %get3A_1423] {strides = array<i32>} : memref<4x112x128xf32, #tpu.memory_space<vmem>>, vector<1x1x16xf32>,
          %get3A_1425 = vector.shape_cast %get3A_1424 : vector<1x1x16xf32> to vector<16xf32>
          %mul3A_1426 = arith.mulf %get3A_1425, %get3A_363 : vector<16xf32>
          %add3A_1427 = arith.addf %add3A_1420, %mul3A_1426 : vector<16xf32>
          %get3A_1428 = arith.index_cast %select_n3A_341 : i32 to index
          %get3A_1429 = arith.index_cast %add3A_1393 : i32 to index
          %get3A_1430 = arith.constant 80 : index
          %get3A_1431 = tpu.vector_load %arg9[%get3A_1428, %get3A_1429, %get3A_1430] {strides = array<i32>} : memref<4x112x128xf32, #tpu.memory_space<vmem>>, vector<1x1x16xf32>,
          %get3A_1432 = vector.shape_cast %get3A_1431 : vector<1x1x16xf32> to vector<16xf32>
          %mul3A_1433 = arith.mulf %get3A_1432, %get3A_367 : vector<16xf32>
          %add3A_1434 = arith.addf %add3A_1427, %mul3A_1433 : vector<16xf32>
          %get3A_1435 = arith.index_cast %select_n3A_341 : i32 to index
          %get3A_1436 = arith.index_cast %add3A_1393 : i32 to index
          %get3A_1437 = arith.constant 96 : index
          %get3A_1438 = tpu.vector_load %arg9[%get3A_1435, %get3A_1436, %get3A_1437] {strides = array<i32>} : memref<4x112x128xf32, #tpu.memory_space<vmem>>, vector<1x1x16xf32>,
          %get3A_1439 = vector.shape_cast %get3A_1438 : vector<1x1x16xf32> to vector<16xf32>
          %mul3A_1440 = arith.mulf %get3A_1439, %get3A_371 : vector<16xf32>
          %add3A_1441 = arith.addf %add3A_1434, %mul3A_1440 : vector<16xf32>
          %get3A_1442 = arith.index_cast %select_n3A_341 : i32 to index
          %get3A_1443 = arith.index_cast %add3A_1393 : i32 to index
          %get3A_1444 = arith.constant 112 : index
          %get3A_1445 = tpu.vector_load %arg9[%get3A_1442, %get3A_1443, %get3A_1444] {strides = array<i32>} : memref<4x112x128xf32, #tpu.memory_space<vmem>>, vector<1x1x16xf32>,
          %get3A_1446 = vector.shape_cast %get3A_1445 : vector<1x1x16xf32> to vector<16xf32>
          %mul3A_1447 = arith.mulf %get3A_1446, %get3A_375 : vector<16xf32>
          %add3A_1448 = arith.addf %add3A_1441, %mul3A_1447 : vector<16xf32>
          %broadcast_in_dim3A_1449 = vector.shape_cast %xor3A_53 : vector<16xi32> to vector<16x1xi32>
          %gather3A_1450 = vector.shape_cast %broadcast_in_dim3A_1449 : vector<16x1xi32> to vector<16xi32>
          %gather3A_1451 = tpu.dynamic_gather %add3A_1448[%gather3A_1450] in [0] : vector<16xf32>, vector<16xi32> -> vector<16xf32>
          %add3A_1452 = arith.addf %add3A_1448, %gather3A_1451 : vector<16xf32>
          %broadcast_in_dim3A_1453 = vector.shape_cast %xor3A_56 : vector<16xi32> to vector<16x1xi32>
          %gather3A_1454 = vector.shape_cast %broadcast_in_dim3A_1453 : vector<16x1xi32> to vector<16xi32>
          %gather3A_1455 = tpu.dynamic_gather %add3A_1452[%gather3A_1454] in [0] : vector<16xf32>, vector<16xi32> -> vector<16xf32>
          %add3A_1456 = arith.addf %add3A_1452, %gather3A_1455 : vector<16xf32>
          %broadcast_in_dim3A_1457 = vector.shape_cast %xor3A_59 : vector<16xi32> to vector<16x1xi32>
          %gather3A_1458 = vector.shape_cast %broadcast_in_dim3A_1457 : vector<16x1xi32> to vector<16xi32>
          %gather3A_1459 = tpu.dynamic_gather %add3A_1456[%gather3A_1458] in [0] : vector<16xf32>, vector<16xi32> -> vector<16xf32>
          %add3A_1460 = arith.addf %add3A_1456, %gather3A_1459 : vector<16xf32>
          %broadcast_in_dim3A_1461 = vector.shape_cast %xor3A_62 : vector<16xi32> to vector<16x1xi32>
          %gather3A_1462 = vector.shape_cast %broadcast_in_dim3A_1461 : vector<16x1xi32> to vector<16xi32>
          %gather3A_1463 = tpu.dynamic_gather %add3A_1460[%gather3A_1462] in [0] : vector<16xf32>, vector<16xi32> -> vector<16xf32>
          %add3A_1464 = arith.addf %add3A_1460, %gather3A_1463 : vector<16xf32>
          %select_n3A_1465 = arith.select %eq3A_103, %add3A_1464, %select_n3A_1389 : vector<16xi1>, vector<16xf32>
          %mul3A_1466 = arith.constant 16 : i32
          %mul3A_1467 = arith.muli %scan3A_401, %mul3A_1466 : i32
          %add3A_1468 = arith.constant 14 : i32
          %add3A_1469 = arith.addi %mul3A_1467, %add3A_1468 : i32
          %get3A_1470 = arith.index_cast %select_n3A_341 : i32 to index
          %get3A_1471 = arith.index_cast %add3A_1469 : i32 to index
          %get3A_1472 = arith.constant 0 : index
          %get3A_1473 = tpu.vector_load %arg9[%get3A_1470, %get3A_1471, %get3A_1472] {strides = array<i32>} : memref<4x112x128xf32, #tpu.memory_space<vmem>>, vector<1x1x16xf32>,
          %get3A_1474 = vector.shape_cast %get3A_1473 : vector<1x1x16xf32> to vector<16xf32>
          %mul3A_1475 = arith.mulf %get3A_1474, %get3A_347 : vector<16xf32>
          %get3A_1476 = arith.index_cast %select_n3A_341 : i32 to index
          %get3A_1477 = arith.index_cast %add3A_1469 : i32 to index
          %get3A_1478 = arith.constant 16 : index
          %get3A_1479 = tpu.vector_load %arg9[%get3A_1476, %get3A_1477, %get3A_1478] {strides = array<i32>} : memref<4x112x128xf32, #tpu.memory_space<vmem>>, vector<1x1x16xf32>,
          %get3A_1480 = vector.shape_cast %get3A_1479 : vector<1x1x16xf32> to vector<16xf32>
          %mul3A_1481 = arith.mulf %get3A_1480, %get3A_351 : vector<16xf32>
          %add3A_1482 = arith.addf %mul3A_1475, %mul3A_1481 : vector<16xf32>
          %get3A_1483 = arith.index_cast %select_n3A_341 : i32 to index
          %get3A_1484 = arith.index_cast %add3A_1469 : i32 to index
          %get3A_1485 = arith.constant 32 : index
          %get3A_1486 = tpu.vector_load %arg9[%get3A_1483, %get3A_1484, %get3A_1485] {strides = array<i32>} : memref<4x112x128xf32, #tpu.memory_space<vmem>>, vector<1x1x16xf32>,
          %get3A_1487 = vector.shape_cast %get3A_1486 : vector<1x1x16xf32> to vector<16xf32>
          %mul3A_1488 = arith.mulf %get3A_1487, %get3A_355 : vector<16xf32>
          %add3A_1489 = arith.addf %add3A_1482, %mul3A_1488 : vector<16xf32>
          %get3A_1490 = arith.index_cast %select_n3A_341 : i32 to index
          %get3A_1491 = arith.index_cast %add3A_1469 : i32 to index
          %get3A_1492 = arith.constant 48 : index
          %get3A_1493 = tpu.vector_load %arg9[%get3A_1490, %get3A_1491, %get3A_1492] {strides = array<i32>} : memref<4x112x128xf32, #tpu.memory_space<vmem>>, vector<1x1x16xf32>,
          %get3A_1494 = vector.shape_cast %get3A_1493 : vector<1x1x16xf32> to vector<16xf32>
          %mul3A_1495 = arith.mulf %get3A_1494, %get3A_359 : vector<16xf32>
          %add3A_1496 = arith.addf %add3A_1489, %mul3A_1495 : vector<16xf32>
          %get3A_1497 = arith.index_cast %select_n3A_341 : i32 to index
          %get3A_1498 = arith.index_cast %add3A_1469 : i32 to index
          %get3A_1499 = arith.constant 64 : index
          %get3A_1500 = tpu.vector_load %arg9[%get3A_1497, %get3A_1498, %get3A_1499] {strides = array<i32>} : memref<4x112x128xf32, #tpu.memory_space<vmem>>, vector<1x1x16xf32>,
          %get3A_1501 = vector.shape_cast %get3A_1500 : vector<1x1x16xf32> to vector<16xf32>
          %mul3A_1502 = arith.mulf %get3A_1501, %get3A_363 : vector<16xf32>
          %add3A_1503 = arith.addf %add3A_1496, %mul3A_1502 : vector<16xf32>
          %get3A_1504 = arith.index_cast %select_n3A_341 : i32 to index
          %get3A_1505 = arith.index_cast %add3A_1469 : i32 to index
          %get3A_1506 = arith.constant 80 : index
          %get3A_1507 = tpu.vector_load %arg9[%get3A_1504, %get3A_1505, %get3A_1506] {strides = array<i32>} : memref<4x112x128xf32, #tpu.memory_space<vmem>>, vector<1x1x16xf32>,
          %get3A_1508 = vector.shape_cast %get3A_1507 : vector<1x1x16xf32> to vector<16xf32>
          %mul3A_1509 = arith.mulf %get3A_1508, %get3A_367 : vector<16xf32>
          %add3A_1510 = arith.addf %add3A_1503, %mul3A_1509 : vector<16xf32>
          %get3A_1511 = arith.index_cast %select_n3A_341 : i32 to index
          %get3A_1512 = arith.index_cast %add3A_1469 : i32 to index
          %get3A_1513 = arith.constant 96 : index
          %get3A_1514 = tpu.vector_load %arg9[%get3A_1511, %get3A_1512, %get3A_1513] {strides = array<i32>} : memref<4x112x128xf32, #tpu.memory_space<vmem>>, vector<1x1x16xf32>,
          %get3A_1515 = vector.shape_cast %get3A_1514 : vector<1x1x16xf32> to vector<16xf32>
          %mul3A_1516 = arith.mulf %get3A_1515, %get3A_371 : vector<16xf32>
          %add3A_1517 = arith.addf %add3A_1510, %mul3A_1516 : vector<16xf32>
          %get3A_1518 = arith.index_cast %select_n3A_341 : i32 to index
          %get3A_1519 = arith.index_cast %add3A_1469 : i32 to index
          %get3A_1520 = arith.constant 112 : index
          %get3A_1521 = tpu.vector_load %arg9[%get3A_1518, %get3A_1519, %get3A_1520] {strides = array<i32>} : memref<4x112x128xf32, #tpu.memory_space<vmem>>, vector<1x1x16xf32>,
          %get3A_1522 = vector.shape_cast %get3A_1521 : vector<1x1x16xf32> to vector<16xf32>
          %mul3A_1523 = arith.mulf %get3A_1522, %get3A_375 : vector<16xf32>
          %add3A_1524 = arith.addf %add3A_1517, %mul3A_1523 : vector<16xf32>
          %broadcast_in_dim3A_1525 = vector.shape_cast %xor3A_53 : vector<16xi32> to vector<16x1xi32>
          %gather3A_1526 = vector.shape_cast %broadcast_in_dim3A_1525 : vector<16x1xi32> to vector<16xi32>
          %gather3A_1527 = tpu.dynamic_gather %add3A_1524[%gather3A_1526] in [0] : vector<16xf32>, vector<16xi32> -> vector<16xf32>
          %add3A_1528 = arith.addf %add3A_1524, %gather3A_1527 : vector<16xf32>
          %broadcast_in_dim3A_1529 = vector.shape_cast %xor3A_56 : vector<16xi32> to vector<16x1xi32>
          %gather3A_1530 = vector.shape_cast %broadcast_in_dim3A_1529 : vector<16x1xi32> to vector<16xi32>
          %gather3A_1531 = tpu.dynamic_gather %add3A_1528[%gather3A_1530] in [0] : vector<16xf32>, vector<16xi32> -> vector<16xf32>
          %add3A_1532 = arith.addf %add3A_1528, %gather3A_1531 : vector<16xf32>
          %broadcast_in_dim3A_1533 = vector.shape_cast %xor3A_59 : vector<16xi32> to vector<16x1xi32>
          %gather3A_1534 = vector.shape_cast %broadcast_in_dim3A_1533 : vector<16x1xi32> to vector<16xi32>
          %gather3A_1535 = tpu.dynamic_gather %add3A_1532[%gather3A_1534] in [0] : vector<16xf32>, vector<16xi32> -> vector<16xf32>
          %add3A_1536 = arith.addf %add3A_1532, %gather3A_1535 : vector<16xf32>
          %broadcast_in_dim3A_1537 = vector.shape_cast %xor3A_62 : vector<16xi32> to vector<16x1xi32>
          %gather3A_1538 = vector.shape_cast %broadcast_in_dim3A_1537 : vector<16x1xi32> to vector<16xi32>
          %gather3A_1539 = tpu.dynamic_gather %add3A_1536[%gather3A_1538] in [0] : vector<16xf32>, vector<16xi32> -> vector<16xf32>
          %add3A_1540 = arith.addf %add3A_1536, %gather3A_1539 : vector<16xf32>
          %select_n3A_1541 = arith.select %eq3A_106, %add3A_1540, %select_n3A_1465 : vector<16xi1>, vector<16xf32>
          %mul3A_1542 = arith.constant 16 : i32
          %mul3A_1543 = arith.muli %scan3A_401, %mul3A_1542 : i32
          %add3A_1544 = arith.constant 15 : i32
          %add3A_1545 = arith.addi %mul3A_1543, %add3A_1544 : i32
          %get3A_1546 = arith.index_cast %select_n3A_341 : i32 to index
          %get3A_1547 = arith.index_cast %add3A_1545 : i32 to index
          %get3A_1548 = arith.constant 0 : index
          %get3A_1549 = tpu.vector_load %arg9[%get3A_1546, %get3A_1547, %get3A_1548] {strides = array<i32>} : memref<4x112x128xf32, #tpu.memory_space<vmem>>, vector<1x1x16xf32>,
          %get3A_1550 = vector.shape_cast %get3A_1549 : vector<1x1x16xf32> to vector<16xf32>
          %mul3A_1551 = arith.mulf %get3A_1550, %get3A_347 : vector<16xf32>
          %get3A_1552 = arith.index_cast %select_n3A_341 : i32 to index
          %get3A_1553 = arith.index_cast %add3A_1545 : i32 to index
          %get3A_1554 = arith.constant 16 : index
          %get3A_1555 = tpu.vector_load %arg9[%get3A_1552, %get3A_1553, %get3A_1554] {strides = array<i32>} : memref<4x112x128xf32, #tpu.memory_space<vmem>>, vector<1x1x16xf32>,
          %get3A_1556 = vector.shape_cast %get3A_1555 : vector<1x1x16xf32> to vector<16xf32>
          %mul3A_1557 = arith.mulf %get3A_1556, %get3A_351 : vector<16xf32>
          %add3A_1558 = arith.addf %mul3A_1551, %mul3A_1557 : vector<16xf32>
          %get3A_1559 = arith.index_cast %select_n3A_341 : i32 to index
          %get3A_1560 = arith.index_cast %add3A_1545 : i32 to index
          %get3A_1561 = arith.constant 32 : index
          %get3A_1562 = tpu.vector_load %arg9[%get3A_1559, %get3A_1560, %get3A_1561] {strides = array<i32>} : memref<4x112x128xf32, #tpu.memory_space<vmem>>, vector<1x1x16xf32>,
          %get3A_1563 = vector.shape_cast %get3A_1562 : vector<1x1x16xf32> to vector<16xf32>
          %mul3A_1564 = arith.mulf %get3A_1563, %get3A_355 : vector<16xf32>
          %add3A_1565 = arith.addf %add3A_1558, %mul3A_1564 : vector<16xf32>
          %get3A_1566 = arith.index_cast %select_n3A_341 : i32 to index
          %get3A_1567 = arith.index_cast %add3A_1545 : i32 to index
          %get3A_1568 = arith.constant 48 : index
          %get3A_1569 = tpu.vector_load %arg9[%get3A_1566, %get3A_1567, %get3A_1568] {strides = array<i32>} : memref<4x112x128xf32, #tpu.memory_space<vmem>>, vector<1x1x16xf32>,
          %get3A_1570 = vector.shape_cast %get3A_1569 : vector<1x1x16xf32> to vector<16xf32>
          %mul3A_1571 = arith.mulf %get3A_1570, %get3A_359 : vector<16xf32>
          %add3A_1572 = arith.addf %add3A_1565, %mul3A_1571 : vector<16xf32>
          %get3A_1573 = arith.index_cast %select_n3A_341 : i32 to index
          %get3A_1574 = arith.index_cast %add3A_1545 : i32 to index
          %get3A_1575 = arith.constant 64 : index
          %get3A_1576 = tpu.vector_load %arg9[%get3A_1573, %get3A_1574, %get3A_1575] {strides = array<i32>} : memref<4x112x128xf32, #tpu.memory_space<vmem>>, vector<1x1x16xf32>,
          %get3A_1577 = vector.shape_cast %get3A_1576 : vector<1x1x16xf32> to vector<16xf32>
          %mul3A_1578 = arith.mulf %get3A_1577, %get3A_363 : vector<16xf32>
          %add3A_1579 = arith.addf %add3A_1572, %mul3A_1578 : vector<16xf32>
          %get3A_1580 = arith.index_cast %select_n3A_341 : i32 to index
          %get3A_1581 = arith.index_cast %add3A_1545 : i32 to index
          %get3A_1582 = arith.constant 80 : index
          %get3A_1583 = tpu.vector_load %arg9[%get3A_1580, %get3A_1581, %get3A_1582] {strides = array<i32>} : memref<4x112x128xf32, #tpu.memory_space<vmem>>, vector<1x1x16xf32>,
          %get3A_1584 = vector.shape_cast %get3A_1583 : vector<1x1x16xf32> to vector<16xf32>
          %mul3A_1585 = arith.mulf %get3A_1584, %get3A_367 : vector<16xf32>
          %add3A_1586 = arith.addf %add3A_1579, %mul3A_1585 : vector<16xf32>
          %get3A_1587 = arith.index_cast %select_n3A_341 : i32 to index
          %get3A_1588 = arith.index_cast %add3A_1545 : i32 to index
          %get3A_1589 = arith.constant 96 : index
          %get3A_1590 = tpu.vector_load %arg9[%get3A_1587, %get3A_1588, %get3A_1589] {strides = array<i32>} : memref<4x112x128xf32, #tpu.memory_space<vmem>>, vector<1x1x16xf32>,
          %get3A_1591 = vector.shape_cast %get3A_1590 : vector<1x1x16xf32> to vector<16xf32>
          %mul3A_1592 = arith.mulf %get3A_1591, %get3A_371 : vector<16xf32>
          %add3A_1593 = arith.addf %add3A_1586, %mul3A_1592 : vector<16xf32>
          %get3A_1594 = arith.index_cast %select_n3A_341 : i32 to index
          %get3A_1595 = arith.index_cast %add3A_1545 : i32 to index
          %get3A_1596 = arith.constant 112 : index
          %get3A_1597 = tpu.vector_load %arg9[%get3A_1594, %get3A_1595, %get3A_1596] {strides = array<i32>} : memref<4x112x128xf32, #tpu.memory_space<vmem>>, vector<1x1x16xf32>,
          %get3A_1598 = vector.shape_cast %get3A_1597 : vector<1x1x16xf32> to vector<16xf32>
          %mul3A_1599 = arith.mulf %get3A_1598, %get3A_375 : vector<16xf32>
          %add3A_1600 = arith.addf %add3A_1593, %mul3A_1599 : vector<16xf32>
          %broadcast_in_dim3A_1601 = vector.shape_cast %xor3A_53 : vector<16xi32> to vector<16x1xi32>
          %gather3A_1602 = vector.shape_cast %broadcast_in_dim3A_1601 : vector<16x1xi32> to vector<16xi32>
          %gather3A_1603 = tpu.dynamic_gather %add3A_1600[%gather3A_1602] in [0] : vector<16xf32>, vector<16xi32> -> vector<16xf32>
          %add3A_1604 = arith.addf %add3A_1600, %gather3A_1603 : vector<16xf32>
          %broadcast_in_dim3A_1605 = vector.shape_cast %xor3A_56 : vector<16xi32> to vector<16x1xi32>
          %gather3A_1606 = vector.shape_cast %broadcast_in_dim3A_1605 : vector<16x1xi32> to vector<16xi32>
          %gather3A_1607 = tpu.dynamic_gather %add3A_1604[%gather3A_1606] in [0] : vector<16xf32>, vector<16xi32> -> vector<16xf32>
          %add3A_1608 = arith.addf %add3A_1604, %gather3A_1607 : vector<16xf32>
          %broadcast_in_dim3A_1609 = vector.shape_cast %xor3A_59 : vector<16xi32> to vector<16x1xi32>
          %gather3A_1610 = vector.shape_cast %broadcast_in_dim3A_1609 : vector<16x1xi32> to vector<16xi32>
          %gather3A_1611 = tpu.dynamic_gather %add3A_1608[%gather3A_1610] in [0] : vector<16xf32>, vector<16xi32> -> vector<16xf32>
          %add3A_1612 = arith.addf %add3A_1608, %gather3A_1611 : vector<16xf32>
          %broadcast_in_dim3A_1613 = vector.shape_cast %xor3A_62 : vector<16xi32> to vector<16x1xi32>
          %gather3A_1614 = vector.shape_cast %broadcast_in_dim3A_1613 : vector<16x1xi32> to vector<16xi32>
          %gather3A_1615 = tpu.dynamic_gather %add3A_1612[%gather3A_1614] in [0] : vector<16xf32>, vector<16xi32> -> vector<16xf32>
          %add3A_1616 = arith.addf %add3A_1612, %gather3A_1615 : vector<16xf32>
          %select_n3A_1617 = arith.select %eq3A_109, %add3A_1616, %select_n3A_1541 : vector<16xi1>, vector<16xf32>
          %mul3A_1618 = arith.constant 16 : i32
          %mul3A_1619 = arith.muli %scan3A_401, %mul3A_1618 : i32
          %add3A_1620 = arith.constant 112 : i32
          %add3A_1621 = arith.addi %add3A_1620, %mul3A_1619 : i32
          %swap3A = arith.index_cast %and3A_377 : i32 to index
          %swap3A_1622 = arith.index_cast %add3A_1621 : i32 to index
          %swap3A_1623 = tpu.vector_load %arg10[%swap3A, %swap3A_1622] {strides = array<i32>} : memref<16x224xf32, #tpu.memory_space<vmem>>, vector<1x16xf32>,
          %swap3A_1624 = vector.shape_cast %swap3A_1623 : vector<1x16xf32> to vector<16xf32>
          %swap3A_1625 = vector.shape_cast %select_n3A_1617 : vector<16xf32> to vector<1x16xf32>
          tpu.vector_store %arg10[%swap3A, %swap3A_1622], %swap3A_1625 {strides = array<i32>} : memref<16x224xf32, #tpu.memory_space<vmem>>, vector<1x16xf32>,
        }
        %scan3A_400 = arith.constant 7 : i32
      } else {
      }
      %eq3A_388 = arith.constant 1 : i32
      %eq3A_389 = arith.cmpi eq, %and3A_344, %eq3A_388 : i32
      %eq3A_390 = arith.constant 15 : i32
      %eq3A_391 = arith.cmpi eq, %and3A_377, %eq3A_390 : i32
      %and3A_392 = arith.andi %eq3A_389, %eq3A_391 : i1
      %convert_element_type3A_393 = arith.extui %and3A_392 : i1 to i32
      %cond3A_394 = arith.constant 0 : i32
      %cond3A_395 = arith.cmpi ne, %convert_element_type3A_393, %cond3A_394 : i32
      scf.if %cond3A_395 {
        %add3A_396 = arith.addi %mul3A_2, %shift_right_arithmetic3A_342 : i32
        %sub3A = arith.constant 15 : i32
        %sub3A_397 = arith.subi %add3A_396, %sub3A : i32
        %multiple_of3A = tpu.assume_multiple %sub3A_397, 16 : i32
        "tpu.region"() ({
          %run_scoped3A = tpu.sem_alloc : memref<!tpu.dma_semaphore, #tpu.memory_space<semaphore_mem>>
          %dma_start3A_398 = arith.constant 0 : i32
          %dma_start3A_399 = tpu.memref_slice %arg6[%multiple_of3A, %dma_start3A_398] : memref<4096x224xf32, #tpu.memory_space<hbm>> -> memref<16x224xf32, #tpu.memory_space<hbm>>
          %dma_start3A_400 = arith.constant 0 : i32
          %dma_start3A_401 = tpu.memref_slice %arg6[%multiple_of3A, %dma_start3A_400] : memref<4096x224xf32, #tpu.memory_space<hbm>> -> memref<16x224xf32, #tpu.memory_space<hbm>>
          tpu.enqueue_dma source(%arg10 : memref<16x224xf32, #tpu.memory_space<vmem>>) target(%dma_start3A_401 : memref<16x224xf32, #tpu.memory_space<hbm>>) target_semaphore(%run_scoped3A : memref<!tpu.dma_semaphore, #tpu.memory_space<semaphore_mem>>)
          %dma_wait3A_402 = arith.constant 0 : i32
          %dma_wait3A_403 = tpu.memref_slice %arg6[%multiple_of3A, %dma_wait3A_402] : memref<4096x224xf32, #tpu.memory_space<hbm>> -> memref<16x224xf32, #tpu.memory_space<hbm>>
          %dma_wait3A_404 = arith.constant 0 : i32
          %dma_wait3A_405 = tpu.memref_slice %arg6[%multiple_of3A, %dma_wait3A_404] : memref<4096x224xf32, #tpu.memory_space<hbm>> -> memref<16x224xf32, #tpu.memory_space<hbm>>
          tpu.wait_dma2 semaphore(%run_scoped3A : memref<!tpu.dma_semaphore, #tpu.memory_space<semaphore_mem>>) src(%arg10 : memref<16x224xf32, #tpu.memory_space<vmem>>) dst(%dma_wait3A_405 : memref<16x224xf32, #tpu.memory_space<hbm>>)
          tpu.yield
        }) : () -> ()
      } else {
      }
    }
    %scan3A_150 = arith.constant 256 : i32
    return
  }
}

module attributes {stable_mosaic.version = 14 : i64} {
  func.func @_tc_body(%arg0: i32, %arg1: memref<256x224xf32, #tpu.memory_space<vmem>>, %arg2: memref<1x1xf32, #tpu.memory_space<smem>>) attributes {dimension_semantics = [#tpu.dimension_semantics<arbitrary>], iteration_bounds = array<i64: 16>, scalar_prefetch = 0 : i64, scratch_operands = 0 : i64, tpu.core_type = #tpu.core_type<tc>, window_params = [{transform_indices = @transform_0, window_bounds = array<i64: 256, 224>}, {transform_indices = @transform_1, window_bounds = array<i64: 1, 1>}]} {
    %get3A = arith.constant 0 : index
    %get3A_0 = arith.constant 0 : index
    %get3A_1 = vector.load %arg1[%get3A, %get3A_0] : memref<256x224xf32, #tpu.memory_space<vmem>>, vector<256x224xf32>
    %iota3A = tpu.iota {dimensions = array<i32: 1>} : vector<256x224xi32>
    %lt3A = arith.constant 20 : i32
    %lt3A_2 = vector.broadcast %lt3A : i32 to vector<256x224xi32>
    %lt3A_3 = arith.cmpi slt, %iota3A, %lt3A_2 : vector<256x224xi32>
    %neg3A = arith.constant 0.000000e+00 : f32
    %neg3A_4 = vector.broadcast %neg3A : f32 to vector<256x224xf32>
    %neg3A_5 = arith.subf %neg3A_4, %get3A_1 : vector<256x224xf32>
    %select_n3A = arith.select %lt3A_3, %get3A_1, %neg3A_5 : vector<256x224xi1>, vector<256x224xf32>
    %logistic3A = arith.negf %select_n3A : vector<256x224xf32>
    %logistic3A_6 = math.exp %logistic3A : vector<256x224xf32>
    %logistic3A_7 = arith.constant 1.000000e+00 : f32
    %logistic3A_8 = vector.broadcast %logistic3A_7 : f32 to vector<256x224xf32>
    %logistic3A_9 = arith.addf %logistic3A_8, %logistic3A_6 : vector<256x224xf32>
    %logistic3A_10 = arith.divf %logistic3A_8, %logistic3A_9 : vector<256x224xf32>
    %jit3A = arith.constant 9.99999993E-9 : f32
    %max3A = vector.broadcast %jit3A : f32 to vector<256x224xf32>
    %max3A_11 = arith.maximumf %max3A, %logistic3A_10 : vector<256x224xf32>
    %log3A = math.log %max3A_11 : vector<256x224xf32>
    %lt3A_12 = arith.constant 220 : i32
    %lt3A_13 = vector.broadcast %lt3A_12 : i32 to vector<256x224xi32>
    %lt3A_14 = arith.cmpi slt, %iota3A, %lt3A_13 : vector<256x224xi32>
    %jit3A_15 = arith.constant 0.000000e+00 : f32
    %broadcast_in_dim3A = vector.broadcast %jit3A_15 : f32 to vector<256x224xf32>
    %select_n3A_16 = arith.select %lt3A_14, %log3A, %broadcast_in_dim3A : vector<256x224xi1>, vector<256x224xf32>
    %reduce_sum3A = vector.shape_cast %select_n3A_16 : vector<256x224xf32> to vector<1x256x224xf32>
    %reduce_sum3A_17 = arith.constant dense<0.000000e+00> : vector<1xf32>
    %reduce_sum3A_18 = vector.multi_reduction <add>, %reduce_sum3A, %reduce_sum3A_17 [1, 2] : vector<1x256x224xf32> to vector<1xf32>
    %reduce_sum3A_19 = vector.shape_cast %reduce_sum3A_18 : vector<1xf32> to vector<1x1x1xf32>
    %reduce_sum3A_20 = vector.extract %reduce_sum3A_19[0, 0, 0] : f32 from vector<1x1x1xf32>
    %eq3A = arith.constant 0 : i32
    %eq3A_21 = arith.cmpi eq, %arg0, %eq3A : i32
    %convert_element_type3A = arith.extui %eq3A_21 : i1 to i32
    %cond3A = arith.constant 0 : i32
    %cond3A_22 = arith.cmpi ne, %convert_element_type3A, %cond3A : i32
    scf.if %cond3A_22 {
      %swap3A_28 = arith.constant 0.000000e+00 : f32
      %swap3A_29 = arith.constant 0 : index
      %swap3A_30 = arith.constant 0 : index
      %swap3A_31 = memref.load %arg2[%swap3A_29, %swap3A_30] : memref<1x1xf32, #tpu.memory_space<smem>>
      memref.store %swap3A_28, %arg2[%swap3A_29, %swap3A_30] : memref<1x1xf32, #tpu.memory_space<smem>>
    } else {
    }
    %get3A_23 = arith.constant 0 : index
    %get3A_24 = arith.constant 0 : index
    %get3A_25 = memref.load %arg2[%get3A_23, %get3A_24] : memref<1x1xf32, #tpu.memory_space<smem>>
    %add3A = arith.addf %get3A_25, %reduce_sum3A_20 : f32
    %swap3A = arith.constant 0 : index
    %swap3A_26 = arith.constant 0 : index
    %swap3A_27 = memref.load %arg2[%swap3A, %swap3A_26] : memref<1x1xf32, #tpu.memory_space<smem>>
    memref.store %add3A, %arg2[%swap3A, %swap3A_26] : memref<1x1xf32, #tpu.memory_space<smem>>
    return
  }
  func.func @transform_0(%arg0: i32) -> (i32, i32) {
    %c0_i32 = arith.constant 0 : i32
    %c0_i32_0 = arith.constant 0 : i32
    return %arg0, %c0_i32 : i32, i32
  }
  func.func @transform_1(%arg0: i32) -> (i32, i32) {
    %c0_i32 = arith.constant 0 : i32
    %c0_i32_0 = arith.constant 0 : i32
    %c0_i32_1 = arith.constant 0 : i32
    return %c0_i32, %c0_i32_0 : i32, i32
  }
}

</mosaic_0001>

<sc_bundles>
// kernel: kernel.4.cloned.1.call-start
scs
__scs_entry_jumppad:
0x0: {  	(pc) =	sbr.rel $0x88, $3  }
0x1: {  	(tag) =	ssettag $0x0;
	lr =	simm.s32 $0x1  }
0x2: {  	[smem:$0x3F9C] =	sst lr;
	_ =	strace $0xD0000000  }
0x3: {  	_ = 	snop  }
0x4: {  	_ = 	snop  }
0x5: {  	_ = 	snop  }
0x6: {  	_ = 	snop  }
0x7: {  	_ = 	snop  }
__scs_overlays_trampoline_lowered:
0x8: {  	[smem:$0x3FAB] =	sst s0  }
0x9: {  	[smem:$0x3FAC] =	sst s1  }
0xa: {  	[smem:$0x3FAD] =	sst s2  }
0xb: {  	[smem:$0x3FAE] =	sst s3  }
0xc: {  	[smem:$0x3FAF] =	sst s4  }
0xd: {  	[smem:$0x3FB0] =	sst s5  }
0xe: {  	[smem:$0x3FB1] =	sst s6  }
0xf: {  	[smem:$0x3FB2] =	sst s7  }
0x10: {  	[smem:$0x3FB3] =	sst s8  }
0x11: {  	[smem:$0x3FB4] =	sst s9;
	s0 =	simm.s32 @!p0 $0x0  }
0x12: {  	s1 =	sld [smem:$0x3F9A];
	s0 =	simm.s32 @p0 $0x1  }
0x13: {  	[smem:$0x3FB5] =	sst s0;
	s0 =	simm.s32 @!p1 $0x0  }
0x14: {  	s2 =	sld [smem:$0x3F99];
	s0 =	simm.s32 @p1 $0x1  }
0x15: {  	[smem:$0x3FB6] =	sst s0;
	s0 =	simm.s32 @!p2 $0x0  }
0x16: {  	s3 =	sld [smem:$0x3FDB];
	s0 =	simm.s32 @p2 $0x1  }
0x17: {  	s4 =	simm.s32 $0x1BF5;
	[smem:$0x3FB8] =	sst s0  }
0x18: {  	s0 =	sld [smem:$0x3F9B];
	_ =	swait.ge [sflag:s4], $0x0  }
0x19: {  	s7 =	sld [smem:$0x3F9C]  }
0x1a: {  	s8 =	sadd.s32 $0xFFFFE003, lr  }
0x1b: {  	s9 =	sadd.s32 $0xFFFFFEF7, lr;
	s5 =	simm.s32 $0xFFFFFFFF;
	p2 =	slt.u32 s8, $0xFFFFF086  }
0x1c: {  	p1 =	slt.u32 s9, $0xF7A;
	s5 =	simm.s32 @!p2 $0x0  }
0x1d: {  	s5 =	simm.s32 @p1 $0x1;
	p0 =	seq.s32 s7, s2  }
0x1e: {  	s7 =	smul.u32 @!p0 $0xF7A, s2;
	p2 =	seq.s32 @!p0 s5, $0x0  }
0x1f: {  	s9 =	smul.u32 $0xF7A, s1;
	s8 =	simm.s32 @!p0 $0x1BF5;
	p2 =	por !p2, p0  }
0x20: {  	[sflag:s8] =	ssyncset.s32 @!p0 $0xFFFFF086;
	s6 =	sadd.s32 @!p0 s3, s7;
	s7 =	simm.s32 @!p0 $0x108  }
0x21: {  	s3 =	sadd.s32 s3, s9;
	s6 =	sadd.s32 @!p0 $0x88, s6;
	s7 =	simm.s32 @p2 $0x1082  }
0x22: {  	[simem:s7], [sflag:s8] =	dma.local @!p0 [hbm:s6], $0xF7A  }
0x23: {  	s9 =	sor.u32 $0xD0000000, s2;
	s6 =	simm.s32 $0x108;
	_ =	swait.ge @!p0 [sflag:s8], $0x0  }
0x24: {  	s3 =	sadd.s32 $0x88, s3;
	s6 =	simm.s32 @!p1 $0x1082;
	[sflag:s4] =	ssyncset.s32 $0xFFFFF086  }
0x25: {  	[simem:s6], [sflag:s4] =	dma.local [hbm:s3], $0xF7A  }
0x26: {  	[smem:$0x3F9C] =	sst s1;
	(tag) =	ssettag s2;
	_ =	strace s9  }
0x27: {  	s1 =	sld [smem:$0x3FAC]  }
0x28: {  	s2 =	sld [smem:$0x3FAD]  }
0x29: {  	s4 =	sld [smem:$0x3FAF]  }
0x2a: {  	p0 =	seq.s32 s5, $0x0;
	s5 =	sld [smem:$0x3FB0]  }
0x2b: {  	s6 =	sld [smem:$0x3FB1]  }
0x2c: {  	s7 =	sld [smem:$0x3FB2]  }
0x2d: {  	s3 =	simm.s32 $0x108;
	s8 =	sld [smem:$0x3FB3]  }
0x2e: {  	s3 =	simm.s32 @!p0 $0x1082;
	s9 =	sld [smem:$0x3FB4]  }
0x2f: {  	lr =	sadd.s32 s0, s3;
	s0 =	sld [smem:$0x3FAB]  }
0x30: {  	s3 =	sld [smem:$0x3FAE]  }
0x31: {  	[smem:$0x3FB7] =	sst s10  }
0x32: {  	s10 =	sld [smem:$0x3FB5];
	_ =	sdelay $0x3  }
0x33: {  	p0 =	seq.s32 s10, $0x1;
	s10 =	sld [smem:$0x3FB7];
	_ =	sdelay $0x3  }
0x34: {  	[smem:$0x3FB7] =	sst s10  }
0x35: {  	s10 =	sld [smem:$0x3FB6];
	_ =	sdelay $0x3  }
0x36: {  	p1 =	seq.s32 s10, $0x1;
	s10 =	sld [smem:$0x3FB7];
	_ =	sdelay $0x3  }
0x37: {  	[smem:$0x3FB7] =	sst s10  }
0x38: {  	s10 =	sld [smem:$0x3FB8]  }
0x39: {  	_ = 	snop;
	(pc) =	sbr.ind lr, $3  }
0x3a: {  	_ = 	snop  }
0x3b: {  	_ = 	snop  }
0x3c: {  	p2 =	seq.s32 s10, $0x1;
	s10 =	sld [smem:$0x3FB7]  }
0x3d: {  	_ =	shalt  }
0x3e: {  	_ =	shalt  }
0x3f: {  	_ =	shalt  }
0x40: {  	_ =	shalt  }
0x41: {  	_ =	shalt  }
0x42: {  	_ =	shalt  }
0x43: {  	_ =	shalt  }
0x44: {  	_ =	shalt  }
0x45: {  	_ =	shalt  }
0x46: {  	_ =	shalt  }
0x47: {  	_ =	shalt  }
0x48: {  	_ =	shalt  }
0x49: {  	_ =	shalt  }
0x4a: {  	_ =	shalt  }
0x4b: {  	_ =	shalt  }
0x4c: {  	_ =	shalt  }
0x4d: {  	_ =	shalt  }
0x4e: {  	_ =	shalt  }
0x4f: {  	_ =	shalt  }
0x50: {  	_ =	shalt  }
0x51: {  	_ =	shalt  }
0x52: {  	_ =	shalt  }
0x53: {  	_ =	shalt  }
0x54: {  	_ =	shalt  }
0x55: {  	_ =	shalt  }
0x56: {  	_ =	shalt  }
0x57: {  	_ =	shalt  }
0x58: {  	_ =	shalt  }
0x59: {  	_ =	shalt  }
0x5a: {  	_ =	shalt  }
0x5b: {  	_ =	shalt  }
0x5c: {  	_ =	shalt  }
0x5d: {  	_ =	shalt  }
0x5e: {  	_ =	shalt  }
0x5f: {  	_ =	shalt  }
0x60: {  	_ =	shalt  }
0x61: {  	_ =	shalt  }
0x62: {  	_ =	shalt  }
0x63: {  	_ =	shalt  }
0x64: {  	_ =	shalt  }
0x65: {  	_ =	shalt  }
0x66: {  	_ =	shalt  }
0x67: {  	_ =	shalt  }
0x68: {  	_ =	shalt  }
0x69: {  	_ =	shalt  }
0x6a: {  	_ =	shalt  }
0x6b: {  	_ =	shalt  }
0x6c: {  	_ =	shalt  }
0x6d: {  	_ =	shalt  }
0x6e: {  	_ =	shalt  }
0x6f: {  	_ =	shalt  }
0x70: {  	_ =	shalt  }
0x71: {  	_ =	shalt  }
0x72: {  	_ =	shalt  }
0x73: {  	_ =	shalt  }
0x74: {  	_ =	shalt  }
0x75: {  	_ =	shalt  }
0x76: {  	_ =	shalt  }
0x77: {  	_ =	shalt  }
0x78: {  	_ =	shalt  }
0x79: {  	_ =	shalt  }
0x7a: {  	_ =	shalt  }
0x7b: {  	_ =	shalt  }
0x7c: {  	_ =	shalt  }
0x7d: {  	_ =	shalt  }
0x7e: {  	_ =	shalt  }
0x7f: {  	_ =	shalt  }
0x80: {  	_ =	shalt  }
0x81: {  	_ =	shalt  }
0x82: {  	_ =	shalt  }
0x83: {  	_ =	shalt  }
0x84: {  	_ =	shalt  }
0x85: {  	_ =	shalt  }
0x86: {  	_ =	shalt  }
0x87: {  	_ =	shalt  }
.Lfunc_end0:
.L_simem_size_0:
called_computation_lowered:
.L_overlay_start_0:
0x88: {  	s2 =	sld [smem:$0x3FD9]  }
0x89: {  	s3 =	sld [smem:$0x3FFE];
	_ =	sdelay $0x1  }
0x8a: {  	s1 =	srdreg.scid  }
0x8b: {  	s0 =	sand.u32 $0x1, s1  }
0x8c: {  	s17 =	sshll.u32 s0, $0xA;
	s2 =	sadd.s32 s3, s2  }
0x8d: {  	s2 =	sadd.s32 s2, s17  }
0x8e: {  	[smem:$0x3FC3] =	sst s2  }
0x8f: {  	_ = 	snop  }
0x90: {  	s2 =	sld [smem:$0x3FC9]  }
0x91: {  	s18 =	sld [smem:$0x3FC7]  }
0x92: {  	s4 =	sld [smem:$0x3FC6];
	(tm) =	ssettm $0x1  }
0x93: {  	s5 =	sld [smem:$0x3FFB];
	_ =	sdelay $0x3  }
0x94: {  	_ =	strace s5  }
0x95: {  	s5 =	sld [smem:$0x3FFC];
	_ =	sdelay $0x3  }
0x96: {  	_ =	strace s5  }
0x97: {  	s5 =	sld [smem:$0x3FFD];
	_ =	sdelay $0x3  }
0x98: {  	_ =	strace s5  }
0x99: {  	_ =	strace $0x8FFFFFFF  }
0x9a: {  	s19 =	sld [smem:$0x3FDB];
	_ =	sdelay $0x1  }
0x9b: {  	s6 =	simm.s32 $_scs_section_size  }
0x9c: {  	s7 =	simm.s32 $_size__tile_overlayer_lowered;
	s8 =	simm.s32 $_tile_overlayer_lowered  }
0x9d: {  	s22 =	simm.s32 $0x1BFF;
	s21 =	sshll.u32 s8, $0x1;
	s5 =	sadd.s32 s6, s19  }
0x9e: {  	s9 =	simm.s32 $0x0;
	s20 =	sshll.u32 s7, $0x1;
	s7 =	sadd.s32 s21, s5  }
0x9f: {  	[timem:s9], [sflag:s22] =	dma.local [hbm:s7], s20  }
0xa0: {  	_ =	swait.ge [sflag:s22], s20  }
0xa1: {  	s6 =	ssub.s32 $0x0, s20;
	[sflag:s22] =	ssyncset.done $0x0  }
0xa2: {  	[sflag:s22] =	ssyncadd.s32 s6;
	_ =	sdelay $0x1  }
0xa3: {  	s23 =	simm.s32 $0x1B8B  }
0xa4: {  	_ =	swait.ge [sflag:s23], $0x1  }
0xa5: {  	[sflag:s23] =	ssyncset.done $0x0  }
0xa6: {  	s25 =	simm.s32 $0x1B8E;
	s24 =	sld [smem:$0x3FFE];
	[sflag:s23] =	ssyncadd.s32 $0xFFFFFFFF  }
0xa7: {  	s26 =	simm.s32 $execute0_lowered;
	[smem:$0x3FD2] =	sst s25  }
0xa8: {  	s7 =	sshll.u32 s26, $0x1;
	_ =	strace $0x80000046;
	[dreg:$0x1] =	wrdreg $0xFFFFFFFF  }
0xa9: {  	s28 =	simm.s32 $_size_execute0_lowered;
	s5 =	sadd.s32 s5, s7;
	[dreg:$0x0] =	wrdreg $0x0  }
0xaa: {  	s7 =	sshll.u32 s28, $0x1;
	[dreg:$0x2] =	wrdreg s5  }
0xab: {  	[dreg:$0x3] =	wrdreg s7  }
0xac: {  	[dreg:$0x4] =	wrdreg $0xC0  }
0xad: {  	_ =	task [dreg:s9], $0x5FFFF  }
0xae: {  	[dreg:$0x1] =	wrdreg $0xFFFFFFFF  }
0xaf: {  	[dreg:$0x0] =	wrdreg $0x60  }
0xb0: {  	[dreg:$0x2] =	wrdreg s4  }
0xb1: {  	[dreg:$0x3] =	wrdreg s2  }
0xb2: {  	[dreg:$0x4] =	wrdreg s18  }
0xb3: {  	[dreg:$0x5] =	wrdreg s24  }
0xb4: {  	[dreg:$0x6] =	wrdreg $0x9  }
0xb5: {  	_ =	task.clear_ibuf [dreg:s9], $0x7FFFF;
	_ =	strace $0x90000046  }
0xb6: {  	s29 =	simm.s32 $0x9;
	_ =	strace $0x80000048  }
0xb7: {  	_ =	swait.ge [sflag:s29], $0x1  }
0xb8: {  	[sflag:s29] =	ssyncadd.s32 $0xFFFFFFFF  }
0xb9: {  	_ =	strace $0x90000048  }
0xba: {  	_ =	sfence  }
0xbb: {  	s30 =	sld [smem:$0x0];
	_ =	sdelay $0x2  }
0xbc: {  	s31 =	sshll.u32 s1, $0xD;
	s1 =	sshrl.u32 s1, $0x2  }
0xbd: {  	s3 =	sand.u32 $0x4000, s31;
	s1 =	sadd.s32 s1, s30  }
0xbe: {  	s0 =	sor.u32 s3, s0;
	s1 =	sshll.u32 s1, $0x11  }
0xbf: {  	s0 =	sor.u32 s1, s0  }
0xc0: {  	s0 =	sadd.s32 $0x8F2B, s0  }
0xc1: {  	[sflag:s0] =	ssyncadd.remote.s32 $0x1  }
0xc2: {  	_ =	sfence.sel $0xFFFF  }
0xc3: {  	[dreg:$0x0] =	wrdreg $0xFFFFFFFF;
	(pc) =	sbr.abs _section_cstart, $3  }
0xc4: {  	[dreg:$0x1] =	wrdreg $0xFFFFFFFF  }
0xc5: {  	_ =	task.clear_ibuf [dreg:s9], $0x2FFFF;
	_ =	strace $0x9FFFFFFF  }
0xc6: {  	(tm) =	ssettm $0x7FFFFFFF  }
0xc7: {  	_ =	shalt  }
tec
execute0_lowered:
.L_overlay_start_1:
0x0: {  	(tag) =	ssettag $0x1  }
0x1: {  	v0 =	vimm.s32 $0xEFCDAB89;
	v1 =	vimm.s32 $0x67452301  }
0x2: {  	v2 =	vimm.s32 $0xDCFE98BA;
	s0 =	rddreg [dreg:$0x0];
	v3 =	vimm.s32 $0x54761032;
	v4 =	vimm.s32 $0xBA98FEDC  }
0x3: {  	s1 =	rddreg [dreg:$0x1];
	v5 =	vimm.s32 $0x32107654;
	v6 =	vimm.s32 $0xFEDCBA98;
	v7 =	vimm.s32 $0x76543210  }
0x4: {  	s2 =	rddreg [dreg:$0x2];
	s3 =	srdreg.scid;
	vm0 =	vmmov $0x1;
	vm1 =	vmmov $0x3;
	vm2 =	vmmov $0x7  }
0x5: {  	s6 =	stileid.u32;
	s4 =	rddreg [dreg:$0x3];
	vm3 =	vmmov $0xf;
	vm4 =	vmmov $0x1f;
	vm5 =	vmmov $0x3f  }
0x6: {  	s10 =	simm.s32 $0x1B000;
	s11 =	simm.s32 $0x5;
	s12 =	simm.s32 $0x70;
	vm6 =	vmmov $0x7f;
	vm7 =	vmmov $0xff;
	vm8 =	vmmov $0x1ff  }
0x7: {  	s13 =	simm.s32 $0xC000;
	s14 =	simm.s32 $0x1;
	s17 =	simm.s32 $0xF800;
	vm9 =	vmmov $0x3ff;
	vm10 =	vmmov $0x7ff;
	vm11 =	vmmov $0xfff  }
0x8: {  	s18 =	simm.s32 $0x2;
	s19 =	simm.s32 $0x8000;
	s20 =	simm.s32 $0x80;
	vm12 =	vmmov $0x1fff;
	v0 =	vunpack.c.l.s4.s8 v0;
	v1 =	vunpack.c.l.s4.s8 v1  }
0x9: {  	s21 =	simm.s32 $0x100;
	s22 =	simm.s32 $0x13000;
	s23 =	simm.s32 $0x0;
	v2 =	vunpack.c.l.s4.s8 v2;
	v3 =	vunpack.c.l.s4.s8 v3;
	v4 =	vunpack.c.l.s4.s8 v4  }
0xa: {  	s5 =	sand.u32 $0x1, s3;
	s6 =	sshll.u32 s6, $0x1;
	v5 =	vunpack.c.l.s4.s8 v5;
	s3 =	simm.s32 $0x0;
	v6 =	vunpack.c.l.s4.s8 v6;
	v7 =	vunpack.c.l.s4.s8 v7  }
0xb: {  	s6 =	sor.u32 s5, s6;
	[smem:$0x7FF] =	sst s3;
	s5 =	ssub.s32 $0x2, s5;
	v0 =	vunpack.c.0.s8.s32 v0;
	v1 =	vunpack.c.0.s8.s32 v1;
	v2 =	vunpack.c.0.s8.s32 v2  }
.Ltmp0:
0xc: {  	v3 =	vunpack.c.0.s8.s32 v3;
	s7 =	sshll.u32 s6, $0xC;
	v4 =	vunpack.c.0.s8.s32 v4;
	v5 =	vunpack.c.0.s8.s32 v5;
	_ =	strace $0x80000047;
	(pc) =	sbr.rel .LBB2_1-.Ltmp0, $4  }
0xd: {  	vm13 =	vmmov $0x3fff;
	s8 =	sshrl.u32 s5, $0x1;
	s29 =	sshll.u32 s6, $0x4;
	s30 =	sshll.u32 s6, $0xB;
	v0 =	vcombine.low v1, v0;
	v1 =	vunpack.c.0.s8.s32 v6  }
0xe: {  	s31 =	sshll.u32 s6, $0xF;
	s7 =	sadd.s32 s7, s4;
	s4 =	sadd.s32 $0x20600, s4;
	v2 =	vcombine.low v3, v2;
	v3 =	vcombine.low v5, v4;
	v4 =	vunpack.c.0.s8.s32 v7  }
0xf: {  	vm14 =	vmmov $0x7fff;
	s9 =	ssub.s32 s5, s8;
	s5 =	sadd.s32 s1, s29;
	s6 =	sadd.s32 s2, s30;
	v0 =	vand.u32 $0xF, v0;
	v5 =	vand.u32 $0xF, v1  }
0x10: {  	s8 =	sadd.s32 $0xFFFFF100, s31;
	s7 =	sadd.s32 $0x600, s7;
	s9 =	smax.u32 s9, $0x1;
	v1 =	vand.u32 $0xF, v2;
	v2 =	vand.u32 $0xF, v3;
	v3 =	vcombine.low v5, v4  }
.LBB2_22:
0x11: {  	s23 =	sadd.s32 $0x1, s23  }
0x12: {  	p0 =	sne.s32 s23, s9  }
.Ltmp1:
0x13: {  	_ = 	snop;
	(pc) =	sbr.rel @!p0 .LBB2_23-.Ltmp1, $1  }
0x14: {  	_ =	sdelay $0x3  }
.LBB2_1:
0x15: {  	[tilespmem:s10], [sflag:$0x5] =	stream.linear.gather [hbm4b:s5+s3], $0x80, $0x38;
	[tilespmem:$0x1B080] =	vst v63  }
0x16: {  	_ =	swait.ge [sflag:s11], $0x80  }
0x17: {  	[sflag:s11] =	ssyncset.done $0x0  }
0x18: {  	[sflag:s11] =	ssyncadd.s32 $0xFFFFFF80  }
0x19: {  	[tilespmem:s13], [sflag:$0x1] =	stream.indirect.gather [hbm4b:s0+s12], $0x80, s10, s12, $0xb8;
	[tilespmem:$0x1B080] =	vst v63  }
0x1a: {  	_ =	swait.ge [sflag:s14], $0x3800  }
0x1b: {  	[sflag:s14] =	ssyncset.done $0x0  }
0x1c: {  	s1 =	simm.s32 $0x10;
	s2 =	simm.s32 $0x1B070;
	[sflag:s14] =	ssyncadd.s32 $0xFFFFC800  }
0x1d: {  	[tilespmem:s17], [sflag:$0x2] =	stream.indirect.gather [hbm4b:s0+s1], $0x80, s2, s1, $0xb8;
	[tilespmem:$0x1B080] =	vst v63  }
0x1e: {  	_ =	swait.ge [sflag:s18], $0x800  }
0x1f: {  	[sflag:s18] =	ssyncset.done $0x0  }
0x20: {  	[sflag:s18] =	ssyncadd.s32 $0xFFFFF800  }
0x21: {  	[tilespmem:s19], [sflag:$0x5] =	stream.linear.gather [hbm4b:s6+s3], $0x4000, $0x38;
	[tilespmem:$0x1B080] =	vst v63  }
0x22: {  	_ =	swait.ge [sflag:s11], $0x4000  }
0x23: {  	[sflag:s11] =	ssyncset.done $0x0  }
0x24: {  	s24 =	simm.s32 $0x8080;
	[sflag:s11] =	ssyncadd.s32 $0xFFFFC000  }
0x25: {  	s15 =	simm.s32 $0xC080;
	v4 =	vld [tilespmem:s24+$0xFFFFFF80]  }
0x26: {  	v5 =	vld [tilespmem:s15+$0xFFFFFF80];
	_ =	sdelay $0x4  }
0x27: {  	v4 =	vadd.f32 v5, v4;
	_ =	sdelay $0x1  }
0x28: {  	[tilespmem:s24+$0xFFFFFF80] =	vst v4;
	v4 =	vld [tilespmem:s24+$0xFFFFFF90]  }
0x29: {  	v5 =	vld [tilespmem:s15+$0xFFFFFF90];
	_ =	sdelay $0x4  }
0x2a: {  	v4 =	vadd.f32 v5, v4;
	_ =	sdelay $0x1  }
0x2b: {  	[tilespmem:s24+$0xFFFFFF90] =	vst v4;
	v4 =	vld [tilespmem:s24+$0xFFFFFFA0]  }
0x2c: {  	v5 =	vld [tilespmem:s15+$0xFFFFFFA0];
	_ =	sdelay $0x4  }
0x2d: {  	v4 =	vadd.f32 v5, v4;
	_ =	sdelay $0x1  }
0x2e: {  	[tilespmem:s24+$0xFFFFFFA0] =	vst v4;
	v4 =	vld [tilespmem:s24+$0xFFFFFFB0]  }
0x2f: {  	v5 =	vld [tilespmem:s15+$0xFFFFFFB0];
	_ =	sdelay $0x4  }
0x30: {  	v4 =	vadd.f32 v5, v4;
	_ =	sdelay $0x1  }
0x31: {  	[tilespmem:s24+$0xFFFFFFB0] =	vst v4;
	v4 =	vld [tilespmem:s24+$0xFFFFFFC0]  }
0x32: {  	v5 =	vld [tilespmem:s15+$0xFFFFFFC0];
	_ =	sdelay $0x4  }
0x33: {  	v4 =	vadd.f32 v5, v4;
	_ =	sdelay $0x1  }
0x34: {  	[tilespmem:s24+$0xFFFFFFC0] =	vst v4;
	v4 =	vld [tilespmem:s24+$0xFFFFFFD0]  }
0x35: {  	v5 =	vld [tilespmem:s15+$0xFFFFFFD0];
	_ =	sdelay $0x4  }
0x36: {  	v4 =	vadd.f32 v5, v4;
	_ =	sdelay $0x1  }
0x37: {  	[tilespmem:s24+$0xFFFFFFD0] =	vst v4;
	v4 =	vld [tilespmem:s24+$0xFFFFFFE0]  }
0x38: {  	v5 =	vld [tilespmem:s15+$0xFFFFFFE0];
	_ =	sdelay $0x4  }
0x39: {  	v4 =	vadd.f32 v5, v4;
	_ =	sdelay $0x1  }
0x3a: {  	[tilespmem:s24+$0xFFFFFFE0] =	vst v4;
	v4 =	vld [tilespmem:s24+$0xFFFFFFF0]  }
0x3b: {  	v5 =	vld [tilespmem:s15+$0xFFFFFFF0];
	_ =	sdelay $0x4  }
0x3c: {  	v4 =	vadd.f32 v5, v4;
	_ =	sdelay $0x1  }
0x3d: {  	[tilespmem:s24+$0xFFFFFFF0] =	vst v4;
	v4 =	vld [tilespmem:s24+$0x0]  }
0x3e: {  	v5 =	vld [tilespmem:s15+$0x0];
	_ =	sdelay $0x4  }
0x3f: {  	v4 =	vadd.f32 v5, v4;
	_ =	sdelay $0x1  }
0x40: {  	[tilespmem:s24+$0x0] =	vst v4;
	v4 =	vld [tilespmem:s24+$0x10]  }
0x41: {  	v5 =	vld [tilespmem:s15+$0x10];
	_ =	sdelay $0x4  }
0x42: {  	v4 =	vadd.f32 v5, v4;
	_ =	sdelay $0x1  }
0x43: {  	[tilespmem:s24+$0x10] =	vst v4;
	v4 =	vld [tilespmem:s24+$0x20]  }
0x44: {  	v5 =	vld [tilespmem:s15+$0x20];
	_ =	sdelay $0x4  }
0x45: {  	v4 =	vadd.f32 v5, v4;
	_ =	sdelay $0x1  }
0x46: {  	[tilespmem:s24+$0x20] =	vst v4;
	v4 =	vld [tilespmem:s24+$0x30]  }
0x47: {  	v5 =	vld [tilespmem:s15+$0x30];
	_ =	sdelay $0x4  }
0x48: {  	v4 =	vadd.f32 v5, v4;
	_ =	sdelay $0x1  }
0x49: {  	[tilespmem:s24+$0x30] =	vst v4;
	v4 =	vld [tilespmem:s24+$0x40]  }
0x4a: {  	v5 =	vld [tilespmem:s15+$0x40];
	_ =	sdelay $0x4  }
0x4b: {  	v4 =	vadd.f32 v5, v4;
	_ =	sdelay $0x1  }
0x4c: {  	[tilespmem:s24+$0x40] =	vst v4;
	v4 =	vld [tilespmem:s24+$0x50]  }
0x4d: {  	v5 =	vld [tilespmem:s15+$0x50];
	_ =	sdelay $0x4  }
0x4e: {  	v4 =	vadd.f32 v5, v4;
	_ =	sdelay $0x1  }
0x4f: {  	[tilespmem:s24+$0x50] =	vst v4;
	v4 =	vld [tilespmem:s24+$0x60]  }
0x50: {  	v5 =	vld [tilespmem:s15+$0x60];
	_ =	sdelay $0x4  }
0x51: {  	v4 =	vadd.f32 v5, v4;
	_ =	sdelay $0x1  }
0x52: {  	[tilespmem:s24+$0x60] =	vst v4;
	v4 =	vld [tilespmem:s24+$0x70]  }
0x53: {  	v5 =	vld [tilespmem:s15+$0x70];
	_ =	sdelay $0x4  }
0x54: {  	v4 =	vadd.f32 v5, v4  }
0x55: {  	s25 =	simm.s32 $0x0;
	s26 =	simm.s32 $0x8180  }
.LBB2_2:
0x56: {  	v5 =	vld [tilespmem:s26+$0xFFFFFF80];
	[tilespmem:s24+$0x70] =	vst v4;
	s15 =	sadd.s32 $0x100, s15;
	s1 =	simm.s32 $0xB8F0;
	s2 =	simm.s32 $0xF8F0  }
0x57: {  	s25 =	sadd.s32 $0x2, s25;
	s24 =	smov.u32 s26;
	v4 =	vld [tilespmem:s15+$0xFFFFFF80]  }
0x58: {  	p0 =	slt.u32 s25, $0x6E;
	_ =	sdelay $0x3  }
0x59: {  	v4 =	vadd.f32 v4, v5;
	_ =	sdelay $0x1  }
0x5a: {  	[tilespmem:s26+$0xFFFFFF80] =	vst v4;
	v4 =	vld [tilespmem:s26+$0xFFFFFF90]  }
0x5b: {  	v5 =	vld [tilespmem:s15+$0xFFFFFF90];
	_ =	sdelay $0x4  }
0x5c: {  	v4 =	vadd.f32 v5, v4;
	_ =	sdelay $0x1  }
0x5d: {  	[tilespmem:s26+$0xFFFFFF90] =	vst v4;
	v4 =	vld [tilespmem:s26+$0xFFFFFFA0]  }
0x5e: {  	v5 =	vld [tilespmem:s15+$0xFFFFFFA0];
	_ =	sdelay $0x4  }
0x5f: {  	v4 =	vadd.f32 v5, v4;
	_ =	sdelay $0x1  }
0x60: {  	[tilespmem:s26+$0xFFFFFFA0] =	vst v4;
	v4 =	vld [tilespmem:s26+$0xFFFFFFB0]  }
0x61: {  	v5 =	vld [tilespmem:s15+$0xFFFFFFB0];
	_ =	sdelay $0x4  }
0x62: {  	v4 =	vadd.f32 v5, v4;
	_ =	sdelay $0x1  }
0x63: {  	[tilespmem:s26+$0xFFFFFFB0] =	vst v4;
	v4 =	vld [tilespmem:s26+$0xFFFFFFC0]  }
0x64: {  	v5 =	vld [tilespmem:s15+$0xFFFFFFC0];
	_ =	sdelay $0x4  }
0x65: {  	v4 =	vadd.f32 v5, v4;
	_ =	sdelay $0x1  }
0x66: {  	[tilespmem:s26+$0xFFFFFFC0] =	vst v4;
	v4 =	vld [tilespmem:s26+$0xFFFFFFD0]  }
0x67: {  	v5 =	vld [tilespmem:s15+$0xFFFFFFD0];
	_ =	sdelay $0x4  }
0x68: {  	v4 =	vadd.f32 v5, v4;
	_ =	sdelay $0x1  }
0x69: {  	[tilespmem:s26+$0xFFFFFFD0] =	vst v4;
	v4 =	vld [tilespmem:s26+$0xFFFFFFE0]  }
0x6a: {  	v5 =	vld [tilespmem:s15+$0xFFFFFFE0];
	_ =	sdelay $0x4  }
0x6b: {  	v4 =	vadd.f32 v5, v4;
	_ =	sdelay $0x1  }
0x6c: {  	[tilespmem:s26+$0xFFFFFFE0] =	vst v4;
	v4 =	vld [tilespmem:s26+$0xFFFFFFF0]  }
0x6d: {  	v5 =	vld [tilespmem:s15+$0xFFFFFFF0];
	_ =	sdelay $0x4  }
0x6e: {  	v4 =	vadd.f32 v5, v4;
	_ =	sdelay $0x1  }
0x6f: {  	[tilespmem:s26+$0xFFFFFFF0] =	vst v4;
	v4 =	vld [tilespmem:s26+$0x0]  }
0x70: {  	v5 =	vld [tilespmem:s15+$0x0];
	_ =	sdelay $0x4  }
0x71: {  	v4 =	vadd.f32 v5, v4;
	_ =	sdelay $0x1  }
0x72: {  	[tilespmem:s26+$0x0] =	vst v4;
	v4 =	vld [tilespmem:s26+$0x10]  }
0x73: {  	v5 =	vld [tilespmem:s15+$0x10];
	_ =	sdelay $0x4  }
0x74: {  	v4 =	vadd.f32 v5, v4;
	_ =	sdelay $0x1  }
0x75: {  	[tilespmem:s26+$0x10] =	vst v4;
	v4 =	vld [tilespmem:s26+$0x20]  }
0x76: {  	v5 =	vld [tilespmem:s15+$0x20];
	_ =	sdelay $0x4  }
0x77: {  	v4 =	vadd.f32 v5, v4;
	_ =	sdelay $0x1  }
0x78: {  	[tilespmem:s26+$0x20] =	vst v4;
	v4 =	vld [tilespmem:s26+$0x30]  }
0x79: {  	v5 =	vld [tilespmem:s15+$0x30];
	_ =	sdelay $0x4  }
0x7a: {  	v4 =	vadd.f32 v5, v4;
	_ =	sdelay $0x1  }
0x7b: {  	[tilespmem:s26+$0x30] =	vst v4;
	v4 =	vld [tilespmem:s26+$0x40]  }
0x7c: {  	v5 =	vld [tilespmem:s15+$0x40];
	_ =	sdelay $0x4  }
0x7d: {  	v4 =	vadd.f32 v5, v4;
	_ =	sdelay $0x1  }
0x7e: {  	[tilespmem:s26+$0x40] =	vst v4;
	v4 =	vld [tilespmem:s26+$0x50]  }
0x7f: {  	v5 =	vld [tilespmem:s15+$0x50];
	_ =	sdelay $0x4  }
0x80: {  	v4 =	vadd.f32 v5, v4;
	_ =	sdelay $0x1  }
0x81: {  	[tilespmem:s26+$0x50] =	vst v4;
	v4 =	vld [tilespmem:s26+$0x60]  }
0x82: {  	v5 =	vld [tilespmem:s15+$0x60];
	_ =	sdelay $0x4  }
0x83: {  	v4 =	vadd.f32 v5, v4;
	_ =	sdelay $0x1  }
0x84: {  	[tilespmem:s26+$0x60] =	vst v4;
	v4 =	vld [tilespmem:s26+$0x70]  }
0x85: {  	v5 =	vld [tilespmem:s15+$0x70];
	_ =	sdelay $0x1  }
.Ltmp2:
0x86: {  	(pc) =	sbr.rel @p0 .LBB2_2-.Ltmp2, $3  }
0x87: {  	_ =	sdelay $0x1  }
0x88: {  	v4 =	vadd.f32 v5, v4  }
0x89: {  	s26 =	sadd.s32 $0x100, s26  }
0x8a: {  	[tilespmem:s24+$0x70] =	vst v4  }
0x8b: {  	v4 =	vld [tilespmem:s1+$0xFFFFFF10]  }
0x8c: {  	v5 =	vld [tilespmem:s2+$0xFFFFFF10];
	_ =	sdelay $0x4  }
0x8d: {  	v4 =	vadd.f32 v5, v4;
	_ =	sdelay $0x1  }
0x8e: {  	[tilespmem:s1+$0xFFFFFF10] =	vst v4;
	v4 =	vld [tilespmem:s1+$0xFFFFFF20]  }
0x8f: {  	v5 =	vld [tilespmem:s2+$0xFFFFFF20];
	_ =	sdelay $0x4  }
0x90: {  	v4 =	vadd.f32 v5, v4;
	_ =	sdelay $0x1  }
0x91: {  	[tilespmem:s1+$0xFFFFFF20] =	vst v4;
	v4 =	vld [tilespmem:s1+$0xFFFFFF30]  }
0x92: {  	v5 =	vld [tilespmem:s2+$0xFFFFFF30];
	_ =	sdelay $0x4  }
0x93: {  	v4 =	vadd.f32 v5, v4;
	_ =	sdelay $0x1  }
0x94: {  	[tilespmem:s1+$0xFFFFFF30] =	vst v4;
	v4 =	vld [tilespmem:s1+$0xFFFFFF40]  }
0x95: {  	v5 =	vld [tilespmem:s2+$0xFFFFFF40];
	_ =	sdelay $0x4  }
0x96: {  	v4 =	vadd.f32 v5, v4;
	_ =	sdelay $0x1  }
0x97: {  	[tilespmem:s1+$0xFFFFFF40] =	vst v4;
	v4 =	vld [tilespmem:s1+$0xFFFFFF50]  }
0x98: {  	v5 =	vld [tilespmem:s2+$0xFFFFFF50];
	_ =	sdelay $0x4  }
0x99: {  	v4 =	vadd.f32 v5, v4;
	_ =	sdelay $0x1  }
0x9a: {  	[tilespmem:s1+$0xFFFFFF50] =	vst v4;
	v4 =	vld [tilespmem:s1+$0xFFFFFF60]  }
0x9b: {  	v5 =	vld [tilespmem:s2+$0xFFFFFF60];
	_ =	sdelay $0x4  }
0x9c: {  	v4 =	vadd.f32 v5, v4;
	_ =	sdelay $0x1  }
0x9d: {  	[tilespmem:s1+$0xFFFFFF60] =	vst v4;
	v4 =	vld [tilespmem:s1+$0xFFFFFF70]  }
0x9e: {  	v5 =	vld [tilespmem:s2+$0xFFFFFF70];
	_ =	sdelay $0x4  }
0x9f: {  	v4 =	vadd.f32 v5, v4;
	_ =	sdelay $0x1  }
0xa0: {  	[tilespmem:s1+$0xFFFFFF70] =	vst v4;
	v4 =	vld [tilespmem:s1+$0xFFFFFF80]  }
0xa1: {  	v5 =	vld [tilespmem:s2+$0xFFFFFF80];
	_ =	sdelay $0x4  }
0xa2: {  	v4 =	vadd.f32 v5, v4;
	_ =	sdelay $0x1  }
0xa3: {  	[tilespmem:s1+$0xFFFFFF80] =	vst v4;
	v4 =	vld [tilespmem:s1+$0xFFFFFF90]  }
0xa4: {  	v5 =	vld [tilespmem:s2+$0xFFFFFF90];
	_ =	sdelay $0x4  }
0xa5: {  	v4 =	vadd.f32 v5, v4;
	_ =	sdelay $0x1  }
0xa6: {  	[tilespmem:s1+$0xFFFFFF90] =	vst v4;
	v4 =	vld [tilespmem:s1+$0xFFFFFFA0]  }
0xa7: {  	v5 =	vld [tilespmem:s2+$0xFFFFFFA0];
	_ =	sdelay $0x4  }
0xa8: {  	v4 =	vadd.f32 v5, v4;
	_ =	sdelay $0x1  }
0xa9: {  	[tilespmem:s1+$0xFFFFFFA0] =	vst v4;
	v4 =	vld [tilespmem:s1+$0xFFFFFFB0]  }
0xaa: {  	v5 =	vld [tilespmem:s2+$0xFFFFFFB0];
	_ =	sdelay $0x4  }
0xab: {  	v4 =	vadd.f32 v5, v4;
	_ =	sdelay $0x1  }
0xac: {  	[tilespmem:s1+$0xFFFFFFB0] =	vst v4;
	v4 =	vld [tilespmem:s1+$0xFFFFFFC0]  }
0xad: {  	v5 =	vld [tilespmem:s2+$0xFFFFFFC0];
	_ =	sdelay $0x4  }
0xae: {  	v4 =	vadd.f32 v5, v4;
	_ =	sdelay $0x1  }
0xaf: {  	[tilespmem:s1+$0xFFFFFFC0] =	vst v4;
	v4 =	vld [tilespmem:s1+$0xFFFFFFD0]  }
0xb0: {  	v5 =	vld [tilespmem:s2+$0xFFFFFFD0];
	_ =	sdelay $0x4  }
0xb1: {  	v4 =	vadd.f32 v5, v4;
	_ =	sdelay $0x1  }
0xb2: {  	[tilespmem:s1+$0xFFFFFFD0] =	vst v4;
	v4 =	vld [tilespmem:s1+$0xFFFFFFE0]  }
0xb3: {  	v5 =	vld [tilespmem:s2+$0xFFFFFFE0];
	_ =	sdelay $0x4  }
0xb4: {  	v4 =	vadd.f32 v5, v4;
	_ =	sdelay $0x1  }
0xb5: {  	[tilespmem:s1+$0xFFFFFFE0] =	vst v4;
	v4 =	vld [tilespmem:s1+$0xFFFFFFF0]  }
0xb6: {  	v5 =	vld [tilespmem:s2+$0xFFFFFFF0];
	_ =	sdelay $0x4  }
0xb7: {  	v4 =	vadd.f32 v5, v4;
	_ =	sdelay $0x1  }
0xb8: {  	[tilespmem:s1+$0xFFFFFFF0] =	vst v4;
	v4 =	vld [tilespmem:s1+$0x0]  }
0xb9: {  	v5 =	vld [tilespmem:s2+$0x0];
	_ =	sdelay $0x4  }
0xba: {  	v4 =	vadd.f32 v5, v4  }
0xbb: {  	s15 =	simm.s32 $0x0;
	s24 =	simm.s32 $0xB9F0  }
.LBB2_4:
0xbc: {  	v5 =	vld [tilespmem:s24+$0xFFFFFF10];
	[tilespmem:s1+$0x0] =	vst v4;
	s2 =	sadd.s32 $0x100, s2;
	s1 =	smov.u32 s24  }
0xbd: {  	s15 =	sadd.s32 $0x2, s15;
	v4 =	vld [tilespmem:s2+$0xFFFFFF10]  }
0xbe: {  	p0 =	slt.u32 s15, $0xE;
	_ =	sdelay $0x3  }
0xbf: {  	v4 =	vadd.f32 v4, v5;
	_ =	sdelay $0x1  }
0xc0: {  	[tilespmem:s24+$0xFFFFFF10] =	vst v4;
	v4 =	vld [tilespmem:s24+$0xFFFFFF20]  }
0xc1: {  	v5 =	vld [tilespmem:s2+$0xFFFFFF20];
	_ =	sdelay $0x4  }
0xc2: {  	v4 =	vadd.f32 v5, v4;
	_ =	sdelay $0x1  }
0xc3: {  	[tilespmem:s24+$0xFFFFFF20] =	vst v4;
	v4 =	vld [tilespmem:s24+$0xFFFFFF30]  }
0xc4: {  	v5 =	vld [tilespmem:s2+$0xFFFFFF30];
	_ =	sdelay $0x4  }
0xc5: {  	v4 =	vadd.f32 v5, v4;
	_ =	sdelay $0x1  }
0xc6: {  	[tilespmem:s24+$0xFFFFFF30] =	vst v4;
	v4 =	vld [tilespmem:s24+$0xFFFFFF40]  }
0xc7: {  	v5 =	vld [tilespmem:s2+$0xFFFFFF40];
	_ =	sdelay $0x4  }
0xc8: {  	v4 =	vadd.f32 v5, v4;
	_ =	sdelay $0x1  }
0xc9: {  	[tilespmem:s24+$0xFFFFFF40] =	vst v4;
	v4 =	vld [tilespmem:s24+$0xFFFFFF50]  }
0xca: {  	v5 =	vld [tilespmem:s2+$0xFFFFFF50];
	_ =	sdelay $0x4  }
0xcb: {  	v4 =	vadd.f32 v5, v4;
	_ =	sdelay $0x1  }
0xcc: {  	[tilespmem:s24+$0xFFFFFF50] =	vst v4;
	v4 =	vld [tilespmem:s24+$0xFFFFFF60]  }
0xcd: {  	v5 =	vld [tilespmem:s2+$0xFFFFFF60];
	_ =	sdelay $0x4  }
0xce: {  	v4 =	vadd.f32 v5, v4;
	_ =	sdelay $0x1  }
0xcf: {  	[tilespmem:s24+$0xFFFFFF60] =	vst v4;
	v4 =	vld [tilespmem:s24+$0xFFFFFF70]  }
0xd0: {  	v5 =	vld [tilespmem:s2+$0xFFFFFF70];
	_ =	sdelay $0x4  }
0xd1: {  	v4 =	vadd.f32 v5, v4;
	_ =	sdelay $0x1  }
0xd2: {  	[tilespmem:s24+$0xFFFFFF70] =	vst v4;
	v4 =	vld [tilespmem:s24+$0xFFFFFF80]  }
0xd3: {  	v5 =	vld [tilespmem:s2+$0xFFFFFF80];
	_ =	sdelay $0x4  }
0xd4: {  	v4 =	vadd.f32 v5, v4;
	_ =	sdelay $0x1  }
0xd5: {  	[tilespmem:s24+$0xFFFFFF80] =	vst v4;
	v4 =	vld [tilespmem:s24+$0xFFFFFF90]  }
0xd6: {  	v5 =	vld [tilespmem:s2+$0xFFFFFF90];
	_ =	sdelay $0x4  }
0xd7: {  	v4 =	vadd.f32 v5, v4;
	_ =	sdelay $0x1  }
0xd8: {  	[tilespmem:s24+$0xFFFFFF90] =	vst v4;
	v4 =	vld [tilespmem:s24+$0xFFFFFFA0]  }
0xd9: {  	v5 =	vld [tilespmem:s2+$0xFFFFFFA0];
	_ =	sdelay $0x4  }
0xda: {  	v4 =	vadd.f32 v5, v4;
	_ =	sdelay $0x1  }
0xdb: {  	[tilespmem:s24+$0xFFFFFFA0] =	vst v4;
	v4 =	vld [tilespmem:s24+$0xFFFFFFB0]  }
0xdc: {  	v5 =	vld [tilespmem:s2+$0xFFFFFFB0];
	_ =	sdelay $0x4  }
0xdd: {  	v4 =	vadd.f32 v5, v4;
	_ =	sdelay $0x1  }
0xde: {  	[tilespmem:s24+$0xFFFFFFB0] =	vst v4;
	v4 =	vld [tilespmem:s24+$0xFFFFFFC0]  }
0xdf: {  	v5 =	vld [tilespmem:s2+$0xFFFFFFC0];
	_ =	sdelay $0x4  }
0xe0: {  	v4 =	vadd.f32 v5, v4;
	_ =	sdelay $0x1  }
0xe1: {  	[tilespmem:s24+$0xFFFFFFC0] =	vst v4;
	v4 =	vld [tilespmem:s24+$0xFFFFFFD0]  }
0xe2: {  	v5 =	vld [tilespmem:s2+$0xFFFFFFD0];
	_ =	sdelay $0x4  }
0xe3: {  	v4 =	vadd.f32 v5, v4;
	_ =	sdelay $0x1  }
0xe4: {  	[tilespmem:s24+$0xFFFFFFD0] =	vst v4;
	v4 =	vld [tilespmem:s24+$0xFFFFFFE0]  }
0xe5: {  	v5 =	vld [tilespmem:s2+$0xFFFFFFE0];
	_ =	sdelay $0x4  }
0xe6: {  	v4 =	vadd.f32 v5, v4;
	_ =	sdelay $0x1  }
0xe7: {  	[tilespmem:s24+$0xFFFFFFE0] =	vst v4;
	v4 =	vld [tilespmem:s24+$0xFFFFFFF0]  }
0xe8: {  	v5 =	vld [tilespmem:s2+$0xFFFFFFF0];
	_ =	sdelay $0x4  }
0xe9: {  	v4 =	vadd.f32 v5, v4;
	_ =	sdelay $0x1  }
0xea: {  	[tilespmem:s24+$0xFFFFFFF0] =	vst v4;
	v4 =	vld [tilespmem:s24+$0x0]  }
0xeb: {  	v5 =	vld [tilespmem:s2+$0x0];
	_ =	sdelay $0x1  }
.Ltmp3:
0xec: {  	(pc) =	sbr.rel @p0 .LBB2_4-.Ltmp3, $3  }
0xed: {  	_ =	sdelay $0x1  }
0xee: {  	v4 =	vadd.f32 v5, v4  }
0xef: {  	s24 =	sadd.s32 $0x100, s24  }
0xf0: {  	[tilespmem:s1+$0x0] =	vst v4;
	s24 =	simm.s32 $0x0  }
0xf1: {  	[tilespmem:s24], [sflag:$0x5] =	stream.linear.gather [hbm4b:s7+s24], $0x8000, $0x38;
	[tilespmem:$0x1B080] =	vst v63  }
0xf2: {  	_ =	swait.ge [sflag:s11], $0x8000  }
0xf3: {  	[sflag:s11] =	ssyncset.done $0x0  }
0xf4: {  	[sflag:s11] =	ssyncadd.s32 $0xFFFF8000  }
0xf5: {  	[tilespmem:s13], [sflag:$0x1] =	stream.indirect.gather [hbm4b:s0+s12], $0x80, s24, s12, $0xb8;
	[tilespmem:$0x1B080] =	vst v63  }
.Ltmp4:
0xf6: {  	_ = 	snop;
	(pc) =	sbr.rel .LBB2_6-.Ltmp4, $4  }
0xf7: {  	_ = 	snop  }
0xf8: {  	[tilespmem:s17], [sflag:$0x2] =	stream.indirect.gather [hbm4b:s0+s12], $0x80, s20, s12, $0xb8;
	[tilespmem:$0x1B080] =	vst v63  }
0xf9: {  	s25 =	simm.s32 $0x0  }
0xfa: {  	[tilespmem:s22], [sflag:$0x3] =	stream.indirect.gather [hbm4b:s0+s12], $0x80, s21, s12, $0xb8;
	[tilespmem:$0x1B080] =	vst v63  }
.LBB2_21:
0xfb: {  	s1 =	sand.u32 $0x1F, s25  }
0xfc: {  	p0 =	sne.s32 s1, $0x1F  }
0xfd: {  	s1 =	sshll.u32 @!p0 s26, $0x8  }
0xfe: {  	s25 =	sadd.s32 $0x1, s25;
	s1 =	sadd.s32 @!p0 s1, s8  }
0xff: {  	p1 =	sne.s32 s25, $0x100;
	s1 =	sshrl.u32 @!p0 s1, $0x3  }
0x100: {  	s2 =	simm.s32 @!p0 $0x0;
	s15 =	simm.s32 @!p0 $0x1A000;
	s1 =	sadd.s32 @!p0 s4, s1  }
0x101: {  	[hbm4b:s1+s2] =	stream.linear.scatter @!p0 [tilespmem:s15], [sflag:$0x5], $0x1000, $0x38;
	[tilespmem:$0x1B080] =	vst v63  }
.Ltmp5:
0x102: {  	_ = 	snop;
	(pc) =	sbr.rel @!p1 .LBB2_22-.Ltmp5, $4  }
0x103: {  	s1 =	simm.s32 @!p0 $0x5  }
0x104: {  	_ =	swait.ge @!p0 [sflag:s1], $0x1000  }
0x105: {  	[sflag:s1] =	ssyncset.done @!p0 $0x0  }
0x106: {  	s24 =	sadd.s32 $0x1, s24;
	[sflag:s1] =	ssyncadd.s32 @!p0 $0xFFFFF000  }
.LBB2_6:
0x107: {  	s1 =	sadd.s32 $0x3, s25  }
0x108: {  	p0 =	sgt.u32 s25, $0xFC;
	s2 =	sand.u32 $0x3, s1  }
0x109: {  	p1 =	sne.s32 @!p0 s2, $0x0  }
0x10a: {  	p1 =	por p0, p1  }
.Ltmp6:
0x10b: {  	_ = 	snop;
	(pc) =	sbr.rel @p1 .LBB2_8-.Ltmp6, $1  }
0x10c: {  	_ =	sdelay $0x3  }
.Ltmp7:
0x10d: {  	(pc) =	sbr.rel .LBB2_13-.Ltmp7, $4  }
0x10e: {  	_ = 	snop  }
0x10f: {  	s1 =	sshll.u32 s1, $0x7  }
0x110: {  	s1 =	sand.u32 $0x3FFFFF80, s1  }
0x111: {  	[tilespmem:s13], [sflag:$0x1] =	stream.indirect.gather [hbm4b:s0+s12], $0x80, s1, s12, $0xb8;
	[tilespmem:$0x1B080] =	vst v63  }
.LBB2_8:
0x112: {  	p1 =	sne.s32 @!p0 s2, $0x1  }
0x113: {  	p1 =	por p0, p1  }
.Ltmp8:
0x114: {  	_ = 	snop;
	(pc) =	sbr.rel @p1 .LBB2_10-.Ltmp8, $1  }
0x115: {  	_ =	sdelay $0x3  }
.Ltmp9:
0x116: {  	(pc) =	sbr.rel .LBB2_13-.Ltmp9, $4  }
0x117: {  	_ = 	snop  }
0x118: {  	s1 =	sshll.u32 s1, $0x7  }
0x119: {  	s1 =	sand.u32 $0x3FFFFF80, s1  }
0x11a: {  	[tilespmem:s17], [sflag:$0x2] =	stream.indirect.gather [hbm4b:s0+s12], $0x80, s1, s12, $0xb8;
	[tilespmem:$0x1B080] =	vst v63  }
.LBB2_10:
0x11b: {  	p1 =	sne.s32 @!p0 s2, $0x2  }
0x11c: {  	p1 =	por p0, p1  }
.Ltmp10:
0x11d: {  	_ = 	snop;
	(pc) =	sbr.rel @p1 .LBB2_12-.Ltmp10, $1  }
0x11e: {  	_ =	sdelay $0x3  }
.Ltmp11:
0x11f: {  	(pc) =	sbr.rel .LBB2_13-.Ltmp11, $4  }
0x120: {  	_ = 	snop  }
0x121: {  	s1 =	sshll.u32 s1, $0x7  }
0x122: {  	s1 =	sand.u32 $0x3FFFFF80, s1  }
0x123: {  	[tilespmem:s22], [sflag:$0x3] =	stream.indirect.gather [hbm4b:s0+s12], $0x80, s1, s12, $0xb8;
	[tilespmem:$0x1B080] =	vst v63  }
.LBB2_12:
0x124: {  	p1 =	sne.s32 @!p0 s2, $0x3  }
0x125: {  	p0 =	por p1, p0  }
0x126: {  	s1 =	sshll.u32 @!p0 s1, $0x7  }
0x127: {  	s2 =	simm.s32 @!p0 $0x70;
	s15 =	simm.s32 @!p0 $0x16800;
	s1 =	sand.u32 @!p0 $0x3FFFFF80, s1  }
0x128: {  	[tilespmem:s15], [sflag:$0x4] =	stream.indirect.gather @!p0 [hbm4b:s0+s2], $0x80, s1, s2, $0xb8;
	[tilespmem:$0x1B080] =	vst v63  }
.LBB2_13:
0x129: {  	s1 =	sand.u32 $0x3, s25  }
0x12a: {  	p0 =	sgt.s32 s1, $0x1  }
0x12b: {  	p1 =	seq.s32 @p0 s1, $0x2  }
0x12c: {  	p1 =	por !p1, !p0  }
0x12d: {  	s26 =	simm.s32 @!p1 $0x3  }
0x12e: {  	s2 =	sand.u32 $0x3, s24;
	s26 =	simm.s32 @p1 $0x4;
	p1 =	seq.s32 @!p0 s1, $0x0  }
0x12f: {  	s28 =	smul.u32 $0xE000, s2;
	s2 =	simm.s32 $0x1;
	p1 =	por !p1, p0  }
0x130: {  	s2 =	simm.s32 @p1 $0x2  }
0x131: {  	s2 =	smov.u32 @p0 s26  }
0x132: {  	_ =	swait.ge [sflag:s2], $0x3800  }
0x133: {  	s26 =	sshrl.u32 s25, $0x1;
	[sflag:s2] =	ssyncset.done $0x0  }
0x134: {  	s29 =	sshll.u32 s26, $0x7;
	[sflag:s2] =	ssyncadd.s32 $0xFFFFC800  }
0x135: {  	v10 =	vld [tilespmem:s29+$0x8000]  }
0x136: {  	s31 =	sand.u32 $0x1, s25;
	v11 =	vld [tilespmem:s29+$0x8010]  }
0x137: {  	p0 =	seq.s32 s31, $0x1;
	v9 =	vld [tilespmem:s29+$0x8020]  }
.Ltmp12:
0x138: {  	s15 =	sshll.u32 s25, $0x9;
	s16 =	sshll.u32 s25, $0x8;
	v7 =	vld [tilespmem:s29+$0x8040];
	(pc) =	sbr.rel @p0 .LBB2_17-.Ltmp12, $4  }
0x139: {  	s15 =	sand.u32 $0x2000, s15;
	s1 =	sand.u32 $0xE00, s16;
	v8 =	vld [tilespmem:s29+$0x8030]  }
0x13a: {  	s1 =	sor.u32 s1, s15;
	v6 =	vld [tilespmem:s29+$0x8050]  }
0x13b: {  	s15 =	sshrl.u32 s28, $0x2;
	s16 =	sshrl.u32 s1, $0x2;
	v5 =	vld [tilespmem:s29+$0x8060]  }
0x13c: {  	s1 =	sadd.s32 $0xC400, s15;
	s30 =	sor.u32 $0x1A000, s16;
	s2 =	simm.s32 $0x0;
	v4 =	vld [tilespmem:s29+$0x8070]  }
0x13d: {  	v12 =	vld [tilespmem:s1+$0x3F0]  }
0x13e: {  	v13 =	vld [tilespmem:s1+$0x370]  }
0x13f: {  	v14 =	vld [tilespmem:s1+$0x3E0]  }
0x140: {  	v15 =	vld [tilespmem:s1+$0x2F0]  }
0x141: {  	v16 =	vld [tilespmem:s1+$0x360]  }
0x142: {  	v17 =	vld [tilespmem:s1+$0x3D0]  }
0x143: {  	v18 =	vld [tilespmem:s1+$0x270]  }
0x144: {  	v19 =	vld [tilespmem:s1+$0x2E0]  }
0x145: {  	v20 =	vld [tilespmem:s1+$0x350]  }
0x146: {  	v21 =	vld [tilespmem:s1+$0x3C0]  }
0x147: {  	v22 =	vld [tilespmem:s1+$0x1F0]  }
0x148: {  	v23 =	vld [tilespmem:s1+$0x260]  }
0x149: {  	v24 =	vld [tilespmem:s1+$0x2D0]  }
0x14a: {  	v25 =	vld [tilespmem:s1+$0x340]  }
0x14b: {  	v26 =	vld [tilespmem:s1+$0x3B0]  }
0x14c: {  	v27 =	vld [tilespmem:s1+$0x170]  }
0x14d: {  	v28 =	vld [tilespmem:s1+$0x1E0]  }
0x14e: {  	v29 =	vld [tilespmem:s1+$0x250]  }
0x14f: {  	v30 =	vld [tilespmem:s1+$0x2C0]  }
0x150: {  	v31 =	vld [tilespmem:s1+$0x330]  }
0x151: {  	v32 =	vld [tilespmem:s1+$0x3A0]  }
0x152: {  	v33 =	vld [tilespmem:s1+$0xF0]  }
0x153: {  	v34 =	vld [tilespmem:s1+$0x160]  }
0x154: {  	v35 =	vld [tilespmem:s1+$0x1D0]  }
0x155: {  	v36 =	vld [tilespmem:s1+$0x240]  }
0x156: {  	v37 =	vld [tilespmem:s1+$0x2B0]  }
0x157: {  	v39 =	vld [tilespmem:s1+$0x380]  }
0x158: {  	v40 =	vld [tilespmem:s1+$0x390]  }
0x159: {  	v38 =	vld [tilespmem:s1+$0x320]  }
0x15a: {  	v41 =	vld [tilespmem:s1+$0x70]  }
0x15b: {  	v42 =	vld [tilespmem:s1+$0xE0];
	v12 =	vmul.f32 v12, v4;
	v13 =	vmul.f32 v13, v4  }
0x15c: {  	v43 =	vld [tilespmem:s1+$0x150];
	v14 =	vmul.f32 v14, v5;
	v39 =	vmul.f32 v39, v10  }
0x15d: {  	v47 =	vld [tilespmem:s1+$0x300];
	v40 =	vmul.f32 v40, v11;
	v15 =	vmul.f32 v15, v4  }
0x15e: {  	v48 =	vld [tilespmem:s1+$0x310];
	v16 =	vmul.f32 v16, v5;
	v32 =	vmul.f32 v32, v9  }
0x15f: {  	v44 =	vld [tilespmem:s1+$0x1C0];
	v17 =	vmul.f32 v17, v6;
	v49 =	vmul.f32 v18, v4  }
0x160: {  	v45 =	vld [tilespmem:s1+$0x230];
	v50 =	vmul.f32 v19, v5;
	v20 =	vmul.f32 v20, v6  }
0x161: {  	v51 =	vld [tilespmem:s1+$0x200];
	v26 =	vmul.f32 v26, v8;
	v21 =	vmul.f32 v21, v7  }
0x162: {  	v58 =	vld [tilespmem:s1+$0x220];
	v23 =	vmul.f32 v23, v5;
	v24 =	vmul.f32 v24, v6  }
0x163: {  	v46 =	vld [tilespmem:s1+$0x2A0];
	v47 =	vmul.f32 v47, v10;
	v48 =	vmul.f32 v48, v11  }
0x164: {  	v59 =	vld [tilespmem:s1+$0x1B0];
	v25 =	vmul.f32 v25, v7;
	v28 =	vmul.f32 v28, v5  }
0x165: {  	v63 =	vld [tilespmem:s1+$0x190];
	v38 =	vmul.f32 v38, v9;
	v29 =	vmul.f32 v29, v6  }
0x166: {  	v19 =	vld [tilespmem:s1+$0x280];
	v31 =	vmul.f32 v31, v8;
	v60 =	vmul.f32 v51, v10;
	v39 =	vadd.f32 v40, v39  }
0x167: {  	v61 =	vmul.f32 v58, v9;
	v53 =	vmul.f32 v36, v7;
	v36 =	vld [tilespmem:s1+$0x130]  }
0x168: {  	v30 =	vmul.f32 v30, v7;
	v18 =	vadd.f32 v32, v39;
	v32 =	vmul.f32 v22, v4;
	v22 =	vld [tilespmem:s1+$0x290]  }
0x169: {  	v52 =	vmul.f32 v45, v8;
	v34 =	vmul.f32 v34, v5;
	v45 =	vld [tilespmem:s1+$0x40]  }
0x16a: {  	v47 =	vadd.f32 v48, v47;
	v26 =	vadd.f32 v26, v18;
	v18 =	vmul.f32 v27, v4;
	v27 =	vld [tilespmem:s1+$0x210]  }
0x16b: {  	v35 =	vmul.f32 v35, v6;
	v54 =	vmul.f32 v63, v11;
	v63 =	vld [tilespmem:s1+$0x110]  }
0x16c: {  	v41 =	vmul.f32 v41, v4;
	v51 =	vld [tilespmem:s1+$0xFFFFFE20];
	v38 =	vadd.f32 v38, v47;
	v21 =	vadd.f32 v21, v26  }
0x16d: {  	v40 =	vld [tilespmem:s1+$0xFFFFFFF0];
	v19 =	vmul.f32 v19, v10;
	v22 =	vmul.f32 v22, v11  }
0x16e: {  	v43 =	vmul.f32 v43, v6;
	v39 =	vld [tilespmem:s1+$0x60];
	v31 =	vadd.f32 v31, v38;
	v17 =	vadd.f32 v17, v21  }
0x16f: {  	v38 =	vld [tilespmem:s1+$0xFFFFFFE0];
	v19 =	vadd.f32 v22, v19;
	v22 =	vmul.f32 v46, v9;
	v27 =	vmul.f32 v27, v11  }
0x170: {  	v36 =	vmul.f32 v36, v8;
	v26 =	vld [tilespmem:s1+$0xD0];
	v25 =	vadd.f32 v25, v31;
	v14 =	vadd.f32 v14, v17  }
0x171: {  	v31 =	vld [tilespmem:s1+$0x180];
	v19 =	vadd.f32 v22, v19;
	v22 =	vmul.f32 v37, v8;
	v27 =	vadd.f32 v27, v60  }
0x172: {  	v48 =	vld [tilespmem:s1+$0xFFFFFEE0];
	v45 =	vmul.f32 v45, v7;
	v20 =	vadd.f32 v20, v25;
	v12 =	vadd.f32 v12, v14  }
0x173: {  	v51 =	vmul.f32 v51, v9;
	v25 =	vld [tilespmem:s1+$0xC0];
	v22 =	vadd.f32 v22, v19;
	v27 =	vadd.f32 v61, v27  }
0x174: {  	v39 =	vmul.f32 v39, v5;
	v16 =	vadd.f32 v16, v20;
	v37 =	vld [tilespmem:s1+$0xFFFFFFD0];
	v62 =	vperm.xlane v12, v0  }
0x175: {  	v38 =	vmul.f32 v38, v5;
	v22 =	vadd.f32 v30, v22;
	v30 =	vld [tilespmem:s1+$0x1A0];
	v27 =	vadd.f32 v52, v27  }
0x176: {  	v21 =	vld [tilespmem:s1+$0x140];
	v31 =	vmul.f32 v31, v10;
	v26 =	vmul.f32 v26, v6;
	v12 =	vadd.f32 v12, v62  }
0x177: {  	v46 =	vld [tilespmem:s1+$0xFFFFFED0];
	v19 =	vmul.f32 v33, v4;
	v20 =	vadd.f32 v24, v22;
	v22 =	vadd.f32 v53, v27  }
0x178: {  	v13 =	vadd.f32 v13, v16;
	v25 =	vmul.f32 v25, v7;
	v27 =	vld [tilespmem:s1+$0xFFFFFF60];
	v16 =	vperm.xlane v12, v1  }
0x179: {  	v17 =	vld [tilespmem:s1+$0xFFFFFF70];
	v37 =	vmul.f32 v37, v6;
	v20 =	vadd.f32 v50, v20;
	v22 =	vadd.f32 v29, v22  }
0x17a: {  	v53 =	vld [tilespmem:s1+$0x90];
	v12 =	vadd.f32 v12, v16;
	v16 =	vadd.f32 v54, v31;
	v30 =	vmul.f32 v30, v9  }
0x17b: {  	v60 =	vld [tilespmem:s1+$0xA0];
	v29 =	vperm.xlane v13, v0;
	v50 =	vmul.f32 v63, v11;
	v15 =	vadd.f32 v15, v20  }
0x17c: {  	v14 =	vld [tilespmem:s1+$0x50];
	v20 =	vadd.f32 v23, v22;
	v22 =	vmul.f32 v59, v8;
	v16 =	vadd.f32 v30, v16  }
0x17d: {  	v31 =	vld [tilespmem:s1+$0xB0];
	v13 =	vadd.f32 v13, v29;
	v23 =	vperm.xlane v12, v2;
	v27 =	vmul.f32 v27, v5  }
0x17e: {  	v29 =	vld [tilespmem:s1+$0x120];
	v30 =	vperm.xlane v15, v0;
	v16 =	vadd.f32 v22, v16;
	v22 =	vmul.f32 v44, v7  }
0x17f: {  	v33 =	vld [tilespmem:s1+$0xFFFFFE70];
	v53 =	vmul.f32 v53, v11;
	v55 =	vadd.f32 v49, v20;
	v56 =	vperm.xlane v13, v1  }
0x180: {  	v61 =	vld [tilespmem:s1+$0x100];
	v49 =	vmul.f32 v60, v9;
	v15 =	vadd.f32 v15, v30;
	v16 =	vadd.f32 v22, v16  }
0x181: {  	v24 =	vld [tilespmem:s1+$0xFFFFFEF0];
	v30 =	vmul.f32 v42, v5;
	v57 =	vperm.xlane v55, v0;
	v13 =	vadd.f32 v13, v56  }
0x182: {  	v52 =	vld [tilespmem:s1+$0xFFFFFE60];
	v31 =	vmul.f32 v31, v8;
	v58 =	vperm.xlane v15, v1;
	v16 =	vadd.f32 v35, v16  }
0x183: {  	v20 =	vld [tilespmem:s1+$0xFFFFFF50];
	v22 =	vmul.f32 v40, v4;
	v29 =	vmul.f32 v29, v9;
	v42 =	vadd.f32 v55, v57  }
0x184: {  	v59 =	vperm.xlane v13, v2;
	v15 =	vadd.f32 v15, v58;
	v58 =	vld [tilespmem:s1+$0x80];
	v16 =	vadd.f32 v28, v16  }
0x185: {  	v12 =	vadd.f32 v12, v23;
	v23 =	vld [tilespmem:s1+$0x10];
	v35 =	vmul.f32 v61, v10;
	v62 =	vperm.xlane v42, v1  }
0x186: {  	v28 =	vperm.xlane v15, v2;
	v32 =	vadd.f32 v32, v16;
	v16 =	vmul.f32 v24, v4;
	v24 =	vld [tilespmem:s1+$0x0]  }
0x187: {  	v60 =	vld [tilespmem:s1+$0xFFFFFF90];
	v57 =	vmul.f32 v21, v7;
	v21 =	vmul.f32 v17, v4;
	v17 =	vadd.f32 v42, v62  }
0x188: {  	v35 =	vadd.f32 v50, v35;
	v42 =	vmul.f32 v14, v6;
	v14 =	vadd.f32 v15, v28;
	v28 =	vld [tilespmem:s1+$0x20]  }
0x189: {  	v44 =	vld [tilespmem:s1+$0xFFFFFFC0];
	v54 =	vperm.xlane v17, v2;
	v47 =	vmul.f32 v58, v10  }
0x18a: {  	v56 =	vld [tilespmem:s1+$0xFFFFFF20];
	v23 =	vmul.f32 v23, v11;
	v29 =	vadd.f32 v29, v35;
	v55 =	vperm.xlane v32, v0  }
0x18b: {  	v15 =	vadd.f32 v17, v54;
	v17 =	vld [tilespmem:s1+$0xFFFFFF80];
	v47 =	vadd.f32 v53, v47;
	v24 =	vmul.f32 v24, v10  }
0x18c: {  	v40 =	vld [tilespmem:s1+$0x30];
	v20 =	vmul.f32 v20, v6;
	v29 =	vadd.f32 v36, v29;
	v32 =	vadd.f32 v32, v55  }
0x18d: {  	v62 =	vld [tilespmem:s1+$0xFFFFFFA0];
	v23 =	vadd.f32 v23, v24;
	v24 =	vmul.f32 v28, v9;
	v28 =	vadd.f32 v49, v47  }
0x18e: {  	v61 =	vld [tilespmem:s1+$0xFFFFFFB0];
	v13 =	vadd.f32 v13, v59;
	v29 =	vadd.f32 v57, v29;
	v59 =	vperm.xlane v32, v1  }
0x18f: {  	v50 =	vld [tilespmem:s1+$0xFFFFFF40];
	v58 =	vmul.f32 v44, v7;
	v54 =	vmul.f32 v60, v11;
	v28 =	vadd.f32 v31, v28  }
0x190: {  	v55 =	vld [tilespmem:s1+$0xFFFFFF10];
	v29 =	vadd.f32 v43, v29;
	v32 =	vadd.f32 v32, v59;
	v63 =	vmul.f32 v17, v10  }
0x191: {  	v23 =	vadd.f32 v24, v23;
	v24 =	vmul.f32 v40, v8;
	v31 =	vld [tilespmem:s1+$0xFFFFFF00];
	v25 =	vadd.f32 v25, v28  }
0x192: {  	v36 =	vld [tilespmem:s1+$0xFFFFFDE0];
	v35 =	vmul.f32 v62, v9;
	v29 =	vadd.f32 v34, v29;
	v40 =	vadd.f32 v54, v63  }
0x193: {  	v44 =	vld [tilespmem:s1+$0xFFFFFE40];
	v57 =	vmul.f32 v61, v8;
	v23 =	vadd.f32 v24, v23;
	v25 =	vadd.f32 v26, v25  }
0x194: {  	v17 =	vmul.f32 v33, v4;
	v18 =	vadd.f32 v18, v29;
	v35 =	vadd.f32 v35, v40;
	v26 =	vld [tilespmem:s1+$0xFFFFFF30]  }
0x195: {  	v47 =	vperm.xlane v32, v2;
	v28 =	vld [tilespmem:s1+$0xFFFFFEC0];
	v23 =	vadd.f32 v45, v23;
	v25 =	vadd.f32 v30, v25  }
0x196: {  	v59 =	vadd.f32 v57, v35;
	v57 =	vld [tilespmem:s1+$0xFFFFFE90];
	v30 =	vmul.f32 v31, v10;
	v31 =	vmul.f32 v55, v11  }
0x197: {  	v24 =	vmul.f32 v48, v5;
	v23 =	vadd.f32 v42, v23;
	v42 =	vld [tilespmem:s1+$0xFFFFFDD0];
	v19 =	vadd.f32 v19, v25  }
0x198: {  	v49 =	vld [tilespmem:s1+$0xFFFFFE50];
	v25 =	vperm.xlane v18, v0;
	v30 =	vadd.f32 v31, v30;
	v31 =	vmul.f32 v56, v9  }
0x199: {  	v34 =	vld [tilespmem:s1+$0xFFFFFC40];
	v33 =	vadd.f32 v58, v59;
	v23 =	vadd.f32 v39, v23;
	v26 =	vmul.f32 v26, v8  }
0x19a: {  	v39 =	vld [tilespmem:s1+$0xFFFFFEB0];
	v60 =	vperm.xlane v19, v0;
	v18 =	vadd.f32 v18, v25;
	v30 =	vadd.f32 v31, v30  }
0x19b: {  	v29 =	vld [tilespmem:s1+$0xFFFFFC70];
	v31 =	vadd.f32 v37, v33;
	v37 =	vmul.f32 v28, v7;
	v53 =	vmul.f32 v57, v11  }
0x19c: {  	v48 =	vld [tilespmem:s1+$0xFFFFFEA0];
	v23 =	vadd.f32 v41, v23;
	v28 =	vmul.f32 v42, v6;
	v62 =	vperm.xlane v18, v1  }
0x19d: {  	v40 =	vld [tilespmem:s1+$0xFFFFFC30];
	v26 =	vadd.f32 v26, v30;
	v30 =	vmul.f32 v50, v7;
	v31 =	vadd.f32 v38, v31  }
0x19e: {  	v45 =	vld [tilespmem:s1+$0xFFFFFC60];
	v61 =	vperm.xlane v23, v0;
	v19 =	vadd.f32 v19, v60;
	v63 =	vadd.f32 v18, v62  }
0x19f: {  	v25 =	vld [tilespmem:s1+$0xFFFFFDC0];
	v54 =	vmul.f32 v39, v8;
	v18 =	vadd.f32 v30, v26;
	v22 =	vadd.f32 v22, v31  }
0x1a0: {  	v33 =	vld [tilespmem:s1+$0xFFFFFE30];
	v35 =	vadd.f32 v23, v61;
	v23 =	vperm.xlane v19, v1;
	v31 =	vmul.f32 v46, v6  }
0x1a1: {  	v41 =	vld [tilespmem:s1+$0xFFFFFD80];
	v30 =	vmul.f32 v49, v6;
	v18 =	vadd.f32 v20, v18;
	v20 =	vperm.xlane v22, v0  }
0x1a2: {  	v26 =	vperm.xlane v35, v1;
	v43 =	vadd.f32 v19, v23;
	v23 =	vmul.f32 v52, v5;
	v52 =	vld [tilespmem:s1+$0xFFFFFE80]  }
0x1a3: {  	v42 =	vld [tilespmem:s1+$0xFFFFFD90];
	v19 =	vperm.xlane v63, v2;
	v27 =	vadd.f32 v27, v18;
	v20 =	vadd.f32 v22, v20  }
0x1a4: {  	v58 =	vadd.f32 v35, v26;
	v59 =	vperm.xlane v43, v2;
	v26 =	vmul.f32 v36, v5;
	v22 =	vld [tilespmem:s1+$0xFFFFFE00]  }
0x1a5: {  	v60 =	vadd.f32 v21, v27;
	v21 =	vperm.xlane v20, v1;
	v27 =	vmul.f32 v29, v4;
	v29 =	vld [tilespmem:s1+$0xFFFFFE10]  }
0x1a6: {  	v38 =	vld [tilespmem:s1+$0xFFFFFC50];
	v18 =	vadd.f32 v32, v47;
	v19 =	vadd.f32 v63, v19;
	v61 =	vperm.xlane v58, v2  }
0x1a7: {  	v50 =	vld [tilespmem:s1+$0xFFFFFDB0];
	v36 =	vmul.f32 v44, v7;
	v52 =	vmul.f32 v52, v10;
	v63 =	vadd.f32 v20, v21  }
0x1a8: {  	v39 =	vld [tilespmem:s1+$0xFFFFFD00];
	v62 =	vperm.xlane v60, v0;
	v20 =	vadd.f32 v43, v59;
	v21 =	vadd.f32 v58, v61  }
0x1a9: {  	v46 =	vld [tilespmem:s1+$0xFFFFFC80];
	v59 =	vmul.f32 v48, v9;
	v58 =	vadd.f32 v53, v52;
	v61 =	vmul.f32 v22, v10  }
0x1aa: {  	v35 =	vld [tilespmem:s1+$0xFFFFFDA0];
	v57 =	vperm.xlane v63, v2;
	v60 =	vadd.f32 v60, v62;
	v62 =	vmul.f32 v29, v11  }
0x1ab: {  	v44 =	vld [tilespmem:s1+$0xFFFFFC00];
	v32 =	vmul.f32 v25, v7;
	v48 =	vmul.f32 v33, v8;
	v47 =	vadd.f32 v59, v58  }
0x1ac: {  	v43 =	vld [tilespmem:s1+$0xFFFFFC20];
	v22 =	vadd.f32 v63, v57;
	v63 =	vperm.xlane v60, v1;
	v53 =	vadd.f32 v62, v61  }
0x1ad: {  	v33 =	vmul.f32 v38, v6;
	v29 =	vmul.f32 v45, v5;
	v45 =	vld [tilespmem:s1+$0xFFFFFC10];
	v49 =	vadd.f32 v54, v47  }
0x1ae: {  	s15 =	simm.s32 $0x40;
	s28 =	smov.u32 s1;
	v38 =	vmul.f32 v50, v8;
	v47 =	vld [tilespmem:s1+$0xFFFFFC90];
	v25 =	vadd.f32 v60, v63;
	v50 =	vadd.f32 v51, v53  }
.LBB2_15:
0x1af: {  	p0 =	sne.s32 s15, $0x180;
	v34 =	vmul.f32 v34, v7;
	v51 =	vld [tilespmem:s28+$0xFFFFFD10];
	v35 =	vmul.f32 v35, v9;
	v37 =	vadd.f32 v37, v49  }
0x1b0: {  	v40 =	vmul.f32 v40, v8;
	v41 =	vmul.f32 v41, v10;
	v49 =	vld [tilespmem:s28+$0xFFFFFCA0];
	v48 =	vadd.f32 v48, v50  }
0x1b1: {  	v43 =	vmul.f32 v43, v9;
	v42 =	vmul.f32 v42, v11;
	v50 =	vld [tilespmem:s28+$0xFFFFFD20];
	v31 =	vadd.f32 v31, v37  }
0x1b2: {  	v37 =	vmul.f32 v44, v10;
	v44 =	vmul.f32 v45, v11;
	v45 =	vld [tilespmem:s28+$0xFFFFFCB0];
	v36 =	vadd.f32 v36, v48  }
0x1b3: {  	v46 =	vmul.f32 v46, v10;
	v47 =	vmul.f32 v47, v11;
	v48 =	vld [tilespmem:s28+$0xFFFFFD30];
	v24 =	vadd.f32 v24, v31  }
0x1b4: {  	v39 =	vmul.f32 v39, v10;
	v31 =	vld [tilespmem:s28+$0xFFFFFCC0];
	v51 =	vmul.f32 v51, v11;
	v30 =	vadd.f32 v30, v36  }
0x1b5: {  	v36 =	vadd.f32 v44, v37;
	v37 =	vadd.f32 v47, v46;
	v44 =	vmul.f32 v49, v9;
	v46 =	vld [tilespmem:s28+$0xFFFFFD40]  }
0x1b6: {  	v41 =	vadd.f32 v42, v41;
	v47 =	vld [tilespmem:s28+$0xFFFFFCD0];
	v39 =	vadd.f32 v51, v39;
	v49 =	vmul.f32 v50, v9  }
0x1b7: {  	v36 =	vadd.f32 v43, v36;
	v37 =	vadd.f32 v44, v37;
	v42 =	vmul.f32 v45, v8;
	v43 =	vld [tilespmem:s28+$0xFFFFFD50]  }
0x1b8: {  	v35 =	vadd.f32 v35, v41;
	v44 =	vld [tilespmem:s28+$0xFFFFFCE0];
	v39 =	vadd.f32 v49, v39;
	v45 =	vmul.f32 v48, v8  }
0x1b9: {  	v36 =	vadd.f32 v40, v36;
	v37 =	vadd.f32 v42, v37;
	v31 =	vmul.f32 v31, v7;
	v40 =	vld [tilespmem:s28+$0xFFFFFD60]  }
0x1ba: {  	v35 =	vadd.f32 v38, v35;
	v41 =	vld [tilespmem:s28+$0xFFFFFCF0];
	v39 =	vadd.f32 v45, v39;
	v42 =	vmul.f32 v46, v7  }
0x1bb: {  	v34 =	vadd.f32 v34, v36;
	v31 =	vadd.f32 v31, v37;
	v36 =	vmul.f32 v47, v6;
	v37 =	vld [tilespmem:s28+$0xFFFFFD70]  }
0x1bc: {  	v32 =	vadd.f32 v32, v35;
	v38 =	vadd.f32 v42, v39;
	v39 =	vmul.f32 v43, v6;
	v35 =	vld [tilespmem:s28+$0xFFFFFDF0]  }
0x1bd: {  	v33 =	vadd.f32 v33, v34;
	v31 =	vadd.f32 v36, v31;
	v34 =	vmul.f32 v44, v5  }
0x1be: {  	v28 =	vadd.f32 v28, v32;
	v36 =	vadd.f32 v39, v38;
	v38 =	vmul.f32 v40, v5  }
0x1bf: {  	v29 =	vadd.f32 v29, v33;
	v31 =	vadd.f32 v34, v31;
	v32 =	vmul.f32 v41, v4  }
0x1c0: {  	v26 =	vadd.f32 v26, v28;
	v33 =	vadd.f32 v38, v36;
	v34 =	vmul.f32 v37, v4  }
0x1c1: {  	v27 =	vadd.f32 v27, v29;
	v28 =	vadd.f32 v32, v31;
	v29 =	vmul.f32 v35, v4  }
0x1c2: {  	v23 =	vadd.f32 v23, v30;
	v30 =	vperm.xlane v25, v2;
	v31 =	vadd.f32 v34, v33  }
0x1c3: {  	v32 =	vperm.xlane v27, v0;
	v33 =	vperm.xlane v28, v0;
	v26 =	vadd.f32 v29, v26  }
0x1c4: {  	v16 =	vadd.f32 v16, v24;
	v17 =	vadd.f32 v17, v23;
	v29 =	vperm.xlane v31, v0  }
0x1c5: {  	v23 =	vadd.f32 v27, v32;
	v24 =	vadd.f32 v28, v33;
	v27 =	vperm.xlane v26, v0  }
0x1c6: {  	v28 =	vadd.f32 v31, v29;
	v29 =	vperm.xlane v17, v0;
	v31 =	vperm.xlane v16, v0  }
0x1c7: {  	v32 =	vperm.xlane v23, v1;
	v33 =	vperm.xlane v24, v1;
	v26 =	vadd.f32 v26, v27  }
0x1c8: {  	v27 =	vperm.xlane v28, v1;
	v17 =	vadd.f32 v17, v29;
	v16 =	vadd.f32 v16, v31  }
0x1c9: {  	v23 =	vadd.f32 v23, v32;
	v24 =	vadd.f32 v24, v33;
	v29 =	vperm.xlane v26, v1  }
0x1ca: {  	v27 =	vadd.f32 v28, v27;
	v28 =	vperm.xlane v17, v1;
	v31 =	vperm.xlane v16, v1  }
0x1cb: {  	v32 =	vperm.xlane v23, v2;
	v33 =	vperm.xlane v24, v2;
	v26 =	vadd.f32 v26, v29  }
0x1cc: {  	v29 =	vperm.xlane v27, v2;
	v17 =	vadd.f32 v17, v28;
	v16 =	vadd.f32 v16, v31  }
0x1cd: {  	v23 =	vadd.f32 v23, v32;
	v24 =	vadd.f32 v24, v33;
	v28 =	vperm.xlane v26, v2  }
0x1ce: {  	v27 =	vadd.f32 v27, v29;
	v29 =	vperm.xlane v17, v2;
	v31 =	vperm.xlane v16, v2  }
0x1cf: {  	v32 =	vperm.xlane v23, v3;
	v33 =	vperm.xlane v24, v3;
	v26 =	vadd.f32 v26, v28  }
0x1d0: {  	v28 =	vperm.xlane v27, v3;
	v17 =	vadd.f32 v17, v29;
	v16 =	vadd.f32 v16, v31  }
0x1d1: {  	v23 =	vadd.f32 v23, v32;
	v24 =	vadd.f32 v24, v33;
	v29 =	vperm.xlane v26, v3  }
0x1d2: {  	v25 =	vadd.f32 v25, v30;
	v27 =	vadd.f32 v27, v28;
	v28 =	vperm.xlane v17, v3  }
0x1d3: {  	v23 =	vsel vm0, v23, v24;
	v24 =	vadd.f32 v26, v29;
	v26 =	vperm.xlane v16, v3  }
0x1d4: {  	v23 =	vsel vm1, v23, v27;
	v17 =	vadd.f32 v17, v28;
	v27 =	vperm.xlane v25, v3  }
0x1d5: {  	v23 =	vsel vm2, v23, v24;
	v16 =	vadd.f32 v16, v26;
	v24 =	vperm.xlane v22, v3  }
0x1d6: {  	v17 =	vsel vm3, v23, v17;
	v23 =	vadd.f32 v25, v27;
	v25 =	vperm.xlane v21, v3  }
0x1d7: {  	v16 =	vsel vm4, v17, v16;
	v17 =	vadd.f32 v22, v24;
	v22 =	vperm.xlane v20, v3  }
0x1d8: {  	v16 =	vsel vm5, v16, v23;
	v21 =	vadd.f32 v21, v25;
	v23 =	vperm.xlane v19, v3  }
0x1d9: {  	v16 =	vsel vm6, v16, v17;
	v17 =	vadd.f32 v20, v22;
	v20 =	vperm.xlane v18, v3  }
0x1da: {  	v16 =	vsel vm7, v16, v21;
	v19 =	vadd.f32 v19, v23;
	v21 =	vperm.xlane v15, v3  }
0x1db: {  	v16 =	vsel vm8, v16, v17;
	v17 =	vadd.f32 v18, v20;
	v18 =	vperm.xlane v14, v3  }
0x1dc: {  	v16 =	vsel vm9, v16, v19;
	v15 =	vadd.f32 v15, v21;
	v19 =	vperm.xlane v13, v3  }
0x1dd: {  	v16 =	vsel vm10, v16, v17;
	v14 =	vadd.f32 v14, v18;
	v17 =	vperm.xlane v12, v3  }
0x1de: {  	v15 =	vsel vm11, v16, v15;
	v13 =	vadd.f32 v13, v19  }
0x1df: {  	v14 =	vsel vm12, v15, v14;
	v12 =	vadd.f32 v12, v17  }
0x1e0: {  	s16 =	sshra.s32 s2, $0x2;
	s2 =	smov.u32 s15;
	v13 =	vsel vm13, v14, v13  }
0x1e1: {  	s16 =	sadd.s32 s16, s30;
	v12 =	vsel vm14, v13, v12  }
0x1e2: {  	s28 =	sadd.s32 $0x800, s28;
	[tilespmem:s16+$0x0] =	vst v12  }
0x1e3: {  	v13 =	vld [tilespmem:s28+$0x3F0]  }
0x1e4: {  	v17 =	vld [tilespmem:s28+$0x370]  }
0x1e5: {  	v18 =	vld [tilespmem:s28+$0x3E0]  }
0x1e6: {  	v19 =	vld [tilespmem:s28+$0x2F0]  }
0x1e7: {  	v20 =	vld [tilespmem:s28+$0x360]  }
0x1e8: {  	v21 =	vld [tilespmem:s28+$0x3D0]  }
0x1e9: {  	v22 =	vld [tilespmem:s28+$0x270]  }
0x1ea: {  	v23 =	vld [tilespmem:s28+$0x2E0]  }
0x1eb: {  	v24 =	vld [tilespmem:s28+$0x350]  }
0x1ec: {  	v25 =	vld [tilespmem:s28+$0x3C0]  }
0x1ed: {  	v26 =	vld [tilespmem:s28+$0x1F0]  }
0x1ee: {  	v27 =	vld [tilespmem:s28+$0x260]  }
0x1ef: {  	v28 =	vld [tilespmem:s28+$0x2D0]  }
0x1f0: {  	v29 =	vld [tilespmem:s28+$0x340]  }
0x1f1: {  	v30 =	vld [tilespmem:s28+$0x3B0]  }
0x1f2: {  	v31 =	vld [tilespmem:s28+$0x170]  }
0x1f3: {  	v32 =	vld [tilespmem:s28+$0x1E0]  }
0x1f4: {  	v33 =	vld [tilespmem:s28+$0x250]  }
0x1f5: {  	v34 =	vld [tilespmem:s28+$0x2C0]  }
0x1f6: {  	v35 =	vld [tilespmem:s28+$0x330]  }
0x1f7: {  	v36 =	vld [tilespmem:s28+$0x3A0]  }
0x1f8: {  	v37 =	vld [tilespmem:s28+$0xF0]  }
0x1f9: {  	v38 =	vld [tilespmem:s28+$0x160]  }
0x1fa: {  	v39 =	vld [tilespmem:s28+$0x1D0]  }
0x1fb: {  	v40 =	vld [tilespmem:s28+$0x240]  }
0x1fc: {  	v41 =	vld [tilespmem:s28+$0x2B0]  }
0x1fd: {  	v42 =	vld [tilespmem:s28+$0x320]  }
0x1fe: {  	v43 =	vld [tilespmem:s28+$0x380]  }
0x1ff: {  	v44 =	vld [tilespmem:s28+$0x390]  }
0x200: {  	v15 =	vld [tilespmem:s28+$0x70]  }
0x201: {  	v14 =	vld [tilespmem:s28+$0xE0]  }
0x202: {  	v12 =	vld [tilespmem:s28+$0x150]  }
0x203: {  	v45 =	vmul.f32 v13, v4;
	v16 =	vld [tilespmem:s28+$0x1C0]  }
0x204: {  	v47 =	vmul.f32 v17, v4;
	v48 =	vmul.f32 v18, v5;
	v46 =	vld [tilespmem:s28+$0x230]  }
0x205: {  	v13 =	vmul.f32 v43, v10;
	v17 =	vmul.f32 v44, v11;
	v49 =	vld [tilespmem:s28+$0x2A0]  }
0x206: {  	v20 =	vmul.f32 v20, v5;
	v43 =	vmul.f32 v19, v4;
	v18 =	vld [tilespmem:s28+$0x300]  }
0x207: {  	v36 =	vmul.f32 v36, v9;
	v44 =	vmul.f32 v21, v6;
	v13 =	vadd.f32 v17, v13;
	v19 =	vld [tilespmem:s28+$0x310]  }
0x208: {  	v22 =	vmul.f32 v22, v4;
	v50 =	vmul.f32 v23, v5;
	v17 =	vld [tilespmem:s28+$0xFFFFFFF0]  }
0x209: {  	v24 =	vmul.f32 v24, v6;
	v30 =	vmul.f32 v30, v8;
	v36 =	vadd.f32 v36, v13;
	v23 =	vld [tilespmem:s28+$0x280]  }
0x20a: {  	v25 =	vmul.f32 v25, v7;
	v13 =	vmul.f32 v26, v4;
	v26 =	vld [tilespmem:s28+$0x290]  }
0x20b: {  	v27 =	vmul.f32 v27, v5;
	v28 =	vmul.f32 v28, v6;
	v30 =	vadd.f32 v30, v36;
	v21 =	vld [tilespmem:s28+$0x60]  }
0x20c: {  	v51 =	vmul.f32 v18, v10;
	v36 =	vld [tilespmem:s28+$0x200];
	v19 =	vmul.f32 v19, v11  }
0x20d: {  	v29 =	vmul.f32 v29, v7;
	v18 =	vmul.f32 v31, v4;
	v25 =	vadd.f32 v25, v30;
	v31 =	vld [tilespmem:s28+$0x210]  }
0x20e: {  	v32 =	vmul.f32 v32, v5;
	v42 =	vmul.f32 v42, v9;
	v30 =	vld [tilespmem:s28+$0xD0];
	v19 =	vadd.f32 v19, v51  }
0x20f: {  	v23 =	vmul.f32 v23, v10;
	v25 =	vadd.f32 v44, v25;
	v51 =	vld [tilespmem:s28+$0x220];
	v26 =	vmul.f32 v26, v11  }
0x210: {  	v33 =	vmul.f32 v33, v6;
	v35 =	vmul.f32 v35, v8;
	v44 =	vld [tilespmem:s28+$0x140];
	v19 =	vadd.f32 v42, v19  }
0x211: {  	v25 =	vadd.f32 v48, v25;
	v42 =	vld [tilespmem:s28+$0x1B0];
	v23 =	vadd.f32 v26, v23;
	v26 =	vmul.f32 v49, v9  }
0x212: {  	v36 =	vmul.f32 v36, v10;
	v48 =	vld [tilespmem:s28+$0xFFFFFF70];
	v31 =	vmul.f32 v31, v11;
	v19 =	vadd.f32 v35, v19  }
0x213: {  	v25 =	vadd.f32 v45, v25;
	v35 =	vld [tilespmem:s28+$0xFFFFFFE0];
	v23 =	vadd.f32 v26, v23;
	v26 =	vmul.f32 v41, v8  }
0x214: {  	v41 =	vld [tilespmem:s28+$0x50];
	v31 =	vadd.f32 v31, v36;
	v36 =	vmul.f32 v51, v9;
	v19 =	vadd.f32 v29, v19  }
0x215: {  	v29 =	vld [tilespmem:s28+$0x180];
	v23 =	vadd.f32 v26, v23;
	v26 =	vmul.f32 v34, v7;
	v34 =	vperm.xlane v25, v0  }
0x216: {  	v45 =	vld [tilespmem:s28+$0x190];
	v31 =	vadd.f32 v36, v31;
	v36 =	vmul.f32 v46, v8;
	v24 =	vadd.f32 v24, v19  }
0x217: {  	v19 =	vmul.f32 v37, v4;
	v46 =	vld [tilespmem:s28+$0xC0];
	v26 =	vadd.f32 v26, v23;
	v25 =	vadd.f32 v25, v34  }
0x218: {  	v34 =	vld [tilespmem:s28+$0x1A0];
	v31 =	vadd.f32 v36, v31;
	v36 =	vmul.f32 v40, v7;
	v20 =	vadd.f32 v20, v24  }
0x219: {  	v37 =	vmul.f32 v39, v6;
	v23 =	vmul.f32 v38, v5;
	v24 =	vld [tilespmem:s28+$0x130];
	v26 =	vadd.f32 v28, v26  }
0x21a: {  	v28 =	vld [tilespmem:s28+$0xFFFFFEF0];
	v31 =	vadd.f32 v36, v31;
	v20 =	vadd.f32 v47, v20;
	v36 =	vperm.xlane v25, v1  }
0x21b: {  	v29 =	vmul.f32 v29, v10;
	v38 =	vld [tilespmem:s28+$0xFFFFFF60];
	v39 =	vmul.f32 v45, v11;
	v26 =	vadd.f32 v50, v26  }
0x21c: {  	v40 =	vld [tilespmem:s28+$0xFFFFFFD0];
	v31 =	vadd.f32 v33, v31;
	v33 =	vperm.xlane v20, v0;
	v36 =	vadd.f32 v25, v36  }
0x21d: {  	v45 =	vld [tilespmem:s28+$0x40];
	v25 =	vadd.f32 v39, v29;
	v29 =	vmul.f32 v34, v9;
	v26 =	vadd.f32 v43, v26  }
0x21e: {  	v34 =	vld [tilespmem:s28+$0xB0];
	v27 =	vadd.f32 v27, v31;
	v31 =	vadd.f32 v20, v33;
	v33 =	vperm.xlane v36, v2  }
0x21f: {  	v39 =	vld [tilespmem:s28+$0x120];
	v20 =	vadd.f32 v29, v25;
	v29 =	vmul.f32 v42, v8;
	v42 =	vperm.xlane v26, v0  }
0x220: {  	v25 =	vmul.f32 v15, v4;
	v43 =	vld [tilespmem:s28+$0xFFFFFE70];
	v15 =	vadd.f32 v22, v27;
	v22 =	vperm.xlane v31, v1  }
0x221: {  	v16 =	vmul.f32 v16, v7;
	v47 =	vld [tilespmem:s28+$0xFFFFFEE0];
	v27 =	vadd.f32 v29, v20;
	v26 =	vadd.f32 v26, v42  }
0x222: {  	v42 =	vmul.f32 v14, v5;
	v20 =	vld [tilespmem:s28+$0xFFFFFF50];
	v14 =	vperm.xlane v15, v0;
	v31 =	vadd.f32 v31, v22  }
0x223: {  	v50 =	vmul.f32 v12, v6;
	v49 =	vld [tilespmem:s28+$0xFFFFFFC0];
	v12 =	vadd.f32 v16, v27;
	v16 =	vperm.xlane v26, v1  }
0x224: {  	v22 =	vmul.f32 v17, v4;
	v17 =	vld [tilespmem:s28+$0x30];
	v14 =	vadd.f32 v15, v14;
	v15 =	vperm.xlane v31, v2  }
0x225: {  	v51 =	vmul.f32 v21, v5;
	v52 =	vld [tilespmem:s28+$0xA0];
	v12 =	vadd.f32 v37, v12;
	v37 =	vadd.f32 v26, v16  }
0x226: {  	v30 =	vmul.f32 v30, v6;
	v27 =	vld [tilespmem:s28+$0x100];
	v16 =	vperm.xlane v14, v1  }
0x227: {  	v44 =	vmul.f32 v44, v7;
	v53 =	vld [tilespmem:s28+$0x110];
	v12 =	vadd.f32 v32, v12;
	v32 =	vperm.xlane v37, v2  }
0x228: {  	v21 =	vmul.f32 v48, v4;
	v29 =	vmul.f32 v35, v5;
	v26 =	vld [tilespmem:s28+$0xFFFFFE60];
	v35 =	vadd.f32 v14, v16  }
0x229: {  	v41 =	vmul.f32 v41, v6;
	v46 =	vmul.f32 v46, v7;
	v48 =	vld [tilespmem:s28+$0x80];
	v54 =	vadd.f32 v13, v12  }
0x22a: {  	v24 =	vmul.f32 v24, v8;
	v55 =	vld [tilespmem:s28+$0x90];
	v56 =	vperm.xlane v35, v2  }
0x22b: {  	v16 =	vmul.f32 v28, v4;
	v12 =	vadd.f32 v36, v33;
	v57 =	vld [tilespmem:s28+$0x0];
	v58 =	vperm.xlane v54, v0  }
0x22c: {  	v13 =	vadd.f32 v31, v15;
	v36 =	vmul.f32 v27, v10;
	v33 =	vld [tilespmem:s28+$0x10];
	v53 =	vmul.f32 v53, v11  }
0x22d: {  	v31 =	vmul.f32 v40, v6;
	v14 =	vadd.f32 v37, v32;
	v27 =	vmul.f32 v38, v5;
	v28 =	vld [tilespmem:s28+$0xFFFFFED0]  }
0x22e: {  	v37 =	vmul.f32 v39, v9;
	v38 =	vadd.f32 v54, v58;
	v32 =	vld [tilespmem:s28+$0x20];
	v36 =	vadd.f32 v53, v36  }
0x22f: {  	v15 =	vadd.f32 v35, v56;
	v40 =	vmul.f32 v48, v10;
	v39 =	vld [tilespmem:s28+$0xFFFFFF40];
	v48 =	vmul.f32 v55, v11  }
0x230: {  	v52 =	vmul.f32 v52, v9;
	v35 =	vld [tilespmem:s28+$0xFFFFFF80];
	v36 =	vadd.f32 v37, v36;
	v37 =	vperm.xlane v38, v1  }
0x231: {  	v54 =	vmul.f32 v57, v10;
	v53 =	vld [tilespmem:s28+$0xFFFFFF90];
	v33 =	vmul.f32 v33, v11;
	v40 =	vadd.f32 v48, v40  }
0x232: {  	v34 =	vmul.f32 v34, v8;
	v48 =	vld [tilespmem:s28+$0xFFFFFFB0];
	v24 =	vadd.f32 v24, v36;
	v36 =	vadd.f32 v38, v37  }
0x233: {  	v37 =	vld [tilespmem:s28+$0xFFFFFFA0];
	v33 =	vadd.f32 v33, v54;
	v32 =	vmul.f32 v32, v9;
	v38 =	vadd.f32 v52, v40  }
0x234: {  	v45 =	vmul.f32 v45, v7;
	v40 =	vld [tilespmem:s28+$0xFFFFFDE0];
	v24 =	vadd.f32 v44, v24;
	v44 =	vperm.xlane v36, v2  }
0x235: {  	v52 =	vld [tilespmem:s28+$0xFFFFFE50];
	v32 =	vadd.f32 v32, v33;
	v33 =	vmul.f32 v17, v8;
	v34 =	vadd.f32 v34, v38  }
0x236: {  	v35 =	vmul.f32 v35, v10;
	v38 =	vld [tilespmem:s28+$0xFFFFFF00];
	v53 =	vmul.f32 v53, v11;
	v24 =	vadd.f32 v50, v24  }
0x237: {  	v17 =	vmul.f32 v43, v4;
	v43 =	vld [tilespmem:s28+$0xFFFFFF10];
	v32 =	vadd.f32 v33, v32;
	v33 =	vadd.f32 v46, v34  }
0x238: {  	v46 =	vld [tilespmem:s28+$0xFFFFFEC0];
	v34 =	vadd.f32 v53, v35;
	v35 =	vmul.f32 v37, v9;
	v23 =	vadd.f32 v23, v24  }
0x239: {  	v24 =	vmul.f32 v47, v5;
	v37 =	vld [tilespmem:s28+$0xFFFFFF20];
	v32 =	vadd.f32 v45, v32;
	v30 =	vadd.f32 v30, v33  }
0x23a: {  	v33 =	vld [tilespmem:s28+$0xFFFFFF30];
	v34 =	vadd.f32 v35, v34;
	v35 =	vmul.f32 v48, v8;
	v18 =	vadd.f32 v18, v23  }
0x23b: {  	v23 =	vmul.f32 v49, v7;
	v45 =	vld [tilespmem:s28+$0xFFFFFC70];
	v32 =	vadd.f32 v41, v32;
	v30 =	vadd.f32 v42, v30  }
0x23c: {  	v38 =	vmul.f32 v38, v10;
	v41 =	vld [tilespmem:s28+$0xFFFFFDD0];
	v42 =	vmul.f32 v43, v11;
	v34 =	vadd.f32 v35, v34  }
0x23d: {  	v43 =	vld [tilespmem:s28+$0xFFFFFE40];
	v32 =	vadd.f32 v51, v32;
	v19 =	vadd.f32 v19, v30;
	v30 =	vperm.xlane v18, v0  }
0x23e: {  	v47 =	vld [tilespmem:s28+$0xFFFFFEB0];
	v35 =	vadd.f32 v42, v38;
	v37 =	vmul.f32 v37, v9;
	v23 =	vadd.f32 v23, v34  }
0x23f: {  	v38 =	vld [tilespmem:s28+$0xFFFFFC60];
	v25 =	vadd.f32 v25, v32;
	v32 =	vperm.xlane v19, v0;
	v18 =	vadd.f32 v18, v30  }
0x240: {  	v33 =	vmul.f32 v33, v8;
	v48 =	vld [tilespmem:s28+$0xFFFFFDC0];
	v30 =	vadd.f32 v37, v35;
	v23 =	vadd.f32 v31, v23  }
0x241: {  	v49 =	vld [tilespmem:s28+$0xFFFFFE30];
	v31 =	vperm.xlane v25, v0;
	v19 =	vadd.f32 v19, v32;
	v32 =	vperm.xlane v18, v1  }
0x242: {  	v50 =	vld [tilespmem:s28+$0xFFFFFEA0];
	v30 =	vadd.f32 v33, v30;
	v33 =	vmul.f32 v39, v7;
	v23 =	vadd.f32 v29, v23  }
0x243: {  	v51 =	vld [tilespmem:s28+$0xFFFFFC50];
	v25 =	vadd.f32 v25, v31;
	v29 =	vperm.xlane v19, v1;
	v32 =	vadd.f32 v18, v32  }
0x244: {  	v20 =	vmul.f32 v20, v6;
	v53 =	vld [tilespmem:s28+$0xFFFFFDB0];
	v18 =	vadd.f32 v33, v30;
	v22 =	vadd.f32 v22, v23  }
0x245: {  	v33 =	vld [tilespmem:s28+$0xFFFFFE20];
	v30 =	vperm.xlane v25, v1;
	v29 =	vadd.f32 v19, v29;
	v19 =	vperm.xlane v32, v2  }
0x246: {  	v23 =	vmul.f32 v26, v5;
	v39 =	vld [tilespmem:s28+$0xFFFFFE80];
	v18 =	vadd.f32 v20, v18;
	v20 =	vperm.xlane v22, v0  }
0x247: {  	v31 =	vmul.f32 v28, v6;
	v42 =	vld [tilespmem:s28+$0xFFFFFE90];
	v25 =	vadd.f32 v25, v30;
	v54 =	vperm.xlane v29, v2  }
0x248: {  	v26 =	vmul.f32 v40, v5;
	v34 =	vld [tilespmem:s28+$0xFFFFFC40];
	v27 =	vadd.f32 v27, v18;
	v20 =	vadd.f32 v22, v20  }
0x249: {  	v37 =	vmul.f32 v46, v7;
	v30 =	vmul.f32 v52, v6;
	v18 =	vadd.f32 v36, v44;
	v35 =	vld [tilespmem:s28+$0xFFFFFDA0]  }
0x24a: {  	v46 =	vperm.xlane v25, v2;
	v22 =	vld [tilespmem:s28+$0xFFFFFE00];
	v44 =	vadd.f32 v21, v27;
	v21 =	vperm.xlane v20, v1  }
0x24b: {  	v28 =	vmul.f32 v41, v6;
	v19 =	vadd.f32 v32, v19;
	v27 =	vmul.f32 v45, v4;
	v45 =	vld [tilespmem:s28+$0xFFFFFE10]  }
0x24c: {  	v36 =	vmul.f32 v43, v7;
	v40 =	vld [tilespmem:s28+$0xFFFFFC30];
	v32 =	vperm.xlane v44, v0;
	v52 =	vadd.f32 v20, v21  }
0x24d: {  	v39 =	vmul.f32 v39, v10;
	v55 =	vmul.f32 v42, v11;
	v20 =	vadd.f32 v29, v54;
	v41 =	vld [tilespmem:s28+$0xFFFFFD80]  }
0x24e: {  	v47 =	vmul.f32 v47, v8;
	v21 =	vadd.f32 v25, v46;
	v42 =	vld [tilespmem:s28+$0xFFFFFD90];
	v29 =	vperm.xlane v52, v2  }
0x24f: {  	v46 =	vmul.f32 v50, v9;
	v25 =	vadd.f32 v55, v39;
	v50 =	vadd.f32 v44, v32;
	v43 =	vld [tilespmem:s28+$0xFFFFFC20]  }
.Ltmp13:
0x250: {  	v54 =	vmul.f32 v22, v10;
	v39 =	vld [tilespmem:s28+$0xFFFFFD00];
	v55 =	vmul.f32 v45, v11;
	v22 =	vadd.f32 v52, v29;
	(pc) =	sbr.rel @p0 .LBB2_15-.Ltmp13, $4  }
0x251: {  	v29 =	vmul.f32 v38, v5;
	v25 =	vadd.f32 v46, v25;
	v38 =	vperm.xlane v50, v1;
	v44 =	vld [tilespmem:s28+$0xFFFFFC00]  }
0x252: {  	v32 =	vmul.f32 v48, v7;
	v45 =	vld [tilespmem:s28+$0xFFFFFC10];
	v52 =	vadd.f32 v55, v54;
	v54 =	vmul.f32 v33, v9  }
0x253: {  	v48 =	vmul.f32 v49, v8;
	v49 =	vadd.f32 v47, v25;
	v25 =	vadd.f32 v50, v38;
	v46 =	vld [tilespmem:s28+$0xFFFFFC80]  }
0x254: {  	s15 =	sadd.s32 $0x40, s15;
	v33 =	vmul.f32 v51, v6;
	v38 =	vmul.f32 v53, v8;
	v47 =	vld [tilespmem:s28+$0xFFFFFC90];
	v50 =	vadd.f32 v54, v52  }
0x255: {  	v34 =	vmul.f32 v34, v7;
	v35 =	vmul.f32 v35, v9  }
0x256: {  	v51 =	vld [tilespmem:s28+$0xFFFFFD10];
	v40 =	vmul.f32 v40, v8;
	v41 =	vmul.f32 v41, v10  }
0x257: {  	v37 =	vadd.f32 v37, v49;
	v54 =	vld [tilespmem:s28+$0xFFFFFCA0];
	v43 =	vmul.f32 v43, v9;
	v42 =	vmul.f32 v42, v11  }
0x258: {  	v55 =	vld [tilespmem:s28+$0xFFFFFD20];
	v39 =	vmul.f32 v39, v10;
	v48 =	vadd.f32 v48, v50;
	v56 =	vmul.f32 v44, v10  }
0x259: {  	v58 =	vld [tilespmem:s28+$0xFFFFFCB0];
	v31 =	vadd.f32 v31, v37;
	v57 =	vmul.f32 v45, v11;
	v41 =	vadd.f32 v42, v41  }
0x25a: {  	v59 =	vld [tilespmem:s28+$0xFFFFFD30];
	v36 =	vadd.f32 v36, v48;
	v46 =	vmul.f32 v46, v10;
	v47 =	vmul.f32 v47, v11  }
0x25b: {  	v60 =	vld [tilespmem:s28+$0xFFFFFCC0];
	v24 =	vadd.f32 v24, v31;
	v61 =	vadd.f32 v57, v56;
	v51 =	vmul.f32 v51, v11  }
0x25c: {  	v52 =	vld [tilespmem:s28+$0xFFFFFD40];
	v35 =	vadd.f32 v35, v41;
	v63 =	vmul.f32 v54, v9;
	v62 =	vadd.f32 v47, v46  }
0x25d: {  	v53 =	vld [tilespmem:s28+$0xFFFFFCD0];
	v30 =	vadd.f32 v30, v36;
	v54 =	vmul.f32 v55, v9;
	v39 =	vadd.f32 v51, v39  }
0x25e: {  	v56 =	vld [tilespmem:s28+$0xFFFFFD50];
	v55 =	vmul.f32 v58, v8;
	v36 =	vadd.f32 v43, v61;
	v37 =	vadd.f32 v63, v62  }
0x25f: {  	v57 =	vld [tilespmem:s28+$0xFFFFFCE0];
	v58 =	vmul.f32 v59, v8;
	v35 =	vadd.f32 v38, v35;
	v39 =	vadd.f32 v54, v39  }
0x260: {  	v31 =	vmul.f32 v60, v7;
	v59 =	vld [tilespmem:s28+$0xFFFFFD60];
	v36 =	vadd.f32 v40, v36;
	v37 =	vadd.f32 v55, v37  }
0x261: {  	v60 =	vld [tilespmem:s28+$0xFFFFFCF0];
	v61 =	vmul.f32 v52, v7;
	v16 =	vadd.f32 v16, v24;
	v39 =	vadd.f32 v58, v39  }
0x262: {  	v62 =	vmul.f32 v53, v6;
	v63 =	vld [tilespmem:s28+$0xFFFFFD70];
	v34 =	vadd.f32 v34, v36;
	v31 =	vadd.f32 v31, v37  }
0x263: {  	v47 =	vld [tilespmem:s28+$0xFFFFFDF0];
	v32 =	vadd.f32 v32, v35;
	v46 =	vmul.f32 v56, v6;
	v45 =	vadd.f32 v61, v39  }
0x264: {  	v48 =	vmul.f32 v57, v5;
	v33 =	vadd.f32 v33, v34;
	v31 =	vadd.f32 v62, v31  }
0x265: {  	v50 =	vmul.f32 v59, v5;
	v28 =	vadd.f32 v28, v32;
	v49 =	vadd.f32 v46, v45  }
0x266: {  	v51 =	vmul.f32 v60, v4;
	v29 =	vadd.f32 v29, v33;
	v31 =	vadd.f32 v48, v31  }
0x267: {  	v26 =	vadd.f32 v26, v28;
	v53 =	vmul.f32 v63, v4;
	v52 =	vadd.f32 v50, v49  }
0x268: {  	v55 =	vmul.f32 v47, v4;
	v27 =	vadd.f32 v27, v29;
	v54 =	vadd.f32 v51, v31  }
0x269: {  	v23 =	vadd.f32 v23, v30;
	v56 =	vadd.f32 v53, v52  }
0x26a: {  	v26 =	vadd.f32 v55, v26;
	v58 =	vperm.xlane v27, v0;
	v59 =	vperm.xlane v54, v0  }
0x26b: {  	v38 =	vperm.xlane v16, v0;
	v17 =	vadd.f32 v17, v23;
	v60 =	vperm.xlane v56, v0  }
0x26c: {  	v63 =	vperm.xlane v26, v0;
	v61 =	vadd.f32 v27, v58;
	v62 =	vadd.f32 v54, v59  }
0x26d: {  	v57 =	vperm.xlane v25, v2;
	v37 =	vperm.xlane v17, v0;
	v36 =	vadd.f32 v56, v60  }
0x26e: {  	v26 =	vadd.f32 v26, v63;
	v32 =	vperm.xlane v61, v1;
	v33 =	vperm.xlane v62, v1  }
0x26f: {  	v16 =	vadd.f32 v16, v38;
	v17 =	vadd.f32 v17, v37;
	v39 =	vperm.xlane v36, v1  }
0x270: {  	v40 =	vperm.xlane v26, v1;
	v23 =	vadd.f32 v61, v32;
	v24 =	vadd.f32 v62, v33  }
0x271: {  	v41 =	vperm.xlane v17, v1;
	v31 =	vperm.xlane v16, v1;
	v27 =	vadd.f32 v36, v39  }
0x272: {  	v26 =	vadd.f32 v26, v40;
	v32 =	vperm.xlane v23, v2;
	v33 =	vperm.xlane v24, v2  }
0x273: {  	v17 =	vadd.f32 v17, v41;
	v16 =	vadd.f32 v16, v31;
	v42 =	vperm.xlane v27, v2  }
0x274: {  	v43 =	vperm.xlane v26, v2;
	v23 =	vadd.f32 v23, v32;
	v24 =	vadd.f32 v24, v33  }
0x275: {  	v44 =	vperm.xlane v17, v2;
	v31 =	vperm.xlane v16, v2;
	v27 =	vadd.f32 v27, v42  }
0x276: {  	v26 =	vadd.f32 v26, v43;
	v32 =	vperm.xlane v23, v3;
	v33 =	vperm.xlane v24, v3  }
0x277: {  	v17 =	vadd.f32 v17, v44;
	v16 =	vadd.f32 v16, v31;
	v45 =	vperm.xlane v27, v3  }
0x278: {  	v46 =	vperm.xlane v26, v3;
	v23 =	vadd.f32 v23, v32;
	v24 =	vadd.f32 v24, v33  }
0x279: {  	v25 =	vadd.f32 v25, v57;
	v47 =	vperm.xlane v17, v3;
	v27 =	vadd.f32 v27, v45  }
0x27a: {  	v49 =	vperm.xlane v16, v3;
	v48 =	vadd.f32 v26, v46;
	v23 =	vsel vm0, v23, v24  }
0x27b: {  	v50 =	vperm.xlane v25, v3;
	v17 =	vadd.f32 v17, v47;
	v23 =	vsel vm1, v23, v27  }
0x27c: {  	v51 =	vperm.xlane v22, v3;
	v16 =	vadd.f32 v16, v49;
	v23 =	vsel vm2, v23, v48  }
0x27d: {  	v52 =	vadd.f32 v25, v50;
	v53 =	vperm.xlane v21, v3;
	v17 =	vsel vm3, v23, v17  }
0x27e: {  	v55 =	vperm.xlane v20, v3;
	v54 =	vadd.f32 v22, v51;
	v16 =	vsel vm4, v17, v16  }
0x27f: {  	v21 =	vadd.f32 v21, v53;
	v56 =	vperm.xlane v19, v3;
	v16 =	vsel vm5, v16, v52  }
0x280: {  	v57 =	vadd.f32 v20, v55;
	v58 =	vperm.xlane v18, v3;
	v16 =	vsel vm6, v16, v54  }
0x281: {  	v59 =	vperm.xlane v15, v3;
	v19 =	vadd.f32 v19, v56;
	v16 =	vsel vm7, v16, v21  }
0x282: {  	v60 =	vadd.f32 v18, v58;
	v61 =	vperm.xlane v14, v3;
	v16 =	vsel vm8, v16, v57  }
0x283: {  	v15 =	vadd.f32 v15, v59;
	v62 =	vperm.xlane v13, v3;
	v16 =	vsel vm9, v16, v19  }
0x284: {  	v63 =	vperm.xlane v12, v3;
	v14 =	vadd.f32 v14, v61;
	v16 =	vsel vm10, v16, v60  }
0x285: {  	v13 =	vadd.f32 v13, v62;
	v15 =	vsel vm11, v16, v15  }
0x286: {  	v12 =	vadd.f32 v12, v63;
	v14 =	vsel vm12, v15, v14  }
0x287: {  	s2 =	sshra.s32 s2, $0x2;
	v13 =	vsel vm13, v14, v13  }
0x288: {  	s2 =	sadd.s32 s2, s30;
	v12 =	vsel vm14, v13, v12  }
0x289: {  	[tilespmem:s2+$0x0] =	vst v12  }
.LBB2_17:
0x28a: {  	p0 =	seq.s32 s31, $0x0  }
.Ltmp14:
0x28b: {  	_ = 	snop;
	(pc) =	sbr.rel @p0 .LBB2_21-.Ltmp14, $1  }
0x28c: {  	_ =	sdelay $0x3  }
0x28d: {  	v12 =	vld [tilespmem:s1+$0x3F0]  }
0x28e: {  	v13 =	vld [tilespmem:s1+$0x370]  }
0x28f: {  	v14 =	vld [tilespmem:s1+$0x3E0]  }
0x290: {  	v15 =	vld [tilespmem:s1+$0x2F0]  }
0x291: {  	v16 =	vld [tilespmem:s1+$0x360]  }
0x292: {  	v17 =	vld [tilespmem:s1+$0x3D0]  }
0x293: {  	v18 =	vld [tilespmem:s1+$0x270]  }
0x294: {  	v19 =	vld [tilespmem:s1+$0x2E0]  }
0x295: {  	v20 =	vld [tilespmem:s1+$0x350]  }
0x296: {  	v21 =	vld [tilespmem:s1+$0x3C0]  }
0x297: {  	v22 =	vld [tilespmem:s1+$0x1F0]  }
0x298: {  	v23 =	vld [tilespmem:s1+$0x260]  }
0x299: {  	v24 =	vld [tilespmem:s1+$0x2D0]  }
0x29a: {  	v25 =	vld [tilespmem:s1+$0x340]  }
0x29b: {  	v26 =	vld [tilespmem:s1+$0x3B0]  }
0x29c: {  	v27 =	vld [tilespmem:s1+$0x170]  }
0x29d: {  	v28 =	vld [tilespmem:s1+$0x1E0]  }
0x29e: {  	v29 =	vld [tilespmem:s1+$0x250]  }
0x29f: {  	v30 =	vld [tilespmem:s1+$0x2C0]  }
0x2a0: {  	v31 =	vld [tilespmem:s1+$0x330]  }
0x2a1: {  	v32 =	vld [tilespmem:s1+$0x3A0]  }
0x2a2: {  	v33 =	vld [tilespmem:s1+$0xF0]  }
0x2a3: {  	v34 =	vld [tilespmem:s1+$0x160]  }
0x2a4: {  	v35 =	vld [tilespmem:s1+$0x1D0]  }
0x2a5: {  	v36 =	vld [tilespmem:s1+$0x240]  }
0x2a6: {  	v39 =	vld [tilespmem:s1+$0x380]  }
0x2a7: {  	v40 =	vld [tilespmem:s1+$0x390]  }
0x2a8: {  	v37 =	vld [tilespmem:s1+$0x2B0]  }
0x2a9: {  	v38 =	vld [tilespmem:s1+$0x320]  }
0x2aa: {  	v41 =	vld [tilespmem:s1+$0x70];
	v12 =	vmul.f32 v12, v4  }
0x2ab: {  	v42 =	vld [tilespmem:s1+$0xE0];
	v13 =	vmul.f32 v13, v4;
	v14 =	vmul.f32 v14, v5  }
0x2ac: {  	v43 =	vld [tilespmem:s1+$0x150];
	v39 =	vmul.f32 v39, v10;
	v40 =	vmul.f32 v40, v11  }
0x2ad: {  	v47 =	vld [tilespmem:s1+$0x300];
	v15 =	vmul.f32 v15, v4;
	v16 =	vmul.f32 v16, v5  }
0x2ae: {  	v48 =	vld [tilespmem:s1+$0x310];
	v32 =	vmul.f32 v32, v9;
	v17 =	vmul.f32 v17, v6  }
0x2af: {  	v44 =	vld [tilespmem:s1+$0x1C0];
	v49 =	vmul.f32 v18, v4;
	v50 =	vmul.f32 v19, v5  }
0x2b0: {  	v51 =	vld [tilespmem:s1+$0x200];
	v20 =	vmul.f32 v20, v6;
	v26 =	vmul.f32 v26, v8  }
0x2b1: {  	v60 =	vld [tilespmem:s1+$0x220];
	v21 =	vmul.f32 v21, v7;
	v23 =	vmul.f32 v23, v5  }
0x2b2: {  	v45 =	vld [tilespmem:s1+$0x230];
	v24 =	vmul.f32 v24, v6;
	v47 =	vmul.f32 v47, v10  }
0x2b3: {  	v46 =	vld [tilespmem:s1+$0x2A0];
	v48 =	vmul.f32 v48, v11;
	v25 =	vmul.f32 v25, v7  }
0x2b4: {  	v57 =	vld [tilespmem:s1+$0x60];
	v28 =	vmul.f32 v28, v5;
	v38 =	vmul.f32 v38, v9  }
0x2b5: {  	v61 =	vld [tilespmem:s1+$0x1B0];
	v29 =	vmul.f32 v29, v6;
	v31 =	vmul.f32 v31, v8  }
0x2b6: {  	v53 =	vld [tilespmem:s1+$0x190];
	v62 =	vmul.f32 v51, v10;
	v63 =	vmul.f32 v60, v9;
	v39 =	vadd.f32 v40, v39  }
0x2b7: {  	v19 =	vld [tilespmem:s1+$0x280];
	v30 =	vmul.f32 v30, v7;
	v54 =	vmul.f32 v45, v8  }
0x2b8: {  	v55 =	vmul.f32 v36, v7;
	v18 =	vadd.f32 v32, v39;
	v32 =	vmul.f32 v22, v4;
	v22 =	vld [tilespmem:s1+$0x290]  }
0x2b9: {  	v56 =	vld [tilespmem:s1+$0x130];
	v34 =	vmul.f32 v34, v5;
	v35 =	vmul.f32 v35, v6  }
0x2ba: {  	v47 =	vadd.f32 v48, v47;
	v26 =	vadd.f32 v26, v18;
	v18 =	vmul.f32 v27, v4;
	v27 =	vld [tilespmem:s1+$0x210]  }
0x2bb: {  	v58 =	vmul.f32 v53, v11;
	v45 =	vld [tilespmem:s1+$0x40];
	v41 =	vmul.f32 v41, v4  }
0x2bc: {  	v43 =	vmul.f32 v43, v6;
	v53 =	vld [tilespmem:s1+$0x90];
	v38 =	vadd.f32 v38, v47;
	v21 =	vadd.f32 v21, v26  }
0x2bd: {  	v40 =	vld [tilespmem:s1+$0xFFFFFFF0];
	v19 =	vmul.f32 v19, v10;
	v22 =	vmul.f32 v22, v11  }
0x2be: {  	v36 =	vmul.f32 v56, v8;
	v48 =	vld [tilespmem:s1+$0xFFFFFEE0];
	v31 =	vadd.f32 v31, v38;
	v17 =	vadd.f32 v17, v21  }
0x2bf: {  	v38 =	vld [tilespmem:s1+$0xFFFFFFE0];
	v19 =	vadd.f32 v22, v19;
	v22 =	vmul.f32 v46, v9;
	v27 =	vmul.f32 v27, v11  }
0x2c0: {  	v39 =	vmul.f32 v57, v5;
	v25 =	vadd.f32 v25, v31;
	v31 =	vld [tilespmem:s1+$0x180];
	v14 =	vadd.f32 v14, v17  }
0x2c1: {  	v26 =	vld [tilespmem:s1+$0xD0];
	v19 =	vadd.f32 v22, v19;
	v22 =	vmul.f32 v37, v8;
	v27 =	vadd.f32 v27, v62  }
0x2c2: {  	v53 =	vmul.f32 v53, v11;
	v20 =	vadd.f32 v20, v25;
	v25 =	vld [tilespmem:s1+$0xC0];
	v12 =	vadd.f32 v12, v14  }
0x2c3: {  	v45 =	vmul.f32 v45, v7;
	v46 =	vld [tilespmem:s1+$0xFFFFFED0];
	v22 =	vadd.f32 v22, v19;
	v27 =	vadd.f32 v63, v27  }
0x2c4: {  	v38 =	vmul.f32 v38, v5;
	v16 =	vadd.f32 v16, v20;
	v37 =	vld [tilespmem:s1+$0xFFFFFFD0];
	v52 =	vperm.xlane v12, v0  }
0x2c5: {  	v57 =	vld [tilespmem:s1+$0xA0];
	v31 =	vmul.f32 v31, v10;
	v22 =	vadd.f32 v30, v22;
	v27 =	vadd.f32 v54, v27  }
0x2c6: {  	v26 =	vmul.f32 v26, v6;
	v19 =	vmul.f32 v33, v4;
	v30 =	vld [tilespmem:s1+$0x1A0];
	v12 =	vadd.f32 v12, v52  }
0x2c7: {  	v21 =	vld [tilespmem:s1+$0x140];
	v25 =	vmul.f32 v25, v7;
	v20 =	vadd.f32 v24, v22;
	v22 =	vadd.f32 v55, v27  }
0x2c8: {  	v13 =	vadd.f32 v13, v16;
	v46 =	vmul.f32 v46, v6;
	v27 =	vld [tilespmem:s1+$0xFFFFFF60];
	v16 =	vperm.xlane v12, v1  }
0x2c9: {  	v17 =	vld [tilespmem:s1+$0xFFFFFF70];
	v37 =	vmul.f32 v37, v6;
	v20 =	vadd.f32 v50, v20;
	v22 =	vadd.f32 v29, v22  }
0x2ca: {  	v14 =	vld [tilespmem:s1+$0x50];
	v29 =	vperm.xlane v13, v0;
	v12 =	vadd.f32 v12, v16;
	v16 =	vadd.f32 v58, v31  }
0x2cb: {  	v33 =	vld [tilespmem:s1+$0xFFFFFE70];
	v30 =	vmul.f32 v30, v9;
	v15 =	vadd.f32 v15, v20;
	v20 =	vadd.f32 v23, v22  }
0x2cc: {  	v31 =	vld [tilespmem:s1+$0xB0];
	v13 =	vadd.f32 v13, v29;
	v22 =	vmul.f32 v61, v8;
	v23 =	vperm.xlane v12, v2  }
0x2cd: {  	v52 =	vld [tilespmem:s1+$0xFFFFFE60];
	v16 =	vadd.f32 v30, v16;
	v27 =	vmul.f32 v27, v5;
	v30 =	vperm.xlane v15, v0  }
0x2ce: {  	v29 =	vld [tilespmem:s1+$0x120];
	v59 =	vadd.f32 v49, v20;
	v60 =	vperm.xlane v13, v1;
	v49 =	vmul.f32 v57, v9  }
0x2cf: {  	v58 =	vld [tilespmem:s1+$0x100];
	v16 =	vadd.f32 v22, v16;
	v22 =	vmul.f32 v44, v7;
	v12 =	vadd.f32 v12, v23  }
0x2d0: {  	v15 =	vadd.f32 v15, v30;
	v61 =	vperm.xlane v59, v0;
	v13 =	vadd.f32 v13, v60;
	v60 =	vld [tilespmem:s1+$0x110]  }
0x2d1: {  	v24 =	vld [tilespmem:s1+$0xFFFFFEF0];
	v30 =	vmul.f32 v42, v5;
	v31 =	vmul.f32 v31, v8;
	v16 =	vadd.f32 v22, v16  }
0x2d2: {  	v20 =	vld [tilespmem:s1+$0xFFFFFF50];
	v22 =	vmul.f32 v40, v4;
	v62 =	vperm.xlane v15, v1;
	v42 =	vadd.f32 v59, v61  }
0x2d3: {  	v57 =	vld [tilespmem:s1+$0xFFFFFF90];
	v29 =	vmul.f32 v29, v9;
	v63 =	vperm.xlane v13, v2;
	v16 =	vadd.f32 v35, v16  }
0x2d4: {  	v44 =	vld [tilespmem:s1+$0xFFFFFFC0];
	v61 =	vmul.f32 v21, v7;
	v15 =	vadd.f32 v15, v62;
	v59 =	vperm.xlane v42, v1  }
0x2d5: {  	v35 =	vmul.f32 v58, v10;
	v62 =	vld [tilespmem:s1+$0x80];
	v16 =	vadd.f32 v28, v16;
	v50 =	vmul.f32 v60, v11  }
0x2d6: {  	v23 =	vld [tilespmem:s1+$0x10];
	v21 =	vmul.f32 v17, v4;
	v28 =	vperm.xlane v15, v2;
	v17 =	vadd.f32 v42, v59  }
0x2d7: {  	v32 =	vadd.f32 v32, v16;
	v16 =	vmul.f32 v24, v4;
	v24 =	vld [tilespmem:s1+$0x0];
	v35 =	vadd.f32 v50, v35  }
0x2d8: {  	v40 =	vld [tilespmem:s1+$0x30];
	v42 =	vmul.f32 v14, v6;
	v54 =	vperm.xlane v17, v2  }
0x2d9: {  	v14 =	vadd.f32 v15, v28;
	v28 =	vld [tilespmem:s1+$0x20];
	v55 =	vperm.xlane v32, v0;
	v29 =	vadd.f32 v29, v35  }
0x2da: {  	v13 =	vadd.f32 v13, v63;
	v59 =	vld [tilespmem:s1+$0xFFFFFFA0];
	v47 =	vmul.f32 v62, v10;
	v15 =	vadd.f32 v17, v54  }
0x2db: {  	v20 =	vmul.f32 v20, v6;
	v17 =	vld [tilespmem:s1+$0xFFFFFF80];
	v32 =	vadd.f32 v32, v55;
	v29 =	vadd.f32 v36, v29  }
0x2dc: {  	v58 =	vld [tilespmem:s1+$0xFFFFFFB0];
	v23 =	vmul.f32 v23, v11;
	v47 =	vadd.f32 v53, v47;
	v24 =	vmul.f32 v24, v10  }
0x2dd: {  	v51 =	vmul.f32 v44, v7;
	v62 =	vld [tilespmem:s1+$0xFFFFFF10];
	v63 =	vperm.xlane v32, v1;
	v29 =	vadd.f32 v61, v29  }
0x2de: {  	v23 =	vadd.f32 v23, v24;
	v24 =	vmul.f32 v28, v9;
	v28 =	vadd.f32 v49, v47;
	v49 =	vld [tilespmem:s1+$0xFFFFFE50]  }
0x2df: {  	v35 =	vmul.f32 v59, v9;
	v32 =	vadd.f32 v32, v63;
	v29 =	vadd.f32 v43, v29;
	v63 =	vld [tilespmem:s1+$0xFFFFFF20]  }
0x2e0: {  	v61 =	vmul.f32 v57, v11;
	v60 =	vmul.f32 v17, v10;
	v28 =	vadd.f32 v31, v28;
	v31 =	vld [tilespmem:s1+$0xFFFFFF00]  }
0x2e1: {  	v23 =	vadd.f32 v24, v23;
	v24 =	vmul.f32 v40, v8;
	v29 =	vadd.f32 v34, v29;
	v34 =	vld [tilespmem:s1+$0xFFFFFE30]  }
0x2e2: {  	v17 =	vmul.f32 v33, v4;
	v33 =	vmul.f32 v62, v11;
	v40 =	vadd.f32 v61, v60;
	v60 =	vld [tilespmem:s1+$0xFFFFFE80]  }
0x2e3: {  	v47 =	vperm.xlane v32, v2;
	v61 =	vld [tilespmem:s1+$0xFFFFFE90];
	v23 =	vadd.f32 v24, v23;
	v25 =	vadd.f32 v25, v28  }
0x2e4: {  	v28 =	vld [tilespmem:s1+$0xFFFFFEC0];
	v24 =	vmul.f32 v48, v5;
	v48 =	vmul.f32 v58, v8;
	v35 =	vadd.f32 v35, v40  }
0x2e5: {  	v18 =	vadd.f32 v18, v29;
	v29 =	vld [tilespmem:s1+$0xFFFFFC70];
	v49 =	vmul.f32 v49, v6;
	v23 =	vadd.f32 v45, v23  }
0x2e6: {  	v40 =	vld [tilespmem:s1+$0xFFFFFE40];
	v25 =	vadd.f32 v26, v25;
	v53 =	vmul.f32 v63, v9;
	v31 =	vmul.f32 v31, v10  }
0x2e7: {  	v26 =	vld [tilespmem:s1+$0xFFFFFF30];
	v35 =	vadd.f32 v48, v35;
	v23 =	vadd.f32 v42, v23;
	v44 =	vmul.f32 v60, v10  }
0x2e8: {  	v50 =	vld [tilespmem:s1+$0xFFFFFF40];
	v25 =	vadd.f32 v30, v25;
	v45 =	vmul.f32 v61, v11;
	v34 =	vmul.f32 v34, v8  }
0x2e9: {  	v36 =	vld [tilespmem:s1+$0xFFFFFDE0];
	v31 =	vadd.f32 v33, v31;
	v54 =	vadd.f32 v51, v35;
	v28 =	vmul.f32 v28, v7  }
0x2ea: {  	v30 =	vld [tilespmem:s1+$0xFFFFFDD0];
	v23 =	vadd.f32 v39, v23;
	v19 =	vadd.f32 v19, v25;
	v25 =	vperm.xlane v18, v0  }
0x2eb: {  	v42 =	vld [tilespmem:s1+$0xFFFFFEA0];
	v29 =	vmul.f32 v29, v4;
	v40 =	vmul.f32 v40, v7;
	v61 =	vadd.f32 v45, v44  }
0x2ec: {  	v35 =	vld [tilespmem:s1+$0xFFFFFC60];
	v31 =	vadd.f32 v53, v31;
	v26 =	vmul.f32 v26, v8;
	v23 =	vadd.f32 v41, v23  }
0x2ed: {  	v44 =	vld [tilespmem:s1+$0xFFFFFD00];
	v56 =	vadd.f32 v37, v54;
	v55 =	vperm.xlane v19, v0;
	v18 =	vadd.f32 v18, v25  }
0x2ee: {  	v25 =	vld [tilespmem:s1+$0xFFFFFDC0];
	v26 =	vadd.f32 v26, v31;
	v31 =	vmul.f32 v50, v7;
	v57 =	vperm.xlane v23, v0  }
0x2ef: {  	v43 =	vld [tilespmem:s1+$0xFFFFFDB0];
	v33 =	vadd.f32 v38, v56;
	v30 =	vmul.f32 v30, v6;
	v58 =	vperm.xlane v18, v1  }
0x2f0: {  	v48 =	vld [tilespmem:s1+$0xFFFFFC40];
	v42 =	vmul.f32 v42, v9;
	v19 =	vadd.f32 v19, v55;
	v37 =	vadd.f32 v23, v57  }
0x2f1: {  	v38 =	vld [tilespmem:s1+$0xFFFFFC50];
	v35 =	vmul.f32 v35, v5;
	v41 =	vadd.f32 v18, v58;
	v18 =	vadd.f32 v31, v26  }
0x2f2: {  	v56 =	vld [tilespmem:s1+$0xFFFFFE10];
	v22 =	vadd.f32 v22, v33;
	v44 =	vmul.f32 v44, v10;
	v23 =	vperm.xlane v19, v1  }
0x2f3: {  	v39 =	vld [tilespmem:s1+$0xFFFFFEB0];
	v25 =	vmul.f32 v25, v7;
	v31 =	vperm.xlane v37, v1;
	v18 =	vadd.f32 v20, v18  }
0x2f4: {  	v53 =	vld [tilespmem:s1+$0xFFFFFD80];
	v59 =	vadd.f32 v19, v23;
	v19 =	vperm.xlane v41, v2;
	v20 =	vperm.xlane v22, v0  }
0x2f5: {  	v50 =	vld [tilespmem:s1+$0xFFFFFDA0];
	v23 =	vmul.f32 v52, v5;
	v31 =	vadd.f32 v37, v31;
	v27 =	vadd.f32 v27, v18  }
0x2f6: {  	v33 =	vld [tilespmem:s1+$0xFFFFFD90];
	v62 =	vperm.xlane v59, v2;
	v20 =	vadd.f32 v22, v20;
	v18 =	vadd.f32 v32, v47  }
0x2f7: {  	v22 =	vld [tilespmem:s1+$0xFFFFFE00];
	v47 =	vmul.f32 v56, v11;
	v32 =	vadd.f32 v42, v61;
	v37 =	vmul.f32 v38, v6  }
0x2f8: {  	v55 =	vld [tilespmem:s1+$0xFFFFFC10];
	v42 =	vmul.f32 v43, v8;
	v27 =	vadd.f32 v21, v27;
	v21 =	vperm.xlane v20, v1  }
0x2f9: {  	v26 =	vld [tilespmem:s1+$0xFFFFFE20];
	v19 =	vadd.f32 v41, v19;
	v43 =	vmul.f32 v48, v7;
	v63 =	vperm.xlane v31, v2  }
0x2fa: {  	v41 =	vld [tilespmem:s1+$0xFFFFFC30];
	v48 =	vmul.f32 v50, v9;
	v57 =	vperm.xlane v27, v0;
	v58 =	vadd.f32 v20, v21  }
0x2fb: {  	v20 =	vadd.f32 v59, v62;
	v59 =	vmul.f32 v39, v8;
	v21 =	vadd.f32 v31, v63;
	v31 =	vld [tilespmem:s1+$0xFFFFFC20]  }
0x2fc: {  	v33 =	vmul.f32 v33, v11;
	v63 =	vld [tilespmem:s1+$0xFFFFFC00];
	v62 =	vmul.f32 v22, v10  }
0x2fd: {  	v56 =	vld [tilespmem:s1+$0xFFFFFC80];
	v60 =	vperm.xlane v58, v2;
	v27 =	vadd.f32 v27, v57;
	v32 =	vadd.f32 v59, v32  }
0x2fe: {  	v26 =	vmul.f32 v26, v9;
	v57 =	vld [tilespmem:s1+$0xFFFFFC90];
	v45 =	vadd.f32 v47, v62;
	v62 =	vmul.f32 v55, v11  }
0x2ff: {  	v22 =	vadd.f32 v58, v60;
	v54 =	vperm.xlane v27, v1;
	v58 =	vld [tilespmem:s1+$0xFFFFFD10];
	v28 =	vadd.f32 v28, v32  }
0x300: {  	v59 =	vld [tilespmem:s1+$0xFFFFFCA0];
	v32 =	vmul.f32 v41, v8;
	v60 =	vmul.f32 v53, v10;
	v26 =	vadd.f32 v26, v45  }
0x301: {  	v61 =	vld [tilespmem:s1+$0xFFFFFD20];
	v31 =	vmul.f32 v31, v9;
	v39 =	vmul.f32 v63, v10;
	v27 =	vadd.f32 v27, v54  }
0x302: {  	v63 =	vld [tilespmem:s1+$0xFFFFFCB0];
	v28 =	vadd.f32 v46, v28;
	v54 =	vmul.f32 v56, v10;
	v33 =	vadd.f32 v33, v60  }
0x303: {  	v55 =	vld [tilespmem:s1+$0xFFFFFD30];
	v26 =	vadd.f32 v34, v26;
	v38 =	vmul.f32 v57, v11;
	v39 =	vadd.f32 v62, v39  }
0x304: {  	v24 =	vadd.f32 v24, v28;
	v28 =	vld [tilespmem:s1+$0xFFFFFCC0];
	v33 =	vadd.f32 v48, v33;
	v45 =	vmul.f32 v58, v11  }
0x305: {  	v56 =	vmul.f32 v59, v9;
	v57 =	vld [tilespmem:s1+$0xFFFFFD40];
	v26 =	vadd.f32 v40, v26;
	v38 =	vadd.f32 v38, v54  }
0x306: {  	v34 =	vmul.f32 v61, v9;
	v58 =	vld [tilespmem:s1+$0xFFFFFCD0];
	v31 =	vadd.f32 v31, v39;
	v44 =	vadd.f32 v45, v44  }
0x307: {  	v60 =	vld [tilespmem:s1+$0xFFFFFD50];
	v59 =	vmul.f32 v63, v8;
	v33 =	vadd.f32 v42, v33;
	v38 =	vadd.f32 v56, v38  }
0x308: {  	v61 =	vld [tilespmem:s1+$0xFFFFFCE0];
	v62 =	vmul.f32 v55, v8;
	v31 =	vadd.f32 v32, v31;
	v34 =	vadd.f32 v34, v44  }
0x309: {  	v47 =	vld [tilespmem:s1+$0xFFFFFD60];
	v26 =	vadd.f32 v49, v26;
	v63 =	vadd.f32 v59, v38;
	v28 =	vmul.f32 v28, v7  }
0x30a: {  	v48 =	vld [tilespmem:s1+$0xFFFFFCF0];
	v41 =	vmul.f32 v57, v7;
	v31 =	vadd.f32 v43, v31;
	v34 =	vadd.f32 v62, v34  }
0x30b: {  	v50 =	vld [tilespmem:s1+$0xFFFFFD70];
	v25 =	vadd.f32 v25, v33;
	v49 =	vmul.f32 v58, v6;
	v28 =	vadd.f32 v28, v63  }
0x30c: {  	v51 =	vld [tilespmem:s1+$0xFFFFFDF0];
	v40 =	vmul.f32 v60, v6;
	v31 =	vadd.f32 v37, v31;
	v34 =	vadd.f32 v41, v34  }
0x30d: {  	v52 =	vmul.f32 v61, v5;
	v25 =	vadd.f32 v30, v25;
	v28 =	vadd.f32 v49, v28  }
0x30e: {  	v53 =	vmul.f32 v47, v5;
	v30 =	vadd.f32 v35, v31;
	v34 =	vadd.f32 v40, v34  }
0x30f: {  	v36 =	vmul.f32 v36, v5;
	v31 =	vmul.f32 v48, v4;
	v28 =	vadd.f32 v52, v28  }
0x310: {  	v55 =	vmul.f32 v50, v4;
	v29 =	vadd.f32 v29, v30;
	v54 =	vadd.f32 v53, v34  }
0x311: {  	v25 =	vadd.f32 v36, v25;
	v30 =	vmul.f32 v51, v4;
	v28 =	vadd.f32 v31, v28  }
0x312: {  	v23 =	vadd.f32 v23, v26;
	v56 =	vperm.xlane v29, v0;
	v31 =	vadd.f32 v55, v54  }
0x313: {  	v16 =	vadd.f32 v16, v24;
	v25 =	vadd.f32 v30, v25;
	v57 =	vperm.xlane v28, v0  }
0x314: {  	v17 =	vadd.f32 v17, v23;
	v23 =	vadd.f32 v29, v56;
	v30 =	vperm.xlane v31, v0  }
0x315: {  	v26 =	vperm.xlane v27, v2;
	v24 =	vadd.f32 v28, v57;
	v28 =	vperm.xlane v25, v0  }
0x316: {  	v32 =	vperm.xlane v23, v1;
	v29 =	vadd.f32 v31, v30;
	v30 =	vperm.xlane v17, v0  }
0x317: {  	v31 =	vperm.xlane v16, v0;
	v33 =	vperm.xlane v24, v1;
	v25 =	vadd.f32 v25, v28  }
0x318: {  	v23 =	vadd.f32 v23, v32;
	v28 =	vperm.xlane v29, v1;
	v17 =	vadd.f32 v17, v30  }
0x319: {  	v16 =	vadd.f32 v16, v31;
	v24 =	vadd.f32 v24, v33;
	v30 =	vperm.xlane v25, v1  }
0x31a: {  	v32 =	vperm.xlane v23, v2;
	v28 =	vadd.f32 v29, v28;
	v29 =	vperm.xlane v17, v1  }
0x31b: {  	v31 =	vperm.xlane v16, v1;
	v33 =	vperm.xlane v24, v2;
	v25 =	vadd.f32 v25, v30  }
0x31c: {  	v23 =	vadd.f32 v23, v32;
	v30 =	vperm.xlane v28, v2;
	v17 =	vadd.f32 v17, v29  }
0x31d: {  	v16 =	vadd.f32 v16, v31;
	v24 =	vadd.f32 v24, v33;
	v29 =	vperm.xlane v25, v2  }
0x31e: {  	v32 =	vperm.xlane v23, v3;
	v28 =	vadd.f32 v28, v30;
	v30 =	vperm.xlane v17, v2  }
0x31f: {  	v31 =	vperm.xlane v16, v2;
	v33 =	vperm.xlane v24, v3;
	v25 =	vadd.f32 v25, v29  }
0x320: {  	v23 =	vadd.f32 v23, v32;
	v29 =	vperm.xlane v28, v3;
	v17 =	vadd.f32 v17, v30  }
0x321: {  	v16 =	vadd.f32 v16, v31;
	v24 =	vadd.f32 v24, v33;
	v30 =	vperm.xlane v25, v3  }
0x322: {  	v26 =	vadd.f32 v27, v26;
	v28 =	vadd.f32 v28, v29;
	v29 =	vperm.xlane v17, v3  }
0x323: {  	v23 =	vsel vm0, v23, v24;
	v24 =	vadd.f32 v25, v30;
	v25 =	vperm.xlane v16, v3  }
0x324: {  	v27 =	vperm.xlane v26, v3;
	v23 =	vsel vm1, v23, v28;
	v17 =	vadd.f32 v17, v29  }
0x325: {  	v16 =	vadd.f32 v16, v25;
	v23 =	vsel vm2, v23, v24;
	v24 =	vperm.xlane v22, v3  }
0x326: {  	v25 =	vperm.xlane v21, v3;
	v17 =	vsel vm3, v23, v17;
	v23 =	vadd.f32 v26, v27  }
0x327: {  	v16 =	vsel vm4, v17, v16;
	v17 =	vadd.f32 v22, v24;
	v22 =	vperm.xlane v20, v3  }
0x328: {  	v21 =	vadd.f32 v21, v25;
	v16 =	vsel vm5, v16, v23;
	v23 =	vperm.xlane v19, v3  }
0x329: {  	v16 =	vsel vm6, v16, v17;
	v17 =	vadd.f32 v20, v22;
	v20 =	vperm.xlane v18, v3  }
0x32a: {  	v16 =	vsel vm7, v16, v21;
	v19 =	vadd.f32 v19, v23;
	v21 =	vperm.xlane v15, v3  }
0x32b: {  	v16 =	vsel vm8, v16, v17;
	v17 =	vadd.f32 v18, v20;
	v18 =	vperm.xlane v14, v3  }
0x32c: {  	s2 =	sshll.u32 s26, $0x8;
	v16 =	vsel vm9, v16, v19;
	v15 =	vadd.f32 v15, v21;
	v19 =	vperm.xlane v13, v3  }
0x32d: {  	s15 =	sand.u32 $0x380, s29;
	s2 =	sand.u32 $0x800, s2;
	v16 =	vsel vm10, v16, v17;
	v14 =	vadd.f32 v14, v18;
	v17 =	vperm.xlane v12, v3  }
0x32e: {  	s30 =	simm.s32 $0x380;
	s2 =	sor.u32 s15, s2;
	v15 =	vsel vm11, v16, v15;
	v13 =	vadd.f32 v13, v19  }
0x32f: {  	s16 =	simm.s32 $0x70;
	s31 =	sand.u32 $0x400, s30;
	s29 =	sor.u32 $0x1A000, s2;
	v14 =	vsel vm12, v15, v14;
	v12 =	vadd.f32 v12, v17  }
0x330: {  	s2 =	sand.u32 $0x70, s16;
	s15 =	sadd.s32 s31, s29;
	v13 =	vsel vm13, v14, v13  }
0x331: {  	s2 =	sadd.s32 s2, s15;
	v12 =	vsel vm14, v13, v12  }
0x332: {  	[tilespmem:s2+$0x0] =	vst v12;
	s2 =	sadd.s32 $0x800, s1  }
0x333: {  	v12 =	vld [tilespmem:s2+$0x3F0]  }
0x334: {  	v13 =	vld [tilespmem:s2+$0x370]  }
0x335: {  	v14 =	vld [tilespmem:s2+$0x3E0]  }
0x336: {  	v15 =	vld [tilespmem:s2+$0x2F0]  }
0x337: {  	v16 =	vld [tilespmem:s2+$0x360]  }
0x338: {  	v17 =	vld [tilespmem:s2+$0x3D0]  }
0x339: {  	v18 =	vld [tilespmem:s2+$0x270]  }
0x33a: {  	v19 =	vld [tilespmem:s2+$0x2E0]  }
0x33b: {  	v20 =	vld [tilespmem:s2+$0x350]  }
0x33c: {  	v21 =	vld [tilespmem:s2+$0x3C0]  }
0x33d: {  	v22 =	vld [tilespmem:s2+$0x1F0]  }
0x33e: {  	v23 =	vld [tilespmem:s2+$0x260]  }
0x33f: {  	v24 =	vld [tilespmem:s2+$0x2D0]  }
0x340: {  	v25 =	vld [tilespmem:s2+$0x340]  }
0x341: {  	v26 =	vld [tilespmem:s2+$0x3B0]  }
0x342: {  	v27 =	vld [tilespmem:s2+$0x170]  }
0x343: {  	v28 =	vld [tilespmem:s2+$0x1E0]  }
0x344: {  	v29 =	vld [tilespmem:s2+$0x250]  }
0x345: {  	v30 =	vld [tilespmem:s2+$0x2C0]  }
0x346: {  	v31 =	vld [tilespmem:s2+$0x330]  }
0x347: {  	v58 =	vld [tilespmem:s2+$0x3A0]  }
0x348: {  	v33 =	vld [tilespmem:s2+$0xF0]  }
0x349: {  	v34 =	vld [tilespmem:s2+$0x160]  }
0x34a: {  	v35 =	vld [tilespmem:s2+$0x1D0]  }
0x34b: {  	v36 =	vld [tilespmem:s2+$0x240]  }
0x34c: {  	v60 =	vld [tilespmem:s2+$0x380]  }
0x34d: {  	v61 =	vld [tilespmem:s2+$0x390]  }
0x34e: {  	v37 =	vld [tilespmem:s2+$0x2B0]  }
0x34f: {  	v59 =	vld [tilespmem:s2+$0x320]  }
0x350: {  	v41 =	vld [tilespmem:s2+$0x70];
	v12 =	vmul.f32 v12, v4  }
0x351: {  	v42 =	vld [tilespmem:s2+$0xE0];
	v13 =	vmul.f32 v13, v4;
	v14 =	vmul.f32 v14, v5  }
0x352: {  	v43 =	vld [tilespmem:s2+$0x150];
	v39 =	vmul.f32 v60, v10;
	v40 =	vmul.f32 v61, v11  }
0x353: {  	v63 =	vld [tilespmem:s2+$0x300];
	v15 =	vmul.f32 v15, v4;
	v16 =	vmul.f32 v16, v5  }
0x354: {  	v54 =	vld [tilespmem:s2+$0x310];
	v32 =	vmul.f32 v58, v9;
	v17 =	vmul.f32 v17, v6  }
0x355: {  	v44 =	vld [tilespmem:s2+$0x1C0];
	v55 =	vmul.f32 v18, v4;
	v56 =	vmul.f32 v19, v5  }
0x356: {  	v45 =	vld [tilespmem:s2+$0x230];
	v20 =	vmul.f32 v20, v6;
	v26 =	vmul.f32 v26, v8  }
0x357: {  	v57 =	vld [tilespmem:s2+$0x200];
	v21 =	vmul.f32 v21, v7;
	v23 =	vmul.f32 v23, v5  }
0x358: {  	v62 =	vld [tilespmem:s2+$0x2A0];
	v24 =	vmul.f32 v24, v6;
	v47 =	vmul.f32 v63, v10  }
0x359: {  	v49 =	vld [tilespmem:s2+$0xA0];
	v48 =	vmul.f32 v54, v11;
	v25 =	vmul.f32 v25, v7  }
0x35a: {  	v19 =	vld [tilespmem:s2+$0x280];
	v28 =	vmul.f32 v28, v5;
	v38 =	vmul.f32 v59, v9  }
0x35b: {  	v58 =	vld [tilespmem:s2+$0x220];
	v29 =	vmul.f32 v29, v6;
	v31 =	vmul.f32 v31, v8  }
0x35c: {  	v59 =	vld [tilespmem:s2+$0x1B0];
	v60 =	vmul.f32 v57, v10;
	v30 =	vmul.f32 v30, v7;
	v39 =	vadd.f32 v40, v39  }
0x35d: {  	v63 =	vld [tilespmem:s2+$0x190];
	v52 =	vmul.f32 v45, v8;
	v53 =	vmul.f32 v36, v7  }
0x35e: {  	v34 =	vmul.f32 v34, v5;
	v18 =	vadd.f32 v32, v39;
	v32 =	vmul.f32 v22, v4;
	v22 =	vld [tilespmem:s2+$0x290]  }
0x35f: {  	v36 =	vld [tilespmem:s2+$0x130];
	v35 =	vmul.f32 v35, v6;
	v41 =	vmul.f32 v41, v4  }
0x360: {  	v47 =	vadd.f32 v48, v47;
	v26 =	vadd.f32 v26, v18;
	v18 =	vmul.f32 v27, v4;
	v27 =	vld [tilespmem:s2+$0x210]  }
0x361: {  	v45 =	vld [tilespmem:s2+$0x40];
	v43 =	vmul.f32 v43, v6;
	v49 =	vmul.f32 v49, v9  }
0x362: {  	v40 =	vld [tilespmem:s2+$0xFFFFFFF0];
	v38 =	vadd.f32 v38, v47;
	v19 =	vmul.f32 v19, v10;
	v21 =	vadd.f32 v21, v26  }
0x363: {  	v39 =	vld [tilespmem:s2+$0x60];
	v61 =	vmul.f32 v58, v9;
	v22 =	vmul.f32 v22, v11  }
0x364: {  	v54 =	vmul.f32 v63, v11;
	v63 =	vld [tilespmem:s2+$0x90];
	v31 =	vadd.f32 v31, v38;
	v17 =	vadd.f32 v17, v21  }
0x365: {  	v38 =	vld [tilespmem:s2+$0xFFFFFFE0];
	v19 =	vadd.f32 v22, v19;
	v22 =	vmul.f32 v62, v9;
	v27 =	vmul.f32 v27, v11  }
0x366: {  	v36 =	vmul.f32 v36, v8;
	v25 =	vadd.f32 v25, v31;
	v31 =	vld [tilespmem:s2+$0x180];
	v14 =	vadd.f32 v14, v17  }
0x367: {  	v26 =	vld [tilespmem:s2+$0xD0];
	v19 =	vadd.f32 v22, v19;
	v22 =	vmul.f32 v37, v8;
	v27 =	vadd.f32 v27, v60  }
0x368: {  	v45 =	vmul.f32 v45, v7;
	v21 =	vld [tilespmem:s2+$0x140];
	v20 =	vadd.f32 v20, v25;
	v12 =	vadd.f32 v12, v14  }
0x369: {  	v39 =	vmul.f32 v39, v5;
	v25 =	vld [tilespmem:s2+$0xC0];
	v22 =	vadd.f32 v22, v19;
	v27 =	vadd.f32 v61, v27  }
0x36a: {  	v38 =	vmul.f32 v38, v5;
	v17 =	vld [tilespmem:s2+$0xFFFFFF70];
	v16 =	vadd.f32 v16, v20;
	v62 =	vperm.xlane v12, v0  }
0x36b: {  	v31 =	vmul.f32 v31, v10;
	v22 =	vadd.f32 v30, v22;
	v30 =	vld [tilespmem:s2+$0x1A0];
	v27 =	vadd.f32 v52, v27  }
0x36c: {  	v37 =	vld [tilespmem:s2+$0xFFFFFFD0];
	v26 =	vmul.f32 v26, v6;
	v19 =	vmul.f32 v33, v4;
	v12 =	vadd.f32 v12, v62  }
0x36d: {  	v48 =	vld [tilespmem:s2+$0xFFFFFEE0];
	v51 =	vmul.f32 v21, v7;
	v20 =	vadd.f32 v24, v22;
	v22 =	vadd.f32 v53, v27  }
0x36e: {  	v13 =	vadd.f32 v13, v16;
	v61 =	vld [tilespmem:s2+$0x110];
	v25 =	vmul.f32 v25, v7;
	v16 =	vperm.xlane v12, v1  }
0x36f: {  	v14 =	vld [tilespmem:s2+$0x50];
	v21 =	vmul.f32 v17, v4;
	v20 =	vadd.f32 v56, v20;
	v22 =	vadd.f32 v29, v22  }
0x370: {  	v62 =	vld [tilespmem:s2+$0x80];
	v12 =	vadd.f32 v12, v16;
	v16 =	vadd.f32 v54, v31;
	v30 =	vmul.f32 v30, v9  }
0x371: {  	v33 =	vld [tilespmem:s2+$0xFFFFFE70];
	v37 =	vmul.f32 v37, v6;
	v53 =	vmul.f32 v63, v11;
	v15 =	vadd.f32 v15, v20  }
0x372: {  	v27 =	vld [tilespmem:s2+$0xFFFFFF60];
	v20 =	vadd.f32 v23, v22;
	v22 =	vmul.f32 v59, v8;
	v16 =	vadd.f32 v30, v16  }
0x373: {  	v52 =	vld [tilespmem:s2+$0xFFFFFE60];
	v50 =	vmul.f32 v61, v11;
	v29 =	vperm.xlane v13, v0  }
0x374: {  	v24 =	vld [tilespmem:s2+$0xFFFFFEF0];
	v30 =	vperm.xlane v15, v0;
	v16 =	vadd.f32 v22, v16;
	v22 =	vmul.f32 v44, v7  }
0x375: {  	v31 =	vld [tilespmem:s2+$0xB0];
	v13 =	vadd.f32 v13, v29;
	v47 =	vmul.f32 v62, v10;
	v55 =	vadd.f32 v55, v20  }
0x376: {  	v59 =	vld [tilespmem:s2+$0x100];
	v23 =	vperm.xlane v12, v2;
	v15 =	vadd.f32 v15, v30;
	v16 =	vadd.f32 v22, v16  }
0x377: {  	v61 =	vld [tilespmem:s2+$0xFFFFFFB0];
	v27 =	vmul.f32 v27, v5;
	v57 =	vperm.xlane v55, v0  }
0x378: {  	v29 =	vld [tilespmem:s2+$0x120];
	v56 =	vperm.xlane v13, v1;
	v58 =	vperm.xlane v15, v1;
	v16 =	vadd.f32 v35, v16  }
0x379: {  	v62 =	vld [tilespmem:s2+$0xFFFFFFA0];
	v12 =	vadd.f32 v12, v23;
	v30 =	vmul.f32 v42, v5;
	v42 =	vadd.f32 v55, v57  }
0x37a: {  	v20 =	vld [tilespmem:s2+$0xFFFFFF50];
	v31 =	vmul.f32 v31, v8;
	v15 =	vadd.f32 v15, v58;
	v16 =	vadd.f32 v28, v16  }
0x37b: {  	v23 =	vld [tilespmem:s2+$0x10];
	v13 =	vadd.f32 v13, v56;
	v35 =	vmul.f32 v59, v10;
	v60 =	vperm.xlane v42, v1  }
0x37c: {  	v28 =	vperm.xlane v15, v2;
	v32 =	vadd.f32 v32, v16;
	v16 =	vmul.f32 v24, v4;
	v24 =	vld [tilespmem:s2+$0x0]  }
0x37d: {  	v44 =	vld [tilespmem:s2+$0xFFFFFFC0];
	v29 =	vmul.f32 v29, v9;
	v46 =	vperm.xlane v13, v2;
	v17 =	vadd.f32 v42, v60  }
0x37e: {  	v35 =	vadd.f32 v50, v35;
	v42 =	vmul.f32 v14, v6;
	v14 =	vadd.f32 v15, v28;
	v28 =	vld [tilespmem:s2+$0x20]  }
0x37f: {  	v47 =	vadd.f32 v53, v47;
	v56 =	vld [tilespmem:s2+$0xFFFFFF20];
	v22 =	vmul.f32 v40, v4;
	v57 =	vperm.xlane v17, v2  }
0x380: {  	v13 =	vadd.f32 v13, v46;
	v60 =	vld [tilespmem:s2+$0xFFFFFF90];
	v29 =	vadd.f32 v29, v35;
	v58 =	vperm.xlane v32, v0  }
0x381: {  	v23 =	vmul.f32 v23, v11;
	v15 =	vadd.f32 v17, v57;
	v17 =	vld [tilespmem:s2+$0xFFFFFF80];
	v24 =	vmul.f32 v24, v10  }
0x382: {  	v40 =	vld [tilespmem:s2+$0x30];
	v20 =	vmul.f32 v20, v6;
	v29 =	vadd.f32 v36, v29;
	v32 =	vadd.f32 v32, v58  }
0x383: {  	v55 =	vld [tilespmem:s2+$0xFFFFFF10];
	v23 =	vadd.f32 v23, v24;
	v24 =	vmul.f32 v28, v9;
	v28 =	vadd.f32 v49, v47  }
0x384: {  	v46 =	vld [tilespmem:s2+$0xFFFFFED0];
	v35 =	vmul.f32 v62, v9;
	v29 =	vadd.f32 v51, v29;
	v59 =	vperm.xlane v32, v1  }
0x385: {  	v57 =	vmul.f32 v61, v8;
	v54 =	vmul.f32 v60, v11;
	v51 =	vld [tilespmem:s2+$0xFFFFFE20];
	v28 =	vadd.f32 v31, v28  }
0x386: {  	v50 =	vld [tilespmem:s2+$0xFFFFFF40];
	v29 =	vadd.f32 v43, v29;
	v32 =	vadd.f32 v32, v59;
	v63 =	vmul.f32 v17, v10  }
0x387: {  	v23 =	vadd.f32 v24, v23;
	v24 =	vmul.f32 v40, v8;
	v31 =	vld [tilespmem:s2+$0xFFFFFF00];
	v25 =	vadd.f32 v25, v28  }
0x388: {  	v36 =	vld [tilespmem:s2+$0xFFFFFDE0];
	v58 =	vmul.f32 v44, v7;
	v29 =	vadd.f32 v34, v29;
	v40 =	vadd.f32 v54, v63  }
0x389: {  	v44 =	vld [tilespmem:s2+$0xFFFFFE40];
	v17 =	vmul.f32 v33, v4;
	v23 =	vadd.f32 v24, v23;
	v25 =	vadd.f32 v26, v25  }
0x38a: {  	v51 =	vmul.f32 v51, v9;
	v18 =	vadd.f32 v18, v29;
	v35 =	vadd.f32 v35, v40;
	v26 =	vld [tilespmem:s2+$0xFFFFFF30]  }
0x38b: {  	v47 =	vperm.xlane v32, v2;
	v28 =	vld [tilespmem:s2+$0xFFFFFEC0];
	v23 =	vadd.f32 v45, v23;
	v25 =	vadd.f32 v30, v25  }
0x38c: {  	v59 =	vadd.f32 v57, v35;
	v57 =	vld [tilespmem:s2+$0xFFFFFE90];
	v30 =	vmul.f32 v31, v10;
	v31 =	vmul.f32 v55, v11  }
0x38d: {  	v24 =	vmul.f32 v48, v5;
	v23 =	vadd.f32 v42, v23;
	v42 =	vld [tilespmem:s2+$0xFFFFFDD0];
	v19 =	vadd.f32 v19, v25  }
0x38e: {  	v49 =	vld [tilespmem:s2+$0xFFFFFE50];
	v25 =	vperm.xlane v18, v0;
	v30 =	vadd.f32 v31, v30;
	v31 =	vmul.f32 v56, v9  }
0x38f: {  	v34 =	vld [tilespmem:s2+$0xFFFFFC40];
	v33 =	vadd.f32 v58, v59;
	v23 =	vadd.f32 v39, v23;
	v26 =	vmul.f32 v26, v8  }
0x390: {  	v39 =	vld [tilespmem:s2+$0xFFFFFEB0];
	v60 =	vperm.xlane v19, v0;
	v18 =	vadd.f32 v18, v25;
	v30 =	vadd.f32 v31, v30  }
0x391: {  	v29 =	vld [tilespmem:s2+$0xFFFFFC70];
	v31 =	vadd.f32 v37, v33;
	v37 =	vmul.f32 v28, v7;
	v53 =	vmul.f32 v57, v11  }
0x392: {  	v48 =	vld [tilespmem:s2+$0xFFFFFEA0];
	v23 =	vadd.f32 v41, v23;
	v28 =	vmul.f32 v42, v6;
	v62 =	vperm.xlane v18, v1  }
0x393: {  	v40 =	vld [tilespmem:s2+$0xFFFFFC30];
	v26 =	vadd.f32 v26, v30;
	v30 =	vmul.f32 v50, v7;
	v31 =	vadd.f32 v38, v31  }
0x394: {  	v45 =	vld [tilespmem:s2+$0xFFFFFC60];
	v61 =	vperm.xlane v23, v0;
	v19 =	vadd.f32 v19, v60;
	v63 =	vadd.f32 v18, v62  }
0x395: {  	v25 =	vld [tilespmem:s2+$0xFFFFFDC0];
	v54 =	vmul.f32 v39, v8;
	v18 =	vadd.f32 v30, v26;
	v22 =	vadd.f32 v22, v31  }
0x396: {  	v33 =	vld [tilespmem:s2+$0xFFFFFE30];
	v35 =	vadd.f32 v23, v61;
	v23 =	vperm.xlane v19, v1;
	v31 =	vmul.f32 v46, v6  }
0x397: {  	v41 =	vld [tilespmem:s2+$0xFFFFFD80];
	v30 =	vmul.f32 v49, v6;
	v18 =	vadd.f32 v20, v18;
	v20 =	vperm.xlane v22, v0  }
0x398: {  	v26 =	vperm.xlane v35, v1;
	v43 =	vadd.f32 v19, v23;
	v23 =	vmul.f32 v52, v5;
	v52 =	vld [tilespmem:s2+$0xFFFFFE80]  }
0x399: {  	v42 =	vld [tilespmem:s2+$0xFFFFFD90];
	v19 =	vperm.xlane v63, v2;
	v27 =	vadd.f32 v27, v18;
	v20 =	vadd.f32 v22, v20  }
0x39a: {  	v58 =	vadd.f32 v35, v26;
	v59 =	vperm.xlane v43, v2;
	v26 =	vmul.f32 v36, v5;
	v22 =	vld [tilespmem:s2+$0xFFFFFE00]  }
0x39b: {  	v60 =	vadd.f32 v21, v27;
	v21 =	vperm.xlane v20, v1;
	v27 =	vmul.f32 v29, v4;
	v29 =	vld [tilespmem:s2+$0xFFFFFE10]  }
0x39c: {  	v38 =	vld [tilespmem:s2+$0xFFFFFC50];
	v18 =	vadd.f32 v32, v47;
	v19 =	vadd.f32 v63, v19;
	v61 =	vperm.xlane v58, v2  }
0x39d: {  	v50 =	vld [tilespmem:s2+$0xFFFFFDB0];
	v36 =	vmul.f32 v44, v7;
	v52 =	vmul.f32 v52, v10;
	v63 =	vadd.f32 v20, v21  }
0x39e: {  	v39 =	vld [tilespmem:s2+$0xFFFFFD00];
	v62 =	vperm.xlane v60, v0;
	v20 =	vadd.f32 v43, v59;
	v21 =	vadd.f32 v58, v61  }
0x39f: {  	v46 =	vld [tilespmem:s2+$0xFFFFFC80];
	v59 =	vmul.f32 v48, v9;
	v58 =	vadd.f32 v53, v52;
	v61 =	vmul.f32 v22, v10  }
0x3a0: {  	v35 =	vld [tilespmem:s2+$0xFFFFFDA0];
	v57 =	vperm.xlane v63, v2;
	v60 =	vadd.f32 v60, v62;
	v62 =	vmul.f32 v29, v11  }
0x3a1: {  	v44 =	vld [tilespmem:s2+$0xFFFFFC00];
	v32 =	vmul.f32 v25, v7;
	v48 =	vmul.f32 v33, v8;
	v47 =	vadd.f32 v59, v58  }
0x3a2: {  	v43 =	vld [tilespmem:s2+$0xFFFFFC20];
	v22 =	vadd.f32 v63, v57;
	v63 =	vperm.xlane v60, v1;
	v53 =	vadd.f32 v62, v61  }
0x3a3: {  	v33 =	vmul.f32 v38, v6;
	v29 =	vmul.f32 v45, v5;
	v45 =	vld [tilespmem:s2+$0xFFFFFC10];
	v49 =	vadd.f32 v54, v47  }
0x3a4: {  	s28 =	simm.s32 $0x80;
	s1 =	simm.s32 $0x90;
	v38 =	vmul.f32 v50, v8;
	v47 =	vld [tilespmem:s2+$0xFFFFFC90];
	v25 =	vadd.f32 v60, v63;
	v50 =	vadd.f32 v51, v53  }
.LBB2_19:
0x3a5: {  	p0 =	sne.s32 s1, $0xD0;
	v34 =	vmul.f32 v34, v7;
	v51 =	vld [tilespmem:s2+$0xFFFFFD10];
	v35 =	vmul.f32 v35, v9;
	v37 =	vadd.f32 v37, v49  }
0x3a6: {  	v40 =	vmul.f32 v40, v8;
	v41 =	vmul.f32 v41, v10;
	v49 =	vld [tilespmem:s2+$0xFFFFFCA0];
	v48 =	vadd.f32 v48, v50  }
0x3a7: {  	v43 =	vmul.f32 v43, v9;
	v42 =	vmul.f32 v42, v11;
	v50 =	vld [tilespmem:s2+$0xFFFFFD20];
	v31 =	vadd.f32 v31, v37  }
0x3a8: {  	v37 =	vmul.f32 v44, v10;
	v44 =	vmul.f32 v45, v11;
	v45 =	vld [tilespmem:s2+$0xFFFFFCB0];
	v36 =	vadd.f32 v36, v48  }
0x3a9: {  	v46 =	vmul.f32 v46, v10;
	v47 =	vmul.f32 v47, v11;
	v48 =	vld [tilespmem:s2+$0xFFFFFD30];
	v24 =	vadd.f32 v24, v31  }
0x3aa: {  	v39 =	vmul.f32 v39, v10;
	v31 =	vld [tilespmem:s2+$0xFFFFFCC0];
	v51 =	vmul.f32 v51, v11;
	v30 =	vadd.f32 v30, v36  }
0x3ab: {  	v36 =	vadd.f32 v44, v37;
	v37 =	vadd.f32 v47, v46;
	v44 =	vmul.f32 v49, v9;
	v46 =	vld [tilespmem:s2+$0xFFFFFD40]  }
0x3ac: {  	v41 =	vadd.f32 v42, v41;
	v47 =	vld [tilespmem:s2+$0xFFFFFCD0];
	v39 =	vadd.f32 v51, v39;
	v49 =	vmul.f32 v50, v9  }
0x3ad: {  	v36 =	vadd.f32 v43, v36;
	v37 =	vadd.f32 v44, v37;
	v42 =	vmul.f32 v45, v8;
	v43 =	vld [tilespmem:s2+$0xFFFFFD50]  }
0x3ae: {  	v35 =	vadd.f32 v35, v41;
	v44 =	vld [tilespmem:s2+$0xFFFFFCE0];
	v39 =	vadd.f32 v49, v39;
	v45 =	vmul.f32 v48, v8  }
0x3af: {  	v36 =	vadd.f32 v40, v36;
	v37 =	vadd.f32 v42, v37;
	v31 =	vmul.f32 v31, v7;
	v40 =	vld [tilespmem:s2+$0xFFFFFD60]  }
0x3b0: {  	v35 =	vadd.f32 v38, v35;
	v41 =	vld [tilespmem:s2+$0xFFFFFCF0];
	v39 =	vadd.f32 v45, v39;
	v42 =	vmul.f32 v46, v7  }
0x3b1: {  	v34 =	vadd.f32 v34, v36;
	v31 =	vadd.f32 v31, v37;
	v36 =	vmul.f32 v47, v6;
	v37 =	vld [tilespmem:s2+$0xFFFFFD70]  }
0x3b2: {  	v32 =	vadd.f32 v32, v35;
	v38 =	vadd.f32 v42, v39;
	v39 =	vmul.f32 v43, v6;
	v35 =	vld [tilespmem:s2+$0xFFFFFDF0]  }
0x3b3: {  	v33 =	vadd.f32 v33, v34;
	v31 =	vadd.f32 v36, v31;
	v34 =	vmul.f32 v44, v5  }
0x3b4: {  	v28 =	vadd.f32 v28, v32;
	v36 =	vadd.f32 v39, v38;
	v38 =	vmul.f32 v40, v5  }
0x3b5: {  	v29 =	vadd.f32 v29, v33;
	v31 =	vadd.f32 v34, v31;
	v32 =	vmul.f32 v41, v4  }
0x3b6: {  	v26 =	vadd.f32 v26, v28;
	v33 =	vadd.f32 v38, v36;
	v34 =	vmul.f32 v37, v4  }
0x3b7: {  	v27 =	vadd.f32 v27, v29;
	v28 =	vadd.f32 v32, v31;
	v29 =	vmul.f32 v35, v4  }
0x3b8: {  	v23 =	vadd.f32 v23, v30;
	v30 =	vperm.xlane v25, v2;
	v31 =	vadd.f32 v34, v33  }
0x3b9: {  	v32 =	vperm.xlane v27, v0;
	v33 =	vperm.xlane v28, v0;
	v26 =	vadd.f32 v29, v26  }
0x3ba: {  	v16 =	vadd.f32 v16, v24;
	v17 =	vadd.f32 v17, v23;
	v29 =	vperm.xlane v31, v0  }
0x3bb: {  	v23 =	vadd.f32 v27, v32;
	v24 =	vadd.f32 v28, v33;
	v27 =	vperm.xlane v26, v0  }
0x3bc: {  	v28 =	vadd.f32 v31, v29;
	v29 =	vperm.xlane v17, v0;
	v31 =	vperm.xlane v16, v0  }
0x3bd: {  	v32 =	vperm.xlane v23, v1;
	v33 =	vperm.xlane v24, v1;
	v26 =	vadd.f32 v26, v27  }
0x3be: {  	v27 =	vperm.xlane v28, v1;
	v17 =	vadd.f32 v17, v29;
	v16 =	vadd.f32 v16, v31  }
0x3bf: {  	v23 =	vadd.f32 v23, v32;
	v24 =	vadd.f32 v24, v33;
	v29 =	vperm.xlane v26, v1  }
0x3c0: {  	v27 =	vadd.f32 v28, v27;
	v28 =	vperm.xlane v17, v1;
	v31 =	vperm.xlane v16, v1  }
0x3c1: {  	v32 =	vperm.xlane v23, v2;
	v33 =	vperm.xlane v24, v2;
	v26 =	vadd.f32 v26, v29  }
0x3c2: {  	v29 =	vperm.xlane v27, v2;
	v17 =	vadd.f32 v17, v28;
	v16 =	vadd.f32 v16, v31  }
0x3c3: {  	v23 =	vadd.f32 v23, v32;
	v24 =	vadd.f32 v24, v33;
	v28 =	vperm.xlane v26, v2  }
0x3c4: {  	v27 =	vadd.f32 v27, v29;
	v29 =	vperm.xlane v17, v2;
	v31 =	vperm.xlane v16, v2  }
0x3c5: {  	v32 =	vperm.xlane v23, v3;
	v33 =	vperm.xlane v24, v3;
	v26 =	vadd.f32 v26, v28  }
0x3c6: {  	v28 =	vperm.xlane v27, v3;
	v17 =	vadd.f32 v17, v29;
	v16 =	vadd.f32 v16, v31  }
0x3c7: {  	v23 =	vadd.f32 v23, v32;
	v24 =	vadd.f32 v24, v33;
	v29 =	vperm.xlane v26, v3  }
0x3c8: {  	v25 =	vadd.f32 v25, v30;
	v27 =	vadd.f32 v27, v28;
	v28 =	vperm.xlane v17, v3  }
0x3c9: {  	v23 =	vsel vm0, v23, v24;
	v24 =	vadd.f32 v26, v29;
	v26 =	vperm.xlane v16, v3  }
0x3ca: {  	v23 =	vsel vm1, v23, v27;
	v17 =	vadd.f32 v17, v28;
	v27 =	vperm.xlane v25, v3  }
0x3cb: {  	v23 =	vsel vm2, v23, v24;
	v16 =	vadd.f32 v16, v26;
	v24 =	vperm.xlane v22, v3  }
0x3cc: {  	v17 =	vsel vm3, v23, v17;
	v23 =	vadd.f32 v25, v27;
	v25 =	vperm.xlane v21, v3  }
0x3cd: {  	v16 =	vsel vm4, v17, v16;
	v17 =	vadd.f32 v22, v24;
	v22 =	vperm.xlane v20, v3  }
0x3ce: {  	v16 =	vsel vm5, v16, v23;
	v21 =	vadd.f32 v21, v25;
	v23 =	vperm.xlane v19, v3  }
0x3cf: {  	v16 =	vsel vm6, v16, v17;
	v17 =	vadd.f32 v20, v22;
	v20 =	vperm.xlane v18, v3  }
0x3d0: {  	v16 =	vsel vm7, v16, v21;
	v19 =	vadd.f32 v19, v23;
	v21 =	vperm.xlane v15, v3  }
0x3d1: {  	v16 =	vsel vm8, v16, v17;
	v17 =	vadd.f32 v18, v20;
	v18 =	vperm.xlane v14, v3  }
0x3d2: {  	v16 =	vsel vm9, v16, v19;
	v15 =	vadd.f32 v15, v21;
	v19 =	vperm.xlane v13, v3  }
0x3d3: {  	v16 =	vsel vm10, v16, v17;
	v14 =	vadd.f32 v14, v18;
	v17 =	vperm.xlane v12, v3  }
0x3d4: {  	s30 =	sadd.s32 $0x80, s30;
	v15 =	vsel vm11, v16, v15;
	v13 =	vadd.f32 v13, v19  }
0x3d5: {  	s15 =	sand.u32 $0x400, s30;
	v14 =	vsel vm12, v15, v14;
	v12 =	vadd.f32 v12, v17  }
0x3d6: {  	s16 =	sand.u32 $0x70, s28;
	s28 =	smov.u32 s1;
	s15 =	sadd.s32 s15, s29;
	v13 =	vsel vm13, v14, v13  }
0x3d7: {  	s15 =	sadd.s32 s16, s15;
	v12 =	vsel vm14, v13, v12  }
0x3d8: {  	s2 =	sadd.s32 $0x800, s2;
	[tilespmem:s15+$0x0] =	vst v12  }
0x3d9: {  	v13 =	vld [tilespmem:s2+$0x3F0]  }
0x3da: {  	v17 =	vld [tilespmem:s2+$0x370]  }
0x3db: {  	v18 =	vld [tilespmem:s2+$0x3E0]  }
0x3dc: {  	v19 =	vld [tilespmem:s2+$0x2F0]  }
0x3dd: {  	v20 =	vld [tilespmem:s2+$0x360]  }
0x3de: {  	v21 =	vld [tilespmem:s2+$0x3D0]  }
0x3df: {  	v22 =	vld [tilespmem:s2+$0x270]  }
0x3e0: {  	v23 =	vld [tilespmem:s2+$0x2E0]  }
0x3e1: {  	v24 =	vld [tilespmem:s2+$0x350]  }
0x3e2: {  	v25 =	vld [tilespmem:s2+$0x3C0]  }
0x3e3: {  	v26 =	vld [tilespmem:s2+$0x1F0]  }
0x3e4: {  	v27 =	vld [tilespmem:s2+$0x260]  }
0x3e5: {  	v28 =	vld [tilespmem:s2+$0x2D0]  }
0x3e6: {  	v29 =	vld [tilespmem:s2+$0x340]  }
0x3e7: {  	v30 =	vld [tilespmem:s2+$0x3B0]  }
0x3e8: {  	v31 =	vld [tilespmem:s2+$0x170]  }
0x3e9: {  	v32 =	vld [tilespmem:s2+$0x1E0]  }
0x3ea: {  	v33 =	vld [tilespmem:s2+$0x250]  }
0x3eb: {  	v34 =	vld [tilespmem:s2+$0x2C0]  }
0x3ec: {  	v35 =	vld [tilespmem:s2+$0x330]  }
0x3ed: {  	v36 =	vld [tilespmem:s2+$0x3A0]  }
0x3ee: {  	v37 =	vld [tilespmem:s2+$0xF0]  }
0x3ef: {  	v38 =	vld [tilespmem:s2+$0x160]  }
0x3f0: {  	v39 =	vld [tilespmem:s2+$0x1D0]  }
0x3f1: {  	v40 =	vld [tilespmem:s2+$0x240]  }
0x3f2: {  	v41 =	vld [tilespmem:s2+$0x2B0]  }
0x3f3: {  	v42 =	vld [tilespmem:s2+$0x320]  }
0x3f4: {  	v43 =	vld [tilespmem:s2+$0x380]  }
0x3f5: {  	v44 =	vld [tilespmem:s2+$0x390]  }
0x3f6: {  	v15 =	vld [tilespmem:s2+$0x70]  }
0x3f7: {  	v14 =	vld [tilespmem:s2+$0xE0]  }
0x3f8: {  	v12 =	vld [tilespmem:s2+$0x150]  }
0x3f9: {  	v45 =	vmul.f32 v13, v4;
	v16 =	vld [tilespmem:s2+$0x1C0]  }
0x3fa: {  	v47 =	vmul.f32 v17, v4;
	v48 =	vmul.f32 v18, v5;
	v46 =	vld [tilespmem:s2+$0x230]  }
0x3fb: {  	v13 =	vmul.f32 v43, v10;
	v17 =	vmul.f32 v44, v11;
	v49 =	vld [tilespmem:s2+$0x2A0]  }
0x3fc: {  	v20 =	vmul.f32 v20, v5;
	v43 =	vmul.f32 v19, v4;
	v18 =	vld [tilespmem:s2+$0x300]  }
0x3fd: {  	v36 =	vmul.f32 v36, v9;
	v44 =	vmul.f32 v21, v6;
	v13 =	vadd.f32 v17, v13;
	v19 =	vld [tilespmem:s2+$0x310]  }
0x3fe: {  	v22 =	vmul.f32 v22, v4;
	v50 =	vmul.f32 v23, v5;
	v17 =	vld [tilespmem:s2+$0xFFFFFFF0]  }
0x3ff: {  	v24 =	vmul.f32 v24, v6;
	v30 =	vmul.f32 v30, v8;
	v36 =	vadd.f32 v36, v13;
	v23 =	vld [tilespmem:s2+$0x280]  }
0x400: {  	v25 =	vmul.f32 v25, v7;
	v13 =	vmul.f32 v26, v4;
	v26 =	vld [tilespmem:s2+$0x290]  }
0x401: {  	v27 =	vmul.f32 v27, v5;
	v28 =	vmul.f32 v28, v6;
	v30 =	vadd.f32 v30, v36;
	v21 =	vld [tilespmem:s2+$0x60]  }
0x402: {  	v51 =	vmul.f32 v18, v10;
	v36 =	vld [tilespmem:s2+$0x200];
	v19 =	vmul.f32 v19, v11  }
0x403: {  	v29 =	vmul.f32 v29, v7;
	v18 =	vmul.f32 v31, v4;
	v25 =	vadd.f32 v25, v30;
	v31 =	vld [tilespmem:s2+$0x210]  }
0x404: {  	v32 =	vmul.f32 v32, v5;
	v42 =	vmul.f32 v42, v9;
	v30 =	vld [tilespmem:s2+$0xD0];
	v19 =	vadd.f32 v19, v51  }
0x405: {  	v23 =	vmul.f32 v23, v10;
	v25 =	vadd.f32 v44, v25;
	v51 =	vld [tilespmem:s2+$0x220];
	v26 =	vmul.f32 v26, v11  }
0x406: {  	v33 =	vmul.f32 v33, v6;
	v35 =	vmul.f32 v35, v8;
	v44 =	vld [tilespmem:s2+$0x140];
	v19 =	vadd.f32 v42, v19  }
0x407: {  	v25 =	vadd.f32 v48, v25;
	v42 =	vld [tilespmem:s2+$0x1B0];
	v23 =	vadd.f32 v26, v23;
	v26 =	vmul.f32 v49, v9  }
0x408: {  	v36 =	vmul.f32 v36, v10;
	v48 =	vld [tilespmem:s2+$0xFFFFFF70];
	v31 =	vmul.f32 v31, v11;
	v19 =	vadd.f32 v35, v19  }
0x409: {  	v25 =	vadd.f32 v45, v25;
	v35 =	vld [tilespmem:s2+$0xFFFFFFE0];
	v23 =	vadd.f32 v26, v23;
	v26 =	vmul.f32 v41, v8  }
0x40a: {  	v41 =	vld [tilespmem:s2+$0x50];
	v31 =	vadd.f32 v31, v36;
	v36 =	vmul.f32 v51, v9;
	v19 =	vadd.f32 v29, v19  }
0x40b: {  	v29 =	vld [tilespmem:s2+$0x180];
	v23 =	vadd.f32 v26, v23;
	v26 =	vmul.f32 v34, v7;
	v34 =	vperm.xlane v25, v0  }
0x40c: {  	v45 =	vld [tilespmem:s2+$0x190];
	v31 =	vadd.f32 v36, v31;
	v36 =	vmul.f32 v46, v8;
	v24 =	vadd.f32 v24, v19  }
0x40d: {  	v19 =	vmul.f32 v37, v4;
	v46 =	vld [tilespmem:s2+$0xC0];
	v26 =	vadd.f32 v26, v23;
	v25 =	vadd.f32 v25, v34  }
0x40e: {  	v34 =	vld [tilespmem:s2+$0x1A0];
	v31 =	vadd.f32 v36, v31;
	v36 =	vmul.f32 v40, v7;
	v20 =	vadd.f32 v20, v24  }
0x40f: {  	v37 =	vmul.f32 v39, v6;
	v23 =	vmul.f32 v38, v5;
	v24 =	vld [tilespmem:s2+$0x130];
	v26 =	vadd.f32 v28, v26  }
0x410: {  	v28 =	vld [tilespmem:s2+$0xFFFFFEF0];
	v31 =	vadd.f32 v36, v31;
	v20 =	vadd.f32 v47, v20;
	v36 =	vperm.xlane v25, v1  }
0x411: {  	v29 =	vmul.f32 v29, v10;
	v38 =	vld [tilespmem:s2+$0xFFFFFF60];
	v39 =	vmul.f32 v45, v11;
	v26 =	vadd.f32 v50, v26  }
0x412: {  	v40 =	vld [tilespmem:s2+$0xFFFFFFD0];
	v31 =	vadd.f32 v33, v31;
	v33 =	vperm.xlane v20, v0;
	v36 =	vadd.f32 v25, v36  }
0x413: {  	v45 =	vld [tilespmem:s2+$0x40];
	v25 =	vadd.f32 v39, v29;
	v29 =	vmul.f32 v34, v9;
	v26 =	vadd.f32 v43, v26  }
0x414: {  	v34 =	vld [tilespmem:s2+$0xB0];
	v27 =	vadd.f32 v27, v31;
	v31 =	vadd.f32 v20, v33;
	v33 =	vperm.xlane v36, v2  }
0x415: {  	v39 =	vld [tilespmem:s2+$0x120];
	v20 =	vadd.f32 v29, v25;
	v29 =	vmul.f32 v42, v8;
	v42 =	vperm.xlane v26, v0  }
0x416: {  	v25 =	vmul.f32 v15, v4;
	v43 =	vld [tilespmem:s2+$0xFFFFFE70];
	v15 =	vadd.f32 v22, v27;
	v22 =	vperm.xlane v31, v1  }
0x417: {  	v16 =	vmul.f32 v16, v7;
	v47 =	vld [tilespmem:s2+$0xFFFFFEE0];
	v27 =	vadd.f32 v29, v20;
	v26 =	vadd.f32 v26, v42  }
0x418: {  	v42 =	vmul.f32 v14, v5;
	v20 =	vld [tilespmem:s2+$0xFFFFFF50];
	v14 =	vperm.xlane v15, v0;
	v31 =	vadd.f32 v31, v22  }
0x419: {  	v50 =	vmul.f32 v12, v6;
	v49 =	vld [tilespmem:s2+$0xFFFFFFC0];
	v12 =	vadd.f32 v16, v27;
	v16 =	vperm.xlane v26, v1  }
0x41a: {  	v22 =	vmul.f32 v17, v4;
	v17 =	vld [tilespmem:s2+$0x30];
	v14 =	vadd.f32 v15, v14;
	v15 =	vperm.xlane v31, v2  }
0x41b: {  	v51 =	vmul.f32 v21, v5;
	v52 =	vld [tilespmem:s2+$0xA0];
	v12 =	vadd.f32 v37, v12;
	v37 =	vadd.f32 v26, v16  }
0x41c: {  	v30 =	vmul.f32 v30, v6;
	v27 =	vld [tilespmem:s2+$0x100];
	v16 =	vperm.xlane v14, v1  }
0x41d: {  	v44 =	vmul.f32 v44, v7;
	v53 =	vld [tilespmem:s2+$0x110];
	v12 =	vadd.f32 v32, v12;
	v32 =	vperm.xlane v37, v2  }
0x41e: {  	v21 =	vmul.f32 v48, v4;
	v29 =	vmul.f32 v35, v5;
	v26 =	vld [tilespmem:s2+$0xFFFFFE60];
	v35 =	vadd.f32 v14, v16  }
0x41f: {  	v41 =	vmul.f32 v41, v6;
	v46 =	vmul.f32 v46, v7;
	v48 =	vld [tilespmem:s2+$0x80];
	v54 =	vadd.f32 v13, v12  }
0x420: {  	v24 =	vmul.f32 v24, v8;
	v55 =	vld [tilespmem:s2+$0x90];
	v56 =	vperm.xlane v35, v2  }
0x421: {  	v16 =	vmul.f32 v28, v4;
	v12 =	vadd.f32 v36, v33;
	v57 =	vld [tilespmem:s2+$0x0];
	v58 =	vperm.xlane v54, v0  }
0x422: {  	v13 =	vadd.f32 v31, v15;
	v36 =	vmul.f32 v27, v10;
	v33 =	vld [tilespmem:s2+$0x10];
	v53 =	vmul.f32 v53, v11  }
0x423: {  	v31 =	vmul.f32 v40, v6;
	v14 =	vadd.f32 v37, v32;
	v27 =	vmul.f32 v38, v5;
	v28 =	vld [tilespmem:s2+$0xFFFFFED0]  }
0x424: {  	v37 =	vmul.f32 v39, v9;
	v38 =	vadd.f32 v54, v58;
	v32 =	vld [tilespmem:s2+$0x20];
	v36 =	vadd.f32 v53, v36  }
0x425: {  	v15 =	vadd.f32 v35, v56;
	v40 =	vmul.f32 v48, v10;
	v39 =	vld [tilespmem:s2+$0xFFFFFF40];
	v48 =	vmul.f32 v55, v11  }
0x426: {  	v52 =	vmul.f32 v52, v9;
	v35 =	vld [tilespmem:s2+$0xFFFFFF80];
	v36 =	vadd.f32 v37, v36;
	v37 =	vperm.xlane v38, v1  }
0x427: {  	v54 =	vmul.f32 v57, v10;
	v53 =	vld [tilespmem:s2+$0xFFFFFF90];
	v33 =	vmul.f32 v33, v11;
	v40 =	vadd.f32 v48, v40  }
0x428: {  	v34 =	vmul.f32 v34, v8;
	v48 =	vld [tilespmem:s2+$0xFFFFFFB0];
	v24 =	vadd.f32 v24, v36;
	v36 =	vadd.f32 v38, v37  }
0x429: {  	v37 =	vld [tilespmem:s2+$0xFFFFFFA0];
	v33 =	vadd.f32 v33, v54;
	v32 =	vmul.f32 v32, v9;
	v38 =	vadd.f32 v52, v40  }
0x42a: {  	v45 =	vmul.f32 v45, v7;
	v40 =	vld [tilespmem:s2+$0xFFFFFDE0];
	v24 =	vadd.f32 v44, v24;
	v44 =	vperm.xlane v36, v2  }
0x42b: {  	v52 =	vld [tilespmem:s2+$0xFFFFFE50];
	v32 =	vadd.f32 v32, v33;
	v33 =	vmul.f32 v17, v8;
	v34 =	vadd.f32 v34, v38  }
0x42c: {  	v35 =	vmul.f32 v35, v10;
	v38 =	vld [tilespmem:s2+$0xFFFFFF00];
	v53 =	vmul.f32 v53, v11;
	v24 =	vadd.f32 v50, v24  }
0x42d: {  	v17 =	vmul.f32 v43, v4;
	v43 =	vld [tilespmem:s2+$0xFFFFFF10];
	v32 =	vadd.f32 v33, v32;
	v33 =	vadd.f32 v46, v34  }
0x42e: {  	v46 =	vld [tilespmem:s2+$0xFFFFFEC0];
	v34 =	vadd.f32 v53, v35;
	v35 =	vmul.f32 v37, v9;
	v23 =	vadd.f32 v23, v24  }
0x42f: {  	v24 =	vmul.f32 v47, v5;
	v37 =	vld [tilespmem:s2+$0xFFFFFF20];
	v32 =	vadd.f32 v45, v32;
	v30 =	vadd.f32 v30, v33  }
0x430: {  	v33 =	vld [tilespmem:s2+$0xFFFFFF30];
	v34 =	vadd.f32 v35, v34;
	v35 =	vmul.f32 v48, v8;
	v18 =	vadd.f32 v18, v23  }
0x431: {  	v23 =	vmul.f32 v49, v7;
	v45 =	vld [tilespmem:s2+$0xFFFFFC70];
	v32 =	vadd.f32 v41, v32;
	v30 =	vadd.f32 v42, v30  }
0x432: {  	v38 =	vmul.f32 v38, v10;
	v41 =	vld [tilespmem:s2+$0xFFFFFDD0];
	v42 =	vmul.f32 v43, v11;
	v34 =	vadd.f32 v35, v34  }
0x433: {  	v43 =	vld [tilespmem:s2+$0xFFFFFE40];
	v32 =	vadd.f32 v51, v32;
	v19 =	vadd.f32 v19, v30;
	v30 =	vperm.xlane v18, v0  }
0x434: {  	v47 =	vld [tilespmem:s2+$0xFFFFFEB0];
	v35 =	vadd.f32 v42, v38;
	v37 =	vmul.f32 v37, v9;
	v23 =	vadd.f32 v23, v34  }
0x435: {  	v38 =	vld [tilespmem:s2+$0xFFFFFC60];
	v25 =	vadd.f32 v25, v32;
	v32 =	vperm.xlane v19, v0;
	v18 =	vadd.f32 v18, v30  }
0x436: {  	v33 =	vmul.f32 v33, v8;
	v48 =	vld [tilespmem:s2+$0xFFFFFDC0];
	v30 =	vadd.f32 v37, v35;
	v23 =	vadd.f32 v31, v23  }
0x437: {  	v49 =	vld [tilespmem:s2+$0xFFFFFE30];
	v31 =	vperm.xlane v25, v0;
	v19 =	vadd.f32 v19, v32;
	v32 =	vperm.xlane v18, v1  }
0x438: {  	v50 =	vld [tilespmem:s2+$0xFFFFFEA0];
	v30 =	vadd.f32 v33, v30;
	v33 =	vmul.f32 v39, v7;
	v23 =	vadd.f32 v29, v23  }
0x439: {  	v51 =	vld [tilespmem:s2+$0xFFFFFC50];
	v25 =	vadd.f32 v25, v31;
	v29 =	vperm.xlane v19, v1;
	v32 =	vadd.f32 v18, v32  }
0x43a: {  	v20 =	vmul.f32 v20, v6;
	v53 =	vld [tilespmem:s2+$0xFFFFFDB0];
	v18 =	vadd.f32 v33, v30;
	v22 =	vadd.f32 v22, v23  }
0x43b: {  	v33 =	vld [tilespmem:s2+$0xFFFFFE20];
	v30 =	vperm.xlane v25, v1;
	v29 =	vadd.f32 v19, v29;
	v19 =	vperm.xlane v32, v2  }
0x43c: {  	v23 =	vmul.f32 v26, v5;
	v39 =	vld [tilespmem:s2+$0xFFFFFE80];
	v18 =	vadd.f32 v20, v18;
	v20 =	vperm.xlane v22, v0  }
0x43d: {  	v31 =	vmul.f32 v28, v6;
	v42 =	vld [tilespmem:s2+$0xFFFFFE90];
	v25 =	vadd.f32 v25, v30;
	v54 =	vperm.xlane v29, v2  }
0x43e: {  	v26 =	vmul.f32 v40, v5;
	v34 =	vld [tilespmem:s2+$0xFFFFFC40];
	v27 =	vadd.f32 v27, v18;
	v20 =	vadd.f32 v22, v20  }
0x43f: {  	v37 =	vmul.f32 v46, v7;
	v30 =	vmul.f32 v52, v6;
	v18 =	vadd.f32 v36, v44;
	v35 =	vld [tilespmem:s2+$0xFFFFFDA0]  }
0x440: {  	v46 =	vperm.xlane v25, v2;
	v22 =	vld [tilespmem:s2+$0xFFFFFE00];
	v44 =	vadd.f32 v21, v27;
	v21 =	vperm.xlane v20, v1  }
0x441: {  	v28 =	vmul.f32 v41, v6;
	v19 =	vadd.f32 v32, v19;
	v27 =	vmul.f32 v45, v4;
	v45 =	vld [tilespmem:s2+$0xFFFFFE10]  }
0x442: {  	v36 =	vmul.f32 v43, v7;
	v40 =	vld [tilespmem:s2+$0xFFFFFC30];
	v32 =	vperm.xlane v44, v0;
	v52 =	vadd.f32 v20, v21  }
0x443: {  	v39 =	vmul.f32 v39, v10;
	v55 =	vmul.f32 v42, v11;
	v20 =	vadd.f32 v29, v54;
	v41 =	vld [tilespmem:s2+$0xFFFFFD80]  }
0x444: {  	v47 =	vmul.f32 v47, v8;
	v21 =	vadd.f32 v25, v46;
	v42 =	vld [tilespmem:s2+$0xFFFFFD90];
	v29 =	vperm.xlane v52, v2  }
0x445: {  	v46 =	vmul.f32 v50, v9;
	v25 =	vadd.f32 v55, v39;
	v50 =	vadd.f32 v44, v32;
	v43 =	vld [tilespmem:s2+$0xFFFFFC20]  }
.Ltmp15:
0x446: {  	v54 =	vmul.f32 v22, v10;
	v39 =	vld [tilespmem:s2+$0xFFFFFD00];
	v55 =	vmul.f32 v45, v11;
	v22 =	vadd.f32 v52, v29;
	(pc) =	sbr.rel @p0 .LBB2_19-.Ltmp15, $4  }
0x447: {  	v29 =	vmul.f32 v38, v5;
	v25 =	vadd.f32 v46, v25;
	v38 =	vperm.xlane v50, v1;
	v44 =	vld [tilespmem:s2+$0xFFFFFC00]  }
0x448: {  	v32 =	vmul.f32 v48, v7;
	v45 =	vld [tilespmem:s2+$0xFFFFFC10];
	v52 =	vadd.f32 v55, v54;
	v54 =	vmul.f32 v33, v9  }
0x449: {  	v48 =	vmul.f32 v49, v8;
	v49 =	vadd.f32 v47, v25;
	v25 =	vadd.f32 v50, v38;
	v46 =	vld [tilespmem:s2+$0xFFFFFC80]  }
0x44a: {  	s1 =	sadd.s32 $0x10, s1;
	v33 =	vmul.f32 v51, v6;
	v38 =	vmul.f32 v53, v8;
	v47 =	vld [tilespmem:s2+$0xFFFFFC90];
	v50 =	vadd.f32 v54, v52  }
0x44b: {  	v34 =	vmul.f32 v34, v7;
	v51 =	vld [tilespmem:s2+$0xFFFFFD10]  }
0x44c: {  	v35 =	vmul.f32 v35, v9;
	v37 =	vadd.f32 v37, v49;
	v57 =	vld [tilespmem:s2+$0xFFFFFCA0];
	v41 =	vmul.f32 v41, v10  }
0x44d: {  	v43 =	vmul.f32 v43, v9;
	v58 =	vld [tilespmem:s2+$0xFFFFFD20];
	v42 =	vmul.f32 v42, v11;
	v48 =	vadd.f32 v48, v50  }
0x44e: {  	v59 =	vmul.f32 v44, v10;
	v31 =	vadd.f32 v31, v37;
	v60 =	vmul.f32 v45, v11  }
0x44f: {  	v61 =	vld [tilespmem:s2+$0xFFFFFCB0];
	v63 =	vmul.f32 v39, v10;
	v36 =	vadd.f32 v36, v48;
	v46 =	vmul.f32 v46, v10  }
0x450: {  	v62 =	vld [tilespmem:s2+$0xFFFFFD30];
	v47 =	vmul.f32 v47, v11;
	v24 =	vadd.f32 v24, v31;
	v52 =	vadd.f32 v60, v59  }
0x451: {  	v31 =	vld [tilespmem:s2+$0xFFFFFCC0];
	v51 =	vmul.f32 v51, v11;
	v30 =	vadd.f32 v30, v36;
	v54 =	vmul.f32 v57, v9  }
0x452: {  	v55 =	vld [tilespmem:s2+$0xFFFFFD40];
	v57 =	vmul.f32 v58, v9;
	v58 =	vadd.f32 v42, v41;
	v53 =	vadd.f32 v47, v46  }
0x453: {  	v40 =	vmul.f32 v40, v8;
	v56 =	vld [tilespmem:s2+$0xFFFFFCD0];
	v36 =	vadd.f32 v43, v52;
	v10 =	vadd.f32 v51, v63  }
0x454: {  	v60 =	vld [tilespmem:s2+$0xFFFFFD50];
	v59 =	vmul.f32 v61, v8;
	v16 =	vadd.f32 v16, v24;
	v37 =	vadd.f32 v54, v53  }
0x455: {  	v61 =	vld [tilespmem:s2+$0xFFFFFCE0];
	v62 =	vmul.f32 v62, v8;
	v63 =	vadd.f32 v35, v58;
	v9 =	vadd.f32 v57, v10  }
0x456: {  	v47 =	vld [tilespmem:s2+$0xFFFFFD60];
	v43 =	vadd.f32 v40, v36;
	v31 =	vmul.f32 v31, v7;
	v45 =	vadd.f32 v59, v37  }
0x457: {  	v48 =	vld [tilespmem:s2+$0xFFFFFCF0];
	v49 =	vmul.f32 v55, v7;
	v50 =	vadd.f32 v38, v63;
	v8 =	vadd.f32 v62, v9  }
0x458: {  	v53 =	vmul.f32 v56, v6;
	v54 =	vld [tilespmem:s2+$0xFFFFFD70];
	v51 =	vadd.f32 v34, v43;
	v52 =	vadd.f32 v31, v45  }
0x459: {  	v55 =	vmul.f32 v60, v6;
	v57 =	vld [tilespmem:s2+$0xFFFFFDF0];
	v56 =	vadd.f32 v32, v50;
	v7 =	vadd.f32 v49, v8  }
0x45a: {  	v58 =	vmul.f32 v61, v5;
	v10 =	vadd.f32 v33, v51;
	v11 =	vadd.f32 v53, v52  }
0x45b: {  	v5 =	vmul.f32 v47, v5;
	v59 =	vadd.f32 v28, v56;
	v6 =	vadd.f32 v55, v7  }
0x45c: {  	v62 =	vmul.f32 v48, v4;
	v60 =	vadd.f32 v29, v10;
	v61 =	vadd.f32 v58, v11  }
0x45d: {  	v63 =	vmul.f32 v54, v4;
	v7 =	vadd.f32 v26, v59;
	v5 =	vadd.f32 v5, v6  }
0x45e: {  	v4 =	vmul.f32 v57, v4;
	v8 =	vadd.f32 v27, v60;
	v10 =	vadd.f32 v62, v61  }
0x45f: {  	v28 =	vadd.f32 v23, v30;
	v5 =	vadd.f32 v63, v5  }
0x460: {  	v4 =	vadd.f32 v4, v7;
	v30 =	vperm.xlane v8, v0;
	v31 =	vperm.xlane v10, v0  }
0x461: {  	v35 =	vperm.xlane v16, v0;
	v6 =	vadd.f32 v17, v28;
	v32 =	vperm.xlane v5, v0  }
0x462: {  	v33 =	vperm.xlane v4, v0;
	v8 =	vadd.f32 v8, v30;
	v10 =	vadd.f32 v10, v31  }
0x463: {  	v39 =	vadd.f32 v16, v35;
	v34 =	vperm.xlane v6, v0;
	v5 =	vadd.f32 v5, v32  }
0x464: {  	v4 =	vadd.f32 v4, v33;
	v36 =	vperm.xlane v8, v1;
	v37 =	vperm.xlane v10, v1  }
0x465: {  	v29 =	vperm.xlane v25, v2;
	v6 =	vadd.f32 v6, v34;
	v38 =	vperm.xlane v5, v1  }
0x466: {  	v40 =	vperm.xlane v4, v1;
	v8 =	vadd.f32 v8, v36;
	v10 =	vadd.f32 v10, v37  }
0x467: {  	v17 =	vperm.xlane v39, v1;
	v41 =	vperm.xlane v6, v1;
	v5 =	vadd.f32 v5, v38  }
0x468: {  	v4 =	vadd.f32 v4, v40;
	v23 =	vperm.xlane v8, v2;
	v24 =	vperm.xlane v10, v2  }
0x469: {  	v7 =	vadd.f32 v39, v17;
	v6 =	vadd.f32 v6, v41;
	v42 =	vperm.xlane v5, v2  }
0x46a: {  	v43 =	vperm.xlane v4, v2;
	v8 =	vadd.f32 v8, v23;
	v10 =	vadd.f32 v10, v24  }
0x46b: {  	v17 =	vperm.xlane v7, v2;
	v44 =	vperm.xlane v6, v2;
	v5 =	vadd.f32 v5, v42  }
0x46c: {  	v4 =	vadd.f32 v4, v43;
	v23 =	vperm.xlane v8, v3;
	v24 =	vperm.xlane v10, v3  }
0x46d: {  	v7 =	vadd.f32 v7, v17;
	v6 =	vadd.f32 v6, v44;
	v45 =	vperm.xlane v5, v3  }
0x46e: {  	v46 =	vperm.xlane v4, v3;
	v8 =	vadd.f32 v8, v23;
	v10 =	vadd.f32 v10, v24  }
0x46f: {  	v9 =	vadd.f32 v25, v29;
	v47 =	vperm.xlane v6, v3;
	v5 =	vadd.f32 v5, v45  }
0x470: {  	v48 =	vperm.xlane v7, v3;
	v4 =	vadd.f32 v4, v46;
	v8 =	vsel vm0, v8, v10  }
0x471: {  	v49 =	vperm.xlane v9, v3;
	v6 =	vadd.f32 v6, v47;
	v5 =	vsel vm1, v8, v5  }
0x472: {  	v50 =	vperm.xlane v22, v3;
	v4 =	vsel vm2, v5, v4;
	v5 =	vadd.f32 v7, v48  }
0x473: {  	v52 =	vperm.xlane v21, v3;
	v51 =	vadd.f32 v9, v49;
	v4 =	vsel vm3, v4, v6  }
0x474: {  	v53 =	vperm.xlane v20, v3;
	v4 =	vsel vm4, v4, v5;
	v5 =	vadd.f32 v22, v50  }
0x475: {  	v55 =	vperm.xlane v19, v3;
	v54 =	vadd.f32 v21, v52;
	v4 =	vsel vm5, v4, v51  }
0x476: {  	v56 =	vperm.xlane v18, v3;
	v4 =	vsel vm6, v4, v5;
	v5 =	vadd.f32 v20, v53  }
0x477: {  	v58 =	vperm.xlane v15, v3;
	v57 =	vadd.f32 v19, v55;
	v4 =	vsel vm7, v4, v54  }
0x478: {  	v59 =	vperm.xlane v14, v3;
	v4 =	vsel vm8, v4, v5;
	v5 =	vadd.f32 v18, v56  }
0x479: {  	v60 =	vadd.f32 v15, v58;
	v61 =	vperm.xlane v13, v3;
	v4 =	vsel vm9, v4, v57  }
0x47a: {  	v62 =	vperm.xlane v12, v3;
	v4 =	vsel vm10, v4, v5;
	v5 =	vadd.f32 v14, v59  }
.Ltmp16:
0x47b: {  	s1 =	sadd.s32 $0x80, s30;
	v63 =	vadd.f32 v13, v61;
	v4 =	vsel vm11, v4, v60;
	(pc) =	sbr.rel .LBB2_21-.Ltmp16, $4  }
0x47c: {  	s1 =	sand.u32 $0x400, s1;
	v4 =	vsel vm12, v4, v5;
	v5 =	vadd.f32 v12, v62  }
0x47d: {  	s31 =	sand.u32 $0x70, s28;
	s1 =	sadd.s32 s1, s29;
	v4 =	vsel vm13, v4, v63  }
0x47e: {  	s1 =	sadd.s32 s31, s1;
	v4 =	vsel vm14, v4, v5  }
0x47f: {  	[tilespmem:s1+$0x0] =	vst v4  }
.LBB2_23:
0x480: {  	_ =	sfence.sel $0x180000  }
0x481: {  	[bflag:$0x0] =	sbarrier.arrive $0xFFFF  }
0x482: {  	_ =	strace $0x90000047  }
0x483: {  	s0 =	stileid.u32;
	[bflag:$0x2] =	sbarrier.arrive $0xFFFF  }
0x484: {  	p0 =	sne.s32 s0, $0x0;
	s0 =	rddreg [dreg:$0x4]  }
0x485: {  	s0 =	sadd.s32 @!p0 $0x100000, s0  }
0x486: {  	[sflag:s0] =	ssyncadd.tile.s32 @!p0 $0x1;
	_ =	shalt  }
.Lfunc_end2:
_tile_overlayer_lowered:
.L_overlay_start_2:
0x487: {  	(tag) =	ssettag $0x2  }
0x488: {  	s0 =	rddreg [dreg:$0x0];
	s2 =	stileid.u32  }
0x489: {  	s1 =	rddreg [dreg:$0x1];
	p0 =	sne.s32 s2, $0x0  }
0x48a: {  	s3 =	rddreg [dreg:$0x2];
	[bflag:$0x3] =	sbarrier.arrive $0xFFFF;
	s2 =	simm.s32 @!p0 $0x1C05  }
0x48b: {  	[timem:s3], [sflag:s2] =	dma.local @!p0 [hbm:s0], s1  }
0x48c: {  	s0 =	simm.s32 @!p0 $0x5  }
0x48d: {  	_ =	swait.ge @!p0 [sflag:s0], s1  }
0x48e: {  	s1 =	ssub.s32 @!p0 $0x0, s1;
	[sflag:s0] =	ssyncset.done @!p0 $0x0  }
0x48f: {  	[sflag:s0] =	ssyncadd.s32 @!p0 s1  }
0x490: {  	[bflag:$0x3] =	sbarrier.arrive $0xFFFF  }
0x491: {  	_ =	shalt  }

</sc_bundles>
